<compile_context>
chip_gen: v7x
topology: tpu7x:2x2x1
jax: 0.10.2.dev20260603
libtpu: 0.0.44.dev20260713+nightly
codegen_flags: <defaults>
</compile_context>

<pallas_src>
import functools

import jax
import jax.numpy as jnp
from jax import lax
from jax.experimental import pallas as pl
from jax.experimental.pallas import tpu as pltpu
from jax.experimental.pallas import tpu_sc as plsc

VOCAB, MAXLEN, EMBED, BATCH = 100000, 200, 32, 4096
NC, NS = 2, 16
NW = NC * NS
BW = BATCH // NW
TC = 5
N_CHUNKS = MAXLEN // TC
PAD = 133


def _build():
  mesh = plsc.VectorSubcoreMesh(core_axis_name="c", subcore_axis_name="s")

  @functools.partial(
      pl.kernel,
      out_type=jax.ShapeDtypeStruct((MAXLEN, EMBED // 8, BATCH // 128, 8, 128),
                                    jnp.float32),
      mesh=mesh,
      compiler_params=pltpu.CompilerParams(use_tc_tiling_on_sc=False,
                                           needs_layout_passes=False),
      scratch_types=[
          pltpu.VMEM((2, TC, BW), jnp.int32),
          pltpu.VMEM((MAXLEN, EMBED), jnp.float32),
          pltpu.VMEM((2, TC, BW, EMBED), jnp.float32),
          pltpu.VMEM((2, TC, 4, 8, PAD), jnp.float32),
          pltpu.SemaphoreType.DMA,
          pltpu.SemaphoreType.DMA,
          pltpu.SemaphoreType.DMA,
          pltpu.SemaphoreType.DMA,
          pltpu.SemaphoreType.DMA,
          pltpu.SemaphoreType.DMA,
      ],
  )
  def emb_kernel(tok_hbm, xt_hbm, pos_hbm, out_hbm,
                 idx_v, pos_v, rows_v, st_v, g0, g1, s0, s1, i0, i1):
    gsem = (g0, g1)
    ssem = (s0, s1)
    isem = (i0, i1)
    wid = lax.axis_index("s") * NC + lax.axis_index("c")
    bbase = wid * BW

    pltpu.sync_copy(pos_hbm, pos_v)

    lane = lax.iota(jnp.int32, 16)
    i_eg0 = lane // 8
    i_eg1 = i_eg0 + 2
    i_el = lane % 8

    def idx_desc(k, b):
      return pltpu.make_async_copy(
          xt_hbm.at[pl.ds(k * TC, TC), pl.ds(bbase, BW)],
          idx_v.at[b], isem[b])

    def gather_descs(b):
      return [pltpu.make_async_copy(
                  tok_hbm.at[idx_v.at[b, ti]], rows_v.at[b, ti], gsem[b])
              for ti in range(TC)]

    def store_descs(k, b):
      return [pltpu.make_async_copy(
                  st_v.at[b, :, :, :, pl.ds(0, 128)],
                  out_hbm.at[pl.ds(k * TC, TC), :, wid], ssem[b])]

    idx_desc(0, 0).start()
    idx_desc(0, 0).wait()
    for d in gather_descs(0):
      d.start()
    idx_desc(1, 1).start()

    @pl.loop(0, N_CHUNKS, step=2)
    def _chunks(k0):
      for b in range(2):
        k = k0 + b
        nb = 1 - b

        @pl.when(k + 1 < N_CHUNKS)
        def _issue_next_gather():
          idx_desc(k + 1, nb).wait()
          for d in gather_descs(nb):
            d.start()

        for d in gather_descs(b):
          d.wait()

        @pl.when(k + 2 < N_CHUNKS)
        def _prefetch_idx():
          idx_desc(k + 2, b).start()

        @pl.when(k >= 2)
        def _drain_store():
          for d in store_descs(k - 2, b):
            d.wait()

        for ti in range(TC):
          t = k * TC + ti
          p0 = pos_v[t, pl.ds(0, 16)]
          p1 = pos_v[t, pl.ds(16, 16)]
          st_ti = st_v.at[b, ti]

          @plsc.parallel_loop(0, BW, 8)
          def _rows(bl0):
            i_bl0 = jnp.zeros((16,), jnp.int32) + bl0
            loads = []
            for d in range(8):
              bl = bl0 + d
              loads.append((rows_v[b, ti, bl, pl.ds(0, 16)],
                            rows_v[b, ti, bl, pl.ds(16, 16)]))
            ibls = [i_bl0 + d if d else i_bl0 for d in range(8)]
            sums = [(r0 + p0, r1 + p1) for r0, r1 in loads]
            for d in range(8):
              plsc.store_scatter(st_ti, [i_eg0, i_el, ibls[d]], sums[d][0])
              plsc.store_scatter(st_ti, [i_eg1, i_el, ibls[d]], sums[d][1])

        for d in store_descs(k, b):
          d.start()

    for d in store_descs(N_CHUNKS - 2, 0):
      d.wait()
    for d in store_descs(N_CHUNKS - 1, 1):
      d.wait()

  return emb_kernel


_emb = _build()


def kernel(x, token_table, pos_table):
  xt = x.T.astype(jnp.int32)
  out5 = _emb(token_table, xt, pos_table)
  return out5.transpose(2, 4, 0, 1, 3).reshape(BATCH, MAXLEN, EMBED)

# --- scband reference (transcript-rebuilt; emitter-appended) ---
"""Pipeline reference for scband-token-and-position-embedding-1683627180505 (READ-ONLY COPY).

The authoritative reference and input builder live on the scoring server;
editing this copy changes nothing except your own understanding.
"""

import jax, jax.numpy as jnp
import numpy as np

VOCAB = 100000
MAXLEN = 200
EMBED = 32
BATCH = 4096

def setup_inputs(seed: int = 0) -> dict:
    key = jax.random.key(seed)
    k1, k2, k3 = jax.random.split(key, 3)
    x = jax.random.randint(k1, (BATCH, MAXLEN), 0, VOCAB, dtype=jnp.int64 if jax.config.jax_enable_x64 else jnp.int32)
    token_table = jax.random.normal(k2, (VOCAB, EMBED), dtype=jnp.float32) * 0.05
    pos_table = jax.random.normal(k3, (MAXLEN, EMBED), dtype=jnp.float32) * 0.05
    return {"x": x, "token_table": token_table, "pos_table": pos_table}

def reference(x, token_table, pos_table):
    # TokenAndPositionEmbedding.call
    maxlen = x.shape[-1]
    positions = jnp.arange(0, maxlen)
    pos = jnp.take(pos_table, positions, axis=0)          # [maxlen, embed]
    tok = jnp.take(token_table, x, axis=0)                # [batch, maxlen, embed]
    return tok + pos[None, :, :]

if __name__ == "__main__":
    import jax
    _d = setup_inputs()
    print(jax.jit(kernel)(*tuple(_d.values())))

</pallas_src>

<mosaic_0001>
#map = affine_map<(d0, d1) -> (0, 0)>
#map1 = affine_map<(d0, d1) -> (0, 0, 0, 0, 0)>
module attributes {stable_mosaic.version = 14 : i64} {
  func.func @emb_kernel(%arg0: i32, %arg1: i32, %arg2: memref<100000x32xf32, #tpu.memory_space<hbm>>, %arg3: memref<200x4096xi32, #tpu.memory_space<hbm>>, %arg4: memref<200x32xf32, #tpu.memory_space<hbm>>, %arg5: memref<200x4x32x8x128xf32, #tpu.memory_space<hbm>>, %arg6: memref<2x5x128xi32, #tpu.memory_space<vmem>>, %arg7: memref<200x32xf32, #tpu.memory_space<vmem>>, %arg8: memref<2x5x128x32xf32, #tpu.memory_space<vmem>>, %arg9: memref<2x5x4x8x133xf32, #tpu.memory_space<vmem>>, %arg10: memref<!tpu.dma_semaphore, #tpu.memory_space<semaphore_mem>>, %arg11: memref<!tpu.dma_semaphore, #tpu.memory_space<semaphore_mem>>, %arg12: memref<!tpu.dma_semaphore, #tpu.memory_space<semaphore_mem>>, %arg13: memref<!tpu.dma_semaphore, #tpu.memory_space<semaphore_mem>>, %arg14: memref<!tpu.dma_semaphore, #tpu.memory_space<semaphore_mem>>, %arg15: memref<!tpu.dma_semaphore, #tpu.memory_space<semaphore_mem>>) attributes {dimension_semantics = [#tpu.dimension_semantics<core_parallel>, #tpu.dimension_semantics<subcore_parallel>], iteration_bounds = array<i64: 2, 16>, scalar_prefetch = 0 : i64, scratch_operands = 10 : i64, tpu.core_type = #tpu.core_type<sc_vector_subcore>, window_params = [{transform_indices = #map}, {transform_indices = #map}, {transform_indices = #map}, {transform_indices = #map1}]} {
    %mul3A = arith.constant 2 : i32
    %mul3A_0 = arith.muli %arg1, %mul3A : i32
    %add3A = arith.addi %mul3A_0, %arg0 : i32
    %mul3A_1 = arith.constant 128 : i32
    %mul3A_2 = arith.muli %add3A, %mul3A_1 : i32
    "tpu.region"() ({
      %run_scoped3A = tpu.sem_alloc : memref<!tpu.dma_semaphore, #tpu.memory_space<semaphore_mem>>
      tpu.enqueue_dma source(%arg4 : memref<200x32xf32, #tpu.memory_space<hbm>>) target(%arg7 : memref<200x32xf32, #tpu.memory_space<vmem>>) target_semaphore(%run_scoped3A : memref<!tpu.dma_semaphore, #tpu.memory_space<semaphore_mem>>)
      tpu.wait_dma2 semaphore(%run_scoped3A : memref<!tpu.dma_semaphore, #tpu.memory_space<semaphore_mem>>) src(%arg4 : memref<200x32xf32, #tpu.memory_space<hbm>>) dst(%arg7 : memref<200x32xf32, #tpu.memory_space<vmem>>)
      tpu.yield
    }) : () -> ()
    %iota3A = tpu.iota {dimensions = array<i32: 0>} : vector<16xi32>
    %jit3A = arith.constant 8 : i32
    %div3A = vector.broadcast %jit3A : i32 to vector<16xi32>
    %div3A_3 = arith.divsi %iota3A, %div3A : vector<16xi32>
    %sign3A = arith.constant 0 : i32
    %sign3A_4 = vector.broadcast %sign3A : i32 to vector<16xi32>
    %sign3A_5 = arith.cmpi sgt, %iota3A, %sign3A_4 : vector<16xi32>
    %sign3A_6 = arith.extui %sign3A_5 : vector<16xi1> to vector<16xi32>
    %sign3A_7 = arith.constant 0 : i32
    %sign3A_8 = vector.broadcast %sign3A_7 : i32 to vector<16xi32>
    %sign3A_9 = arith.cmpi slt, %iota3A, %sign3A_8 : vector<16xi32>
    %sign3A_10 = arith.extui %sign3A_9 : vector<16xi1> to vector<16xi32>
    %sign3A_11 = arith.subi %sign3A_6, %sign3A_10 : vector<16xi32>
    %sign3A_12 = arith.constant 0 : i32
    %sign3A_13 = arith.cmpi sgt, %jit3A, %sign3A_12 : i32
    %sign3A_14 = arith.extui %sign3A_13 : i1 to i32
    %sign3A_15 = arith.constant 0 : i32
    %sign3A_16 = arith.cmpi slt, %jit3A, %sign3A_15 : i32
    %sign3A_17 = arith.extui %sign3A_16 : i1 to i32
    %sign3A_18 = arith.subi %sign3A_14, %sign3A_17 : i32
    %ne3A = vector.broadcast %sign3A_18 : i32 to vector<16xi32>
    %ne3A_19 = arith.cmpi ne, %sign3A_11, %ne3A : vector<16xi32>
    %rem3A = vector.broadcast %jit3A : i32 to vector<16xi32>
    %rem3A_20 = arith.remsi %iota3A, %rem3A : vector<16xi32>
    %ne3A_21 = arith.constant 0 : i32
    %ne3A_22 = vector.broadcast %ne3A_21 : i32 to vector<16xi32>
    %ne3A_23 = arith.cmpi ne, %rem3A_20, %ne3A_22 : vector<16xi32>
    %and3A = arith.andi %ne3A_19, %ne3A_23 : vector<16xi1>
    %sub3A = arith.constant 1 : i32
    %sub3A_24 = vector.broadcast %sub3A : i32 to vector<16xi32>
    %sub3A_25 = arith.subi %div3A_3, %sub3A_24 : vector<16xi32>
    %select_n3A = arith.select %and3A, %sub3A_25, %div3A_3 : vector<16xi1>, vector<16xi32>
    %add3A_26 = arith.constant 2 : i32
    %add3A_27 = vector.broadcast %add3A_26 : i32 to vector<16xi32>
    %add3A_28 = arith.addi %select_n3A, %add3A_27 : vector<16xi32>
    %jit3A_29 = arith.constant 8 : i32
    %eq3A = arith.constant 0 : i32
    %eq3A_30 = arith.cmpi eq, %jit3A_29, %eq3A : i32
    %jit3A_31 = arith.constant 1 : i32
    %select_n3A_32 = arith.select %eq3A_30, %jit3A_31, %jit3A_29 : i32
    %rem3A_33 = vector.broadcast %select_n3A_32 : i32 to vector<16xi32>
    %rem3A_34 = arith.remsi %iota3A, %rem3A_33 : vector<16xi32>
    %ne3A_35 = arith.constant 0 : i32
    %ne3A_36 = vector.broadcast %ne3A_35 : i32 to vector<16xi32>
    %ne3A_37 = arith.cmpi ne, %rem3A_34, %ne3A_36 : vector<16xi32>
    %lt3A = arith.constant 0 : i32
    %lt3A_38 = vector.broadcast %lt3A : i32 to vector<16xi32>
    %lt3A_39 = arith.cmpi slt, %rem3A_34, %lt3A_38 : vector<16xi32>
    %lt3A_40 = arith.constant 0 : i32
    %lt3A_41 = arith.cmpi slt, %select_n3A_32, %lt3A_40 : i32
    %ne3A_42 = vector.broadcast %lt3A_41 : i1 to vector<16xi1>
    %ne3A_43 = vector.broadcast %ne3A_42 : vector<16xi1> to vector<16xi1>
    %ne3A_44 = arith.xori %lt3A_39, %ne3A_43 : vector<16xi1>
    %and3A_45 = arith.andi %ne3A_44, %ne3A_37 : vector<16xi1>
    %add3A_46 = vector.broadcast %select_n3A_32 : i32 to vector<16xi32>
    %add3A_47 = arith.addi %rem3A_34, %add3A_46 : vector<16xi32>
    %select_n3A_48 = arith.select %and3A_45, %add3A_47, %rem3A_34 : vector<16xi1>, vector<16xi32>
    %dma_start3A = arith.constant 0 : i32
    %dma_start3A_49 = arith.constant 0 : i32
    %dma_start3A_50 = arith.constant 0 : i32
    %dma_start3A_51 = tpu.memref_slice %arg6[%dma_start3A, %dma_start3A_49, %dma_start3A_50] : memref<2x5x128xi32, #tpu.memory_space<vmem>> -> memref<1x5x128xi32, #tpu.memory_space<vmem>>
    %dma_start3A_52 = tpu.memref_squeeze %dma_start3A_51 : memref<1x5x128xi32, #tpu.memory_space<vmem>> -> memref<5x128xi32, #tpu.memory_space<vmem>>
    %dma_start3A_53 = arith.constant 0 : i32
    %dma_start3A_54 = tpu.memref_slice %arg3[%dma_start3A_53, %mul3A_2] : memref<200x4096xi32, #tpu.memory_space<hbm>> -> memref<5x128xi32, #tpu.memory_space<hbm>>
    %dma_start3A_55 = arith.constant 0 : i32
    %dma_start3A_56 = arith.constant 0 : i32
    %dma_start3A_57 = tpu.memref_slice %arg6[%dma_start3A, %dma_start3A_55, %dma_start3A_56] : memref<2x5x128xi32, #tpu.memory_space<vmem>> -> memref<1x5x128xi32, #tpu.memory_space<vmem>>
    %dma_start3A_58 = tpu.memref_squeeze %dma_start3A_57 : memref<1x5x128xi32, #tpu.memory_space<vmem>> -> memref<5x128xi32, #tpu.memory_space<vmem>>
    %dma_start3A_59 = arith.constant 0 : i32
    %dma_start3A_60 = tpu.memref_slice %arg3[%dma_start3A_59, %mul3A_2] : memref<200x4096xi32, #tpu.memory_space<hbm>> -> memref<5x128xi32, #tpu.memory_space<hbm>>
    tpu.enqueue_dma source(%dma_start3A_60 : memref<5x128xi32, #tpu.memory_space<hbm>>) target(%dma_start3A_58 : memref<5x128xi32, #tpu.memory_space<vmem>>) target_semaphore(%arg14 : memref<!tpu.dma_semaphore, #tpu.memory_space<semaphore_mem>>)
    %dma_wait3A = arith.constant 0 : i32
    %dma_wait3A_61 = arith.constant 0 : i32
    %dma_wait3A_62 = arith.constant 0 : i32
    %dma_wait3A_63 = tpu.memref_slice %arg6[%dma_wait3A, %dma_wait3A_61, %dma_wait3A_62] : memref<2x5x128xi32, #tpu.memory_space<vmem>> -> memref<1x5x128xi32, #tpu.memory_space<vmem>>
    %dma_wait3A_64 = tpu.memref_squeeze %dma_wait3A_63 : memref<1x5x128xi32, #tpu.memory_space<vmem>> -> memref<5x128xi32, #tpu.memory_space<vmem>>
    %dma_wait3A_65 = arith.constant 0 : i32
    %dma_wait3A_66 = tpu.memref_slice %arg3[%dma_wait3A_65, %mul3A_2] : memref<200x4096xi32, #tpu.memory_space<hbm>> -> memref<5x128xi32, #tpu.memory_space<hbm>>
    %dma_wait3A_67 = arith.constant 0 : i32
    %dma_wait3A_68 = arith.constant 0 : i32
    %dma_wait3A_69 = tpu.memref_slice %arg6[%dma_wait3A, %dma_wait3A_67, %dma_wait3A_68] : memref<2x5x128xi32, #tpu.memory_space<vmem>> -> memref<1x5x128xi32, #tpu.memory_space<vmem>>
    %dma_wait3A_70 = tpu.memref_squeeze %dma_wait3A_69 : memref<1x5x128xi32, #tpu.memory_space<vmem>> -> memref<5x128xi32, #tpu.memory_space<vmem>>
    %dma_wait3A_71 = arith.constant 0 : i32
    %dma_wait3A_72 = tpu.memref_slice %arg3[%dma_wait3A_71, %mul3A_2] : memref<200x4096xi32, #tpu.memory_space<hbm>> -> memref<5x128xi32, #tpu.memory_space<hbm>>
    tpu.wait_dma2 semaphore(%arg14 : memref<!tpu.dma_semaphore, #tpu.memory_space<semaphore_mem>>) src(%dma_wait3A_72 : memref<5x128xi32, #tpu.memory_space<hbm>>) dst(%dma_wait3A_70 : memref<5x128xi32, #tpu.memory_space<vmem>>)
    %dma_start3A_73 = arith.constant 0 : i32
    %dma_start3A_74 = arith.constant 0 : i32
    %dma_start3A_75 = arith.constant 0 : i32
    %dma_start3A_76 = arith.constant 0 : i32
    %dma_start3A_77 = arith.constant 0 : i32
    %dma_start3A_78 = arith.constant 0 : i32
    %dma_start3A_79 = tpu.memref_slice %arg8[%dma_start3A_75, %dma_start3A_76, %dma_start3A_77, %dma_start3A_78] : memref<2x5x128x32xf32, #tpu.memory_space<vmem>> -> memref<1x1x128x32xf32, #tpu.memory_space<vmem>>
    %dma_start3A_80 = tpu.memref_squeeze %dma_start3A_79 : memref<1x1x128x32xf32, #tpu.memory_space<vmem>> -> memref<128x32xf32, #tpu.memory_space<vmem>>
    %dma_start3A_81 = arith.constant 0 : i32
    %dma_start3A_82 = tpu.memref_slice %arg6[%dma_start3A_73, %dma_start3A_74, %dma_start3A_81] : memref<2x5x128xi32, #tpu.memory_space<vmem>> -> memref<1x1x128xi32, #tpu.memory_space<vmem>>
    %dma_start3A_83 = tpu.memref_squeeze %dma_start3A_82 : memref<1x1x128xi32, #tpu.memory_space<vmem>> -> memref<128xi32, #tpu.memory_space<vmem>>
    %dma_start3A_84 = arith.constant 0 : i32
    %dma_start3A_85 = arith.constant 0 : i32
    %dma_start3A_86 = tpu.memref_slice %arg2[%dma_start3A_84, %dma_start3A_85] : memref<100000x32xf32, #tpu.memory_space<hbm>> -> memref<100000x32xf32, #tpu.memory_space<hbm>>
    tpu.enqueue_indirect_dma source(%dma_start3A_86 : memref<100000x32xf32, #tpu.memory_space<hbm>>) target(%dma_start3A_80 : memref<128x32xf32, #tpu.memory_space<vmem>>) offsets(%dma_start3A_83 : memref<128xi32, #tpu.memory_space<vmem>>) semaphore(%arg10 : memref<!tpu.dma_semaphore, #tpu.memory_space<semaphore_mem>>)
    %dma_start3A_87 = arith.constant 0 : i32
    %dma_start3A_88 = arith.constant 1 : i32
    %dma_start3A_89 = arith.constant 0 : i32
    %dma_start3A_90 = arith.constant 1 : i32
    %dma_start3A_91 = arith.constant 0 : i32
    %dma_start3A_92 = arith.constant 0 : i32
    %dma_start3A_93 = tpu.memref_slice %arg8[%dma_start3A_89, %dma_start3A_90, %dma_start3A_91, %dma_start3A_92] : memref<2x5x128x32xf32, #tpu.memory_space<vmem>> -> memref<1x1x128x32xf32, #tpu.memory_space<vmem>>
    %dma_start3A_94 = tpu.memref_squeeze %dma_start3A_93 : memref<1x1x128x32xf32, #tpu.memory_space<vmem>> -> memref<128x32xf32, #tpu.memory_space<vmem>>
    %dma_start3A_95 = arith.constant 0 : i32
    %dma_start3A_96 = tpu.memref_slice %arg6[%dma_start3A_87, %dma_start3A_88, %dma_start3A_95] : memref<2x5x128xi32, #tpu.memory_space<vmem>> -> memref<1x1x128xi32, #tpu.memory_space<vmem>>
    %dma_start3A_97 = tpu.memref_squeeze %dma_start3A_96 : memref<1x1x128xi32, #tpu.memory_space<vmem>> -> memref<128xi32, #tpu.memory_space<vmem>>
    %dma_start3A_98 = arith.constant 0 : i32
    %dma_start3A_99 = arith.constant 0 : i32
    %dma_start3A_100 = tpu.memref_slice %arg2[%dma_start3A_98, %dma_start3A_99] : memref<100000x32xf32, #tpu.memory_space<hbm>> -> memref<100000x32xf32, #tpu.memory_space<hbm>>
    tpu.enqueue_indirect_dma source(%dma_start3A_100 : memref<100000x32xf32, #tpu.memory_space<hbm>>) target(%dma_start3A_94 : memref<128x32xf32, #tpu.memory_space<vmem>>) offsets(%dma_start3A_97 : memref<128xi32, #tpu.memory_space<vmem>>) semaphore(%arg10 : memref<!tpu.dma_semaphore, #tpu.memory_space<semaphore_mem>>)
    %dma_start3A_101 = arith.constant 0 : i32
    %dma_start3A_102 = arith.constant 2 : i32
    %dma_start3A_103 = arith.constant 0 : i32
    %dma_start3A_104 = arith.constant 2 : i32
    %dma_start3A_105 = arith.constant 0 : i32
    %dma_start3A_106 = arith.constant 0 : i32
    %dma_start3A_107 = tpu.memref_slice %arg8[%dma_start3A_103, %dma_start3A_104, %dma_start3A_105, %dma_start3A_106] : memref<2x5x128x32xf32, #tpu.memory_space<vmem>> -> memref<1x1x128x32xf32, #tpu.memory_space<vmem>>
    %dma_start3A_108 = tpu.memref_squeeze %dma_start3A_107 : memref<1x1x128x32xf32, #tpu.memory_space<vmem>> -> memref<128x32xf32, #tpu.memory_space<vmem>>
    %dma_start3A_109 = arith.constant 0 : i32
    %dma_start3A_110 = tpu.memref_slice %arg6[%dma_start3A_101, %dma_start3A_102, %dma_start3A_109] : memref<2x5x128xi32, #tpu.memory_space<vmem>> -> memref<1x1x128xi32, #tpu.memory_space<vmem>>
    %dma_start3A_111 = tpu.memref_squeeze %dma_start3A_110 : memref<1x1x128xi32, #tpu.memory_space<vmem>> -> memref<128xi32, #tpu.memory_space<vmem>>
    %dma_start3A_112 = arith.constant 0 : i32
    %dma_start3A_113 = arith.constant 0 : i32
    %dma_start3A_114 = tpu.memref_slice %arg2[%dma_start3A_112, %dma_start3A_113] : memref<100000x32xf32, #tpu.memory_space<hbm>> -> memref<100000x32xf32, #tpu.memory_space<hbm>>
    tpu.enqueue_indirect_dma source(%dma_start3A_114 : memref<100000x32xf32, #tpu.memory_space<hbm>>) target(%dma_start3A_108 : memref<128x32xf32, #tpu.memory_space<vmem>>) offsets(%dma_start3A_111 : memref<128xi32, #tpu.memory_space<vmem>>) semaphore(%arg10 : memref<!tpu.dma_semaphore, #tpu.memory_space<semaphore_mem>>)
    %dma_start3A_115 = arith.constant 0 : i32
    %dma_start3A_116 = arith.constant 3 : i32
    %dma_start3A_117 = arith.constant 0 : i32
    %dma_start3A_118 = arith.constant 3 : i32
    %dma_start3A_119 = arith.constant 0 : i32
    %dma_start3A_120 = arith.constant 0 : i32
    %dma_start3A_121 = tpu.memref_slice %arg8[%dma_start3A_117, %dma_start3A_118, %dma_start3A_119, %dma_start3A_120] : memref<2x5x128x32xf32, #tpu.memory_space<vmem>> -> memref<1x1x128x32xf32, #tpu.memory_space<vmem>>
    %dma_start3A_122 = tpu.memref_squeeze %dma_start3A_121 : memref<1x1x128x32xf32, #tpu.memory_space<vmem>> -> memref<128x32xf32, #tpu.memory_space<vmem>>
    %dma_start3A_123 = arith.constant 0 : i32
    %dma_start3A_124 = tpu.memref_slice %arg6[%dma_start3A_115, %dma_start3A_116, %dma_start3A_123] : memref<2x5x128xi32, #tpu.memory_space<vmem>> -> memref<1x1x128xi32, #tpu.memory_space<vmem>>
    %dma_start3A_125 = tpu.memref_squeeze %dma_start3A_124 : memref<1x1x128xi32, #tpu.memory_space<vmem>> -> memref<128xi32, #tpu.memory_space<vmem>>
    %dma_start3A_126 = arith.constant 0 : i32
    %dma_start3A_127 = arith.constant 0 : i32
    %dma_start3A_128 = tpu.memref_slice %arg2[%dma_start3A_126, %dma_start3A_127] : memref<100000x32xf32, #tpu.memory_space<hbm>> -> memref<100000x32xf32, #tpu.memory_space<hbm>>
    tpu.enqueue_indirect_dma source(%dma_start3A_128 : memref<100000x32xf32, #tpu.memory_space<hbm>>) target(%dma_start3A_122 : memref<128x32xf32, #tpu.memory_space<vmem>>) offsets(%dma_start3A_125 : memref<128xi32, #tpu.memory_space<vmem>>) semaphore(%arg10 : memref<!tpu.dma_semaphore, #tpu.memory_space<semaphore_mem>>)
    %dma_start3A_129 = arith.constant 0 : i32
    %dma_start3A_130 = arith.constant 4 : i32
    %dma_start3A_131 = arith.constant 0 : i32
    %dma_start3A_132 = arith.constant 4 : i32
    %dma_start3A_133 = arith.constant 0 : i32
    %dma_start3A_134 = arith.constant 0 : i32
    %dma_start3A_135 = tpu.memref_slice %arg8[%dma_start3A_131, %dma_start3A_132, %dma_start3A_133, %dma_start3A_134] : memref<2x5x128x32xf32, #tpu.memory_space<vmem>> -> memref<1x1x128x32xf32, #tpu.memory_space<vmem>>
    %dma_start3A_136 = tpu.memref_squeeze %dma_start3A_135 : memref<1x1x128x32xf32, #tpu.memory_space<vmem>> -> memref<128x32xf32, #tpu.memory_space<vmem>>
    %dma_start3A_137 = arith.constant 0 : i32
    %dma_start3A_138 = tpu.memref_slice %arg6[%dma_start3A_129, %dma_start3A_130, %dma_start3A_137] : memref<2x5x128xi32, #tpu.memory_space<vmem>> -> memref<1x1x128xi32, #tpu.memory_space<vmem>>
    %dma_start3A_139 = tpu.memref_squeeze %dma_start3A_138 : memref<1x1x128xi32, #tpu.memory_space<vmem>> -> memref<128xi32, #tpu.memory_space<vmem>>
    %dma_start3A_140 = arith.constant 0 : i32
    %dma_start3A_141 = arith.constant 0 : i32
    %dma_start3A_142 = tpu.memref_slice %arg2[%dma_start3A_140, %dma_start3A_141] : memref<100000x32xf32, #tpu.memory_space<hbm>> -> memref<100000x32xf32, #tpu.memory_space<hbm>>
    tpu.enqueue_indirect_dma source(%dma_start3A_142 : memref<100000x32xf32, #tpu.memory_space<hbm>>) target(%dma_start3A_136 : memref<128x32xf32, #tpu.memory_space<vmem>>) offsets(%dma_start3A_139 : memref<128xi32, #tpu.memory_space<vmem>>) semaphore(%arg10 : memref<!tpu.dma_semaphore, #tpu.memory_space<semaphore_mem>>)
    %dma_start3A_143 = arith.constant 1 : i32
    %dma_start3A_144 = arith.constant 0 : i32
    %dma_start3A_145 = arith.constant 0 : i32
    %dma_start3A_146 = tpu.memref_slice %arg6[%dma_start3A_143, %dma_start3A_144, %dma_start3A_145] : memref<2x5x128xi32, #tpu.memory_space<vmem>> -> memref<1x5x128xi32, #tpu.memory_space<vmem>>
    %dma_start3A_147 = tpu.memref_squeeze %dma_start3A_146 : memref<1x5x128xi32, #tpu.memory_space<vmem>> -> memref<5x128xi32, #tpu.memory_space<vmem>>
    %dma_start3A_148 = arith.constant 5 : i32
    %dma_start3A_149 = tpu.memref_slice %arg3[%dma_start3A_148, %mul3A_2] : memref<200x4096xi32, #tpu.memory_space<hbm>> -> memref<5x128xi32, #tpu.memory_space<hbm>>
    %dma_start3A_150 = arith.constant 0 : i32
    %dma_start3A_151 = arith.constant 0 : i32
    %dma_start3A_152 = tpu.memref_slice %arg6[%dma_start3A_143, %dma_start3A_150, %dma_start3A_151] : memref<2x5x128xi32, #tpu.memory_space<vmem>> -> memref<1x5x128xi32, #tpu.memory_space<vmem>>
    %dma_start3A_153 = tpu.memref_squeeze %dma_start3A_152 : memref<1x5x128xi32, #tpu.memory_space<vmem>> -> memref<5x128xi32, #tpu.memory_space<vmem>>
    %dma_start3A_154 = arith.constant 5 : i32
    %dma_start3A_155 = tpu.memref_slice %arg3[%dma_start3A_154, %mul3A_2] : memref<200x4096xi32, #tpu.memory_space<hbm>> -> memref<5x128xi32, #tpu.memory_space<hbm>>
    tpu.enqueue_dma source(%dma_start3A_155 : memref<5x128xi32, #tpu.memory_space<hbm>>) target(%dma_start3A_153 : memref<5x128xi32, #tpu.memory_space<vmem>>) target_semaphore(%arg15 : memref<!tpu.dma_semaphore, #tpu.memory_space<semaphore_mem>>)
    %scan3A = arith.constant 0 : i32
    %scan3A_156 = arith.constant 20 : i32
    %scan3A_157 = arith.addi %scan3A, %scan3A_156 : i32
    %scan3A_158 = arith.constant 1 : i32
    scf.for %scan3A_210 = %scan3A to %scan3A_157 step %scan3A_158  : i32 {
      %mul3A_211 = arith.constant 2 : i32
      %mul3A_212 = arith.muli %scan3A_210, %mul3A_211 : i32
      %add3A_213 = arith.constant 0 : i32
      %add3A_214 = arith.addi %add3A_213, %mul3A_212 : i32
      %add3A_215 = arith.constant 0 : i32
      %add3A_216 = arith.addi %add3A_214, %add3A_215 : i32
      %add3A_217 = arith.constant 1 : i32
      %add3A_218 = arith.addi %add3A_216, %add3A_217 : i32
      %lt3A_219 = arith.constant 40 : i32
      %lt3A_220 = arith.cmpi slt, %add3A_218, %lt3A_219 : i32
      %convert_element_type3A = arith.extui %lt3A_220 : i1 to i32
      %cond3A = arith.constant 0 : i32
      %cond3A_221 = arith.cmpi ne, %convert_element_type3A, %cond3A : i32
      scf.if %cond3A_221 {
        %add3A_592 = arith.constant 1 : i32
        %add3A_593 = arith.addi %add3A_216, %add3A_592 : i32
        %mul3A_594 = arith.constant 5 : i32
        %mul3A_595 = arith.muli %add3A_593, %mul3A_594 : i32
        %dma_wait3A_596 = arith.constant 1 : i32
        %dma_wait3A_597 = arith.constant 0 : i32
        %dma_wait3A_598 = arith.constant 0 : i32
        %dma_wait3A_599 = tpu.memref_slice %arg6[%dma_wait3A_596, %dma_wait3A_597, %dma_wait3A_598] : memref<2x5x128xi32, #tpu.memory_space<vmem>> -> memref<1x5x128xi32, #tpu.memory_space<vmem>>
        %dma_wait3A_600 = tpu.memref_squeeze %dma_wait3A_599 : memref<1x5x128xi32, #tpu.memory_space<vmem>> -> memref<5x128xi32, #tpu.memory_space<vmem>>
        %dma_wait3A_601 = tpu.memref_slice %arg3[%mul3A_595, %mul3A_2] : memref<200x4096xi32, #tpu.memory_space<hbm>> -> memref<5x128xi32, #tpu.memory_space<hbm>>
        %dma_wait3A_602 = arith.constant 0 : i32
        %dma_wait3A_603 = arith.constant 0 : i32
        %dma_wait3A_604 = tpu.memref_slice %arg6[%dma_wait3A_596, %dma_wait3A_602, %dma_wait3A_603] : memref<2x5x128xi32, #tpu.memory_space<vmem>> -> memref<1x5x128xi32, #tpu.memory_space<vmem>>
        %dma_wait3A_605 = tpu.memref_squeeze %dma_wait3A_604 : memref<1x5x128xi32, #tpu.memory_space<vmem>> -> memref<5x128xi32, #tpu.memory_space<vmem>>
        %dma_wait3A_606 = tpu.memref_slice %arg3[%mul3A_595, %mul3A_2] : memref<200x4096xi32, #tpu.memory_space<hbm>> -> memref<5x128xi32, #tpu.memory_space<hbm>>
        tpu.wait_dma2 semaphore(%arg15 : memref<!tpu.dma_semaphore, #tpu.memory_space<semaphore_mem>>) src(%dma_wait3A_606 : memref<5x128xi32, #tpu.memory_space<hbm>>) dst(%dma_wait3A_605 : memref<5x128xi32, #tpu.memory_space<vmem>>)
        %dma_start3A_607 = arith.constant 1 : i32
        %dma_start3A_608 = arith.constant 0 : i32
        %dma_start3A_609 = arith.constant 1 : i32
        %dma_start3A_610 = arith.constant 0 : i32
        %dma_start3A_611 = arith.constant 0 : i32
        %dma_start3A_612 = arith.constant 0 : i32
        %dma_start3A_613 = tpu.memref_slice %arg8[%dma_start3A_609, %dma_start3A_610, %dma_start3A_611, %dma_start3A_612] : memref<2x5x128x32xf32, #tpu.memory_space<vmem>> -> memref<1x1x128x32xf32, #tpu.memory_space<vmem>>
        %dma_start3A_614 = tpu.memref_squeeze %dma_start3A_613 : memref<1x1x128x32xf32, #tpu.memory_space<vmem>> -> memref<128x32xf32, #tpu.memory_space<vmem>>
        %dma_start3A_615 = arith.constant 0 : i32
        %dma_start3A_616 = tpu.memref_slice %arg6[%dma_start3A_607, %dma_start3A_608, %dma_start3A_615] : memref<2x5x128xi32, #tpu.memory_space<vmem>> -> memref<1x1x128xi32, #tpu.memory_space<vmem>>
        %dma_start3A_617 = tpu.memref_squeeze %dma_start3A_616 : memref<1x1x128xi32, #tpu.memory_space<vmem>> -> memref<128xi32, #tpu.memory_space<vmem>>
        %dma_start3A_618 = arith.constant 0 : i32
        %dma_start3A_619 = arith.constant 0 : i32
        %dma_start3A_620 = tpu.memref_slice %arg2[%dma_start3A_618, %dma_start3A_619] : memref<100000x32xf32, #tpu.memory_space<hbm>> -> memref<100000x32xf32, #tpu.memory_space<hbm>>
        tpu.enqueue_indirect_dma source(%dma_start3A_620 : memref<100000x32xf32, #tpu.memory_space<hbm>>) target(%dma_start3A_614 : memref<128x32xf32, #tpu.memory_space<vmem>>) offsets(%dma_start3A_617 : memref<128xi32, #tpu.memory_space<vmem>>) semaphore(%arg11 : memref<!tpu.dma_semaphore, #tpu.memory_space<semaphore_mem>>)
        %dma_start3A_621 = arith.constant 1 : i32
        %dma_start3A_622 = arith.constant 1 : i32
        %dma_start3A_623 = arith.constant 1 : i32
        %dma_start3A_624 = arith.constant 1 : i32
        %dma_start3A_625 = arith.constant 0 : i32
        %dma_start3A_626 = arith.constant 0 : i32
        %dma_start3A_627 = tpu.memref_slice %arg8[%dma_start3A_623, %dma_start3A_624, %dma_start3A_625, %dma_start3A_626] : memref<2x5x128x32xf32, #tpu.memory_space<vmem>> -> memref<1x1x128x32xf32, #tpu.memory_space<vmem>>
        %dma_start3A_628 = tpu.memref_squeeze %dma_start3A_627 : memref<1x1x128x32xf32, #tpu.memory_space<vmem>> -> memref<128x32xf32, #tpu.memory_space<vmem>>
        %dma_start3A_629 = arith.constant 0 : i32
        %dma_start3A_630 = tpu.memref_slice %arg6[%dma_start3A_621, %dma_start3A_622, %dma_start3A_629] : memref<2x5x128xi32, #tpu.memory_space<vmem>> -> memref<1x1x128xi32, #tpu.memory_space<vmem>>
        %dma_start3A_631 = tpu.memref_squeeze %dma_start3A_630 : memref<1x1x128xi32, #tpu.memory_space<vmem>> -> memref<128xi32, #tpu.memory_space<vmem>>
        %dma_start3A_632 = arith.constant 0 : i32
        %dma_start3A_633 = arith.constant 0 : i32
        %dma_start3A_634 = tpu.memref_slice %arg2[%dma_start3A_632, %dma_start3A_633] : memref<100000x32xf32, #tpu.memory_space<hbm>> -> memref<100000x32xf32, #tpu.memory_space<hbm>>
        tpu.enqueue_indirect_dma source(%dma_start3A_634 : memref<100000x32xf32, #tpu.memory_space<hbm>>) target(%dma_start3A_628 : memref<128x32xf32, #tpu.memory_space<vmem>>) offsets(%dma_start3A_631 : memref<128xi32, #tpu.memory_space<vmem>>) semaphore(%arg11 : memref<!tpu.dma_semaphore, #tpu.memory_space<semaphore_mem>>)
        %dma_start3A_635 = arith.constant 1 : i32
        %dma_start3A_636 = arith.constant 2 : i32
        %dma_start3A_637 = arith.constant 1 : i32
        %dma_start3A_638 = arith.constant 2 : i32
        %dma_start3A_639 = arith.constant 0 : i32
        %dma_start3A_640 = arith.constant 0 : i32
        %dma_start3A_641 = tpu.memref_slice %arg8[%dma_start3A_637, %dma_start3A_638, %dma_start3A_639, %dma_start3A_640] : memref<2x5x128x32xf32, #tpu.memory_space<vmem>> -> memref<1x1x128x32xf32, #tpu.memory_space<vmem>>
        %dma_start3A_642 = tpu.memref_squeeze %dma_start3A_641 : memref<1x1x128x32xf32, #tpu.memory_space<vmem>> -> memref<128x32xf32, #tpu.memory_space<vmem>>
        %dma_start3A_643 = arith.constant 0 : i32
        %dma_start3A_644 = tpu.memref_slice %arg6[%dma_start3A_635, %dma_start3A_636, %dma_start3A_643] : memref<2x5x128xi32, #tpu.memory_space<vmem>> -> memref<1x1x128xi32, #tpu.memory_space<vmem>>
        %dma_start3A_645 = tpu.memref_squeeze %dma_start3A_644 : memref<1x1x128xi32, #tpu.memory_space<vmem>> -> memref<128xi32, #tpu.memory_space<vmem>>
        %dma_start3A_646 = arith.constant 0 : i32
        %dma_start3A_647 = arith.constant 0 : i32
        %dma_start3A_648 = tpu.memref_slice %arg2[%dma_start3A_646, %dma_start3A_647] : memref<100000x32xf32, #tpu.memory_space<hbm>> -> memref<100000x32xf32, #tpu.memory_space<hbm>>
        tpu.enqueue_indirect_dma source(%dma_start3A_648 : memref<100000x32xf32, #tpu.memory_space<hbm>>) target(%dma_start3A_642 : memref<128x32xf32, #tpu.memory_space<vmem>>) offsets(%dma_start3A_645 : memref<128xi32, #tpu.memory_space<vmem>>) semaphore(%arg11 : memref<!tpu.dma_semaphore, #tpu.memory_space<semaphore_mem>>)
        %dma_start3A_649 = arith.constant 1 : i32
        %dma_start3A_650 = arith.constant 3 : i32
        %dma_start3A_651 = arith.constant 1 : i32
        %dma_start3A_652 = arith.constant 3 : i32
        %dma_start3A_653 = arith.constant 0 : i32
        %dma_start3A_654 = arith.constant 0 : i32
        %dma_start3A_655 = tpu.memref_slice %arg8[%dma_start3A_651, %dma_start3A_652, %dma_start3A_653, %dma_start3A_654] : memref<2x5x128x32xf32, #tpu.memory_space<vmem>> -> memref<1x1x128x32xf32, #tpu.memory_space<vmem>>
        %dma_start3A_656 = tpu.memref_squeeze %dma_start3A_655 : memref<1x1x128x32xf32, #tpu.memory_space<vmem>> -> memref<128x32xf32, #tpu.memory_space<vmem>>
        %dma_start3A_657 = arith.constant 0 : i32
        %dma_start3A_658 = tpu.memref_slice %arg6[%dma_start3A_649, %dma_start3A_650, %dma_start3A_657] : memref<2x5x128xi32, #tpu.memory_space<vmem>> -> memref<1x1x128xi32, #tpu.memory_space<vmem>>
        %dma_start3A_659 = tpu.memref_squeeze %dma_start3A_658 : memref<1x1x128xi32, #tpu.memory_space<vmem>> -> memref<128xi32, #tpu.memory_space<vmem>>
        %dma_start3A_660 = arith.constant 0 : i32
        %dma_start3A_661 = arith.constant 0 : i32
        %dma_start3A_662 = tpu.memref_slice %arg2[%dma_start3A_660, %dma_start3A_661] : memref<100000x32xf32, #tpu.memory_space<hbm>> -> memref<100000x32xf32, #tpu.memory_space<hbm>>
        tpu.enqueue_indirect_dma source(%dma_start3A_662 : memref<100000x32xf32, #tpu.memory_space<hbm>>) target(%dma_start3A_656 : memref<128x32xf32, #tpu.memory_space<vmem>>) offsets(%dma_start3A_659 : memref<128xi32, #tpu.memory_space<vmem>>) semaphore(%arg11 : memref<!tpu.dma_semaphore, #tpu.memory_space<semaphore_mem>>)
        %dma_start3A_663 = arith.constant 1 : i32
        %dma_start3A_664 = arith.constant 4 : i32
        %dma_start3A_665 = arith.constant 1 : i32
        %dma_start3A_666 = arith.constant 4 : i32
        %dma_start3A_667 = arith.constant 0 : i32
        %dma_start3A_668 = arith.constant 0 : i32
        %dma_start3A_669 = tpu.memref_slice %arg8[%dma_start3A_665, %dma_start3A_666, %dma_start3A_667, %dma_start3A_668] : memref<2x5x128x32xf32, #tpu.memory_space<vmem>> -> memref<1x1x128x32xf32, #tpu.memory_space<vmem>>
        %dma_start3A_670 = tpu.memref_squeeze %dma_start3A_669 : memref<1x1x128x32xf32, #tpu.memory_space<vmem>> -> memref<128x32xf32, #tpu.memory_space<vmem>>
        %dma_start3A_671 = arith.constant 0 : i32
        %dma_start3A_672 = tpu.memref_slice %arg6[%dma_start3A_663, %dma_start3A_664, %dma_start3A_671] : memref<2x5x128xi32, #tpu.memory_space<vmem>> -> memref<1x1x128xi32, #tpu.memory_space<vmem>>
        %dma_start3A_673 = tpu.memref_squeeze %dma_start3A_672 : memref<1x1x128xi32, #tpu.memory_space<vmem>> -> memref<128xi32, #tpu.memory_space<vmem>>
        %dma_start3A_674 = arith.constant 0 : i32
        %dma_start3A_675 = arith.constant 0 : i32
        %dma_start3A_676 = tpu.memref_slice %arg2[%dma_start3A_674, %dma_start3A_675] : memref<100000x32xf32, #tpu.memory_space<hbm>> -> memref<100000x32xf32, #tpu.memory_space<hbm>>
        tpu.enqueue_indirect_dma source(%dma_start3A_676 : memref<100000x32xf32, #tpu.memory_space<hbm>>) target(%dma_start3A_670 : memref<128x32xf32, #tpu.memory_space<vmem>>) offsets(%dma_start3A_673 : memref<128xi32, #tpu.memory_space<vmem>>) semaphore(%arg11 : memref<!tpu.dma_semaphore, #tpu.memory_space<semaphore_mem>>)
      } else {
      }
      %dma_wait3A_222 = arith.constant 0 : i32
      %dma_wait3A_223 = arith.constant 0 : i32
      %dma_wait3A_224 = arith.constant 0 : i32
      %dma_wait3A_225 = arith.constant 0 : i32
      %dma_wait3A_226 = arith.constant 0 : i32
      %dma_wait3A_227 = arith.constant 0 : i32
      %dma_wait3A_228 = tpu.memref_slice %arg8[%dma_wait3A_224, %dma_wait3A_225, %dma_wait3A_226, %dma_wait3A_227] : memref<2x5x128x32xf32, #tpu.memory_space<vmem>> -> memref<1x1x128x32xf32, #tpu.memory_space<vmem>>
      %dma_wait3A_229 = tpu.memref_squeeze %dma_wait3A_228 : memref<1x1x128x32xf32, #tpu.memory_space<vmem>> -> memref<128x32xf32, #tpu.memory_space<vmem>>
      %dma_wait3A_230 = arith.constant 0 : i32
      %dma_wait3A_231 = tpu.memref_slice %arg6[%dma_wait3A_222, %dma_wait3A_223, %dma_wait3A_230] : memref<2x5x128xi32, #tpu.memory_space<vmem>> -> memref<1x1x128xi32, #tpu.memory_space<vmem>>
      %dma_wait3A_232 = tpu.memref_squeeze %dma_wait3A_231 : memref<1x1x128xi32, #tpu.memory_space<vmem>> -> memref<128xi32, #tpu.memory_space<vmem>>
      %dma_wait3A_233 = arith.constant 0 : i32
      %dma_wait3A_234 = arith.constant 0 : i32
      %dma_wait3A_235 = tpu.memref_slice %arg2[%dma_wait3A_233, %dma_wait3A_234] : memref<100000x32xf32, #tpu.memory_space<hbm>> -> memref<100000x32xf32, #tpu.memory_space<hbm>>
      tpu.wait_indirect_dma semaphore(%arg10 : memref<!tpu.dma_semaphore, #tpu.memory_space<semaphore_mem>>) src(%dma_wait3A_235 : memref<100000x32xf32, #tpu.memory_space<hbm>>) dst(%dma_wait3A_229 : memref<128x32xf32, #tpu.memory_space<vmem>>)
      %dma_wait3A_236 = arith.constant 0 : i32
      %dma_wait3A_237 = arith.constant 1 : i32
      %dma_wait3A_238 = arith.constant 0 : i32
      %dma_wait3A_239 = arith.constant 1 : i32
      %dma_wait3A_240 = arith.constant 0 : i32
      %dma_wait3A_241 = arith.constant 0 : i32
      %dma_wait3A_242 = tpu.memref_slice %arg8[%dma_wait3A_238, %dma_wait3A_239, %dma_wait3A_240, %dma_wait3A_241] : memref<2x5x128x32xf32, #tpu.memory_space<vmem>> -> memref<1x1x128x32xf32, #tpu.memory_space<vmem>>
      %dma_wait3A_243 = tpu.memref_squeeze %dma_wait3A_242 : memref<1x1x128x32xf32, #tpu.memory_space<vmem>> -> memref<128x32xf32, #tpu.memory_space<vmem>>
      %dma_wait3A_244 = arith.constant 0 : i32
      %dma_wait3A_245 = tpu.memref_slice %arg6[%dma_wait3A_236, %dma_wait3A_237, %dma_wait3A_244] : memref<2x5x128xi32, #tpu.memory_space<vmem>> -> memref<1x1x128xi32, #tpu.memory_space<vmem>>
      %dma_wait3A_246 = tpu.memref_squeeze %dma_wait3A_245 : memref<1x1x128xi32, #tpu.memory_space<vmem>> -> memref<128xi32, #tpu.memory_space<vmem>>
      %dma_wait3A_247 = arith.constant 0 : i32
      %dma_wait3A_248 = arith.constant 0 : i32
      %dma_wait3A_249 = tpu.memref_slice %arg2[%dma_wait3A_247, %dma_wait3A_248] : memref<100000x32xf32, #tpu.memory_space<hbm>> -> memref<100000x32xf32, #tpu.memory_space<hbm>>
      tpu.wait_indirect_dma semaphore(%arg10 : memref<!tpu.dma_semaphore, #tpu.memory_space<semaphore_mem>>) src(%dma_wait3A_249 : memref<100000x32xf32, #tpu.memory_space<hbm>>) dst(%dma_wait3A_243 : memref<128x32xf32, #tpu.memory_space<vmem>>)
      %dma_wait3A_250 = arith.constant 0 : i32
      %dma_wait3A_251 = arith.constant 2 : i32
      %dma_wait3A_252 = arith.constant 0 : i32
      %dma_wait3A_253 = arith.constant 2 : i32
      %dma_wait3A_254 = arith.constant 0 : i32
      %dma_wait3A_255 = arith.constant 0 : i32
      %dma_wait3A_256 = tpu.memref_slice %arg8[%dma_wait3A_252, %dma_wait3A_253, %dma_wait3A_254, %dma_wait3A_255] : memref<2x5x128x32xf32, #tpu.memory_space<vmem>> -> memref<1x1x128x32xf32, #tpu.memory_space<vmem>>
      %dma_wait3A_257 = tpu.memref_squeeze %dma_wait3A_256 : memref<1x1x128x32xf32, #tpu.memory_space<vmem>> -> memref<128x32xf32, #tpu.memory_space<vmem>>
      %dma_wait3A_258 = arith.constant 0 : i32
      %dma_wait3A_259 = tpu.memref_slice %arg6[%dma_wait3A_250, %dma_wait3A_251, %dma_wait3A_258] : memref<2x5x128xi32, #tpu.memory_space<vmem>> -> memref<1x1x128xi32, #tpu.memory_space<vmem>>
      %dma_wait3A_260 = tpu.memref_squeeze %dma_wait3A_259 : memref<1x1x128xi32, #tpu.memory_space<vmem>> -> memref<128xi32, #tpu.memory_space<vmem>>
      %dma_wait3A_261 = arith.constant 0 : i32
      %dma_wait3A_262 = arith.constant 0 : i32
      %dma_wait3A_263 = tpu.memref_slice %arg2[%dma_wait3A_261, %dma_wait3A_262] : memref<100000x32xf32, #tpu.memory_space<hbm>> -> memref<100000x32xf32, #tpu.memory_space<hbm>>
      tpu.wait_indirect_dma semaphore(%arg10 : memref<!tpu.dma_semaphore, #tpu.memory_space<semaphore_mem>>) src(%dma_wait3A_263 : memref<100000x32xf32, #tpu.memory_space<hbm>>) dst(%dma_wait3A_257 : memref<128x32xf32, #tpu.memory_space<vmem>>)
      %dma_wait3A_264 = arith.constant 0 : i32
      %dma_wait3A_265 = arith.constant 3 : i32
      %dma_wait3A_266 = arith.constant 0 : i32
      %dma_wait3A_267 = arith.constant 3 : i32
      %dma_wait3A_268 = arith.constant 0 : i32
      %dma_wait3A_269 = arith.constant 0 : i32
      %dma_wait3A_270 = tpu.memref_slice %arg8[%dma_wait3A_266, %dma_wait3A_267, %dma_wait3A_268, %dma_wait3A_269] : memref<2x5x128x32xf32, #tpu.memory_space<vmem>> -> memref<1x1x128x32xf32, #tpu.memory_space<vmem>>
      %dma_wait3A_271 = tpu.memref_squeeze %dma_wait3A_270 : memref<1x1x128x32xf32, #tpu.memory_space<vmem>> -> memref<128x32xf32, #tpu.memory_space<vmem>>
      %dma_wait3A_272 = arith.constant 0 : i32
      %dma_wait3A_273 = tpu.memref_slice %arg6[%dma_wait3A_264, %dma_wait3A_265, %dma_wait3A_272] : memref<2x5x128xi32, #tpu.memory_space<vmem>> -> memref<1x1x128xi32, #tpu.memory_space<vmem>>
      %dma_wait3A_274 = tpu.memref_squeeze %dma_wait3A_273 : memref<1x1x128xi32, #tpu.memory_space<vmem>> -> memref<128xi32, #tpu.memory_space<vmem>>
      %dma_wait3A_275 = arith.constant 0 : i32
      %dma_wait3A_276 = arith.constant 0 : i32
      %dma_wait3A_277 = tpu.memref_slice %arg2[%dma_wait3A_275, %dma_wait3A_276] : memref<100000x32xf32, #tpu.memory_space<hbm>> -> memref<100000x32xf32, #tpu.memory_space<hbm>>
      tpu.wait_indirect_dma semaphore(%arg10 : memref<!tpu.dma_semaphore, #tpu.memory_space<semaphore_mem>>) src(%dma_wait3A_277 : memref<100000x32xf32, #tpu.memory_space<hbm>>) dst(%dma_wait3A_271 : memref<128x32xf32, #tpu.memory_space<vmem>>)
      %dma_wait3A_278 = arith.constant 0 : i32
      %dma_wait3A_279 = arith.constant 4 : i32
      %dma_wait3A_280 = arith.constant 0 : i32
      %dma_wait3A_281 = arith.constant 4 : i32
      %dma_wait3A_282 = arith.constant 0 : i32
      %dma_wait3A_283 = arith.constant 0 : i32
      %dma_wait3A_284 = tpu.memref_slice %arg8[%dma_wait3A_280, %dma_wait3A_281, %dma_wait3A_282, %dma_wait3A_283] : memref<2x5x128x32xf32, #tpu.memory_space<vmem>> -> memref<1x1x128x32xf32, #tpu.memory_space<vmem>>
      %dma_wait3A_285 = tpu.memref_squeeze %dma_wait3A_284 : memref<1x1x128x32xf32, #tpu.memory_space<vmem>> -> memref<128x32xf32, #tpu.memory_space<vmem>>
      %dma_wait3A_286 = arith.constant 0 : i32
      %dma_wait3A_287 = tpu.memref_slice %arg6[%dma_wait3A_278, %dma_wait3A_279, %dma_wait3A_286] : memref<2x5x128xi32, #tpu.memory_space<vmem>> -> memref<1x1x128xi32, #tpu.memory_space<vmem>>
      %dma_wait3A_288 = tpu.memref_squeeze %dma_wait3A_287 : memref<1x1x128xi32, #tpu.memory_space<vmem>> -> memref<128xi32, #tpu.memory_space<vmem>>
      %dma_wait3A_289 = arith.constant 0 : i32
      %dma_wait3A_290 = arith.constant 0 : i32
      %dma_wait3A_291 = tpu.memref_slice %arg2[%dma_wait3A_289, %dma_wait3A_290] : memref<100000x32xf32, #tpu.memory_space<hbm>> -> memref<100000x32xf32, #tpu.memory_space<hbm>>
      tpu.wait_indirect_dma semaphore(%arg10 : memref<!tpu.dma_semaphore, #tpu.memory_space<semaphore_mem>>) src(%dma_wait3A_291 : memref<100000x32xf32, #tpu.memory_space<hbm>>) dst(%dma_wait3A_285 : memref<128x32xf32, #tpu.memory_space<vmem>>)
      %add3A_292 = arith.constant 2 : i32
      %add3A_293 = arith.addi %add3A_216, %add3A_292 : i32
      %lt3A_294 = arith.constant 40 : i32
      %lt3A_295 = arith.cmpi slt, %add3A_293, %lt3A_294 : i32
      %convert_element_type3A_296 = arith.extui %lt3A_295 : i1 to i32
      %cond3A_297 = arith.constant 0 : i32
      %cond3A_298 = arith.cmpi ne, %convert_element_type3A_296, %cond3A_297 : i32
      scf.if %cond3A_298 {
        %add3A_592 = arith.constant 2 : i32
        %add3A_593 = arith.addi %add3A_216, %add3A_592 : i32
        %mul3A_594 = arith.constant 5 : i32
        %mul3A_595 = arith.muli %add3A_593, %mul3A_594 : i32
        %dma_start3A_596 = arith.constant 0 : i32
        %dma_start3A_597 = arith.constant 0 : i32
        %dma_start3A_598 = arith.constant 0 : i32
        %dma_start3A_599 = tpu.memref_slice %arg6[%dma_start3A_596, %dma_start3A_597, %dma_start3A_598] : memref<2x5x128xi32, #tpu.memory_space<vmem>> -> memref<1x5x128xi32, #tpu.memory_space<vmem>>
        %dma_start3A_600 = tpu.memref_squeeze %dma_start3A_599 : memref<1x5x128xi32, #tpu.memory_space<vmem>> -> memref<5x128xi32, #tpu.memory_space<vmem>>
        %dma_start3A_601 = tpu.memref_slice %arg3[%mul3A_595, %mul3A_2] : memref<200x4096xi32, #tpu.memory_space<hbm>> -> memref<5x128xi32, #tpu.memory_space<hbm>>
        %dma_start3A_602 = arith.constant 0 : i32
        %dma_start3A_603 = arith.constant 0 : i32
        %dma_start3A_604 = tpu.memref_slice %arg6[%dma_start3A_596, %dma_start3A_602, %dma_start3A_603] : memref<2x5x128xi32, #tpu.memory_space<vmem>> -> memref<1x5x128xi32, #tpu.memory_space<vmem>>
        %dma_start3A_605 = tpu.memref_squeeze %dma_start3A_604 : memref<1x5x128xi32, #tpu.memory_space<vmem>> -> memref<5x128xi32, #tpu.memory_space<vmem>>
        %dma_start3A_606 = tpu.memref_slice %arg3[%mul3A_595, %mul3A_2] : memref<200x4096xi32, #tpu.memory_space<hbm>> -> memref<5x128xi32, #tpu.memory_space<hbm>>
        tpu.enqueue_dma source(%dma_start3A_606 : memref<5x128xi32, #tpu.memory_space<hbm>>) target(%dma_start3A_605 : memref<5x128xi32, #tpu.memory_space<vmem>>) target_semaphore(%arg14 : memref<!tpu.dma_semaphore, #tpu.memory_space<semaphore_mem>>)
      } else {
      }
      %ge3A = arith.constant 2 : i32
      %ge3A_299 = arith.cmpi sge, %add3A_216, %ge3A : i32
      %convert_element_type3A_300 = arith.extui %ge3A_299 : i1 to i32
      %cond3A_301 = arith.constant 0 : i32
      %cond3A_302 = arith.cmpi ne, %convert_element_type3A_300, %cond3A_301 : i32
      scf.if %cond3A_302 {
        %sub3A_592 = arith.constant 2 : i32
        %sub3A_593 = arith.subi %add3A_216, %sub3A_592 : i32
        %mul3A_594 = arith.constant 5 : i32
        %mul3A_595 = arith.muli %sub3A_593, %mul3A_594 : i32
        %dma_wait3A_596 = arith.constant 0 : i32
        %dma_wait3A_597 = arith.constant 0 : i32
        %dma_wait3A_598 = arith.constant 0 : i32
        %dma_wait3A_599 = arith.constant 0 : i32
        %dma_wait3A_600 = arith.constant 0 : i32
        %dma_wait3A_601 = tpu.memref_slice %arg9[%dma_wait3A_596, %dma_wait3A_597, %dma_wait3A_598, %dma_wait3A_599, %dma_wait3A_600] : memref<2x5x4x8x133xf32, #tpu.memory_space<vmem>> -> memref<1x5x4x8x128xf32, #tpu.memory_space<vmem>>
        %dma_wait3A_602 = tpu.memref_squeeze %dma_wait3A_601 : memref<1x5x4x8x128xf32, #tpu.memory_space<vmem>> -> memref<5x4x8x128xf32, #tpu.memory_space<vmem>>
        %dma_wait3A_603 = arith.constant 0 : i32
        %dma_wait3A_604 = arith.constant 0 : i32
        %dma_wait3A_605 = arith.constant 0 : i32
        %dma_wait3A_606 = tpu.memref_slice %arg5[%mul3A_595, %dma_wait3A_603, %add3A, %dma_wait3A_604, %dma_wait3A_605] : memref<200x4x32x8x128xf32, #tpu.memory_space<hbm>> -> memref<5x4x1x8x128xf32, #tpu.memory_space<hbm>>
        %dma_wait3A_607 = tpu.memref_squeeze %dma_wait3A_606 : memref<5x4x1x8x128xf32, #tpu.memory_space<hbm>> -> memref<5x4x8x128xf32, #tpu.memory_space<hbm>>
        %dma_wait3A_608 = arith.constant 0 : i32
        %dma_wait3A_609 = arith.constant 0 : i32
        %dma_wait3A_610 = arith.constant 0 : i32
        %dma_wait3A_611 = tpu.memref_slice %arg5[%mul3A_595, %dma_wait3A_608, %add3A, %dma_wait3A_609, %dma_wait3A_610] : memref<200x4x32x8x128xf32, #tpu.memory_space<hbm>> -> memref<5x4x1x8x128xf32, #tpu.memory_space<hbm>>
        %dma_wait3A_612 = tpu.memref_squeeze %dma_wait3A_611 : memref<5x4x1x8x128xf32, #tpu.memory_space<hbm>> -> memref<5x4x8x128xf32, #tpu.memory_space<hbm>>
        %dma_wait3A_613 = arith.constant 0 : i32
        %dma_wait3A_614 = arith.constant 0 : i32
        %dma_wait3A_615 = arith.constant 0 : i32
        %dma_wait3A_616 = arith.constant 0 : i32
        %dma_wait3A_617 = tpu.memref_slice %arg9[%dma_wait3A_596, %dma_wait3A_613, %dma_wait3A_614, %dma_wait3A_615, %dma_wait3A_616] : memref<2x5x4x8x133xf32, #tpu.memory_space<vmem>> -> memref<1x5x4x8x128xf32, #tpu.memory_space<vmem>>
        %dma_wait3A_618 = tpu.memref_squeeze %dma_wait3A_617 : memref<1x5x4x8x128xf32, #tpu.memory_space<vmem>> -> memref<5x4x8x128xf32, #tpu.memory_space<vmem>>
        tpu.wait_dma2 semaphore(%arg12 : memref<!tpu.dma_semaphore, #tpu.memory_space<semaphore_mem>>) src(%dma_wait3A_618 : memref<5x4x8x128xf32, #tpu.memory_space<vmem>>) dst(%dma_wait3A_612 : memref<5x4x8x128xf32, #tpu.memory_space<hbm>>)
      } else {
      }
      %mul3A_303 = arith.constant 5 : i32
      %mul3A_304 = arith.muli %add3A_216, %mul3A_303 : i32
      %add3A_305 = arith.constant 0 : i32
      %add3A_306 = arith.addi %mul3A_304, %add3A_305 : i32
      %get3A = arith.index_cast %add3A_306 : i32 to index
      %get3A_307 = arith.constant 0 : index
      %get3A_308 = tpu.vector_load %arg7[%get3A, %get3A_307] {strides = array<i32>} : memref<200x32xf32, #tpu.memory_space<vmem>>, vector<16xf32>,
      %get3A_309 = arith.index_cast %add3A_306 : i32 to index
      %get3A_310 = arith.constant 16 : index
      %get3A_311 = tpu.vector_load %arg7[%get3A_309, %get3A_310] {strides = array<i32>} : memref<200x32xf32, #tpu.memory_space<vmem>>, vector<16xf32>,
      %parallel_loop3A = arith.constant 0 : i32
      %parallel_loop3A_312 = arith.constant 128 : i32
      %parallel_loop3A_313 = arith.constant 8 : i32
      %parallel_loop3A_314 = arith.constant 0 : i32
      %parallel_loop3A_315 = arith.constant 0 : i32
      scf.for %parallel_loop3A_592 = %parallel_loop3A to %parallel_loop3A_312 step %parallel_loop3A_313  : i32 {
        %parallel_loop3A_593 = arith.constant 0 : i32
        %parallel_loop3A_594 = vector.broadcast %parallel_loop3A_593 : i32 to vector<16xi32>
        %parallel_loop3A_595 = vector.broadcast %parallel_loop3A_592 : i32 to vector<16xi32>
        %parallel_loop3A_596 = arith.addi %parallel_loop3A_594, %parallel_loop3A_595 : vector<16xi32>
        %parallel_loop3A_597 = arith.constant 0 : i32
        %parallel_loop3A_598 = arith.addi %parallel_loop3A_592, %parallel_loop3A_597 : i32
        %parallel_loop3A_599 = arith.constant 0 : i32
        %parallel_loop3A_600 = arith.constant 0 : i32
        %parallel_loop3A_601 = arith.index_cast %parallel_loop3A_599 : i32 to index
        %parallel_loop3A_602 = arith.index_cast %parallel_loop3A_600 : i32 to index
        %parallel_loop3A_603 = arith.index_cast %parallel_loop3A_598 : i32 to index
        %parallel_loop3A_604 = arith.constant 0 : index
        %parallel_loop3A_605 = tpu.vector_load %arg8[%parallel_loop3A_601, %parallel_loop3A_602, %parallel_loop3A_603, %parallel_loop3A_604] {strides = array<i32>} : memref<2x5x128x32xf32, #tpu.memory_space<vmem>>, vector<16xf32>,
        %parallel_loop3A_606 = arith.constant 0 : i32
        %parallel_loop3A_607 = arith.constant 0 : i32
        %parallel_loop3A_608 = arith.index_cast %parallel_loop3A_606 : i32 to index
        %parallel_loop3A_609 = arith.index_cast %parallel_loop3A_607 : i32 to index
        %parallel_loop3A_610 = arith.index_cast %parallel_loop3A_598 : i32 to index
        %parallel_loop3A_611 = arith.constant 16 : index
        %parallel_loop3A_612 = tpu.vector_load %arg8[%parallel_loop3A_608, %parallel_loop3A_609, %parallel_loop3A_610, %parallel_loop3A_611] {strides = array<i32>} : memref<2x5x128x32xf32, #tpu.memory_space<vmem>>, vector<16xf32>,
        %parallel_loop3A_613 = arith.constant 1 : i32
        %parallel_loop3A_614 = arith.addi %parallel_loop3A_592, %parallel_loop3A_613 : i32
        %parallel_loop3A_615 = arith.constant 0 : i32
        %parallel_loop3A_616 = arith.constant 0 : i32
        %parallel_loop3A_617 = arith.index_cast %parallel_loop3A_615 : i32 to index
        %parallel_loop3A_618 = arith.index_cast %parallel_loop3A_616 : i32 to index
        %parallel_loop3A_619 = arith.index_cast %parallel_loop3A_614 : i32 to index
        %parallel_loop3A_620 = arith.constant 0 : index
        %parallel_loop3A_621 = tpu.vector_load %arg8[%parallel_loop3A_617, %parallel_loop3A_618, %parallel_loop3A_619, %parallel_loop3A_620] {strides = array<i32>} : memref<2x5x128x32xf32, #tpu.memory_space<vmem>>, vector<16xf32>,
        %parallel_loop3A_622 = arith.constant 0 : i32
        %parallel_loop3A_623 = arith.constant 0 : i32
        %parallel_loop3A_624 = arith.index_cast %parallel_loop3A_622 : i32 to index
        %parallel_loop3A_625 = arith.index_cast %parallel_loop3A_623 : i32 to index
        %parallel_loop3A_626 = arith.index_cast %parallel_loop3A_614 : i32 to index
        %parallel_loop3A_627 = arith.constant 16 : index
        %parallel_loop3A_628 = tpu.vector_load %arg8[%parallel_loop3A_624, %parallel_loop3A_625, %parallel_loop3A_626, %parallel_loop3A_627] {strides = array<i32>} : memref<2x5x128x32xf32, #tpu.memory_space<vmem>>, vector<16xf32>,
        %parallel_loop3A_629 = arith.constant 2 : i32
        %parallel_loop3A_630 = arith.addi %parallel_loop3A_592, %parallel_loop3A_629 : i32
        %parallel_loop3A_631 = arith.constant 0 : i32
        %parallel_loop3A_632 = arith.constant 0 : i32
        %parallel_loop3A_633 = arith.index_cast %parallel_loop3A_631 : i32 to index
        %parallel_loop3A_634 = arith.index_cast %parallel_loop3A_632 : i32 to index
        %parallel_loop3A_635 = arith.index_cast %parallel_loop3A_630 : i32 to index
        %parallel_loop3A_636 = arith.constant 0 : index
        %parallel_loop3A_637 = tpu.vector_load %arg8[%parallel_loop3A_633, %parallel_loop3A_634, %parallel_loop3A_635, %parallel_loop3A_636] {strides = array<i32>} : memref<2x5x128x32xf32, #tpu.memory_space<vmem>>, vector<16xf32>,
        %parallel_loop3A_638 = arith.constant 0 : i32
        %parallel_loop3A_639 = arith.constant 0 : i32
        %parallel_loop3A_640 = arith.index_cast %parallel_loop3A_638 : i32 to index
        %parallel_loop3A_641 = arith.index_cast %parallel_loop3A_639 : i32 to index
        %parallel_loop3A_642 = arith.index_cast %parallel_loop3A_630 : i32 to index
        %parallel_loop3A_643 = arith.constant 16 : index
        %parallel_loop3A_644 = tpu.vector_load %arg8[%parallel_loop3A_640, %parallel_loop3A_641, %parallel_loop3A_642, %parallel_loop3A_643] {strides = array<i32>} : memref<2x5x128x32xf32, #tpu.memory_space<vmem>>, vector<16xf32>,
        %parallel_loop3A_645 = arith.constant 3 : i32
        %parallel_loop3A_646 = arith.addi %parallel_loop3A_592, %parallel_loop3A_645 : i32
        %parallel_loop3A_647 = arith.constant 0 : i32
        %parallel_loop3A_648 = arith.constant 0 : i32
        %parallel_loop3A_649 = arith.index_cast %parallel_loop3A_647 : i32 to index
        %parallel_loop3A_650 = arith.index_cast %parallel_loop3A_648 : i32 to index
        %parallel_loop3A_651 = arith.index_cast %parallel_loop3A_646 : i32 to index
        %parallel_loop3A_652 = arith.constant 0 : index
        %parallel_loop3A_653 = tpu.vector_load %arg8[%parallel_loop3A_649, %parallel_loop3A_650, %parallel_loop3A_651, %parallel_loop3A_652] {strides = array<i32>} : memref<2x5x128x32xf32, #tpu.memory_space<vmem>>, vector<16xf32>,
        %parallel_loop3A_654 = arith.constant 0 : i32
        %parallel_loop3A_655 = arith.constant 0 : i32
        %parallel_loop3A_656 = arith.index_cast %parallel_loop3A_654 : i32 to index
        %parallel_loop3A_657 = arith.index_cast %parallel_loop3A_655 : i32 to index
        %parallel_loop3A_658 = arith.index_cast %parallel_loop3A_646 : i32 to index
        %parallel_loop3A_659 = arith.constant 16 : index
        %parallel_loop3A_660 = tpu.vector_load %arg8[%parallel_loop3A_656, %parallel_loop3A_657, %parallel_loop3A_658, %parallel_loop3A_659] {strides = array<i32>} : memref<2x5x128x32xf32, #tpu.memory_space<vmem>>, vector<16xf32>,
        %parallel_loop3A_661 = arith.constant 4 : i32
        %parallel_loop3A_662 = arith.addi %parallel_loop3A_592, %parallel_loop3A_661 : i32
        %parallel_loop3A_663 = arith.constant 0 : i32
        %parallel_loop3A_664 = arith.constant 0 : i32
        %parallel_loop3A_665 = arith.index_cast %parallel_loop3A_663 : i32 to index
        %parallel_loop3A_666 = arith.index_cast %parallel_loop3A_664 : i32 to index
        %parallel_loop3A_667 = arith.index_cast %parallel_loop3A_662 : i32 to index
        %parallel_loop3A_668 = arith.constant 0 : index
        %parallel_loop3A_669 = tpu.vector_load %arg8[%parallel_loop3A_665, %parallel_loop3A_666, %parallel_loop3A_667, %parallel_loop3A_668] {strides = array<i32>} : memref<2x5x128x32xf32, #tpu.memory_space<vmem>>, vector<16xf32>,
        %parallel_loop3A_670 = arith.constant 0 : i32
        %parallel_loop3A_671 = arith.constant 0 : i32
        %parallel_loop3A_672 = arith.index_cast %parallel_loop3A_670 : i32 to index
        %parallel_loop3A_673 = arith.index_cast %parallel_loop3A_671 : i32 to index
        %parallel_loop3A_674 = arith.index_cast %parallel_loop3A_662 : i32 to index
        %parallel_loop3A_675 = arith.constant 16 : index
        %parallel_loop3A_676 = tpu.vector_load %arg8[%parallel_loop3A_672, %parallel_loop3A_673, %parallel_loop3A_674, %parallel_loop3A_675] {strides = array<i32>} : memref<2x5x128x32xf32, #tpu.memory_space<vmem>>, vector<16xf32>,
        %parallel_loop3A_677 = arith.constant 5 : i32
        %parallel_loop3A_678 = arith.addi %parallel_loop3A_592, %parallel_loop3A_677 : i32
        %parallel_loop3A_679 = arith.constant 0 : i32
        %parallel_loop3A_680 = arith.constant 0 : i32
        %parallel_loop3A_681 = arith.index_cast %parallel_loop3A_679 : i32 to index
        %parallel_loop3A_682 = arith.index_cast %parallel_loop3A_680 : i32 to index
        %parallel_loop3A_683 = arith.index_cast %parallel_loop3A_678 : i32 to index
        %parallel_loop3A_684 = arith.constant 0 : index
        %parallel_loop3A_685 = tpu.vector_load %arg8[%parallel_loop3A_681, %parallel_loop3A_682, %parallel_loop3A_683, %parallel_loop3A_684] {strides = array<i32>} : memref<2x5x128x32xf32, #tpu.memory_space<vmem>>, vector<16xf32>,
        %parallel_loop3A_686 = arith.constant 0 : i32
        %parallel_loop3A_687 = arith.constant 0 : i32
        %parallel_loop3A_688 = arith.index_cast %parallel_loop3A_686 : i32 to index
        %parallel_loop3A_689 = arith.index_cast %parallel_loop3A_687 : i32 to index
        %parallel_loop3A_690 = arith.index_cast %parallel_loop3A_678 : i32 to index
        %parallel_loop3A_691 = arith.constant 16 : index
        %parallel_loop3A_692 = tpu.vector_load %arg8[%parallel_loop3A_688, %parallel_loop3A_689, %parallel_loop3A_690, %parallel_loop3A_691] {strides = array<i32>} : memref<2x5x128x32xf32, #tpu.memory_space<vmem>>, vector<16xf32>,
        %parallel_loop3A_693 = arith.constant 6 : i32
        %parallel_loop3A_694 = arith.addi %parallel_loop3A_592, %parallel_loop3A_693 : i32
        %parallel_loop3A_695 = arith.constant 0 : i32
        %parallel_loop3A_696 = arith.constant 0 : i32
        %parallel_loop3A_697 = arith.index_cast %parallel_loop3A_695 : i32 to index
        %parallel_loop3A_698 = arith.index_cast %parallel_loop3A_696 : i32 to index
        %parallel_loop3A_699 = arith.index_cast %parallel_loop3A_694 : i32 to index
        %parallel_loop3A_700 = arith.constant 0 : index
        %parallel_loop3A_701 = tpu.vector_load %arg8[%parallel_loop3A_697, %parallel_loop3A_698, %parallel_loop3A_699, %parallel_loop3A_700] {strides = array<i32>} : memref<2x5x128x32xf32, #tpu.memory_space<vmem>>, vector<16xf32>,
        %parallel_loop3A_702 = arith.constant 0 : i32
        %parallel_loop3A_703 = arith.constant 0 : i32
        %parallel_loop3A_704 = arith.index_cast %parallel_loop3A_702 : i32 to index
        %parallel_loop3A_705 = arith.index_cast %parallel_loop3A_703 : i32 to index
        %parallel_loop3A_706 = arith.index_cast %parallel_loop3A_694 : i32 to index
        %parallel_loop3A_707 = arith.constant 16 : index
        %parallel_loop3A_708 = tpu.vector_load %arg8[%parallel_loop3A_704, %parallel_loop3A_705, %parallel_loop3A_706, %parallel_loop3A_707] {strides = array<i32>} : memref<2x5x128x32xf32, #tpu.memory_space<vmem>>, vector<16xf32>,
        %parallel_loop3A_709 = arith.constant 7 : i32
        %parallel_loop3A_710 = arith.addi %parallel_loop3A_592, %parallel_loop3A_709 : i32
        %parallel_loop3A_711 = arith.constant 0 : i32
        %parallel_loop3A_712 = arith.constant 0 : i32
        %parallel_loop3A_713 = arith.index_cast %parallel_loop3A_711 : i32 to index
        %parallel_loop3A_714 = arith.index_cast %parallel_loop3A_712 : i32 to index
        %parallel_loop3A_715 = arith.index_cast %parallel_loop3A_710 : i32 to index
        %parallel_loop3A_716 = arith.constant 0 : index
        %parallel_loop3A_717 = tpu.vector_load %arg8[%parallel_loop3A_713, %parallel_loop3A_714, %parallel_loop3A_715, %parallel_loop3A_716] {strides = array<i32>} : memref<2x5x128x32xf32, #tpu.memory_space<vmem>>, vector<16xf32>,
        %parallel_loop3A_718 = arith.constant 0 : i32
        %parallel_loop3A_719 = arith.constant 0 : i32
        %parallel_loop3A_720 = arith.index_cast %parallel_loop3A_718 : i32 to index
        %parallel_loop3A_721 = arith.index_cast %parallel_loop3A_719 : i32 to index
        %parallel_loop3A_722 = arith.index_cast %parallel_loop3A_710 : i32 to index
        %parallel_loop3A_723 = arith.constant 16 : index
        %parallel_loop3A_724 = tpu.vector_load %arg8[%parallel_loop3A_720, %parallel_loop3A_721, %parallel_loop3A_722, %parallel_loop3A_723] {strides = array<i32>} : memref<2x5x128x32xf32, #tpu.memory_space<vmem>>, vector<16xf32>,
        %parallel_loop3A_725 = arith.constant 1 : i32
        %parallel_loop3A_726 = vector.broadcast %parallel_loop3A_725 : i32 to vector<16xi32>
        %parallel_loop3A_727 = arith.addi %parallel_loop3A_596, %parallel_loop3A_726 : vector<16xi32>
        %parallel_loop3A_728 = arith.constant 2 : i32
        %parallel_loop3A_729 = vector.broadcast %parallel_loop3A_728 : i32 to vector<16xi32>
        %parallel_loop3A_730 = arith.addi %parallel_loop3A_596, %parallel_loop3A_729 : vector<16xi32>
        %parallel_loop3A_731 = arith.constant 3 : i32
        %parallel_loop3A_732 = vector.broadcast %parallel_loop3A_731 : i32 to vector<16xi32>
        %parallel_loop3A_733 = arith.addi %parallel_loop3A_596, %parallel_loop3A_732 : vector<16xi32>
        %parallel_loop3A_734 = arith.constant 4 : i32
        %parallel_loop3A_735 = vector.broadcast %parallel_loop3A_734 : i32 to vector<16xi32>
        %parallel_loop3A_736 = arith.addi %parallel_loop3A_596, %parallel_loop3A_735 : vector<16xi32>
        %parallel_loop3A_737 = arith.constant 5 : i32
        %parallel_loop3A_738 = vector.broadcast %parallel_loop3A_737 : i32 to vector<16xi32>
        %parallel_loop3A_739 = arith.addi %parallel_loop3A_596, %parallel_loop3A_738 : vector<16xi32>
        %parallel_loop3A_740 = arith.constant 6 : i32
        %parallel_loop3A_741 = vector.broadcast %parallel_loop3A_740 : i32 to vector<16xi32>
        %parallel_loop3A_742 = arith.addi %parallel_loop3A_596, %parallel_loop3A_741 : vector<16xi32>
        %parallel_loop3A_743 = arith.constant 7 : i32
        %parallel_loop3A_744 = vector.broadcast %parallel_loop3A_743 : i32 to vector<16xi32>
        %parallel_loop3A_745 = arith.addi %parallel_loop3A_596, %parallel_loop3A_744 : vector<16xi32>
        %parallel_loop3A_746 = arith.addf %parallel_loop3A_605, %get3A_308 : vector<16xf32>
        %parallel_loop3A_747 = arith.addf %parallel_loop3A_612, %get3A_311 : vector<16xf32>
        %parallel_loop3A_748 = arith.addf %parallel_loop3A_621, %get3A_308 : vector<16xf32>
        %parallel_loop3A_749 = arith.addf %parallel_loop3A_628, %get3A_311 : vector<16xf32>
        %parallel_loop3A_750 = arith.addf %parallel_loop3A_637, %get3A_308 : vector<16xf32>
        %parallel_loop3A_751 = arith.addf %parallel_loop3A_644, %get3A_311 : vector<16xf32>
        %parallel_loop3A_752 = arith.addf %parallel_loop3A_653, %get3A_308 : vector<16xf32>
        %parallel_loop3A_753 = arith.addf %parallel_loop3A_660, %get3A_311 : vector<16xf32>
        %parallel_loop3A_754 = arith.addf %parallel_loop3A_669, %get3A_308 : vector<16xf32>
        %parallel_loop3A_755 = arith.addf %parallel_loop3A_676, %get3A_311 : vector<16xf32>
        %parallel_loop3A_756 = arith.addf %parallel_loop3A_685, %get3A_308 : vector<16xf32>
        %parallel_loop3A_757 = arith.addf %parallel_loop3A_692, %get3A_311 : vector<16xf32>
        %parallel_loop3A_758 = arith.addf %parallel_loop3A_701, %get3A_308 : vector<16xf32>
        %parallel_loop3A_759 = arith.addf %parallel_loop3A_708, %get3A_311 : vector<16xf32>
        %parallel_loop3A_760 = arith.addf %parallel_loop3A_717, %get3A_308 : vector<16xf32>
        %parallel_loop3A_761 = arith.addf %parallel_loop3A_724, %get3A_311 : vector<16xf32>
        %parallel_loop3A_762 = arith.constant 0 : i32
        %parallel_loop3A_763 = arith.constant 0 : i32
        %parallel_loop3A_764 = arith.constant 0 : i32
        %parallel_loop3A_765 = tpu.memref_slice %arg9[%parallel_loop3A_314, %parallel_loop3A_315, %parallel_loop3A_762, %parallel_loop3A_763, %parallel_loop3A_764] : memref<2x5x4x8x133xf32, #tpu.memory_space<vmem>> -> memref<1x1x4x8x133xf32, #tpu.memory_space<vmem>>
        %parallel_loop3A_766 = tpu.memref_squeeze %parallel_loop3A_765 : memref<1x1x4x8x133xf32, #tpu.memory_space<vmem>> -> memref<4x8x133xf32, #tpu.memory_space<vmem>>
        tpu.vector_store_idx %parallel_loop3A_766[%select_n3A, %select_n3A_48, %parallel_loop3A_596], %parallel_loop3A_746 : memref<4x8x133xf32, #tpu.memory_space<vmem>>[vector<16xi32>, vector<16xi32>, vector<16xi32>], vector<16xf32>,
        %parallel_loop3A_767 = arith.constant 0 : i32
        %parallel_loop3A_768 = arith.constant 0 : i32
        %parallel_loop3A_769 = arith.constant 0 : i32
        %parallel_loop3A_770 = tpu.memref_slice %arg9[%parallel_loop3A_314, %parallel_loop3A_315, %parallel_loop3A_767, %parallel_loop3A_768, %parallel_loop3A_769] : memref<2x5x4x8x133xf32, #tpu.memory_space<vmem>> -> memref<1x1x4x8x133xf32, #tpu.memory_space<vmem>>
        %parallel_loop3A_771 = tpu.memref_squeeze %parallel_loop3A_770 : memref<1x1x4x8x133xf32, #tpu.memory_space<vmem>> -> memref<4x8x133xf32, #tpu.memory_space<vmem>>
        tpu.vector_store_idx %parallel_loop3A_771[%add3A_28, %select_n3A_48, %parallel_loop3A_596], %parallel_loop3A_747 : memref<4x8x133xf32, #tpu.memory_space<vmem>>[vector<16xi32>, vector<16xi32>, vector<16xi32>], vector<16xf32>,
        %parallel_loop3A_772 = arith.constant 0 : i32
        %parallel_loop3A_773 = arith.constant 0 : i32
        %parallel_loop3A_774 = arith.constant 0 : i32
        %parallel_loop3A_775 = tpu.memref_slice %arg9[%parallel_loop3A_314, %parallel_loop3A_315, %parallel_loop3A_772, %parallel_loop3A_773, %parallel_loop3A_774] : memref<2x5x4x8x133xf32, #tpu.memory_space<vmem>> -> memref<1x1x4x8x133xf32, #tpu.memory_space<vmem>>
        %parallel_loop3A_776 = tpu.memref_squeeze %parallel_loop3A_775 : memref<1x1x4x8x133xf32, #tpu.memory_space<vmem>> -> memref<4x8x133xf32, #tpu.memory_space<vmem>>
        tpu.vector_store_idx %parallel_loop3A_776[%select_n3A, %select_n3A_48, %parallel_loop3A_727], %parallel_loop3A_748 : memref<4x8x133xf32, #tpu.memory_space<vmem>>[vector<16xi32>, vector<16xi32>, vector<16xi32>], vector<16xf32>,
        %parallel_loop3A_777 = arith.constant 0 : i32
        %parallel_loop3A_778 = arith.constant 0 : i32
        %parallel_loop3A_779 = arith.constant 0 : i32
        %parallel_loop3A_780 = tpu.memref_slice %arg9[%parallel_loop3A_314, %parallel_loop3A_315, %parallel_loop3A_777, %parallel_loop3A_778, %parallel_loop3A_779] : memref<2x5x4x8x133xf32, #tpu.memory_space<vmem>> -> memref<1x1x4x8x133xf32, #tpu.memory_space<vmem>>
        %parallel_loop3A_781 = tpu.memref_squeeze %parallel_loop3A_780 : memref<1x1x4x8x133xf32, #tpu.memory_space<vmem>> -> memref<4x8x133xf32, #tpu.memory_space<vmem>>
        tpu.vector_store_idx %parallel_loop3A_781[%add3A_28, %select_n3A_48, %parallel_loop3A_727], %parallel_loop3A_749 : memref<4x8x133xf32, #tpu.memory_space<vmem>>[vector<16xi32>, vector<16xi32>, vector<16xi32>], vector<16xf32>,
        %parallel_loop3A_782 = arith.constant 0 : i32
        %parallel_loop3A_783 = arith.constant 0 : i32
        %parallel_loop3A_784 = arith.constant 0 : i32
        %parallel_loop3A_785 = tpu.memref_slice %arg9[%parallel_loop3A_314, %parallel_loop3A_315, %parallel_loop3A_782, %parallel_loop3A_783, %parallel_loop3A_784] : memref<2x5x4x8x133xf32, #tpu.memory_space<vmem>> -> memref<1x1x4x8x133xf32, #tpu.memory_space<vmem>>
        %parallel_loop3A_786 = tpu.memref_squeeze %parallel_loop3A_785 : memref<1x1x4x8x133xf32, #tpu.memory_space<vmem>> -> memref<4x8x133xf32, #tpu.memory_space<vmem>>
        tpu.vector_store_idx %parallel_loop3A_786[%select_n3A, %select_n3A_48, %parallel_loop3A_730], %parallel_loop3A_750 : memref<4x8x133xf32, #tpu.memory_space<vmem>>[vector<16xi32>, vector<16xi32>, vector<16xi32>], vector<16xf32>,
        %parallel_loop3A_787 = arith.constant 0 : i32
        %parallel_loop3A_788 = arith.constant 0 : i32
        %parallel_loop3A_789 = arith.constant 0 : i32
        %parallel_loop3A_790 = tpu.memref_slice %arg9[%parallel_loop3A_314, %parallel_loop3A_315, %parallel_loop3A_787, %parallel_loop3A_788, %parallel_loop3A_789] : memref<2x5x4x8x133xf32, #tpu.memory_space<vmem>> -> memref<1x1x4x8x133xf32, #tpu.memory_space<vmem>>
        %parallel_loop3A_791 = tpu.memref_squeeze %parallel_loop3A_790 : memref<1x1x4x8x133xf32, #tpu.memory_space<vmem>> -> memref<4x8x133xf32, #tpu.memory_space<vmem>>
        tpu.vector_store_idx %parallel_loop3A_791[%add3A_28, %select_n3A_48, %parallel_loop3A_730], %parallel_loop3A_751 : memref<4x8x133xf32, #tpu.memory_space<vmem>>[vector<16xi32>, vector<16xi32>, vector<16xi32>], vector<16xf32>,
        %parallel_loop3A_792 = arith.constant 0 : i32
        %parallel_loop3A_793 = arith.constant 0 : i32
        %parallel_loop3A_794 = arith.constant 0 : i32
        %parallel_loop3A_795 = tpu.memref_slice %arg9[%parallel_loop3A_314, %parallel_loop3A_315, %parallel_loop3A_792, %parallel_loop3A_793, %parallel_loop3A_794] : memref<2x5x4x8x133xf32, #tpu.memory_space<vmem>> -> memref<1x1x4x8x133xf32, #tpu.memory_space<vmem>>
        %parallel_loop3A_796 = tpu.memref_squeeze %parallel_loop3A_795 : memref<1x1x4x8x133xf32, #tpu.memory_space<vmem>> -> memref<4x8x133xf32, #tpu.memory_space<vmem>>
        tpu.vector_store_idx %parallel_loop3A_796[%select_n3A, %select_n3A_48, %parallel_loop3A_733], %parallel_loop3A_752 : memref<4x8x133xf32, #tpu.memory_space<vmem>>[vector<16xi32>, vector<16xi32>, vector<16xi32>], vector<16xf32>,
        %parallel_loop3A_797 = arith.constant 0 : i32
        %parallel_loop3A_798 = arith.constant 0 : i32
        %parallel_loop3A_799 = arith.constant 0 : i32
        %parallel_loop3A_800 = tpu.memref_slice %arg9[%parallel_loop3A_314, %parallel_loop3A_315, %parallel_loop3A_797, %parallel_loop3A_798, %parallel_loop3A_799] : memref<2x5x4x8x133xf32, #tpu.memory_space<vmem>> -> memref<1x1x4x8x133xf32, #tpu.memory_space<vmem>>
        %parallel_loop3A_801 = tpu.memref_squeeze %parallel_loop3A_800 : memref<1x1x4x8x133xf32, #tpu.memory_space<vmem>> -> memref<4x8x133xf32, #tpu.memory_space<vmem>>
        tpu.vector_store_idx %parallel_loop3A_801[%add3A_28, %select_n3A_48, %parallel_loop3A_733], %parallel_loop3A_753 : memref<4x8x133xf32, #tpu.memory_space<vmem>>[vector<16xi32>, vector<16xi32>, vector<16xi32>], vector<16xf32>,
        %parallel_loop3A_802 = arith.constant 0 : i32
        %parallel_loop3A_803 = arith.constant 0 : i32
        %parallel_loop3A_804 = arith.constant 0 : i32
        %parallel_loop3A_805 = tpu.memref_slice %arg9[%parallel_loop3A_314, %parallel_loop3A_315, %parallel_loop3A_802, %parallel_loop3A_803, %parallel_loop3A_804] : memref<2x5x4x8x133xf32, #tpu.memory_space<vmem>> -> memref<1x1x4x8x133xf32, #tpu.memory_space<vmem>>
        %parallel_loop3A_806 = tpu.memref_squeeze %parallel_loop3A_805 : memref<1x1x4x8x133xf32, #tpu.memory_space<vmem>> -> memref<4x8x133xf32, #tpu.memory_space<vmem>>
        tpu.vector_store_idx %parallel_loop3A_806[%select_n3A, %select_n3A_48, %parallel_loop3A_736], %parallel_loop3A_754 : memref<4x8x133xf32, #tpu.memory_space<vmem>>[vector<16xi32>, vector<16xi32>, vector<16xi32>], vector<16xf32>,
        %parallel_loop3A_807 = arith.constant 0 : i32
        %parallel_loop3A_808 = arith.constant 0 : i32
        %parallel_loop3A_809 = arith.constant 0 : i32
        %parallel_loop3A_810 = tpu.memref_slice %arg9[%parallel_loop3A_314, %parallel_loop3A_315, %parallel_loop3A_807, %parallel_loop3A_808, %parallel_loop3A_809] : memref<2x5x4x8x133xf32, #tpu.memory_space<vmem>> -> memref<1x1x4x8x133xf32, #tpu.memory_space<vmem>>
        %parallel_loop3A_811 = tpu.memref_squeeze %parallel_loop3A_810 : memref<1x1x4x8x133xf32, #tpu.memory_space<vmem>> -> memref<4x8x133xf32, #tpu.memory_space<vmem>>
        tpu.vector_store_idx %parallel_loop3A_811[%add3A_28, %select_n3A_48, %parallel_loop3A_736], %parallel_loop3A_755 : memref<4x8x133xf32, #tpu.memory_space<vmem>>[vector<16xi32>, vector<16xi32>, vector<16xi32>], vector<16xf32>,
        %parallel_loop3A_812 = arith.constant 0 : i32
        %parallel_loop3A_813 = arith.constant 0 : i32
        %parallel_loop3A_814 = arith.constant 0 : i32
        %parallel_loop3A_815 = tpu.memref_slice %arg9[%parallel_loop3A_314, %parallel_loop3A_315, %parallel_loop3A_812, %parallel_loop3A_813, %parallel_loop3A_814] : memref<2x5x4x8x133xf32, #tpu.memory_space<vmem>> -> memref<1x1x4x8x133xf32, #tpu.memory_space<vmem>>
        %parallel_loop3A_816 = tpu.memref_squeeze %parallel_loop3A_815 : memref<1x1x4x8x133xf32, #tpu.memory_space<vmem>> -> memref<4x8x133xf32, #tpu.memory_space<vmem>>
        tpu.vector_store_idx %parallel_loop3A_816[%select_n3A, %select_n3A_48, %parallel_loop3A_739], %parallel_loop3A_756 : memref<4x8x133xf32, #tpu.memory_space<vmem>>[vector<16xi32>, vector<16xi32>, vector<16xi32>], vector<16xf32>,
        %parallel_loop3A_817 = arith.constant 0 : i32
        %parallel_loop3A_818 = arith.constant 0 : i32
        %parallel_loop3A_819 = arith.constant 0 : i32
        %parallel_loop3A_820 = tpu.memref_slice %arg9[%parallel_loop3A_314, %parallel_loop3A_315, %parallel_loop3A_817, %parallel_loop3A_818, %parallel_loop3A_819] : memref<2x5x4x8x133xf32, #tpu.memory_space<vmem>> -> memref<1x1x4x8x133xf32, #tpu.memory_space<vmem>>
        %parallel_loop3A_821 = tpu.memref_squeeze %parallel_loop3A_820 : memref<1x1x4x8x133xf32, #tpu.memory_space<vmem>> -> memref<4x8x133xf32, #tpu.memory_space<vmem>>
        tpu.vector_store_idx %parallel_loop3A_821[%add3A_28, %select_n3A_48, %parallel_loop3A_739], %parallel_loop3A_757 : memref<4x8x133xf32, #tpu.memory_space<vmem>>[vector<16xi32>, vector<16xi32>, vector<16xi32>], vector<16xf32>,
        %parallel_loop3A_822 = arith.constant 0 : i32
        %parallel_loop3A_823 = arith.constant 0 : i32
        %parallel_loop3A_824 = arith.constant 0 : i32
        %parallel_loop3A_825 = tpu.memref_slice %arg9[%parallel_loop3A_314, %parallel_loop3A_315, %parallel_loop3A_822, %parallel_loop3A_823, %parallel_loop3A_824] : memref<2x5x4x8x133xf32, #tpu.memory_space<vmem>> -> memref<1x1x4x8x133xf32, #tpu.memory_space<vmem>>
        %parallel_loop3A_826 = tpu.memref_squeeze %parallel_loop3A_825 : memref<1x1x4x8x133xf32, #tpu.memory_space<vmem>> -> memref<4x8x133xf32, #tpu.memory_space<vmem>>
        tpu.vector_store_idx %parallel_loop3A_826[%select_n3A, %select_n3A_48, %parallel_loop3A_742], %parallel_loop3A_758 : memref<4x8x133xf32, #tpu.memory_space<vmem>>[vector<16xi32>, vector<16xi32>, vector<16xi32>], vector<16xf32>,
        %parallel_loop3A_827 = arith.constant 0 : i32
        %parallel_loop3A_828 = arith.constant 0 : i32
        %parallel_loop3A_829 = arith.constant 0 : i32
        %parallel_loop3A_830 = tpu.memref_slice %arg9[%parallel_loop3A_314, %parallel_loop3A_315, %parallel_loop3A_827, %parallel_loop3A_828, %parallel_loop3A_829] : memref<2x5x4x8x133xf32, #tpu.memory_space<vmem>> -> memref<1x1x4x8x133xf32, #tpu.memory_space<vmem>>
        %parallel_loop3A_831 = tpu.memref_squeeze %parallel_loop3A_830 : memref<1x1x4x8x133xf32, #tpu.memory_space<vmem>> -> memref<4x8x133xf32, #tpu.memory_space<vmem>>
        tpu.vector_store_idx %parallel_loop3A_831[%add3A_28, %select_n3A_48, %parallel_loop3A_742], %parallel_loop3A_759 : memref<4x8x133xf32, #tpu.memory_space<vmem>>[vector<16xi32>, vector<16xi32>, vector<16xi32>], vector<16xf32>,
        %parallel_loop3A_832 = arith.constant 0 : i32
        %parallel_loop3A_833 = arith.constant 0 : i32
        %parallel_loop3A_834 = arith.constant 0 : i32
        %parallel_loop3A_835 = tpu.memref_slice %arg9[%parallel_loop3A_314, %parallel_loop3A_315, %parallel_loop3A_832, %parallel_loop3A_833, %parallel_loop3A_834] : memref<2x5x4x8x133xf32, #tpu.memory_space<vmem>> -> memref<1x1x4x8x133xf32, #tpu.memory_space<vmem>>
        %parallel_loop3A_836 = tpu.memref_squeeze %parallel_loop3A_835 : memref<1x1x4x8x133xf32, #tpu.memory_space<vmem>> -> memref<4x8x133xf32, #tpu.memory_space<vmem>>
        tpu.vector_store_idx %parallel_loop3A_836[%select_n3A, %select_n3A_48, %parallel_loop3A_745], %parallel_loop3A_760 : memref<4x8x133xf32, #tpu.memory_space<vmem>>[vector<16xi32>, vector<16xi32>, vector<16xi32>], vector<16xf32>,
        %parallel_loop3A_837 = arith.constant 0 : i32
        %parallel_loop3A_838 = arith.constant 0 : i32
        %parallel_loop3A_839 = arith.constant 0 : i32
        %parallel_loop3A_840 = tpu.memref_slice %arg9[%parallel_loop3A_314, %parallel_loop3A_315, %parallel_loop3A_837, %parallel_loop3A_838, %parallel_loop3A_839] : memref<2x5x4x8x133xf32, #tpu.memory_space<vmem>> -> memref<1x1x4x8x133xf32, #tpu.memory_space<vmem>>
        %parallel_loop3A_841 = tpu.memref_squeeze %parallel_loop3A_840 : memref<1x1x4x8x133xf32, #tpu.memory_space<vmem>> -> memref<4x8x133xf32, #tpu.memory_space<vmem>>
        tpu.vector_store_idx %parallel_loop3A_841[%add3A_28, %select_n3A_48, %parallel_loop3A_745], %parallel_loop3A_761 : memref<4x8x133xf32, #tpu.memory_space<vmem>>[vector<16xi32>, vector<16xi32>, vector<16xi32>], vector<16xf32>,
      } {sc.loop_unroll_factor = 1 : i64, sc.parallel_access}
      %mul3A_316 = arith.constant 5 : i32
      %mul3A_317 = arith.muli %add3A_216, %mul3A_316 : i32
      %add3A_318 = arith.constant 1 : i32
      %add3A_319 = arith.addi %mul3A_317, %add3A_318 : i32
      %get3A_320 = arith.index_cast %add3A_319 : i32 to index
      %get3A_321 = arith.constant 0 : index
      %get3A_322 = tpu.vector_load %arg7[%get3A_320, %get3A_321] {strides = array<i32>} : memref<200x32xf32, #tpu.memory_space<vmem>>, vector<16xf32>,
      %get3A_323 = arith.index_cast %add3A_319 : i32 to index
      %get3A_324 = arith.constant 16 : index
      %get3A_325 = tpu.vector_load %arg7[%get3A_323, %get3A_324] {strides = array<i32>} : memref<200x32xf32, #tpu.memory_space<vmem>>, vector<16xf32>,
      %parallel_loop3A_326 = arith.constant 0 : i32
      %parallel_loop3A_327 = arith.constant 128 : i32
      %parallel_loop3A_328 = arith.constant 8 : i32
      %parallel_loop3A_329 = arith.constant 0 : i32
      %parallel_loop3A_330 = arith.constant 1 : i32
      scf.for %parallel_loop3A_592 = %parallel_loop3A_326 to %parallel_loop3A_327 step %parallel_loop3A_328  : i32 {
        %parallel_loop3A_593 = arith.constant 0 : i32
        %parallel_loop3A_594 = vector.broadcast %parallel_loop3A_593 : i32 to vector<16xi32>
        %parallel_loop3A_595 = vector.broadcast %parallel_loop3A_592 : i32 to vector<16xi32>
        %parallel_loop3A_596 = arith.addi %parallel_loop3A_594, %parallel_loop3A_595 : vector<16xi32>
        %parallel_loop3A_597 = arith.constant 0 : i32
        %parallel_loop3A_598 = arith.addi %parallel_loop3A_592, %parallel_loop3A_597 : i32
        %parallel_loop3A_599 = arith.constant 0 : i32
        %parallel_loop3A_600 = arith.constant 1 : i32
        %parallel_loop3A_601 = arith.index_cast %parallel_loop3A_599 : i32 to index
        %parallel_loop3A_602 = arith.index_cast %parallel_loop3A_600 : i32 to index
        %parallel_loop3A_603 = arith.index_cast %parallel_loop3A_598 : i32 to index
        %parallel_loop3A_604 = arith.constant 0 : index
        %parallel_loop3A_605 = tpu.vector_load %arg8[%parallel_loop3A_601, %parallel_loop3A_602, %parallel_loop3A_603, %parallel_loop3A_604] {strides = array<i32>} : memref<2x5x128x32xf32, #tpu.memory_space<vmem>>, vector<16xf32>,
        %parallel_loop3A_606 = arith.constant 0 : i32
        %parallel_loop3A_607 = arith.constant 1 : i32
        %parallel_loop3A_608 = arith.index_cast %parallel_loop3A_606 : i32 to index
        %parallel_loop3A_609 = arith.index_cast %parallel_loop3A_607 : i32 to index
        %parallel_loop3A_610 = arith.index_cast %parallel_loop3A_598 : i32 to index
        %parallel_loop3A_611 = arith.constant 16 : index
        %parallel_loop3A_612 = tpu.vector_load %arg8[%parallel_loop3A_608, %parallel_loop3A_609, %parallel_loop3A_610, %parallel_loop3A_611] {strides = array<i32>} : memref<2x5x128x32xf32, #tpu.memory_space<vmem>>, vector<16xf32>,
        %parallel_loop3A_613 = arith.constant 1 : i32
        %parallel_loop3A_614 = arith.addi %parallel_loop3A_592, %parallel_loop3A_613 : i32
        %parallel_loop3A_615 = arith.constant 0 : i32
        %parallel_loop3A_616 = arith.constant 1 : i32
        %parallel_loop3A_617 = arith.index_cast %parallel_loop3A_615 : i32 to index
        %parallel_loop3A_618 = arith.index_cast %parallel_loop3A_616 : i32 to index
        %parallel_loop3A_619 = arith.index_cast %parallel_loop3A_614 : i32 to index
        %parallel_loop3A_620 = arith.constant 0 : index
        %parallel_loop3A_621 = tpu.vector_load %arg8[%parallel_loop3A_617, %parallel_loop3A_618, %parallel_loop3A_619, %parallel_loop3A_620] {strides = array<i32>} : memref<2x5x128x32xf32, #tpu.memory_space<vmem>>, vector<16xf32>,
        %parallel_loop3A_622 = arith.constant 0 : i32
        %parallel_loop3A_623 = arith.constant 1 : i32
        %parallel_loop3A_624 = arith.index_cast %parallel_loop3A_622 : i32 to index
        %parallel_loop3A_625 = arith.index_cast %parallel_loop3A_623 : i32 to index
        %parallel_loop3A_626 = arith.index_cast %parallel_loop3A_614 : i32 to index
        %parallel_loop3A_627 = arith.constant 16 : index
        %parallel_loop3A_628 = tpu.vector_load %arg8[%parallel_loop3A_624, %parallel_loop3A_625, %parallel_loop3A_626, %parallel_loop3A_627] {strides = array<i32>} : memref<2x5x128x32xf32, #tpu.memory_space<vmem>>, vector<16xf32>,
        %parallel_loop3A_629 = arith.constant 2 : i32
        %parallel_loop3A_630 = arith.addi %parallel_loop3A_592, %parallel_loop3A_629 : i32
        %parallel_loop3A_631 = arith.constant 0 : i32
        %parallel_loop3A_632 = arith.constant 1 : i32
        %parallel_loop3A_633 = arith.index_cast %parallel_loop3A_631 : i32 to index
        %parallel_loop3A_634 = arith.index_cast %parallel_loop3A_632 : i32 to index
        %parallel_loop3A_635 = arith.index_cast %parallel_loop3A_630 : i32 to index
        %parallel_loop3A_636 = arith.constant 0 : index
        %parallel_loop3A_637 = tpu.vector_load %arg8[%parallel_loop3A_633, %parallel_loop3A_634, %parallel_loop3A_635, %parallel_loop3A_636] {strides = array<i32>} : memref<2x5x128x32xf32, #tpu.memory_space<vmem>>, vector<16xf32>,
        %parallel_loop3A_638 = arith.constant 0 : i32
        %parallel_loop3A_639 = arith.constant 1 : i32
        %parallel_loop3A_640 = arith.index_cast %parallel_loop3A_638 : i32 to index
        %parallel_loop3A_641 = arith.index_cast %parallel_loop3A_639 : i32 to index
        %parallel_loop3A_642 = arith.index_cast %parallel_loop3A_630 : i32 to index
        %parallel_loop3A_643 = arith.constant 16 : index
        %parallel_loop3A_644 = tpu.vector_load %arg8[%parallel_loop3A_640, %parallel_loop3A_641, %parallel_loop3A_642, %parallel_loop3A_643] {strides = array<i32>} : memref<2x5x128x32xf32, #tpu.memory_space<vmem>>, vector<16xf32>,
        %parallel_loop3A_645 = arith.constant 3 : i32
        %parallel_loop3A_646 = arith.addi %parallel_loop3A_592, %parallel_loop3A_645 : i32
        %parallel_loop3A_647 = arith.constant 0 : i32
        %parallel_loop3A_648 = arith.constant 1 : i32
        %parallel_loop3A_649 = arith.index_cast %parallel_loop3A_647 : i32 to index
        %parallel_loop3A_650 = arith.index_cast %parallel_loop3A_648 : i32 to index
        %parallel_loop3A_651 = arith.index_cast %parallel_loop3A_646 : i32 to index
        %parallel_loop3A_652 = arith.constant 0 : index
        %parallel_loop3A_653 = tpu.vector_load %arg8[%parallel_loop3A_649, %parallel_loop3A_650, %parallel_loop3A_651, %parallel_loop3A_652] {strides = array<i32>} : memref<2x5x128x32xf32, #tpu.memory_space<vmem>>, vector<16xf32>,
        %parallel_loop3A_654 = arith.constant 0 : i32
        %parallel_loop3A_655 = arith.constant 1 : i32
        %parallel_loop3A_656 = arith.index_cast %parallel_loop3A_654 : i32 to index
        %parallel_loop3A_657 = arith.index_cast %parallel_loop3A_655 : i32 to index
        %parallel_loop3A_658 = arith.index_cast %parallel_loop3A_646 : i32 to index
        %parallel_loop3A_659 = arith.constant 16 : index
        %parallel_loop3A_660 = tpu.vector_load %arg8[%parallel_loop3A_656, %parallel_loop3A_657, %parallel_loop3A_658, %parallel_loop3A_659] {strides = array<i32>} : memref<2x5x128x32xf32, #tpu.memory_space<vmem>>, vector<16xf32>,
        %parallel_loop3A_661 = arith.constant 4 : i32
        %parallel_loop3A_662 = arith.addi %parallel_loop3A_592, %parallel_loop3A_661 : i32
        %parallel_loop3A_663 = arith.constant 0 : i32
        %parallel_loop3A_664 = arith.constant 1 : i32
        %parallel_loop3A_665 = arith.index_cast %parallel_loop3A_663 : i32 to index
        %parallel_loop3A_666 = arith.index_cast %parallel_loop3A_664 : i32 to index
        %parallel_loop3A_667 = arith.index_cast %parallel_loop3A_662 : i32 to index
        %parallel_loop3A_668 = arith.constant 0 : index
        %parallel_loop3A_669 = tpu.vector_load %arg8[%parallel_loop3A_665, %parallel_loop3A_666, %parallel_loop3A_667, %parallel_loop3A_668] {strides = array<i32>} : memref<2x5x128x32xf32, #tpu.memory_space<vmem>>, vector<16xf32>,
        %parallel_loop3A_670 = arith.constant 0 : i32
        %parallel_loop3A_671 = arith.constant 1 : i32
        %parallel_loop3A_672 = arith.index_cast %parallel_loop3A_670 : i32 to index
        %parallel_loop3A_673 = arith.index_cast %parallel_loop3A_671 : i32 to index
        %parallel_loop3A_674 = arith.index_cast %parallel_loop3A_662 : i32 to index
        %parallel_loop3A_675 = arith.constant 16 : index
        %parallel_loop3A_676 = tpu.vector_load %arg8[%parallel_loop3A_672, %parallel_loop3A_673, %parallel_loop3A_674, %parallel_loop3A_675] {strides = array<i32>} : memref<2x5x128x32xf32, #tpu.memory_space<vmem>>, vector<16xf32>,
        %parallel_loop3A_677 = arith.constant 5 : i32
        %parallel_loop3A_678 = arith.addi %parallel_loop3A_592, %parallel_loop3A_677 : i32
        %parallel_loop3A_679 = arith.constant 0 : i32
        %parallel_loop3A_680 = arith.constant 1 : i32
        %parallel_loop3A_681 = arith.index_cast %parallel_loop3A_679 : i32 to index
        %parallel_loop3A_682 = arith.index_cast %parallel_loop3A_680 : i32 to index
        %parallel_loop3A_683 = arith.index_cast %parallel_loop3A_678 : i32 to index
        %parallel_loop3A_684 = arith.constant 0 : index
        %parallel_loop3A_685 = tpu.vector_load %arg8[%parallel_loop3A_681, %parallel_loop3A_682, %parallel_loop3A_683, %parallel_loop3A_684] {strides = array<i32>} : memref<2x5x128x32xf32, #tpu.memory_space<vmem>>, vector<16xf32>,
        %parallel_loop3A_686 = arith.constant 0 : i32
        %parallel_loop3A_687 = arith.constant 1 : i32
        %parallel_loop3A_688 = arith.index_cast %parallel_loop3A_686 : i32 to index
        %parallel_loop3A_689 = arith.index_cast %parallel_loop3A_687 : i32 to index
        %parallel_loop3A_690 = arith.index_cast %parallel_loop3A_678 : i32 to index
        %parallel_loop3A_691 = arith.constant 16 : index
        %parallel_loop3A_692 = tpu.vector_load %arg8[%parallel_loop3A_688, %parallel_loop3A_689, %parallel_loop3A_690, %parallel_loop3A_691] {strides = array<i32>} : memref<2x5x128x32xf32, #tpu.memory_space<vmem>>, vector<16xf32>,
        %parallel_loop3A_693 = arith.constant 6 : i32
        %parallel_loop3A_694 = arith.addi %parallel_loop3A_592, %parallel_loop3A_693 : i32
        %parallel_loop3A_695 = arith.constant 0 : i32
        %parallel_loop3A_696 = arith.constant 1 : i32
        %parallel_loop3A_697 = arith.index_cast %parallel_loop3A_695 : i32 to index
        %parallel_loop3A_698 = arith.index_cast %parallel_loop3A_696 : i32 to index
        %parallel_loop3A_699 = arith.index_cast %parallel_loop3A_694 : i32 to index
        %parallel_loop3A_700 = arith.constant 0 : index
        %parallel_loop3A_701 = tpu.vector_load %arg8[%parallel_loop3A_697, %parallel_loop3A_698, %parallel_loop3A_699, %parallel_loop3A_700] {strides = array<i32>} : memref<2x5x128x32xf32, #tpu.memory_space<vmem>>, vector<16xf32>,
        %parallel_loop3A_702 = arith.constant 0 : i32
        %parallel_loop3A_703 = arith.constant 1 : i32
        %parallel_loop3A_704 = arith.index_cast %parallel_loop3A_702 : i32 to index
        %parallel_loop3A_705 = arith.index_cast %parallel_loop3A_703 : i32 to index
        %parallel_loop3A_706 = arith.index_cast %parallel_loop3A_694 : i32 to index
        %parallel_loop3A_707 = arith.constant 16 : index
        %parallel_loop3A_708 = tpu.vector_load %arg8[%parallel_loop3A_704, %parallel_loop3A_705, %parallel_loop3A_706, %parallel_loop3A_707] {strides = array<i32>} : memref<2x5x128x32xf32, #tpu.memory_space<vmem>>, vector<16xf32>,
        %parallel_loop3A_709 = arith.constant 7 : i32
        %parallel_loop3A_710 = arith.addi %parallel_loop3A_592, %parallel_loop3A_709 : i32
        %parallel_loop3A_711 = arith.constant 0 : i32
        %parallel_loop3A_712 = arith.constant 1 : i32
        %parallel_loop3A_713 = arith.index_cast %parallel_loop3A_711 : i32 to index
        %parallel_loop3A_714 = arith.index_cast %parallel_loop3A_712 : i32 to index
        %parallel_loop3A_715 = arith.index_cast %parallel_loop3A_710 : i32 to index
        %parallel_loop3A_716 = arith.constant 0 : index
        %parallel_loop3A_717 = tpu.vector_load %arg8[%parallel_loop3A_713, %parallel_loop3A_714, %parallel_loop3A_715, %parallel_loop3A_716] {strides = array<i32>} : memref<2x5x128x32xf32, #tpu.memory_space<vmem>>, vector<16xf32>,
        %parallel_loop3A_718 = arith.constant 0 : i32
        %parallel_loop3A_719 = arith.constant 1 : i32
        %parallel_loop3A_720 = arith.index_cast %parallel_loop3A_718 : i32 to index
        %parallel_loop3A_721 = arith.index_cast %parallel_loop3A_719 : i32 to index
        %parallel_loop3A_722 = arith.index_cast %parallel_loop3A_710 : i32 to index
        %parallel_loop3A_723 = arith.constant 16 : index
        %parallel_loop3A_724 = tpu.vector_load %arg8[%parallel_loop3A_720, %parallel_loop3A_721, %parallel_loop3A_722, %parallel_loop3A_723] {strides = array<i32>} : memref<2x5x128x32xf32, #tpu.memory_space<vmem>>, vector<16xf32>,
        %parallel_loop3A_725 = arith.constant 1 : i32
        %parallel_loop3A_726 = vector.broadcast %parallel_loop3A_725 : i32 to vector<16xi32>
        %parallel_loop3A_727 = arith.addi %parallel_loop3A_596, %parallel_loop3A_726 : vector<16xi32>
        %parallel_loop3A_728 = arith.constant 2 : i32
        %parallel_loop3A_729 = vector.broadcast %parallel_loop3A_728 : i32 to vector<16xi32>
        %parallel_loop3A_730 = arith.addi %parallel_loop3A_596, %parallel_loop3A_729 : vector<16xi32>
        %parallel_loop3A_731 = arith.constant 3 : i32
        %parallel_loop3A_732 = vector.broadcast %parallel_loop3A_731 : i32 to vector<16xi32>
        %parallel_loop3A_733 = arith.addi %parallel_loop3A_596, %parallel_loop3A_732 : vector<16xi32>
        %parallel_loop3A_734 = arith.constant 4 : i32
        %parallel_loop3A_735 = vector.broadcast %parallel_loop3A_734 : i32 to vector<16xi32>
        %parallel_loop3A_736 = arith.addi %parallel_loop3A_596, %parallel_loop3A_735 : vector<16xi32>
        %parallel_loop3A_737 = arith.constant 5 : i32
        %parallel_loop3A_738 = vector.broadcast %parallel_loop3A_737 : i32 to vector<16xi32>
        %parallel_loop3A_739 = arith.addi %parallel_loop3A_596, %parallel_loop3A_738 : vector<16xi32>
        %parallel_loop3A_740 = arith.constant 6 : i32
        %parallel_loop3A_741 = vector.broadcast %parallel_loop3A_740 : i32 to vector<16xi32>
        %parallel_loop3A_742 = arith.addi %parallel_loop3A_596, %parallel_loop3A_741 : vector<16xi32>
        %parallel_loop3A_743 = arith.constant 7 : i32
        %parallel_loop3A_744 = vector.broadcast %parallel_loop3A_743 : i32 to vector<16xi32>
        %parallel_loop3A_745 = arith.addi %parallel_loop3A_596, %parallel_loop3A_744 : vector<16xi32>
        %parallel_loop3A_746 = arith.addf %parallel_loop3A_605, %get3A_322 : vector<16xf32>
        %parallel_loop3A_747 = arith.addf %parallel_loop3A_612, %get3A_325 : vector<16xf32>
        %parallel_loop3A_748 = arith.addf %parallel_loop3A_621, %get3A_322 : vector<16xf32>
        %parallel_loop3A_749 = arith.addf %parallel_loop3A_628, %get3A_325 : vector<16xf32>
        %parallel_loop3A_750 = arith.addf %parallel_loop3A_637, %get3A_322 : vector<16xf32>
        %parallel_loop3A_751 = arith.addf %parallel_loop3A_644, %get3A_325 : vector<16xf32>
        %parallel_loop3A_752 = arith.addf %parallel_loop3A_653, %get3A_322 : vector<16xf32>
        %parallel_loop3A_753 = arith.addf %parallel_loop3A_660, %get3A_325 : vector<16xf32>
        %parallel_loop3A_754 = arith.addf %parallel_loop3A_669, %get3A_322 : vector<16xf32>
        %parallel_loop3A_755 = arith.addf %parallel_loop3A_676, %get3A_325 : vector<16xf32>
        %parallel_loop3A_756 = arith.addf %parallel_loop3A_685, %get3A_322 : vector<16xf32>
        %parallel_loop3A_757 = arith.addf %parallel_loop3A_692, %get3A_325 : vector<16xf32>
        %parallel_loop3A_758 = arith.addf %parallel_loop3A_701, %get3A_322 : vector<16xf32>
        %parallel_loop3A_759 = arith.addf %parallel_loop3A_708, %get3A_325 : vector<16xf32>
        %parallel_loop3A_760 = arith.addf %parallel_loop3A_717, %get3A_322 : vector<16xf32>
        %parallel_loop3A_761 = arith.addf %parallel_loop3A_724, %get3A_325 : vector<16xf32>
        %parallel_loop3A_762 = arith.constant 0 : i32
        %parallel_loop3A_763 = arith.constant 0 : i32
        %parallel_loop3A_764 = arith.constant 0 : i32
        %parallel_loop3A_765 = tpu.memref_slice %arg9[%parallel_loop3A_329, %parallel_loop3A_330, %parallel_loop3A_762, %parallel_loop3A_763, %parallel_loop3A_764] : memref<2x5x4x8x133xf32, #tpu.memory_space<vmem>> -> memref<1x1x4x8x133xf32, #tpu.memory_space<vmem>>
        %parallel_loop3A_766 = tpu.memref_squeeze %parallel_loop3A_765 : memref<1x1x4x8x133xf32, #tpu.memory_space<vmem>> -> memref<4x8x133xf32, #tpu.memory_space<vmem>>
        tpu.vector_store_idx %parallel_loop3A_766[%select_n3A, %select_n3A_48, %parallel_loop3A_596], %parallel_loop3A_746 : memref<4x8x133xf32, #tpu.memory_space<vmem>>[vector<16xi32>, vector<16xi32>, vector<16xi32>], vector<16xf32>,
        %parallel_loop3A_767 = arith.constant 0 : i32
        %parallel_loop3A_768 = arith.constant 0 : i32
        %parallel_loop3A_769 = arith.constant 0 : i32
        %parallel_loop3A_770 = tpu.memref_slice %arg9[%parallel_loop3A_329, %parallel_loop3A_330, %parallel_loop3A_767, %parallel_loop3A_768, %parallel_loop3A_769] : memref<2x5x4x8x133xf32, #tpu.memory_space<vmem>> -> memref<1x1x4x8x133xf32, #tpu.memory_space<vmem>>
        %parallel_loop3A_771 = tpu.memref_squeeze %parallel_loop3A_770 : memref<1x1x4x8x133xf32, #tpu.memory_space<vmem>> -> memref<4x8x133xf32, #tpu.memory_space<vmem>>
        tpu.vector_store_idx %parallel_loop3A_771[%add3A_28, %select_n3A_48, %parallel_loop3A_596], %parallel_loop3A_747 : memref<4x8x133xf32, #tpu.memory_space<vmem>>[vector<16xi32>, vector<16xi32>, vector<16xi32>], vector<16xf32>,
        %parallel_loop3A_772 = arith.constant 0 : i32
        %parallel_loop3A_773 = arith.constant 0 : i32
        %parallel_loop3A_774 = arith.constant 0 : i32
        %parallel_loop3A_775 = tpu.memref_slice %arg9[%parallel_loop3A_329, %parallel_loop3A_330, %parallel_loop3A_772, %parallel_loop3A_773, %parallel_loop3A_774] : memref<2x5x4x8x133xf32, #tpu.memory_space<vmem>> -> memref<1x1x4x8x133xf32, #tpu.memory_space<vmem>>
        %parallel_loop3A_776 = tpu.memref_squeeze %parallel_loop3A_775 : memref<1x1x4x8x133xf32, #tpu.memory_space<vmem>> -> memref<4x8x133xf32, #tpu.memory_space<vmem>>
        tpu.vector_store_idx %parallel_loop3A_776[%select_n3A, %select_n3A_48, %parallel_loop3A_727], %parallel_loop3A_748 : memref<4x8x133xf32, #tpu.memory_space<vmem>>[vector<16xi32>, vector<16xi32>, vector<16xi32>], vector<16xf32>,
        %parallel_loop3A_777 = arith.constant 0 : i32
        %parallel_loop3A_778 = arith.constant 0 : i32
        %parallel_loop3A_779 = arith.constant 0 : i32
        %parallel_loop3A_780 = tpu.memref_slice %arg9[%parallel_loop3A_329, %parallel_loop3A_330, %parallel_loop3A_777, %parallel_loop3A_778, %parallel_loop3A_779] : memref<2x5x4x8x133xf32, #tpu.memory_space<vmem>> -> memref<1x1x4x8x133xf32, #tpu.memory_space<vmem>>
        %parallel_loop3A_781 = tpu.memref_squeeze %parallel_loop3A_780 : memref<1x1x4x8x133xf32, #tpu.memory_space<vmem>> -> memref<4x8x133xf32, #tpu.memory_space<vmem>>
        tpu.vector_store_idx %parallel_loop3A_781[%add3A_28, %select_n3A_48, %parallel_loop3A_727], %parallel_loop3A_749 : memref<4x8x133xf32, #tpu.memory_space<vmem>>[vector<16xi32>, vector<16xi32>, vector<16xi32>], vector<16xf32>,
        %parallel_loop3A_782 = arith.constant 0 : i32
        %parallel_loop3A_783 = arith.constant 0 : i32
        %parallel_loop3A_784 = arith.constant 0 : i32
        %parallel_loop3A_785 = tpu.memref_slice %arg9[%parallel_loop3A_329, %parallel_loop3A_330, %parallel_loop3A_782, %parallel_loop3A_783, %parallel_loop3A_784] : memref<2x5x4x8x133xf32, #tpu.memory_space<vmem>> -> memref<1x1x4x8x133xf32, #tpu.memory_space<vmem>>
        %parallel_loop3A_786 = tpu.memref_squeeze %parallel_loop3A_785 : memref<1x1x4x8x133xf32, #tpu.memory_space<vmem>> -> memref<4x8x133xf32, #tpu.memory_space<vmem>>
        tpu.vector_store_idx %parallel_loop3A_786[%select_n3A, %select_n3A_48, %parallel_loop3A_730], %parallel_loop3A_750 : memref<4x8x133xf32, #tpu.memory_space<vmem>>[vector<16xi32>, vector<16xi32>, vector<16xi32>], vector<16xf32>,
        %parallel_loop3A_787 = arith.constant 0 : i32
        %parallel_loop3A_788 = arith.constant 0 : i32
        %parallel_loop3A_789 = arith.constant 0 : i32
        %parallel_loop3A_790 = tpu.memref_slice %arg9[%parallel_loop3A_329, %parallel_loop3A_330, %parallel_loop3A_787, %parallel_loop3A_788, %parallel_loop3A_789] : memref<2x5x4x8x133xf32, #tpu.memory_space<vmem>> -> memref<1x1x4x8x133xf32, #tpu.memory_space<vmem>>
        %parallel_loop3A_791 = tpu.memref_squeeze %parallel_loop3A_790 : memref<1x1x4x8x133xf32, #tpu.memory_space<vmem>> -> memref<4x8x133xf32, #tpu.memory_space<vmem>>
        tpu.vector_store_idx %parallel_loop3A_791[%add3A_28, %select_n3A_48, %parallel_loop3A_730], %parallel_loop3A_751 : memref<4x8x133xf32, #tpu.memory_space<vmem>>[vector<16xi32>, vector<16xi32>, vector<16xi32>], vector<16xf32>,
        %parallel_loop3A_792 = arith.constant 0 : i32
        %parallel_loop3A_793 = arith.constant 0 : i32
        %parallel_loop3A_794 = arith.constant 0 : i32
        %parallel_loop3A_795 = tpu.memref_slice %arg9[%parallel_loop3A_329, %parallel_loop3A_330, %parallel_loop3A_792, %parallel_loop3A_793, %parallel_loop3A_794] : memref<2x5x4x8x133xf32, #tpu.memory_space<vmem>> -> memref<1x1x4x8x133xf32, #tpu.memory_space<vmem>>
        %parallel_loop3A_796 = tpu.memref_squeeze %parallel_loop3A_795 : memref<1x1x4x8x133xf32, #tpu.memory_space<vmem>> -> memref<4x8x133xf32, #tpu.memory_space<vmem>>
        tpu.vector_store_idx %parallel_loop3A_796[%select_n3A, %select_n3A_48, %parallel_loop3A_733], %parallel_loop3A_752 : memref<4x8x133xf32, #tpu.memory_space<vmem>>[vector<16xi32>, vector<16xi32>, vector<16xi32>], vector<16xf32>,
        %parallel_loop3A_797 = arith.constant 0 : i32
        %parallel_loop3A_798 = arith.constant 0 : i32
        %parallel_loop3A_799 = arith.constant 0 : i32
        %parallel_loop3A_800 = tpu.memref_slice %arg9[%parallel_loop3A_329, %parallel_loop3A_330, %parallel_loop3A_797, %parallel_loop3A_798, %parallel_loop3A_799] : memref<2x5x4x8x133xf32, #tpu.memory_space<vmem>> -> memref<1x1x4x8x133xf32, #tpu.memory_space<vmem>>
        %parallel_loop3A_801 = tpu.memref_squeeze %parallel_loop3A_800 : memref<1x1x4x8x133xf32, #tpu.memory_space<vmem>> -> memref<4x8x133xf32, #tpu.memory_space<vmem>>
        tpu.vector_store_idx %parallel_loop3A_801[%add3A_28, %select_n3A_48, %parallel_loop3A_733], %parallel_loop3A_753 : memref<4x8x133xf32, #tpu.memory_space<vmem>>[vector<16xi32>, vector<16xi32>, vector<16xi32>], vector<16xf32>,
        %parallel_loop3A_802 = arith.constant 0 : i32
        %parallel_loop3A_803 = arith.constant 0 : i32
        %parallel_loop3A_804 = arith.constant 0 : i32
        %parallel_loop3A_805 = tpu.memref_slice %arg9[%parallel_loop3A_329, %parallel_loop3A_330, %parallel_loop3A_802, %parallel_loop3A_803, %parallel_loop3A_804] : memref<2x5x4x8x133xf32, #tpu.memory_space<vmem>> -> memref<1x1x4x8x133xf32, #tpu.memory_space<vmem>>
        %parallel_loop3A_806 = tpu.memref_squeeze %parallel_loop3A_805 : memref<1x1x4x8x133xf32, #tpu.memory_space<vmem>> -> memref<4x8x133xf32, #tpu.memory_space<vmem>>
        tpu.vector_store_idx %parallel_loop3A_806[%select_n3A, %select_n3A_48, %parallel_loop3A_736], %parallel_loop3A_754 : memref<4x8x133xf32, #tpu.memory_space<vmem>>[vector<16xi32>, vector<16xi32>, vector<16xi32>], vector<16xf32>,
        %parallel_loop3A_807 = arith.constant 0 : i32
        %parallel_loop3A_808 = arith.constant 0 : i32
        %parallel_loop3A_809 = arith.constant 0 : i32
        %parallel_loop3A_810 = tpu.memref_slice %arg9[%parallel_loop3A_329, %parallel_loop3A_330, %parallel_loop3A_807, %parallel_loop3A_808, %parallel_loop3A_809] : memref<2x5x4x8x133xf32, #tpu.memory_space<vmem>> -> memref<1x1x4x8x133xf32, #tpu.memory_space<vmem>>
        %parallel_loop3A_811 = tpu.memref_squeeze %parallel_loop3A_810 : memref<1x1x4x8x133xf32, #tpu.memory_space<vmem>> -> memref<4x8x133xf32, #tpu.memory_space<vmem>>
        tpu.vector_store_idx %parallel_loop3A_811[%add3A_28, %select_n3A_48, %parallel_loop3A_736], %parallel_loop3A_755 : memref<4x8x133xf32, #tpu.memory_space<vmem>>[vector<16xi32>, vector<16xi32>, vector<16xi32>], vector<16xf32>,
        %parallel_loop3A_812 = arith.constant 0 : i32
        %parallel_loop3A_813 = arith.constant 0 : i32
        %parallel_loop3A_814 = arith.constant 0 : i32
        %parallel_loop3A_815 = tpu.memref_slice %arg9[%parallel_loop3A_329, %parallel_loop3A_330, %parallel_loop3A_812, %parallel_loop3A_813, %parallel_loop3A_814] : memref<2x5x4x8x133xf32, #tpu.memory_space<vmem>> -> memref<1x1x4x8x133xf32, #tpu.memory_space<vmem>>
        %parallel_loop3A_816 = tpu.memref_squeeze %parallel_loop3A_815 : memref<1x1x4x8x133xf32, #tpu.memory_space<vmem>> -> memref<4x8x133xf32, #tpu.memory_space<vmem>>
        tpu.vector_store_idx %parallel_loop3A_816[%select_n3A, %select_n3A_48, %parallel_loop3A_739], %parallel_loop3A_756 : memref<4x8x133xf32, #tpu.memory_space<vmem>>[vector<16xi32>, vector<16xi32>, vector<16xi32>], vector<16xf32>,
        %parallel_loop3A_817 = arith.constant 0 : i32
        %parallel_loop3A_818 = arith.constant 0 : i32
        %parallel_loop3A_819 = arith.constant 0 : i32
        %parallel_loop3A_820 = tpu.memref_slice %arg9[%parallel_loop3A_329, %parallel_loop3A_330, %parallel_loop3A_817, %parallel_loop3A_818, %parallel_loop3A_819] : memref<2x5x4x8x133xf32, #tpu.memory_space<vmem>> -> memref<1x1x4x8x133xf32, #tpu.memory_space<vmem>>
        %parallel_loop3A_821 = tpu.memref_squeeze %parallel_loop3A_820 : memref<1x1x4x8x133xf32, #tpu.memory_space<vmem>> -> memref<4x8x133xf32, #tpu.memory_space<vmem>>
        tpu.vector_store_idx %parallel_loop3A_821[%add3A_28, %select_n3A_48, %parallel_loop3A_739], %parallel_loop3A_757 : memref<4x8x133xf32, #tpu.memory_space<vmem>>[vector<16xi32>, vector<16xi32>, vector<16xi32>], vector<16xf32>,
        %parallel_loop3A_822 = arith.constant 0 : i32
        %parallel_loop3A_823 = arith.constant 0 : i32
        %parallel_loop3A_824 = arith.constant 0 : i32
        %parallel_loop3A_825 = tpu.memref_slice %arg9[%parallel_loop3A_329, %parallel_loop3A_330, %parallel_loop3A_822, %parallel_loop3A_823, %parallel_loop3A_824] : memref<2x5x4x8x133xf32, #tpu.memory_space<vmem>> -> memref<1x1x4x8x133xf32, #tpu.memory_space<vmem>>
        %parallel_loop3A_826 = tpu.memref_squeeze %parallel_loop3A_825 : memref<1x1x4x8x133xf32, #tpu.memory_space<vmem>> -> memref<4x8x133xf32, #tpu.memory_space<vmem>>
        tpu.vector_store_idx %parallel_loop3A_826[%select_n3A, %select_n3A_48, %parallel_loop3A_742], %parallel_loop3A_758 : memref<4x8x133xf32, #tpu.memory_space<vmem>>[vector<16xi32>, vector<16xi32>, vector<16xi32>], vector<16xf32>,
        %parallel_loop3A_827 = arith.constant 0 : i32
        %parallel_loop3A_828 = arith.constant 0 : i32
        %parallel_loop3A_829 = arith.constant 0 : i32
        %parallel_loop3A_830 = tpu.memref_slice %arg9[%parallel_loop3A_329, %parallel_loop3A_330, %parallel_loop3A_827, %parallel_loop3A_828, %parallel_loop3A_829] : memref<2x5x4x8x133xf32, #tpu.memory_space<vmem>> -> memref<1x1x4x8x133xf32, #tpu.memory_space<vmem>>
        %parallel_loop3A_831 = tpu.memref_squeeze %parallel_loop3A_830 : memref<1x1x4x8x133xf32, #tpu.memory_space<vmem>> -> memref<4x8x133xf32, #tpu.memory_space<vmem>>
        tpu.vector_store_idx %parallel_loop3A_831[%add3A_28, %select_n3A_48, %parallel_loop3A_742], %parallel_loop3A_759 : memref<4x8x133xf32, #tpu.memory_space<vmem>>[vector<16xi32>, vector<16xi32>, vector<16xi32>], vector<16xf32>,
        %parallel_loop3A_832 = arith.constant 0 : i32
        %parallel_loop3A_833 = arith.constant 0 : i32
        %parallel_loop3A_834 = arith.constant 0 : i32
        %parallel_loop3A_835 = tpu.memref_slice %arg9[%parallel_loop3A_329, %parallel_loop3A_330, %parallel_loop3A_832, %parallel_loop3A_833, %parallel_loop3A_834] : memref<2x5x4x8x133xf32, #tpu.memory_space<vmem>> -> memref<1x1x4x8x133xf32, #tpu.memory_space<vmem>>
        %parallel_loop3A_836 = tpu.memref_squeeze %parallel_loop3A_835 : memref<1x1x4x8x133xf32, #tpu.memory_space<vmem>> -> memref<4x8x133xf32, #tpu.memory_space<vmem>>
        tpu.vector_store_idx %parallel_loop3A_836[%select_n3A, %select_n3A_48, %parallel_loop3A_745], %parallel_loop3A_760 : memref<4x8x133xf32, #tpu.memory_space<vmem>>[vector<16xi32>, vector<16xi32>, vector<16xi32>], vector<16xf32>,
        %parallel_loop3A_837 = arith.constant 0 : i32
        %parallel_loop3A_838 = arith.constant 0 : i32
        %parallel_loop3A_839 = arith.constant 0 : i32
        %parallel_loop3A_840 = tpu.memref_slice %arg9[%parallel_loop3A_329, %parallel_loop3A_330, %parallel_loop3A_837, %parallel_loop3A_838, %parallel_loop3A_839] : memref<2x5x4x8x133xf32, #tpu.memory_space<vmem>> -> memref<1x1x4x8x133xf32, #tpu.memory_space<vmem>>
        %parallel_loop3A_841 = tpu.memref_squeeze %parallel_loop3A_840 : memref<1x1x4x8x133xf32, #tpu.memory_space<vmem>> -> memref<4x8x133xf32, #tpu.memory_space<vmem>>
        tpu.vector_store_idx %parallel_loop3A_841[%add3A_28, %select_n3A_48, %parallel_loop3A_745], %parallel_loop3A_761 : memref<4x8x133xf32, #tpu.memory_space<vmem>>[vector<16xi32>, vector<16xi32>, vector<16xi32>], vector<16xf32>,
      } {sc.loop_unroll_factor = 1 : i64, sc.parallel_access}
      %mul3A_331 = arith.constant 5 : i32
      %mul3A_332 = arith.muli %add3A_216, %mul3A_331 : i32
      %add3A_333 = arith.constant 2 : i32
      %add3A_334 = arith.addi %mul3A_332, %add3A_333 : i32
      %get3A_335 = arith.index_cast %add3A_334 : i32 to index
      %get3A_336 = arith.constant 0 : index
      %get3A_337 = tpu.vector_load %arg7[%get3A_335, %get3A_336] {strides = array<i32>} : memref<200x32xf32, #tpu.memory_space<vmem>>, vector<16xf32>,
      %get3A_338 = arith.index_cast %add3A_334 : i32 to index
      %get3A_339 = arith.constant 16 : index
      %get3A_340 = tpu.vector_load %arg7[%get3A_338, %get3A_339] {strides = array<i32>} : memref<200x32xf32, #tpu.memory_space<vmem>>, vector<16xf32>,
      %parallel_loop3A_341 = arith.constant 0 : i32
      %parallel_loop3A_342 = arith.constant 128 : i32
      %parallel_loop3A_343 = arith.constant 8 : i32
      %parallel_loop3A_344 = arith.constant 0 : i32
      %parallel_loop3A_345 = arith.constant 2 : i32
      scf.for %parallel_loop3A_592 = %parallel_loop3A_341 to %parallel_loop3A_342 step %parallel_loop3A_343  : i32 {
        %parallel_loop3A_593 = arith.constant 0 : i32
        %parallel_loop3A_594 = vector.broadcast %parallel_loop3A_593 : i32 to vector<16xi32>
        %parallel_loop3A_595 = vector.broadcast %parallel_loop3A_592 : i32 to vector<16xi32>
        %parallel_loop3A_596 = arith.addi %parallel_loop3A_594, %parallel_loop3A_595 : vector<16xi32>
        %parallel_loop3A_597 = arith.constant 0 : i32
        %parallel_loop3A_598 = arith.addi %parallel_loop3A_592, %parallel_loop3A_597 : i32
        %parallel_loop3A_599 = arith.constant 0 : i32
        %parallel_loop3A_600 = arith.constant 2 : i32
        %parallel_loop3A_601 = arith.index_cast %parallel_loop3A_599 : i32 to index
        %parallel_loop3A_602 = arith.index_cast %parallel_loop3A_600 : i32 to index
        %parallel_loop3A_603 = arith.index_cast %parallel_loop3A_598 : i32 to index
        %parallel_loop3A_604 = arith.constant 0 : index
        %parallel_loop3A_605 = tpu.vector_load %arg8[%parallel_loop3A_601, %parallel_loop3A_602, %parallel_loop3A_603, %parallel_loop3A_604] {strides = array<i32>} : memref<2x5x128x32xf32, #tpu.memory_space<vmem>>, vector<16xf32>,
        %parallel_loop3A_606 = arith.constant 0 : i32
        %parallel_loop3A_607 = arith.constant 2 : i32
        %parallel_loop3A_608 = arith.index_cast %parallel_loop3A_606 : i32 to index
        %parallel_loop3A_609 = arith.index_cast %parallel_loop3A_607 : i32 to index
        %parallel_loop3A_610 = arith.index_cast %parallel_loop3A_598 : i32 to index
        %parallel_loop3A_611 = arith.constant 16 : index
        %parallel_loop3A_612 = tpu.vector_load %arg8[%parallel_loop3A_608, %parallel_loop3A_609, %parallel_loop3A_610, %parallel_loop3A_611] {strides = array<i32>} : memref<2x5x128x32xf32, #tpu.memory_space<vmem>>, vector<16xf32>,
        %parallel_loop3A_613 = arith.constant 1 : i32
        %parallel_loop3A_614 = arith.addi %parallel_loop3A_592, %parallel_loop3A_613 : i32
        %parallel_loop3A_615 = arith.constant 0 : i32
        %parallel_loop3A_616 = arith.constant 2 : i32
        %parallel_loop3A_617 = arith.index_cast %parallel_loop3A_615 : i32 to index
        %parallel_loop3A_618 = arith.index_cast %parallel_loop3A_616 : i32 to index
        %parallel_loop3A_619 = arith.index_cast %parallel_loop3A_614 : i32 to index
        %parallel_loop3A_620 = arith.constant 0 : index
        %parallel_loop3A_621 = tpu.vector_load %arg8[%parallel_loop3A_617, %parallel_loop3A_618, %parallel_loop3A_619, %parallel_loop3A_620] {strides = array<i32>} : memref<2x5x128x32xf32, #tpu.memory_space<vmem>>, vector<16xf32>,
        %parallel_loop3A_622 = arith.constant 0 : i32
        %parallel_loop3A_623 = arith.constant 2 : i32
        %parallel_loop3A_624 = arith.index_cast %parallel_loop3A_622 : i32 to index
        %parallel_loop3A_625 = arith.index_cast %parallel_loop3A_623 : i32 to index
        %parallel_loop3A_626 = arith.index_cast %parallel_loop3A_614 : i32 to index
        %parallel_loop3A_627 = arith.constant 16 : index
        %parallel_loop3A_628 = tpu.vector_load %arg8[%parallel_loop3A_624, %parallel_loop3A_625, %parallel_loop3A_626, %parallel_loop3A_627] {strides = array<i32>} : memref<2x5x128x32xf32, #tpu.memory_space<vmem>>, vector<16xf32>,
        %parallel_loop3A_629 = arith.constant 2 : i32
        %parallel_loop3A_630 = arith.addi %parallel_loop3A_592, %parallel_loop3A_629 : i32
        %parallel_loop3A_631 = arith.constant 0 : i32
        %parallel_loop3A_632 = arith.constant 2 : i32
        %parallel_loop3A_633 = arith.index_cast %parallel_loop3A_631 : i32 to index
        %parallel_loop3A_634 = arith.index_cast %parallel_loop3A_632 : i32 to index
        %parallel_loop3A_635 = arith.index_cast %parallel_loop3A_630 : i32 to index
        %parallel_loop3A_636 = arith.constant 0 : index
        %parallel_loop3A_637 = tpu.vector_load %arg8[%parallel_loop3A_633, %parallel_loop3A_634, %parallel_loop3A_635, %parallel_loop3A_636] {strides = array<i32>} : memref<2x5x128x32xf32, #tpu.memory_space<vmem>>, vector<16xf32>,
        %parallel_loop3A_638 = arith.constant 0 : i32
        %parallel_loop3A_639 = arith.constant 2 : i32
        %parallel_loop3A_640 = arith.index_cast %parallel_loop3A_638 : i32 to index
        %parallel_loop3A_641 = arith.index_cast %parallel_loop3A_639 : i32 to index
        %parallel_loop3A_642 = arith.index_cast %parallel_loop3A_630 : i32 to index
        %parallel_loop3A_643 = arith.constant 16 : index
        %parallel_loop3A_644 = tpu.vector_load %arg8[%parallel_loop3A_640, %parallel_loop3A_641, %parallel_loop3A_642, %parallel_loop3A_643] {strides = array<i32>} : memref<2x5x128x32xf32, #tpu.memory_space<vmem>>, vector<16xf32>,
        %parallel_loop3A_645 = arith.constant 3 : i32
        %parallel_loop3A_646 = arith.addi %parallel_loop3A_592, %parallel_loop3A_645 : i32
        %parallel_loop3A_647 = arith.constant 0 : i32
        %parallel_loop3A_648 = arith.constant 2 : i32
        %parallel_loop3A_649 = arith.index_cast %parallel_loop3A_647 : i32 to index
        %parallel_loop3A_650 = arith.index_cast %parallel_loop3A_648 : i32 to index
        %parallel_loop3A_651 = arith.index_cast %parallel_loop3A_646 : i32 to index
        %parallel_loop3A_652 = arith.constant 0 : index
        %parallel_loop3A_653 = tpu.vector_load %arg8[%parallel_loop3A_649, %parallel_loop3A_650, %parallel_loop3A_651, %parallel_loop3A_652] {strides = array<i32>} : memref<2x5x128x32xf32, #tpu.memory_space<vmem>>, vector<16xf32>,
        %parallel_loop3A_654 = arith.constant 0 : i32
        %parallel_loop3A_655 = arith.constant 2 : i32
        %parallel_loop3A_656 = arith.index_cast %parallel_loop3A_654 : i32 to index
        %parallel_loop3A_657 = arith.index_cast %parallel_loop3A_655 : i32 to index
        %parallel_loop3A_658 = arith.index_cast %parallel_loop3A_646 : i32 to index
        %parallel_loop3A_659 = arith.constant 16 : index
        %parallel_loop3A_660 = tpu.vector_load %arg8[%parallel_loop3A_656, %parallel_loop3A_657, %parallel_loop3A_658, %parallel_loop3A_659] {strides = array<i32>} : memref<2x5x128x32xf32, #tpu.memory_space<vmem>>, vector<16xf32>,
        %parallel_loop3A_661 = arith.constant 4 : i32
        %parallel_loop3A_662 = arith.addi %parallel_loop3A_592, %parallel_loop3A_661 : i32
        %parallel_loop3A_663 = arith.constant 0 : i32
        %parallel_loop3A_664 = arith.constant 2 : i32
        %parallel_loop3A_665 = arith.index_cast %parallel_loop3A_663 : i32 to index
        %parallel_loop3A_666 = arith.index_cast %parallel_loop3A_664 : i32 to index
        %parallel_loop3A_667 = arith.index_cast %parallel_loop3A_662 : i32 to index
        %parallel_loop3A_668 = arith.constant 0 : index
        %parallel_loop3A_669 = tpu.vector_load %arg8[%parallel_loop3A_665, %parallel_loop3A_666, %parallel_loop3A_667, %parallel_loop3A_668] {strides = array<i32>} : memref<2x5x128x32xf32, #tpu.memory_space<vmem>>, vector<16xf32>,
        %parallel_loop3A_670 = arith.constant 0 : i32
        %parallel_loop3A_671 = arith.constant 2 : i32
        %parallel_loop3A_672 = arith.index_cast %parallel_loop3A_670 : i32 to index
        %parallel_loop3A_673 = arith.index_cast %parallel_loop3A_671 : i32 to index
        %parallel_loop3A_674 = arith.index_cast %parallel_loop3A_662 : i32 to index
        %parallel_loop3A_675 = arith.constant 16 : index
        %parallel_loop3A_676 = tpu.vector_load %arg8[%parallel_loop3A_672, %parallel_loop3A_673, %parallel_loop3A_674, %parallel_loop3A_675] {strides = array<i32>} : memref<2x5x128x32xf32, #tpu.memory_space<vmem>>, vector<16xf32>,
        %parallel_loop3A_677 = arith.constant 5 : i32
        %parallel_loop3A_678 = arith.addi %parallel_loop3A_592, %parallel_loop3A_677 : i32
        %parallel_loop3A_679 = arith.constant 0 : i32
        %parallel_loop3A_680 = arith.constant 2 : i32
        %parallel_loop3A_681 = arith.index_cast %parallel_loop3A_679 : i32 to index
        %parallel_loop3A_682 = arith.index_cast %parallel_loop3A_680 : i32 to index
        %parallel_loop3A_683 = arith.index_cast %parallel_loop3A_678 : i32 to index
        %parallel_loop3A_684 = arith.constant 0 : index
        %parallel_loop3A_685 = tpu.vector_load %arg8[%parallel_loop3A_681, %parallel_loop3A_682, %parallel_loop3A_683, %parallel_loop3A_684] {strides = array<i32>} : memref<2x5x128x32xf32, #tpu.memory_space<vmem>>, vector<16xf32>,
        %parallel_loop3A_686 = arith.constant 0 : i32
        %parallel_loop3A_687 = arith.constant 2 : i32
        %parallel_loop3A_688 = arith.index_cast %parallel_loop3A_686 : i32 to index
        %parallel_loop3A_689 = arith.index_cast %parallel_loop3A_687 : i32 to index
        %parallel_loop3A_690 = arith.index_cast %parallel_loop3A_678 : i32 to index
        %parallel_loop3A_691 = arith.constant 16 : index
        %parallel_loop3A_692 = tpu.vector_load %arg8[%parallel_loop3A_688, %parallel_loop3A_689, %parallel_loop3A_690, %parallel_loop3A_691] {strides = array<i32>} : memref<2x5x128x32xf32, #tpu.memory_space<vmem>>, vector<16xf32>,
        %parallel_loop3A_693 = arith.constant 6 : i32
        %parallel_loop3A_694 = arith.addi %parallel_loop3A_592, %parallel_loop3A_693 : i32
        %parallel_loop3A_695 = arith.constant 0 : i32
        %parallel_loop3A_696 = arith.constant 2 : i32
        %parallel_loop3A_697 = arith.index_cast %parallel_loop3A_695 : i32 to index
        %parallel_loop3A_698 = arith.index_cast %parallel_loop3A_696 : i32 to index
        %parallel_loop3A_699 = arith.index_cast %parallel_loop3A_694 : i32 to index
        %parallel_loop3A_700 = arith.constant 0 : index
        %parallel_loop3A_701 = tpu.vector_load %arg8[%parallel_loop3A_697, %parallel_loop3A_698, %parallel_loop3A_699, %parallel_loop3A_700] {strides = array<i32>} : memref<2x5x128x32xf32, #tpu.memory_space<vmem>>, vector<16xf32>,
        %parallel_loop3A_702 = arith.constant 0 : i32
        %parallel_loop3A_703 = arith.constant 2 : i32
        %parallel_loop3A_704 = arith.index_cast %parallel_loop3A_702 : i32 to index
        %parallel_loop3A_705 = arith.index_cast %parallel_loop3A_703 : i32 to index
        %parallel_loop3A_706 = arith.index_cast %parallel_loop3A_694 : i32 to index
        %parallel_loop3A_707 = arith.constant 16 : index
        %parallel_loop3A_708 = tpu.vector_load %arg8[%parallel_loop3A_704, %parallel_loop3A_705, %parallel_loop3A_706, %parallel_loop3A_707] {strides = array<i32>} : memref<2x5x128x32xf32, #tpu.memory_space<vmem>>, vector<16xf32>,
        %parallel_loop3A_709 = arith.constant 7 : i32
        %parallel_loop3A_710 = arith.addi %parallel_loop3A_592, %parallel_loop3A_709 : i32
        %parallel_loop3A_711 = arith.constant 0 : i32
        %parallel_loop3A_712 = arith.constant 2 : i32
        %parallel_loop3A_713 = arith.index_cast %parallel_loop3A_711 : i32 to index
        %parallel_loop3A_714 = arith.index_cast %parallel_loop3A_712 : i32 to index
        %parallel_loop3A_715 = arith.index_cast %parallel_loop3A_710 : i32 to index
        %parallel_loop3A_716 = arith.constant 0 : index
        %parallel_loop3A_717 = tpu.vector_load %arg8[%parallel_loop3A_713, %parallel_loop3A_714, %parallel_loop3A_715, %parallel_loop3A_716] {strides = array<i32>} : memref<2x5x128x32xf32, #tpu.memory_space<vmem>>, vector<16xf32>,
        %parallel_loop3A_718 = arith.constant 0 : i32
        %parallel_loop3A_719 = arith.constant 2 : i32
        %parallel_loop3A_720 = arith.index_cast %parallel_loop3A_718 : i32 to index
        %parallel_loop3A_721 = arith.index_cast %parallel_loop3A_719 : i32 to index
        %parallel_loop3A_722 = arith.index_cast %parallel_loop3A_710 : i32 to index
        %parallel_loop3A_723 = arith.constant 16 : index
        %parallel_loop3A_724 = tpu.vector_load %arg8[%parallel_loop3A_720, %parallel_loop3A_721, %parallel_loop3A_722, %parallel_loop3A_723] {strides = array<i32>} : memref<2x5x128x32xf32, #tpu.memory_space<vmem>>, vector<16xf32>,
        %parallel_loop3A_725 = arith.constant 1 : i32
        %parallel_loop3A_726 = vector.broadcast %parallel_loop3A_725 : i32 to vector<16xi32>
        %parallel_loop3A_727 = arith.addi %parallel_loop3A_596, %parallel_loop3A_726 : vector<16xi32>
        %parallel_loop3A_728 = arith.constant 2 : i32
        %parallel_loop3A_729 = vector.broadcast %parallel_loop3A_728 : i32 to vector<16xi32>
        %parallel_loop3A_730 = arith.addi %parallel_loop3A_596, %parallel_loop3A_729 : vector<16xi32>
        %parallel_loop3A_731 = arith.constant 3 : i32
        %parallel_loop3A_732 = vector.broadcast %parallel_loop3A_731 : i32 to vector<16xi32>
        %parallel_loop3A_733 = arith.addi %parallel_loop3A_596, %parallel_loop3A_732 : vector<16xi32>
        %parallel_loop3A_734 = arith.constant 4 : i32
        %parallel_loop3A_735 = vector.broadcast %parallel_loop3A_734 : i32 to vector<16xi32>
        %parallel_loop3A_736 = arith.addi %parallel_loop3A_596, %parallel_loop3A_735 : vector<16xi32>
        %parallel_loop3A_737 = arith.constant 5 : i32
        %parallel_loop3A_738 = vector.broadcast %parallel_loop3A_737 : i32 to vector<16xi32>
        %parallel_loop3A_739 = arith.addi %parallel_loop3A_596, %parallel_loop3A_738 : vector<16xi32>
        %parallel_loop3A_740 = arith.constant 6 : i32
        %parallel_loop3A_741 = vector.broadcast %parallel_loop3A_740 : i32 to vector<16xi32>
        %parallel_loop3A_742 = arith.addi %parallel_loop3A_596, %parallel_loop3A_741 : vector<16xi32>
        %parallel_loop3A_743 = arith.constant 7 : i32
        %parallel_loop3A_744 = vector.broadcast %parallel_loop3A_743 : i32 to vector<16xi32>
        %parallel_loop3A_745 = arith.addi %parallel_loop3A_596, %parallel_loop3A_744 : vector<16xi32>
        %parallel_loop3A_746 = arith.addf %parallel_loop3A_605, %get3A_337 : vector<16xf32>
        %parallel_loop3A_747 = arith.addf %parallel_loop3A_612, %get3A_340 : vector<16xf32>
        %parallel_loop3A_748 = arith.addf %parallel_loop3A_621, %get3A_337 : vector<16xf32>
        %parallel_loop3A_749 = arith.addf %parallel_loop3A_628, %get3A_340 : vector<16xf32>
        %parallel_loop3A_750 = arith.addf %parallel_loop3A_637, %get3A_337 : vector<16xf32>
        %parallel_loop3A_751 = arith.addf %parallel_loop3A_644, %get3A_340 : vector<16xf32>
        %parallel_loop3A_752 = arith.addf %parallel_loop3A_653, %get3A_337 : vector<16xf32>
        %parallel_loop3A_753 = arith.addf %parallel_loop3A_660, %get3A_340 : vector<16xf32>
        %parallel_loop3A_754 = arith.addf %parallel_loop3A_669, %get3A_337 : vector<16xf32>
        %parallel_loop3A_755 = arith.addf %parallel_loop3A_676, %get3A_340 : vector<16xf32>
        %parallel_loop3A_756 = arith.addf %parallel_loop3A_685, %get3A_337 : vector<16xf32>
        %parallel_loop3A_757 = arith.addf %parallel_loop3A_692, %get3A_340 : vector<16xf32>
        %parallel_loop3A_758 = arith.addf %parallel_loop3A_701, %get3A_337 : vector<16xf32>
        %parallel_loop3A_759 = arith.addf %parallel_loop3A_708, %get3A_340 : vector<16xf32>
        %parallel_loop3A_760 = arith.addf %parallel_loop3A_717, %get3A_337 : vector<16xf32>
        %parallel_loop3A_761 = arith.addf %parallel_loop3A_724, %get3A_340 : vector<16xf32>
        %parallel_loop3A_762 = arith.constant 0 : i32
        %parallel_loop3A_763 = arith.constant 0 : i32
        %parallel_loop3A_764 = arith.constant 0 : i32
        %parallel_loop3A_765 = tpu.memref_slice %arg9[%parallel_loop3A_344, %parallel_loop3A_345, %parallel_loop3A_762, %parallel_loop3A_763, %parallel_loop3A_764] : memref<2x5x4x8x133xf32, #tpu.memory_space<vmem>> -> memref<1x1x4x8x133xf32, #tpu.memory_space<vmem>>
        %parallel_loop3A_766 = tpu.memref_squeeze %parallel_loop3A_765 : memref<1x1x4x8x133xf32, #tpu.memory_space<vmem>> -> memref<4x8x133xf32, #tpu.memory_space<vmem>>
        tpu.vector_store_idx %parallel_loop3A_766[%select_n3A, %select_n3A_48, %parallel_loop3A_596], %parallel_loop3A_746 : memref<4x8x133xf32, #tpu.memory_space<vmem>>[vector<16xi32>, vector<16xi32>, vector<16xi32>], vector<16xf32>,
        %parallel_loop3A_767 = arith.constant 0 : i32
        %parallel_loop3A_768 = arith.constant 0 : i32
        %parallel_loop3A_769 = arith.constant 0 : i32
        %parallel_loop3A_770 = tpu.memref_slice %arg9[%parallel_loop3A_344, %parallel_loop3A_345, %parallel_loop3A_767, %parallel_loop3A_768, %parallel_loop3A_769] : memref<2x5x4x8x133xf32, #tpu.memory_space<vmem>> -> memref<1x1x4x8x133xf32, #tpu.memory_space<vmem>>
        %parallel_loop3A_771 = tpu.memref_squeeze %parallel_loop3A_770 : memref<1x1x4x8x133xf32, #tpu.memory_space<vmem>> -> memref<4x8x133xf32, #tpu.memory_space<vmem>>
        tpu.vector_store_idx %parallel_loop3A_771[%add3A_28, %select_n3A_48, %parallel_loop3A_596], %parallel_loop3A_747 : memref<4x8x133xf32, #tpu.memory_space<vmem>>[vector<16xi32>, vector<16xi32>, vector<16xi32>], vector<16xf32>,
        %parallel_loop3A_772 = arith.constant 0 : i32
        %parallel_loop3A_773 = arith.constant 0 : i32
        %parallel_loop3A_774 = arith.constant 0 : i32
        %parallel_loop3A_775 = tpu.memref_slice %arg9[%parallel_loop3A_344, %parallel_loop3A_345, %parallel_loop3A_772, %parallel_loop3A_773, %parallel_loop3A_774] : memref<2x5x4x8x133xf32, #tpu.memory_space<vmem>> -> memref<1x1x4x8x133xf32, #tpu.memory_space<vmem>>
        %parallel_loop3A_776 = tpu.memref_squeeze %parallel_loop3A_775 : memref<1x1x4x8x133xf32, #tpu.memory_space<vmem>> -> memref<4x8x133xf32, #tpu.memory_space<vmem>>
        tpu.vector_store_idx %parallel_loop3A_776[%select_n3A, %select_n3A_48, %parallel_loop3A_727], %parallel_loop3A_748 : memref<4x8x133xf32, #tpu.memory_space<vmem>>[vector<16xi32>, vector<16xi32>, vector<16xi32>], vector<16xf32>,
        %parallel_loop3A_777 = arith.constant 0 : i32
        %parallel_loop3A_778 = arith.constant 0 : i32
        %parallel_loop3A_779 = arith.constant 0 : i32
        %parallel_loop3A_780 = tpu.memref_slice %arg9[%parallel_loop3A_344, %parallel_loop3A_345, %parallel_loop3A_777, %parallel_loop3A_778, %parallel_loop3A_779] : memref<2x5x4x8x133xf32, #tpu.memory_space<vmem>> -> memref<1x1x4x8x133xf32, #tpu.memory_space<vmem>>
        %parallel_loop3A_781 = tpu.memref_squeeze %parallel_loop3A_780 : memref<1x1x4x8x133xf32, #tpu.memory_space<vmem>> -> memref<4x8x133xf32, #tpu.memory_space<vmem>>
        tpu.vector_store_idx %parallel_loop3A_781[%add3A_28, %select_n3A_48, %parallel_loop3A_727], %parallel_loop3A_749 : memref<4x8x133xf32, #tpu.memory_space<vmem>>[vector<16xi32>, vector<16xi32>, vector<16xi32>], vector<16xf32>,
        %parallel_loop3A_782 = arith.constant 0 : i32
        %parallel_loop3A_783 = arith.constant 0 : i32
        %parallel_loop3A_784 = arith.constant 0 : i32
        %parallel_loop3A_785 = tpu.memref_slice %arg9[%parallel_loop3A_344, %parallel_loop3A_345, %parallel_loop3A_782, %parallel_loop3A_783, %parallel_loop3A_784] : memref<2x5x4x8x133xf32, #tpu.memory_space<vmem>> -> memref<1x1x4x8x133xf32, #tpu.memory_space<vmem>>
        %parallel_loop3A_786 = tpu.memref_squeeze %parallel_loop3A_785 : memref<1x1x4x8x133xf32, #tpu.memory_space<vmem>> -> memref<4x8x133xf32, #tpu.memory_space<vmem>>
        tpu.vector_store_idx %parallel_loop3A_786[%select_n3A, %select_n3A_48, %parallel_loop3A_730], %parallel_loop3A_750 : memref<4x8x133xf32, #tpu.memory_space<vmem>>[vector<16xi32>, vector<16xi32>, vector<16xi32>], vector<16xf32>,
        %parallel_loop3A_787 = arith.constant 0 : i32
        %parallel_loop3A_788 = arith.constant 0 : i32
        %parallel_loop3A_789 = arith.constant 0 : i32
        %parallel_loop3A_790 = tpu.memref_slice %arg9[%parallel_loop3A_344, %parallel_loop3A_345, %parallel_loop3A_787, %parallel_loop3A_788, %parallel_loop3A_789] : memref<2x5x4x8x133xf32, #tpu.memory_space<vmem>> -> memref<1x1x4x8x133xf32, #tpu.memory_space<vmem>>
        %parallel_loop3A_791 = tpu.memref_squeeze %parallel_loop3A_790 : memref<1x1x4x8x133xf32, #tpu.memory_space<vmem>> -> memref<4x8x133xf32, #tpu.memory_space<vmem>>
        tpu.vector_store_idx %parallel_loop3A_791[%add3A_28, %select_n3A_48, %parallel_loop3A_730], %parallel_loop3A_751 : memref<4x8x133xf32, #tpu.memory_space<vmem>>[vector<16xi32>, vector<16xi32>, vector<16xi32>], vector<16xf32>,
        %parallel_loop3A_792 = arith.constant 0 : i32
        %parallel_loop3A_793 = arith.constant 0 : i32
        %parallel_loop3A_794 = arith.constant 0 : i32
        %parallel_loop3A_795 = tpu.memref_slice %arg9[%parallel_loop3A_344, %parallel_loop3A_345, %parallel_loop3A_792, %parallel_loop3A_793, %parallel_loop3A_794] : memref<2x5x4x8x133xf32, #tpu.memory_space<vmem>> -> memref<1x1x4x8x133xf32, #tpu.memory_space<vmem>>
        %parallel_loop3A_796 = tpu.memref_squeeze %parallel_loop3A_795 : memref<1x1x4x8x133xf32, #tpu.memory_space<vmem>> -> memref<4x8x133xf32, #tpu.memory_space<vmem>>
        tpu.vector_store_idx %parallel_loop3A_796[%select_n3A, %select_n3A_48, %parallel_loop3A_733], %parallel_loop3A_752 : memref<4x8x133xf32, #tpu.memory_space<vmem>>[vector<16xi32>, vector<16xi32>, vector<16xi32>], vector<16xf32>,
        %parallel_loop3A_797 = arith.constant 0 : i32
        %parallel_loop3A_798 = arith.constant 0 : i32
        %parallel_loop3A_799 = arith.constant 0 : i32
        %parallel_loop3A_800 = tpu.memref_slice %arg9[%parallel_loop3A_344, %parallel_loop3A_345, %parallel_loop3A_797, %parallel_loop3A_798, %parallel_loop3A_799] : memref<2x5x4x8x133xf32, #tpu.memory_space<vmem>> -> memref<1x1x4x8x133xf32, #tpu.memory_space<vmem>>
        %parallel_loop3A_801 = tpu.memref_squeeze %parallel_loop3A_800 : memref<1x1x4x8x133xf32, #tpu.memory_space<vmem>> -> memref<4x8x133xf32, #tpu.memory_space<vmem>>
        tpu.vector_store_idx %parallel_loop3A_801[%add3A_28, %select_n3A_48, %parallel_loop3A_733], %parallel_loop3A_753 : memref<4x8x133xf32, #tpu.memory_space<vmem>>[vector<16xi32>, vector<16xi32>, vector<16xi32>], vector<16xf32>,
        %parallel_loop3A_802 = arith.constant 0 : i32
        %parallel_loop3A_803 = arith.constant 0 : i32
        %parallel_loop3A_804 = arith.constant 0 : i32
        %parallel_loop3A_805 = tpu.memref_slice %arg9[%parallel_loop3A_344, %parallel_loop3A_345, %parallel_loop3A_802, %parallel_loop3A_803, %parallel_loop3A_804] : memref<2x5x4x8x133xf32, #tpu.memory_space<vmem>> -> memref<1x1x4x8x133xf32, #tpu.memory_space<vmem>>
        %parallel_loop3A_806 = tpu.memref_squeeze %parallel_loop3A_805 : memref<1x1x4x8x133xf32, #tpu.memory_space<vmem>> -> memref<4x8x133xf32, #tpu.memory_space<vmem>>
        tpu.vector_store_idx %parallel_loop3A_806[%select_n3A, %select_n3A_48, %parallel_loop3A_736], %parallel_loop3A_754 : memref<4x8x133xf32, #tpu.memory_space<vmem>>[vector<16xi32>, vector<16xi32>, vector<16xi32>], vector<16xf32>,
        %parallel_loop3A_807 = arith.constant 0 : i32
        %parallel_loop3A_808 = arith.constant 0 : i32
        %parallel_loop3A_809 = arith.constant 0 : i32
        %parallel_loop3A_810 = tpu.memref_slice %arg9[%parallel_loop3A_344, %parallel_loop3A_345, %parallel_loop3A_807, %parallel_loop3A_808, %parallel_loop3A_809] : memref<2x5x4x8x133xf32, #tpu.memory_space<vmem>> -> memref<1x1x4x8x133xf32, #tpu.memory_space<vmem>>
        %parallel_loop3A_811 = tpu.memref_squeeze %parallel_loop3A_810 : memref<1x1x4x8x133xf32, #tpu.memory_space<vmem>> -> memref<4x8x133xf32, #tpu.memory_space<vmem>>
        tpu.vector_store_idx %parallel_loop3A_811[%add3A_28, %select_n3A_48, %parallel_loop3A_736], %parallel_loop3A_755 : memref<4x8x133xf32, #tpu.memory_space<vmem>>[vector<16xi32>, vector<16xi32>, vector<16xi32>], vector<16xf32>,
        %parallel_loop3A_812 = arith.constant 0 : i32
        %parallel_loop3A_813 = arith.constant 0 : i32
        %parallel_loop3A_814 = arith.constant 0 : i32
        %parallel_loop3A_815 = tpu.memref_slice %arg9[%parallel_loop3A_344, %parallel_loop3A_345, %parallel_loop3A_812, %parallel_loop3A_813, %parallel_loop3A_814] : memref<2x5x4x8x133xf32, #tpu.memory_space<vmem>> -> memref<1x1x4x8x133xf32, #tpu.memory_space<vmem>>
        %parallel_loop3A_816 = tpu.memref_squeeze %parallel_loop3A_815 : memref<1x1x4x8x133xf32, #tpu.memory_space<vmem>> -> memref<4x8x133xf32, #tpu.memory_space<vmem>>
        tpu.vector_store_idx %parallel_loop3A_816[%select_n3A, %select_n3A_48, %parallel_loop3A_739], %parallel_loop3A_756 : memref<4x8x133xf32, #tpu.memory_space<vmem>>[vector<16xi32>, vector<16xi32>, vector<16xi32>], vector<16xf32>,
        %parallel_loop3A_817 = arith.constant 0 : i32
        %parallel_loop3A_818 = arith.constant 0 : i32
        %parallel_loop3A_819 = arith.constant 0 : i32
        %parallel_loop3A_820 = tpu.memref_slice %arg9[%parallel_loop3A_344, %parallel_loop3A_345, %parallel_loop3A_817, %parallel_loop3A_818, %parallel_loop3A_819] : memref<2x5x4x8x133xf32, #tpu.memory_space<vmem>> -> memref<1x1x4x8x133xf32, #tpu.memory_space<vmem>>
        %parallel_loop3A_821 = tpu.memref_squeeze %parallel_loop3A_820 : memref<1x1x4x8x133xf32, #tpu.memory_space<vmem>> -> memref<4x8x133xf32, #tpu.memory_space<vmem>>
        tpu.vector_store_idx %parallel_loop3A_821[%add3A_28, %select_n3A_48, %parallel_loop3A_739], %parallel_loop3A_757 : memref<4x8x133xf32, #tpu.memory_space<vmem>>[vector<16xi32>, vector<16xi32>, vector<16xi32>], vector<16xf32>,
        %parallel_loop3A_822 = arith.constant 0 : i32
        %parallel_loop3A_823 = arith.constant 0 : i32
        %parallel_loop3A_824 = arith.constant 0 : i32
        %parallel_loop3A_825 = tpu.memref_slice %arg9[%parallel_loop3A_344, %parallel_loop3A_345, %parallel_loop3A_822, %parallel_loop3A_823, %parallel_loop3A_824] : memref<2x5x4x8x133xf32, #tpu.memory_space<vmem>> -> memref<1x1x4x8x133xf32, #tpu.memory_space<vmem>>
        %parallel_loop3A_826 = tpu.memref_squeeze %parallel_loop3A_825 : memref<1x1x4x8x133xf32, #tpu.memory_space<vmem>> -> memref<4x8x133xf32, #tpu.memory_space<vmem>>
        tpu.vector_store_idx %parallel_loop3A_826[%select_n3A, %select_n3A_48, %parallel_loop3A_742], %parallel_loop3A_758 : memref<4x8x133xf32, #tpu.memory_space<vmem>>[vector<16xi32>, vector<16xi32>, vector<16xi32>], vector<16xf32>,
        %parallel_loop3A_827 = arith.constant 0 : i32
        %parallel_loop3A_828 = arith.constant 0 : i32
        %parallel_loop3A_829 = arith.constant 0 : i32
        %parallel_loop3A_830 = tpu.memref_slice %arg9[%parallel_loop3A_344, %parallel_loop3A_345, %parallel_loop3A_827, %parallel_loop3A_828, %parallel_loop3A_829] : memref<2x5x4x8x133xf32, #tpu.memory_space<vmem>> -> memref<1x1x4x8x133xf32, #tpu.memory_space<vmem>>
        %parallel_loop3A_831 = tpu.memref_squeeze %parallel_loop3A_830 : memref<1x1x4x8x133xf32, #tpu.memory_space<vmem>> -> memref<4x8x133xf32, #tpu.memory_space<vmem>>
        tpu.vector_store_idx %parallel_loop3A_831[%add3A_28, %select_n3A_48, %parallel_loop3A_742], %parallel_loop3A_759 : memref<4x8x133xf32, #tpu.memory_space<vmem>>[vector<16xi32>, vector<16xi32>, vector<16xi32>], vector<16xf32>,
        %parallel_loop3A_832 = arith.constant 0 : i32
        %parallel_loop3A_833 = arith.constant 0 : i32
        %parallel_loop3A_834 = arith.constant 0 : i32
        %parallel_loop3A_835 = tpu.memref_slice %arg9[%parallel_loop3A_344, %parallel_loop3A_345, %parallel_loop3A_832, %parallel_loop3A_833, %parallel_loop3A_834] : memref<2x5x4x8x133xf32, #tpu.memory_space<vmem>> -> memref<1x1x4x8x133xf32, #tpu.memory_space<vmem>>
        %parallel_loop3A_836 = tpu.memref_squeeze %parallel_loop3A_835 : memref<1x1x4x8x133xf32, #tpu.memory_space<vmem>> -> memref<4x8x133xf32, #tpu.memory_space<vmem>>
        tpu.vector_store_idx %parallel_loop3A_836[%select_n3A, %select_n3A_48, %parallel_loop3A_745], %parallel_loop3A_760 : memref<4x8x133xf32, #tpu.memory_space<vmem>>[vector<16xi32>, vector<16xi32>, vector<16xi32>], vector<16xf32>,
        %parallel_loop3A_837 = arith.constant 0 : i32
        %parallel_loop3A_838 = arith.constant 0 : i32
        %parallel_loop3A_839 = arith.constant 0 : i32
        %parallel_loop3A_840 = tpu.memref_slice %arg9[%parallel_loop3A_344, %parallel_loop3A_345, %parallel_loop3A_837, %parallel_loop3A_838, %parallel_loop3A_839] : memref<2x5x4x8x133xf32, #tpu.memory_space<vmem>> -> memref<1x1x4x8x133xf32, #tpu.memory_space<vmem>>
        %parallel_loop3A_841 = tpu.memref_squeeze %parallel_loop3A_840 : memref<1x1x4x8x133xf32, #tpu.memory_space<vmem>> -> memref<4x8x133xf32, #tpu.memory_space<vmem>>
        tpu.vector_store_idx %parallel_loop3A_841[%add3A_28, %select_n3A_48, %parallel_loop3A_745], %parallel_loop3A_761 : memref<4x8x133xf32, #tpu.memory_space<vmem>>[vector<16xi32>, vector<16xi32>, vector<16xi32>], vector<16xf32>,
      } {sc.loop_unroll_factor = 1 : i64, sc.parallel_access}
      %mul3A_346 = arith.constant 5 : i32
      %mul3A_347 = arith.muli %add3A_216, %mul3A_346 : i32
      %add3A_348 = arith.constant 3 : i32
      %add3A_349 = arith.addi %mul3A_347, %add3A_348 : i32
      %get3A_350 = arith.index_cast %add3A_349 : i32 to index
      %get3A_351 = arith.constant 0 : index
      %get3A_352 = tpu.vector_load %arg7[%get3A_350, %get3A_351] {strides = array<i32>} : memref<200x32xf32, #tpu.memory_space<vmem>>, vector<16xf32>,
      %get3A_353 = arith.index_cast %add3A_349 : i32 to index
      %get3A_354 = arith.constant 16 : index
      %get3A_355 = tpu.vector_load %arg7[%get3A_353, %get3A_354] {strides = array<i32>} : memref<200x32xf32, #tpu.memory_space<vmem>>, vector<16xf32>,
      %parallel_loop3A_356 = arith.constant 0 : i32
      %parallel_loop3A_357 = arith.constant 128 : i32
      %parallel_loop3A_358 = arith.constant 8 : i32
      %parallel_loop3A_359 = arith.constant 0 : i32
      %parallel_loop3A_360 = arith.constant 3 : i32
      scf.for %parallel_loop3A_592 = %parallel_loop3A_356 to %parallel_loop3A_357 step %parallel_loop3A_358  : i32 {
        %parallel_loop3A_593 = arith.constant 0 : i32
        %parallel_loop3A_594 = vector.broadcast %parallel_loop3A_593 : i32 to vector<16xi32>
        %parallel_loop3A_595 = vector.broadcast %parallel_loop3A_592 : i32 to vector<16xi32>
        %parallel_loop3A_596 = arith.addi %parallel_loop3A_594, %parallel_loop3A_595 : vector<16xi32>
        %parallel_loop3A_597 = arith.constant 0 : i32
        %parallel_loop3A_598 = arith.addi %parallel_loop3A_592, %parallel_loop3A_597 : i32
        %parallel_loop3A_599 = arith.constant 0 : i32
        %parallel_loop3A_600 = arith.constant 3 : i32
        %parallel_loop3A_601 = arith.index_cast %parallel_loop3A_599 : i32 to index
        %parallel_loop3A_602 = arith.index_cast %parallel_loop3A_600 : i32 to index
        %parallel_loop3A_603 = arith.index_cast %parallel_loop3A_598 : i32 to index
        %parallel_loop3A_604 = arith.constant 0 : index
        %parallel_loop3A_605 = tpu.vector_load %arg8[%parallel_loop3A_601, %parallel_loop3A_602, %parallel_loop3A_603, %parallel_loop3A_604] {strides = array<i32>} : memref<2x5x128x32xf32, #tpu.memory_space<vmem>>, vector<16xf32>,
        %parallel_loop3A_606 = arith.constant 0 : i32
        %parallel_loop3A_607 = arith.constant 3 : i32
        %parallel_loop3A_608 = arith.index_cast %parallel_loop3A_606 : i32 to index
        %parallel_loop3A_609 = arith.index_cast %parallel_loop3A_607 : i32 to index
        %parallel_loop3A_610 = arith.index_cast %parallel_loop3A_598 : i32 to index
        %parallel_loop3A_611 = arith.constant 16 : index
        %parallel_loop3A_612 = tpu.vector_load %arg8[%parallel_loop3A_608, %parallel_loop3A_609, %parallel_loop3A_610, %parallel_loop3A_611] {strides = array<i32>} : memref<2x5x128x32xf32, #tpu.memory_space<vmem>>, vector<16xf32>,
        %parallel_loop3A_613 = arith.constant 1 : i32
        %parallel_loop3A_614 = arith.addi %parallel_loop3A_592, %parallel_loop3A_613 : i32
        %parallel_loop3A_615 = arith.constant 0 : i32
        %parallel_loop3A_616 = arith.constant 3 : i32
        %parallel_loop3A_617 = arith.index_cast %parallel_loop3A_615 : i32 to index
        %parallel_loop3A_618 = arith.index_cast %parallel_loop3A_616 : i32 to index
        %parallel_loop3A_619 = arith.index_cast %parallel_loop3A_614 : i32 to index
        %parallel_loop3A_620 = arith.constant 0 : index
        %parallel_loop3A_621 = tpu.vector_load %arg8[%parallel_loop3A_617, %parallel_loop3A_618, %parallel_loop3A_619, %parallel_loop3A_620] {strides = array<i32>} : memref<2x5x128x32xf32, #tpu.memory_space<vmem>>, vector<16xf32>,
        %parallel_loop3A_622 = arith.constant 0 : i32
        %parallel_loop3A_623 = arith.constant 3 : i32
        %parallel_loop3A_624 = arith.index_cast %parallel_loop3A_622 : i32 to index
        %parallel_loop3A_625 = arith.index_cast %parallel_loop3A_623 : i32 to index
        %parallel_loop3A_626 = arith.index_cast %parallel_loop3A_614 : i32 to index
        %parallel_loop3A_627 = arith.constant 16 : index
        %parallel_loop3A_628 = tpu.vector_load %arg8[%parallel_loop3A_624, %parallel_loop3A_625, %parallel_loop3A_626, %parallel_loop3A_627] {strides = array<i32>} : memref<2x5x128x32xf32, #tpu.memory_space<vmem>>, vector<16xf32>,
        %parallel_loop3A_629 = arith.constant 2 : i32
        %parallel_loop3A_630 = arith.addi %parallel_loop3A_592, %parallel_loop3A_629 : i32
        %parallel_loop3A_631 = arith.constant 0 : i32
        %parallel_loop3A_632 = arith.constant 3 : i32
        %parallel_loop3A_633 = arith.index_cast %parallel_loop3A_631 : i32 to index
        %parallel_loop3A_634 = arith.index_cast %parallel_loop3A_632 : i32 to index
        %parallel_loop3A_635 = arith.index_cast %parallel_loop3A_630 : i32 to index
        %parallel_loop3A_636 = arith.constant 0 : index
        %parallel_loop3A_637 = tpu.vector_load %arg8[%parallel_loop3A_633, %parallel_loop3A_634, %parallel_loop3A_635, %parallel_loop3A_636] {strides = array<i32>} : memref<2x5x128x32xf32, #tpu.memory_space<vmem>>, vector<16xf32>,
        %parallel_loop3A_638 = arith.constant 0 : i32
        %parallel_loop3A_639 = arith.constant 3 : i32
        %parallel_loop3A_640 = arith.index_cast %parallel_loop3A_638 : i32 to index
        %parallel_loop3A_641 = arith.index_cast %parallel_loop3A_639 : i32 to index
        %parallel_loop3A_642 = arith.index_cast %parallel_loop3A_630 : i32 to index
        %parallel_loop3A_643 = arith.constant 16 : index
        %parallel_loop3A_644 = tpu.vector_load %arg8[%parallel_loop3A_640, %parallel_loop3A_641, %parallel_loop3A_642, %parallel_loop3A_643] {strides = array<i32>} : memref<2x5x128x32xf32, #tpu.memory_space<vmem>>, vector<16xf32>,
        %parallel_loop3A_645 = arith.constant 3 : i32
        %parallel_loop3A_646 = arith.addi %parallel_loop3A_592, %parallel_loop3A_645 : i32
        %parallel_loop3A_647 = arith.constant 0 : i32
        %parallel_loop3A_648 = arith.constant 3 : i32
        %parallel_loop3A_649 = arith.index_cast %parallel_loop3A_647 : i32 to index
        %parallel_loop3A_650 = arith.index_cast %parallel_loop3A_648 : i32 to index
        %parallel_loop3A_651 = arith.index_cast %parallel_loop3A_646 : i32 to index
        %parallel_loop3A_652 = arith.constant 0 : index
        %parallel_loop3A_653 = tpu.vector_load %arg8[%parallel_loop3A_649, %parallel_loop3A_650, %parallel_loop3A_651, %parallel_loop3A_652] {strides = array<i32>} : memref<2x5x128x32xf32, #tpu.memory_space<vmem>>, vector<16xf32>,
        %parallel_loop3A_654 = arith.constant 0 : i32
        %parallel_loop3A_655 = arith.constant 3 : i32
        %parallel_loop3A_656 = arith.index_cast %parallel_loop3A_654 : i32 to index
        %parallel_loop3A_657 = arith.index_cast %parallel_loop3A_655 : i32 to index
        %parallel_loop3A_658 = arith.index_cast %parallel_loop3A_646 : i32 to index
        %parallel_loop3A_659 = arith.constant 16 : index
        %parallel_loop3A_660 = tpu.vector_load %arg8[%parallel_loop3A_656, %parallel_loop3A_657, %parallel_loop3A_658, %parallel_loop3A_659] {strides = array<i32>} : memref<2x5x128x32xf32, #tpu.memory_space<vmem>>, vector<16xf32>,
        %parallel_loop3A_661 = arith.constant 4 : i32
        %parallel_loop3A_662 = arith.addi %parallel_loop3A_592, %parallel_loop3A_661 : i32
        %parallel_loop3A_663 = arith.constant 0 : i32
        %parallel_loop3A_664 = arith.constant 3 : i32
        %parallel_loop3A_665 = arith.index_cast %parallel_loop3A_663 : i32 to index
        %parallel_loop3A_666 = arith.index_cast %parallel_loop3A_664 : i32 to index
        %parallel_loop3A_667 = arith.index_cast %parallel_loop3A_662 : i32 to index
        %parallel_loop3A_668 = arith.constant 0 : index
        %parallel_loop3A_669 = tpu.vector_load %arg8[%parallel_loop3A_665, %parallel_loop3A_666, %parallel_loop3A_667, %parallel_loop3A_668] {strides = array<i32>} : memref<2x5x128x32xf32, #tpu.memory_space<vmem>>, vector<16xf32>,
        %parallel_loop3A_670 = arith.constant 0 : i32
        %parallel_loop3A_671 = arith.constant 3 : i32
        %parallel_loop3A_672 = arith.index_cast %parallel_loop3A_670 : i32 to index
        %parallel_loop3A_673 = arith.index_cast %parallel_loop3A_671 : i32 to index
        %parallel_loop3A_674 = arith.index_cast %parallel_loop3A_662 : i32 to index
        %parallel_loop3A_675 = arith.constant 16 : index
        %parallel_loop3A_676 = tpu.vector_load %arg8[%parallel_loop3A_672, %parallel_loop3A_673, %parallel_loop3A_674, %parallel_loop3A_675] {strides = array<i32>} : memref<2x5x128x32xf32, #tpu.memory_space<vmem>>, vector<16xf32>,
        %parallel_loop3A_677 = arith.constant 5 : i32
        %parallel_loop3A_678 = arith.addi %parallel_loop3A_592, %parallel_loop3A_677 : i32
        %parallel_loop3A_679 = arith.constant 0 : i32
        %parallel_loop3A_680 = arith.constant 3 : i32
        %parallel_loop3A_681 = arith.index_cast %parallel_loop3A_679 : i32 to index
        %parallel_loop3A_682 = arith.index_cast %parallel_loop3A_680 : i32 to index
        %parallel_loop3A_683 = arith.index_cast %parallel_loop3A_678 : i32 to index
        %parallel_loop3A_684 = arith.constant 0 : index
        %parallel_loop3A_685 = tpu.vector_load %arg8[%parallel_loop3A_681, %parallel_loop3A_682, %parallel_loop3A_683, %parallel_loop3A_684] {strides = array<i32>} : memref<2x5x128x32xf32, #tpu.memory_space<vmem>>, vector<16xf32>,
        %parallel_loop3A_686 = arith.constant 0 : i32
        %parallel_loop3A_687 = arith.constant 3 : i32
        %parallel_loop3A_688 = arith.index_cast %parallel_loop3A_686 : i32 to index
        %parallel_loop3A_689 = arith.index_cast %parallel_loop3A_687 : i32 to index
        %parallel_loop3A_690 = arith.index_cast %parallel_loop3A_678 : i32 to index
        %parallel_loop3A_691 = arith.constant 16 : index
        %parallel_loop3A_692 = tpu.vector_load %arg8[%parallel_loop3A_688, %parallel_loop3A_689, %parallel_loop3A_690, %parallel_loop3A_691] {strides = array<i32>} : memref<2x5x128x32xf32, #tpu.memory_space<vmem>>, vector<16xf32>,
        %parallel_loop3A_693 = arith.constant 6 : i32
        %parallel_loop3A_694 = arith.addi %parallel_loop3A_592, %parallel_loop3A_693 : i32
        %parallel_loop3A_695 = arith.constant 0 : i32
        %parallel_loop3A_696 = arith.constant 3 : i32
        %parallel_loop3A_697 = arith.index_cast %parallel_loop3A_695 : i32 to index
        %parallel_loop3A_698 = arith.index_cast %parallel_loop3A_696 : i32 to index
        %parallel_loop3A_699 = arith.index_cast %parallel_loop3A_694 : i32 to index
        %parallel_loop3A_700 = arith.constant 0 : index
        %parallel_loop3A_701 = tpu.vector_load %arg8[%parallel_loop3A_697, %parallel_loop3A_698, %parallel_loop3A_699, %parallel_loop3A_700] {strides = array<i32>} : memref<2x5x128x32xf32, #tpu.memory_space<vmem>>, vector<16xf32>,
        %parallel_loop3A_702 = arith.constant 0 : i32
        %parallel_loop3A_703 = arith.constant 3 : i32
        %parallel_loop3A_704 = arith.index_cast %parallel_loop3A_702 : i32 to index
        %parallel_loop3A_705 = arith.index_cast %parallel_loop3A_703 : i32 to index
        %parallel_loop3A_706 = arith.index_cast %parallel_loop3A_694 : i32 to index
        %parallel_loop3A_707 = arith.constant 16 : index
        %parallel_loop3A_708 = tpu.vector_load %arg8[%parallel_loop3A_704, %parallel_loop3A_705, %parallel_loop3A_706, %parallel_loop3A_707] {strides = array<i32>} : memref<2x5x128x32xf32, #tpu.memory_space<vmem>>, vector<16xf32>,
        %parallel_loop3A_709 = arith.constant 7 : i32
        %parallel_loop3A_710 = arith.addi %parallel_loop3A_592, %parallel_loop3A_709 : i32
        %parallel_loop3A_711 = arith.constant 0 : i32
        %parallel_loop3A_712 = arith.constant 3 : i32
        %parallel_loop3A_713 = arith.index_cast %parallel_loop3A_711 : i32 to index
        %parallel_loop3A_714 = arith.index_cast %parallel_loop3A_712 : i32 to index
        %parallel_loop3A_715 = arith.index_cast %parallel_loop3A_710 : i32 to index
        %parallel_loop3A_716 = arith.constant 0 : index
        %parallel_loop3A_717 = tpu.vector_load %arg8[%parallel_loop3A_713, %parallel_loop3A_714, %parallel_loop3A_715, %parallel_loop3A_716] {strides = array<i32>} : memref<2x5x128x32xf32, #tpu.memory_space<vmem>>, vector<16xf32>,
        %parallel_loop3A_718 = arith.constant 0 : i32
        %parallel_loop3A_719 = arith.constant 3 : i32
        %parallel_loop3A_720 = arith.index_cast %parallel_loop3A_718 : i32 to index
        %parallel_loop3A_721 = arith.index_cast %parallel_loop3A_719 : i32 to index
        %parallel_loop3A_722 = arith.index_cast %parallel_loop3A_710 : i32 to index
        %parallel_loop3A_723 = arith.constant 16 : index
        %parallel_loop3A_724 = tpu.vector_load %arg8[%parallel_loop3A_720, %parallel_loop3A_721, %parallel_loop3A_722, %parallel_loop3A_723] {strides = array<i32>} : memref<2x5x128x32xf32, #tpu.memory_space<vmem>>, vector<16xf32>,
        %parallel_loop3A_725 = arith.constant 1 : i32
        %parallel_loop3A_726 = vector.broadcast %parallel_loop3A_725 : i32 to vector<16xi32>
        %parallel_loop3A_727 = arith.addi %parallel_loop3A_596, %parallel_loop3A_726 : vector<16xi32>
        %parallel_loop3A_728 = arith.constant 2 : i32
        %parallel_loop3A_729 = vector.broadcast %parallel_loop3A_728 : i32 to vector<16xi32>
        %parallel_loop3A_730 = arith.addi %parallel_loop3A_596, %parallel_loop3A_729 : vector<16xi32>
        %parallel_loop3A_731 = arith.constant 3 : i32
        %parallel_loop3A_732 = vector.broadcast %parallel_loop3A_731 : i32 to vector<16xi32>
        %parallel_loop3A_733 = arith.addi %parallel_loop3A_596, %parallel_loop3A_732 : vector<16xi32>
        %parallel_loop3A_734 = arith.constant 4 : i32
        %parallel_loop3A_735 = vector.broadcast %parallel_loop3A_734 : i32 to vector<16xi32>
        %parallel_loop3A_736 = arith.addi %parallel_loop3A_596, %parallel_loop3A_735 : vector<16xi32>
        %parallel_loop3A_737 = arith.constant 5 : i32
        %parallel_loop3A_738 = vector.broadcast %parallel_loop3A_737 : i32 to vector<16xi32>
        %parallel_loop3A_739 = arith.addi %parallel_loop3A_596, %parallel_loop3A_738 : vector<16xi32>
        %parallel_loop3A_740 = arith.constant 6 : i32
        %parallel_loop3A_741 = vector.broadcast %parallel_loop3A_740 : i32 to vector<16xi32>
        %parallel_loop3A_742 = arith.addi %parallel_loop3A_596, %parallel_loop3A_741 : vector<16xi32>
        %parallel_loop3A_743 = arith.constant 7 : i32
        %parallel_loop3A_744 = vector.broadcast %parallel_loop3A_743 : i32 to vector<16xi32>
        %parallel_loop3A_745 = arith.addi %parallel_loop3A_596, %parallel_loop3A_744 : vector<16xi32>
        %parallel_loop3A_746 = arith.addf %parallel_loop3A_605, %get3A_352 : vector<16xf32>
        %parallel_loop3A_747 = arith.addf %parallel_loop3A_612, %get3A_355 : vector<16xf32>
        %parallel_loop3A_748 = arith.addf %parallel_loop3A_621, %get3A_352 : vector<16xf32>
        %parallel_loop3A_749 = arith.addf %parallel_loop3A_628, %get3A_355 : vector<16xf32>
        %parallel_loop3A_750 = arith.addf %parallel_loop3A_637, %get3A_352 : vector<16xf32>
        %parallel_loop3A_751 = arith.addf %parallel_loop3A_644, %get3A_355 : vector<16xf32>
        %parallel_loop3A_752 = arith.addf %parallel_loop3A_653, %get3A_352 : vector<16xf32>
        %parallel_loop3A_753 = arith.addf %parallel_loop3A_660, %get3A_355 : vector<16xf32>
        %parallel_loop3A_754 = arith.addf %parallel_loop3A_669, %get3A_352 : vector<16xf32>
        %parallel_loop3A_755 = arith.addf %parallel_loop3A_676, %get3A_355 : vector<16xf32>
        %parallel_loop3A_756 = arith.addf %parallel_loop3A_685, %get3A_352 : vector<16xf32>
        %parallel_loop3A_757 = arith.addf %parallel_loop3A_692, %get3A_355 : vector<16xf32>
        %parallel_loop3A_758 = arith.addf %parallel_loop3A_701, %get3A_352 : vector<16xf32>
        %parallel_loop3A_759 = arith.addf %parallel_loop3A_708, %get3A_355 : vector<16xf32>
        %parallel_loop3A_760 = arith.addf %parallel_loop3A_717, %get3A_352 : vector<16xf32>
        %parallel_loop3A_761 = arith.addf %parallel_loop3A_724, %get3A_355 : vector<16xf32>
        %parallel_loop3A_762 = arith.constant 0 : i32
        %parallel_loop3A_763 = arith.constant 0 : i32
        %parallel_loop3A_764 = arith.constant 0 : i32
        %parallel_loop3A_765 = tpu.memref_slice %arg9[%parallel_loop3A_359, %parallel_loop3A_360, %parallel_loop3A_762, %parallel_loop3A_763, %parallel_loop3A_764] : memref<2x5x4x8x133xf32, #tpu.memory_space<vmem>> -> memref<1x1x4x8x133xf32, #tpu.memory_space<vmem>>
        %parallel_loop3A_766 = tpu.memref_squeeze %parallel_loop3A_765 : memref<1x1x4x8x133xf32, #tpu.memory_space<vmem>> -> memref<4x8x133xf32, #tpu.memory_space<vmem>>
        tpu.vector_store_idx %parallel_loop3A_766[%select_n3A, %select_n3A_48, %parallel_loop3A_596], %parallel_loop3A_746 : memref<4x8x133xf32, #tpu.memory_space<vmem>>[vector<16xi32>, vector<16xi32>, vector<16xi32>], vector<16xf32>,
        %parallel_loop3A_767 = arith.constant 0 : i32
        %parallel_loop3A_768 = arith.constant 0 : i32
        %parallel_loop3A_769 = arith.constant 0 : i32
        %parallel_loop3A_770 = tpu.memref_slice %arg9[%parallel_loop3A_359, %parallel_loop3A_360, %parallel_loop3A_767, %parallel_loop3A_768, %parallel_loop3A_769] : memref<2x5x4x8x133xf32, #tpu.memory_space<vmem>> -> memref<1x1x4x8x133xf32, #tpu.memory_space<vmem>>
        %parallel_loop3A_771 = tpu.memref_squeeze %parallel_loop3A_770 : memref<1x1x4x8x133xf32, #tpu.memory_space<vmem>> -> memref<4x8x133xf32, #tpu.memory_space<vmem>>
        tpu.vector_store_idx %parallel_loop3A_771[%add3A_28, %select_n3A_48, %parallel_loop3A_596], %parallel_loop3A_747 : memref<4x8x133xf32, #tpu.memory_space<vmem>>[vector<16xi32>, vector<16xi32>, vector<16xi32>], vector<16xf32>,
        %parallel_loop3A_772 = arith.constant 0 : i32
        %parallel_loop3A_773 = arith.constant 0 : i32
        %parallel_loop3A_774 = arith.constant 0 : i32
        %parallel_loop3A_775 = tpu.memref_slice %arg9[%parallel_loop3A_359, %parallel_loop3A_360, %parallel_loop3A_772, %parallel_loop3A_773, %parallel_loop3A_774] : memref<2x5x4x8x133xf32, #tpu.memory_space<vmem>> -> memref<1x1x4x8x133xf32, #tpu.memory_space<vmem>>
        %parallel_loop3A_776 = tpu.memref_squeeze %parallel_loop3A_775 : memref<1x1x4x8x133xf32, #tpu.memory_space<vmem>> -> memref<4x8x133xf32, #tpu.memory_space<vmem>>
        tpu.vector_store_idx %parallel_loop3A_776[%select_n3A, %select_n3A_48, %parallel_loop3A_727], %parallel_loop3A_748 : memref<4x8x133xf32, #tpu.memory_space<vmem>>[vector<16xi32>, vector<16xi32>, vector<16xi32>], vector<16xf32>,
        %parallel_loop3A_777 = arith.constant 0 : i32
        %parallel_loop3A_778 = arith.constant 0 : i32
        %parallel_loop3A_779 = arith.constant 0 : i32
        %parallel_loop3A_780 = tpu.memref_slice %arg9[%parallel_loop3A_359, %parallel_loop3A_360, %parallel_loop3A_777, %parallel_loop3A_778, %parallel_loop3A_779] : memref<2x5x4x8x133xf32, #tpu.memory_space<vmem>> -> memref<1x1x4x8x133xf32, #tpu.memory_space<vmem>>
        %parallel_loop3A_781 = tpu.memref_squeeze %parallel_loop3A_780 : memref<1x1x4x8x133xf32, #tpu.memory_space<vmem>> -> memref<4x8x133xf32, #tpu.memory_space<vmem>>
        tpu.vector_store_idx %parallel_loop3A_781[%add3A_28, %select_n3A_48, %parallel_loop3A_727], %parallel_loop3A_749 : memref<4x8x133xf32, #tpu.memory_space<vmem>>[vector<16xi32>, vector<16xi32>, vector<16xi32>], vector<16xf32>,
        %parallel_loop3A_782 = arith.constant 0 : i32
        %parallel_loop3A_783 = arith.constant 0 : i32
        %parallel_loop3A_784 = arith.constant 0 : i32
        %parallel_loop3A_785 = tpu.memref_slice %arg9[%parallel_loop3A_359, %parallel_loop3A_360, %parallel_loop3A_782, %parallel_loop3A_783, %parallel_loop3A_784] : memref<2x5x4x8x133xf32, #tpu.memory_space<vmem>> -> memref<1x1x4x8x133xf32, #tpu.memory_space<vmem>>
        %parallel_loop3A_786 = tpu.memref_squeeze %parallel_loop3A_785 : memref<1x1x4x8x133xf32, #tpu.memory_space<vmem>> -> memref<4x8x133xf32, #tpu.memory_space<vmem>>
        tpu.vector_store_idx %parallel_loop3A_786[%select_n3A, %select_n3A_48, %parallel_loop3A_730], %parallel_loop3A_750 : memref<4x8x133xf32, #tpu.memory_space<vmem>>[vector<16xi32>, vector<16xi32>, vector<16xi32>], vector<16xf32>,
        %parallel_loop3A_787 = arith.constant 0 : i32
        %parallel_loop3A_788 = arith.constant 0 : i32
        %parallel_loop3A_789 = arith.constant 0 : i32
        %parallel_loop3A_790 = tpu.memref_slice %arg9[%parallel_loop3A_359, %parallel_loop3A_360, %parallel_loop3A_787, %parallel_loop3A_788, %parallel_loop3A_789] : memref<2x5x4x8x133xf32, #tpu.memory_space<vmem>> -> memref<1x1x4x8x133xf32, #tpu.memory_space<vmem>>
        %parallel_loop3A_791 = tpu.memref_squeeze %parallel_loop3A_790 : memref<1x1x4x8x133xf32, #tpu.memory_space<vmem>> -> memref<4x8x133xf32, #tpu.memory_space<vmem>>
        tpu.vector_store_idx %parallel_loop3A_791[%add3A_28, %select_n3A_48, %parallel_loop3A_730], %parallel_loop3A_751 : memref<4x8x133xf32, #tpu.memory_space<vmem>>[vector<16xi32>, vector<16xi32>, vector<16xi32>], vector<16xf32>,
        %parallel_loop3A_792 = arith.constant 0 : i32
        %parallel_loop3A_793 = arith.constant 0 : i32
        %parallel_loop3A_794 = arith.constant 0 : i32
        %parallel_loop3A_795 = tpu.memref_slice %arg9[%parallel_loop3A_359, %parallel_loop3A_360, %parallel_loop3A_792, %parallel_loop3A_793, %parallel_loop3A_794] : memref<2x5x4x8x133xf32, #tpu.memory_space<vmem>> -> memref<1x1x4x8x133xf32, #tpu.memory_space<vmem>>
        %parallel_loop3A_796 = tpu.memref_squeeze %parallel_loop3A_795 : memref<1x1x4x8x133xf32, #tpu.memory_space<vmem>> -> memref<4x8x133xf32, #tpu.memory_space<vmem>>
        tpu.vector_store_idx %parallel_loop3A_796[%select_n3A, %select_n3A_48, %parallel_loop3A_733], %parallel_loop3A_752 : memref<4x8x133xf32, #tpu.memory_space<vmem>>[vector<16xi32>, vector<16xi32>, vector<16xi32>], vector<16xf32>,
        %parallel_loop3A_797 = arith.constant 0 : i32
        %parallel_loop3A_798 = arith.constant 0 : i32
        %parallel_loop3A_799 = arith.constant 0 : i32
        %parallel_loop3A_800 = tpu.memref_slice %arg9[%parallel_loop3A_359, %parallel_loop3A_360, %parallel_loop3A_797, %parallel_loop3A_798, %parallel_loop3A_799] : memref<2x5x4x8x133xf32, #tpu.memory_space<vmem>> -> memref<1x1x4x8x133xf32, #tpu.memory_space<vmem>>
        %parallel_loop3A_801 = tpu.memref_squeeze %parallel_loop3A_800 : memref<1x1x4x8x133xf32, #tpu.memory_space<vmem>> -> memref<4x8x133xf32, #tpu.memory_space<vmem>>
        tpu.vector_store_idx %parallel_loop3A_801[%add3A_28, %select_n3A_48, %parallel_loop3A_733], %parallel_loop3A_753 : memref<4x8x133xf32, #tpu.memory_space<vmem>>[vector<16xi32>, vector<16xi32>, vector<16xi32>], vector<16xf32>,
        %parallel_loop3A_802 = arith.constant 0 : i32
        %parallel_loop3A_803 = arith.constant 0 : i32
        %parallel_loop3A_804 = arith.constant 0 : i32
        %parallel_loop3A_805 = tpu.memref_slice %arg9[%parallel_loop3A_359, %parallel_loop3A_360, %parallel_loop3A_802, %parallel_loop3A_803, %parallel_loop3A_804] : memref<2x5x4x8x133xf32, #tpu.memory_space<vmem>> -> memref<1x1x4x8x133xf32, #tpu.memory_space<vmem>>
        %parallel_loop3A_806 = tpu.memref_squeeze %parallel_loop3A_805 : memref<1x1x4x8x133xf32, #tpu.memory_space<vmem>> -> memref<4x8x133xf32, #tpu.memory_space<vmem>>
        tpu.vector_store_idx %parallel_loop3A_806[%select_n3A, %select_n3A_48, %parallel_loop3A_736], %parallel_loop3A_754 : memref<4x8x133xf32, #tpu.memory_space<vmem>>[vector<16xi32>, vector<16xi32>, vector<16xi32>], vector<16xf32>,
        %parallel_loop3A_807 = arith.constant 0 : i32
        %parallel_loop3A_808 = arith.constant 0 : i32
        %parallel_loop3A_809 = arith.constant 0 : i32
        %parallel_loop3A_810 = tpu.memref_slice %arg9[%parallel_loop3A_359, %parallel_loop3A_360, %parallel_loop3A_807, %parallel_loop3A_808, %parallel_loop3A_809] : memref<2x5x4x8x133xf32, #tpu.memory_space<vmem>> -> memref<1x1x4x8x133xf32, #tpu.memory_space<vmem>>
        %parallel_loop3A_811 = tpu.memref_squeeze %parallel_loop3A_810 : memref<1x1x4x8x133xf32, #tpu.memory_space<vmem>> -> memref<4x8x133xf32, #tpu.memory_space<vmem>>
        tpu.vector_store_idx %parallel_loop3A_811[%add3A_28, %select_n3A_48, %parallel_loop3A_736], %parallel_loop3A_755 : memref<4x8x133xf32, #tpu.memory_space<vmem>>[vector<16xi32>, vector<16xi32>, vector<16xi32>], vector<16xf32>,
        %parallel_loop3A_812 = arith.constant 0 : i32
        %parallel_loop3A_813 = arith.constant 0 : i32
        %parallel_loop3A_814 = arith.constant 0 : i32
        %parallel_loop3A_815 = tpu.memref_slice %arg9[%parallel_loop3A_359, %parallel_loop3A_360, %parallel_loop3A_812, %parallel_loop3A_813, %parallel_loop3A_814] : memref<2x5x4x8x133xf32, #tpu.memory_space<vmem>> -> memref<1x1x4x8x133xf32, #tpu.memory_space<vmem>>
        %parallel_loop3A_816 = tpu.memref_squeeze %parallel_loop3A_815 : memref<1x1x4x8x133xf32, #tpu.memory_space<vmem>> -> memref<4x8x133xf32, #tpu.memory_space<vmem>>
        tpu.vector_store_idx %parallel_loop3A_816[%select_n3A, %select_n3A_48, %parallel_loop3A_739], %parallel_loop3A_756 : memref<4x8x133xf32, #tpu.memory_space<vmem>>[vector<16xi32>, vector<16xi32>, vector<16xi32>], vector<16xf32>,
        %parallel_loop3A_817 = arith.constant 0 : i32
        %parallel_loop3A_818 = arith.constant 0 : i32
        %parallel_loop3A_819 = arith.constant 0 : i32
        %parallel_loop3A_820 = tpu.memref_slice %arg9[%parallel_loop3A_359, %parallel_loop3A_360, %parallel_loop3A_817, %parallel_loop3A_818, %parallel_loop3A_819] : memref<2x5x4x8x133xf32, #tpu.memory_space<vmem>> -> memref<1x1x4x8x133xf32, #tpu.memory_space<vmem>>
        %parallel_loop3A_821 = tpu.memref_squeeze %parallel_loop3A_820 : memref<1x1x4x8x133xf32, #tpu.memory_space<vmem>> -> memref<4x8x133xf32, #tpu.memory_space<vmem>>
        tpu.vector_store_idx %parallel_loop3A_821[%add3A_28, %select_n3A_48, %parallel_loop3A_739], %parallel_loop3A_757 : memref<4x8x133xf32, #tpu.memory_space<vmem>>[vector<16xi32>, vector<16xi32>, vector<16xi32>], vector<16xf32>,
        %parallel_loop3A_822 = arith.constant 0 : i32
        %parallel_loop3A_823 = arith.constant 0 : i32
        %parallel_loop3A_824 = arith.constant 0 : i32
        %parallel_loop3A_825 = tpu.memref_slice %arg9[%parallel_loop3A_359, %parallel_loop3A_360, %parallel_loop3A_822, %parallel_loop3A_823, %parallel_loop3A_824] : memref<2x5x4x8x133xf32, #tpu.memory_space<vmem>> -> memref<1x1x4x8x133xf32, #tpu.memory_space<vmem>>
        %parallel_loop3A_826 = tpu.memref_squeeze %parallel_loop3A_825 : memref<1x1x4x8x133xf32, #tpu.memory_space<vmem>> -> memref<4x8x133xf32, #tpu.memory_space<vmem>>
        tpu.vector_store_idx %parallel_loop3A_826[%select_n3A, %select_n3A_48, %parallel_loop3A_742], %parallel_loop3A_758 : memref<4x8x133xf32, #tpu.memory_space<vmem>>[vector<16xi32>, vector<16xi32>, vector<16xi32>], vector<16xf32>,
        %parallel_loop3A_827 = arith.constant 0 : i32
        %parallel_loop3A_828 = arith.constant 0 : i32
        %parallel_loop3A_829 = arith.constant 0 : i32
        %parallel_loop3A_830 = tpu.memref_slice %arg9[%parallel_loop3A_359, %parallel_loop3A_360, %parallel_loop3A_827, %parallel_loop3A_828, %parallel_loop3A_829] : memref<2x5x4x8x133xf32, #tpu.memory_space<vmem>> -> memref<1x1x4x8x133xf32, #tpu.memory_space<vmem>>
        %parallel_loop3A_831 = tpu.memref_squeeze %parallel_loop3A_830 : memref<1x1x4x8x133xf32, #tpu.memory_space<vmem>> -> memref<4x8x133xf32, #tpu.memory_space<vmem>>
        tpu.vector_store_idx %parallel_loop3A_831[%add3A_28, %select_n3A_48, %parallel_loop3A_742], %parallel_loop3A_759 : memref<4x8x133xf32, #tpu.memory_space<vmem>>[vector<16xi32>, vector<16xi32>, vector<16xi32>], vector<16xf32>,
        %parallel_loop3A_832 = arith.constant 0 : i32
        %parallel_loop3A_833 = arith.constant 0 : i32
        %parallel_loop3A_834 = arith.constant 0 : i32
        %parallel_loop3A_835 = tpu.memref_slice %arg9[%parallel_loop3A_359, %parallel_loop3A_360, %parallel_loop3A_832, %parallel_loop3A_833, %parallel_loop3A_834] : memref<2x5x4x8x133xf32, #tpu.memory_space<vmem>> -> memref<1x1x4x8x133xf32, #tpu.memory_space<vmem>>
        %parallel_loop3A_836 = tpu.memref_squeeze %parallel_loop3A_835 : memref<1x1x4x8x133xf32, #tpu.memory_space<vmem>> -> memref<4x8x133xf32, #tpu.memory_space<vmem>>
        tpu.vector_store_idx %parallel_loop3A_836[%select_n3A, %select_n3A_48, %parallel_loop3A_745], %parallel_loop3A_760 : memref<4x8x133xf32, #tpu.memory_space<vmem>>[vector<16xi32>, vector<16xi32>, vector<16xi32>], vector<16xf32>,
        %parallel_loop3A_837 = arith.constant 0 : i32
        %parallel_loop3A_838 = arith.constant 0 : i32
        %parallel_loop3A_839 = arith.constant 0 : i32
        %parallel_loop3A_840 = tpu.memref_slice %arg9[%parallel_loop3A_359, %parallel_loop3A_360, %parallel_loop3A_837, %parallel_loop3A_838, %parallel_loop3A_839] : memref<2x5x4x8x133xf32, #tpu.memory_space<vmem>> -> memref<1x1x4x8x133xf32, #tpu.memory_space<vmem>>
        %parallel_loop3A_841 = tpu.memref_squeeze %parallel_loop3A_840 : memref<1x1x4x8x133xf32, #tpu.memory_space<vmem>> -> memref<4x8x133xf32, #tpu.memory_space<vmem>>
        tpu.vector_store_idx %parallel_loop3A_841[%add3A_28, %select_n3A_48, %parallel_loop3A_745], %parallel_loop3A_761 : memref<4x8x133xf32, #tpu.memory_space<vmem>>[vector<16xi32>, vector<16xi32>, vector<16xi32>], vector<16xf32>,
      } {sc.loop_unroll_factor = 1 : i64, sc.parallel_access}
      %mul3A_361 = arith.constant 5 : i32
      %mul3A_362 = arith.muli %add3A_216, %mul3A_361 : i32
      %add3A_363 = arith.constant 4 : i32
      %add3A_364 = arith.addi %mul3A_362, %add3A_363 : i32
      %get3A_365 = arith.index_cast %add3A_364 : i32 to index
      %get3A_366 = arith.constant 0 : index
      %get3A_367 = tpu.vector_load %arg7[%get3A_365, %get3A_366] {strides = array<i32>} : memref<200x32xf32, #tpu.memory_space<vmem>>, vector<16xf32>,
      %get3A_368 = arith.index_cast %add3A_364 : i32 to index
      %get3A_369 = arith.constant 16 : index
      %get3A_370 = tpu.vector_load %arg7[%get3A_368, %get3A_369] {strides = array<i32>} : memref<200x32xf32, #tpu.memory_space<vmem>>, vector<16xf32>,
      %parallel_loop3A_371 = arith.constant 0 : i32
      %parallel_loop3A_372 = arith.constant 128 : i32
      %parallel_loop3A_373 = arith.constant 8 : i32
      %parallel_loop3A_374 = arith.constant 0 : i32
      %parallel_loop3A_375 = arith.constant 4 : i32
      scf.for %parallel_loop3A_592 = %parallel_loop3A_371 to %parallel_loop3A_372 step %parallel_loop3A_373  : i32 {
        %parallel_loop3A_593 = arith.constant 0 : i32
        %parallel_loop3A_594 = vector.broadcast %parallel_loop3A_593 : i32 to vector<16xi32>
        %parallel_loop3A_595 = vector.broadcast %parallel_loop3A_592 : i32 to vector<16xi32>
        %parallel_loop3A_596 = arith.addi %parallel_loop3A_594, %parallel_loop3A_595 : vector<16xi32>
        %parallel_loop3A_597 = arith.constant 0 : i32
        %parallel_loop3A_598 = arith.addi %parallel_loop3A_592, %parallel_loop3A_597 : i32
        %parallel_loop3A_599 = arith.constant 0 : i32
        %parallel_loop3A_600 = arith.constant 4 : i32
        %parallel_loop3A_601 = arith.index_cast %parallel_loop3A_599 : i32 to index
        %parallel_loop3A_602 = arith.index_cast %parallel_loop3A_600 : i32 to index
        %parallel_loop3A_603 = arith.index_cast %parallel_loop3A_598 : i32 to index
        %parallel_loop3A_604 = arith.constant 0 : index
        %parallel_loop3A_605 = tpu.vector_load %arg8[%parallel_loop3A_601, %parallel_loop3A_602, %parallel_loop3A_603, %parallel_loop3A_604] {strides = array<i32>} : memref<2x5x128x32xf32, #tpu.memory_space<vmem>>, vector<16xf32>,
        %parallel_loop3A_606 = arith.constant 0 : i32
        %parallel_loop3A_607 = arith.constant 4 : i32
        %parallel_loop3A_608 = arith.index_cast %parallel_loop3A_606 : i32 to index
        %parallel_loop3A_609 = arith.index_cast %parallel_loop3A_607 : i32 to index
        %parallel_loop3A_610 = arith.index_cast %parallel_loop3A_598 : i32 to index
        %parallel_loop3A_611 = arith.constant 16 : index
        %parallel_loop3A_612 = tpu.vector_load %arg8[%parallel_loop3A_608, %parallel_loop3A_609, %parallel_loop3A_610, %parallel_loop3A_611] {strides = array<i32>} : memref<2x5x128x32xf32, #tpu.memory_space<vmem>>, vector<16xf32>,
        %parallel_loop3A_613 = arith.constant 1 : i32
        %parallel_loop3A_614 = arith.addi %parallel_loop3A_592, %parallel_loop3A_613 : i32
        %parallel_loop3A_615 = arith.constant 0 : i32
        %parallel_loop3A_616 = arith.constant 4 : i32
        %parallel_loop3A_617 = arith.index_cast %parallel_loop3A_615 : i32 to index
        %parallel_loop3A_618 = arith.index_cast %parallel_loop3A_616 : i32 to index
        %parallel_loop3A_619 = arith.index_cast %parallel_loop3A_614 : i32 to index
        %parallel_loop3A_620 = arith.constant 0 : index
        %parallel_loop3A_621 = tpu.vector_load %arg8[%parallel_loop3A_617, %parallel_loop3A_618, %parallel_loop3A_619, %parallel_loop3A_620] {strides = array<i32>} : memref<2x5x128x32xf32, #tpu.memory_space<vmem>>, vector<16xf32>,
        %parallel_loop3A_622 = arith.constant 0 : i32
        %parallel_loop3A_623 = arith.constant 4 : i32
        %parallel_loop3A_624 = arith.index_cast %parallel_loop3A_622 : i32 to index
        %parallel_loop3A_625 = arith.index_cast %parallel_loop3A_623 : i32 to index
        %parallel_loop3A_626 = arith.index_cast %parallel_loop3A_614 : i32 to index
        %parallel_loop3A_627 = arith.constant 16 : index
        %parallel_loop3A_628 = tpu.vector_load %arg8[%parallel_loop3A_624, %parallel_loop3A_625, %parallel_loop3A_626, %parallel_loop3A_627] {strides = array<i32>} : memref<2x5x128x32xf32, #tpu.memory_space<vmem>>, vector<16xf32>,
        %parallel_loop3A_629 = arith.constant 2 : i32
        %parallel_loop3A_630 = arith.addi %parallel_loop3A_592, %parallel_loop3A_629 : i32
        %parallel_loop3A_631 = arith.constant 0 : i32
        %parallel_loop3A_632 = arith.constant 4 : i32
        %parallel_loop3A_633 = arith.index_cast %parallel_loop3A_631 : i32 to index
        %parallel_loop3A_634 = arith.index_cast %parallel_loop3A_632 : i32 to index
        %parallel_loop3A_635 = arith.index_cast %parallel_loop3A_630 : i32 to index
        %parallel_loop3A_636 = arith.constant 0 : index
        %parallel_loop3A_637 = tpu.vector_load %arg8[%parallel_loop3A_633, %parallel_loop3A_634, %parallel_loop3A_635, %parallel_loop3A_636] {strides = array<i32>} : memref<2x5x128x32xf32, #tpu.memory_space<vmem>>, vector<16xf32>,
        %parallel_loop3A_638 = arith.constant 0 : i32
        %parallel_loop3A_639 = arith.constant 4 : i32
        %parallel_loop3A_640 = arith.index_cast %parallel_loop3A_638 : i32 to index
        %parallel_loop3A_641 = arith.index_cast %parallel_loop3A_639 : i32 to index
        %parallel_loop3A_642 = arith.index_cast %parallel_loop3A_630 : i32 to index
        %parallel_loop3A_643 = arith.constant 16 : index
        %parallel_loop3A_644 = tpu.vector_load %arg8[%parallel_loop3A_640, %parallel_loop3A_641, %parallel_loop3A_642, %parallel_loop3A_643] {strides = array<i32>} : memref<2x5x128x32xf32, #tpu.memory_space<vmem>>, vector<16xf32>,
        %parallel_loop3A_645 = arith.constant 3 : i32
        %parallel_loop3A_646 = arith.addi %parallel_loop3A_592, %parallel_loop3A_645 : i32
        %parallel_loop3A_647 = arith.constant 0 : i32
        %parallel_loop3A_648 = arith.constant 4 : i32
        %parallel_loop3A_649 = arith.index_cast %parallel_loop3A_647 : i32 to index
        %parallel_loop3A_650 = arith.index_cast %parallel_loop3A_648 : i32 to index
        %parallel_loop3A_651 = arith.index_cast %parallel_loop3A_646 : i32 to index
        %parallel_loop3A_652 = arith.constant 0 : index
        %parallel_loop3A_653 = tpu.vector_load %arg8[%parallel_loop3A_649, %parallel_loop3A_650, %parallel_loop3A_651, %parallel_loop3A_652] {strides = array<i32>} : memref<2x5x128x32xf32, #tpu.memory_space<vmem>>, vector<16xf32>,
        %parallel_loop3A_654 = arith.constant 0 : i32
        %parallel_loop3A_655 = arith.constant 4 : i32
        %parallel_loop3A_656 = arith.index_cast %parallel_loop3A_654 : i32 to index
        %parallel_loop3A_657 = arith.index_cast %parallel_loop3A_655 : i32 to index
        %parallel_loop3A_658 = arith.index_cast %parallel_loop3A_646 : i32 to index
        %parallel_loop3A_659 = arith.constant 16 : index
        %parallel_loop3A_660 = tpu.vector_load %arg8[%parallel_loop3A_656, %parallel_loop3A_657, %parallel_loop3A_658, %parallel_loop3A_659] {strides = array<i32>} : memref<2x5x128x32xf32, #tpu.memory_space<vmem>>, vector<16xf32>,
        %parallel_loop3A_661 = arith.constant 4 : i32
        %parallel_loop3A_662 = arith.addi %parallel_loop3A_592, %parallel_loop3A_661 : i32
        %parallel_loop3A_663 = arith.constant 0 : i32
        %parallel_loop3A_664 = arith.constant 4 : i32
        %parallel_loop3A_665 = arith.index_cast %parallel_loop3A_663 : i32 to index
        %parallel_loop3A_666 = arith.index_cast %parallel_loop3A_664 : i32 to index
        %parallel_loop3A_667 = arith.index_cast %parallel_loop3A_662 : i32 to index
        %parallel_loop3A_668 = arith.constant 0 : index
        %parallel_loop3A_669 = tpu.vector_load %arg8[%parallel_loop3A_665, %parallel_loop3A_666, %parallel_loop3A_667, %parallel_loop3A_668] {strides = array<i32>} : memref<2x5x128x32xf32, #tpu.memory_space<vmem>>, vector<16xf32>,
        %parallel_loop3A_670 = arith.constant 0 : i32
        %parallel_loop3A_671 = arith.constant 4 : i32
        %parallel_loop3A_672 = arith.index_cast %parallel_loop3A_670 : i32 to index
        %parallel_loop3A_673 = arith.index_cast %parallel_loop3A_671 : i32 to index
        %parallel_loop3A_674 = arith.index_cast %parallel_loop3A_662 : i32 to index
        %parallel_loop3A_675 = arith.constant 16 : index
        %parallel_loop3A_676 = tpu.vector_load %arg8[%parallel_loop3A_672, %parallel_loop3A_673, %parallel_loop3A_674, %parallel_loop3A_675] {strides = array<i32>} : memref<2x5x128x32xf32, #tpu.memory_space<vmem>>, vector<16xf32>,
        %parallel_loop3A_677 = arith.constant 5 : i32
        %parallel_loop3A_678 = arith.addi %parallel_loop3A_592, %parallel_loop3A_677 : i32
        %parallel_loop3A_679 = arith.constant 0 : i32
        %parallel_loop3A_680 = arith.constant 4 : i32
        %parallel_loop3A_681 = arith.index_cast %parallel_loop3A_679 : i32 to index
        %parallel_loop3A_682 = arith.index_cast %parallel_loop3A_680 : i32 to index
        %parallel_loop3A_683 = arith.index_cast %parallel_loop3A_678 : i32 to index
        %parallel_loop3A_684 = arith.constant 0 : index
        %parallel_loop3A_685 = tpu.vector_load %arg8[%parallel_loop3A_681, %parallel_loop3A_682, %parallel_loop3A_683, %parallel_loop3A_684] {strides = array<i32>} : memref<2x5x128x32xf32, #tpu.memory_space<vmem>>, vector<16xf32>,
        %parallel_loop3A_686 = arith.constant 0 : i32
        %parallel_loop3A_687 = arith.constant 4 : i32
        %parallel_loop3A_688 = arith.index_cast %parallel_loop3A_686 : i32 to index
        %parallel_loop3A_689 = arith.index_cast %parallel_loop3A_687 : i32 to index
        %parallel_loop3A_690 = arith.index_cast %parallel_loop3A_678 : i32 to index
        %parallel_loop3A_691 = arith.constant 16 : index
        %parallel_loop3A_692 = tpu.vector_load %arg8[%parallel_loop3A_688, %parallel_loop3A_689, %parallel_loop3A_690, %parallel_loop3A_691] {strides = array<i32>} : memref<2x5x128x32xf32, #tpu.memory_space<vmem>>, vector<16xf32>,
        %parallel_loop3A_693 = arith.constant 6 : i32
        %parallel_loop3A_694 = arith.addi %parallel_loop3A_592, %parallel_loop3A_693 : i32
        %parallel_loop3A_695 = arith.constant 0 : i32
        %parallel_loop3A_696 = arith.constant 4 : i32
        %parallel_loop3A_697 = arith.index_cast %parallel_loop3A_695 : i32 to index
        %parallel_loop3A_698 = arith.index_cast %parallel_loop3A_696 : i32 to index
        %parallel_loop3A_699 = arith.index_cast %parallel_loop3A_694 : i32 to index
        %parallel_loop3A_700 = arith.constant 0 : index
        %parallel_loop3A_701 = tpu.vector_load %arg8[%parallel_loop3A_697, %parallel_loop3A_698, %parallel_loop3A_699, %parallel_loop3A_700] {strides = array<i32>} : memref<2x5x128x32xf32, #tpu.memory_space<vmem>>, vector<16xf32>,
        %parallel_loop3A_702 = arith.constant 0 : i32
        %parallel_loop3A_703 = arith.constant 4 : i32
        %parallel_loop3A_704 = arith.index_cast %parallel_loop3A_702 : i32 to index
        %parallel_loop3A_705 = arith.index_cast %parallel_loop3A_703 : i32 to index
        %parallel_loop3A_706 = arith.index_cast %parallel_loop3A_694 : i32 to index
        %parallel_loop3A_707 = arith.constant 16 : index
        %parallel_loop3A_708 = tpu.vector_load %arg8[%parallel_loop3A_704, %parallel_loop3A_705, %parallel_loop3A_706, %parallel_loop3A_707] {strides = array<i32>} : memref<2x5x128x32xf32, #tpu.memory_space<vmem>>, vector<16xf32>,
        %parallel_loop3A_709 = arith.constant 7 : i32
        %parallel_loop3A_710 = arith.addi %parallel_loop3A_592, %parallel_loop3A_709 : i32
        %parallel_loop3A_711 = arith.constant 0 : i32
        %parallel_loop3A_712 = arith.constant 4 : i32
        %parallel_loop3A_713 = arith.index_cast %parallel_loop3A_711 : i32 to index
        %parallel_loop3A_714 = arith.index_cast %parallel_loop3A_712 : i32 to index
        %parallel_loop3A_715 = arith.index_cast %parallel_loop3A_710 : i32 to index
        %parallel_loop3A_716 = arith.constant 0 : index
        %parallel_loop3A_717 = tpu.vector_load %arg8[%parallel_loop3A_713, %parallel_loop3A_714, %parallel_loop3A_715, %parallel_loop3A_716] {strides = array<i32>} : memref<2x5x128x32xf32, #tpu.memory_space<vmem>>, vector<16xf32>,
        %parallel_loop3A_718 = arith.constant 0 : i32
        %parallel_loop3A_719 = arith.constant 4 : i32
        %parallel_loop3A_720 = arith.index_cast %parallel_loop3A_718 : i32 to index
        %parallel_loop3A_721 = arith.index_cast %parallel_loop3A_719 : i32 to index
        %parallel_loop3A_722 = arith.index_cast %parallel_loop3A_710 : i32 to index
        %parallel_loop3A_723 = arith.constant 16 : index
        %parallel_loop3A_724 = tpu.vector_load %arg8[%parallel_loop3A_720, %parallel_loop3A_721, %parallel_loop3A_722, %parallel_loop3A_723] {strides = array<i32>} : memref<2x5x128x32xf32, #tpu.memory_space<vmem>>, vector<16xf32>,
        %parallel_loop3A_725 = arith.constant 1 : i32
        %parallel_loop3A_726 = vector.broadcast %parallel_loop3A_725 : i32 to vector<16xi32>
        %parallel_loop3A_727 = arith.addi %parallel_loop3A_596, %parallel_loop3A_726 : vector<16xi32>
        %parallel_loop3A_728 = arith.constant 2 : i32
        %parallel_loop3A_729 = vector.broadcast %parallel_loop3A_728 : i32 to vector<16xi32>
        %parallel_loop3A_730 = arith.addi %parallel_loop3A_596, %parallel_loop3A_729 : vector<16xi32>
        %parallel_loop3A_731 = arith.constant 3 : i32
        %parallel_loop3A_732 = vector.broadcast %parallel_loop3A_731 : i32 to vector<16xi32>
        %parallel_loop3A_733 = arith.addi %parallel_loop3A_596, %parallel_loop3A_732 : vector<16xi32>
        %parallel_loop3A_734 = arith.constant 4 : i32
        %parallel_loop3A_735 = vector.broadcast %parallel_loop3A_734 : i32 to vector<16xi32>
        %parallel_loop3A_736 = arith.addi %parallel_loop3A_596, %parallel_loop3A_735 : vector<16xi32>
        %parallel_loop3A_737 = arith.constant 5 : i32
        %parallel_loop3A_738 = vector.broadcast %parallel_loop3A_737 : i32 to vector<16xi32>
        %parallel_loop3A_739 = arith.addi %parallel_loop3A_596, %parallel_loop3A_738 : vector<16xi32>
        %parallel_loop3A_740 = arith.constant 6 : i32
        %parallel_loop3A_741 = vector.broadcast %parallel_loop3A_740 : i32 to vector<16xi32>
        %parallel_loop3A_742 = arith.addi %parallel_loop3A_596, %parallel_loop3A_741 : vector<16xi32>
        %parallel_loop3A_743 = arith.constant 7 : i32
        %parallel_loop3A_744 = vector.broadcast %parallel_loop3A_743 : i32 to vector<16xi32>
        %parallel_loop3A_745 = arith.addi %parallel_loop3A_596, %parallel_loop3A_744 : vector<16xi32>
        %parallel_loop3A_746 = arith.addf %parallel_loop3A_605, %get3A_367 : vector<16xf32>
        %parallel_loop3A_747 = arith.addf %parallel_loop3A_612, %get3A_370 : vector<16xf32>
        %parallel_loop3A_748 = arith.addf %parallel_loop3A_621, %get3A_367 : vector<16xf32>
        %parallel_loop3A_749 = arith.addf %parallel_loop3A_628, %get3A_370 : vector<16xf32>
        %parallel_loop3A_750 = arith.addf %parallel_loop3A_637, %get3A_367 : vector<16xf32>
        %parallel_loop3A_751 = arith.addf %parallel_loop3A_644, %get3A_370 : vector<16xf32>
        %parallel_loop3A_752 = arith.addf %parallel_loop3A_653, %get3A_367 : vector<16xf32>
        %parallel_loop3A_753 = arith.addf %parallel_loop3A_660, %get3A_370 : vector<16xf32>
        %parallel_loop3A_754 = arith.addf %parallel_loop3A_669, %get3A_367 : vector<16xf32>
        %parallel_loop3A_755 = arith.addf %parallel_loop3A_676, %get3A_370 : vector<16xf32>
        %parallel_loop3A_756 = arith.addf %parallel_loop3A_685, %get3A_367 : vector<16xf32>
        %parallel_loop3A_757 = arith.addf %parallel_loop3A_692, %get3A_370 : vector<16xf32>
        %parallel_loop3A_758 = arith.addf %parallel_loop3A_701, %get3A_367 : vector<16xf32>
        %parallel_loop3A_759 = arith.addf %parallel_loop3A_708, %get3A_370 : vector<16xf32>
        %parallel_loop3A_760 = arith.addf %parallel_loop3A_717, %get3A_367 : vector<16xf32>
        %parallel_loop3A_761 = arith.addf %parallel_loop3A_724, %get3A_370 : vector<16xf32>
        %parallel_loop3A_762 = arith.constant 0 : i32
        %parallel_loop3A_763 = arith.constant 0 : i32
        %parallel_loop3A_764 = arith.constant 0 : i32
        %parallel_loop3A_765 = tpu.memref_slice %arg9[%parallel_loop3A_374, %parallel_loop3A_375, %parallel_loop3A_762, %parallel_loop3A_763, %parallel_loop3A_764] : memref<2x5x4x8x133xf32, #tpu.memory_space<vmem>> -> memref<1x1x4x8x133xf32, #tpu.memory_space<vmem>>
        %parallel_loop3A_766 = tpu.memref_squeeze %parallel_loop3A_765 : memref<1x1x4x8x133xf32, #tpu.memory_space<vmem>> -> memref<4x8x133xf32, #tpu.memory_space<vmem>>
        tpu.vector_store_idx %parallel_loop3A_766[%select_n3A, %select_n3A_48, %parallel_loop3A_596], %parallel_loop3A_746 : memref<4x8x133xf32, #tpu.memory_space<vmem>>[vector<16xi32>, vector<16xi32>, vector<16xi32>], vector<16xf32>,
        %parallel_loop3A_767 = arith.constant 0 : i32
        %parallel_loop3A_768 = arith.constant 0 : i32
        %parallel_loop3A_769 = arith.constant 0 : i32
        %parallel_loop3A_770 = tpu.memref_slice %arg9[%parallel_loop3A_374, %parallel_loop3A_375, %parallel_loop3A_767, %parallel_loop3A_768, %parallel_loop3A_769] : memref<2x5x4x8x133xf32, #tpu.memory_space<vmem>> -> memref<1x1x4x8x133xf32, #tpu.memory_space<vmem>>
        %parallel_loop3A_771 = tpu.memref_squeeze %parallel_loop3A_770 : memref<1x1x4x8x133xf32, #tpu.memory_space<vmem>> -> memref<4x8x133xf32, #tpu.memory_space<vmem>>
        tpu.vector_store_idx %parallel_loop3A_771[%add3A_28, %select_n3A_48, %parallel_loop3A_596], %parallel_loop3A_747 : memref<4x8x133xf32, #tpu.memory_space<vmem>>[vector<16xi32>, vector<16xi32>, vector<16xi32>], vector<16xf32>,
        %parallel_loop3A_772 = arith.constant 0 : i32
        %parallel_loop3A_773 = arith.constant 0 : i32
        %parallel_loop3A_774 = arith.constant 0 : i32
        %parallel_loop3A_775 = tpu.memref_slice %arg9[%parallel_loop3A_374, %parallel_loop3A_375, %parallel_loop3A_772, %parallel_loop3A_773, %parallel_loop3A_774] : memref<2x5x4x8x133xf32, #tpu.memory_space<vmem>> -> memref<1x1x4x8x133xf32, #tpu.memory_space<vmem>>
        %parallel_loop3A_776 = tpu.memref_squeeze %parallel_loop3A_775 : memref<1x1x4x8x133xf32, #tpu.memory_space<vmem>> -> memref<4x8x133xf32, #tpu.memory_space<vmem>>
        tpu.vector_store_idx %parallel_loop3A_776[%select_n3A, %select_n3A_48, %parallel_loop3A_727], %parallel_loop3A_748 : memref<4x8x133xf32, #tpu.memory_space<vmem>>[vector<16xi32>, vector<16xi32>, vector<16xi32>], vector<16xf32>,
        %parallel_loop3A_777 = arith.constant 0 : i32
        %parallel_loop3A_778 = arith.constant 0 : i32
        %parallel_loop3A_779 = arith.constant 0 : i32
        %parallel_loop3A_780 = tpu.memref_slice %arg9[%parallel_loop3A_374, %parallel_loop3A_375, %parallel_loop3A_777, %parallel_loop3A_778, %parallel_loop3A_779] : memref<2x5x4x8x133xf32, #tpu.memory_space<vmem>> -> memref<1x1x4x8x133xf32, #tpu.memory_space<vmem>>
        %parallel_loop3A_781 = tpu.memref_squeeze %parallel_loop3A_780 : memref<1x1x4x8x133xf32, #tpu.memory_space<vmem>> -> memref<4x8x133xf32, #tpu.memory_space<vmem>>
        tpu.vector_store_idx %parallel_loop3A_781[%add3A_28, %select_n3A_48, %parallel_loop3A_727], %parallel_loop3A_749 : memref<4x8x133xf32, #tpu.memory_space<vmem>>[vector<16xi32>, vector<16xi32>, vector<16xi32>], vector<16xf32>,
        %parallel_loop3A_782 = arith.constant 0 : i32
        %parallel_loop3A_783 = arith.constant 0 : i32
        %parallel_loop3A_784 = arith.constant 0 : i32
        %parallel_loop3A_785 = tpu.memref_slice %arg9[%parallel_loop3A_374, %parallel_loop3A_375, %parallel_loop3A_782, %parallel_loop3A_783, %parallel_loop3A_784] : memref<2x5x4x8x133xf32, #tpu.memory_space<vmem>> -> memref<1x1x4x8x133xf32, #tpu.memory_space<vmem>>
        %parallel_loop3A_786 = tpu.memref_squeeze %parallel_loop3A_785 : memref<1x1x4x8x133xf32, #tpu.memory_space<vmem>> -> memref<4x8x133xf32, #tpu.memory_space<vmem>>
        tpu.vector_store_idx %parallel_loop3A_786[%select_n3A, %select_n3A_48, %parallel_loop3A_730], %parallel_loop3A_750 : memref<4x8x133xf32, #tpu.memory_space<vmem>>[vector<16xi32>, vector<16xi32>, vector<16xi32>], vector<16xf32>,
        %parallel_loop3A_787 = arith.constant 0 : i32
        %parallel_loop3A_788 = arith.constant 0 : i32
        %parallel_loop3A_789 = arith.constant 0 : i32
        %parallel_loop3A_790 = tpu.memref_slice %arg9[%parallel_loop3A_374, %parallel_loop3A_375, %parallel_loop3A_787, %parallel_loop3A_788, %parallel_loop3A_789] : memref<2x5x4x8x133xf32, #tpu.memory_space<vmem>> -> memref<1x1x4x8x133xf32, #tpu.memory_space<vmem>>
        %parallel_loop3A_791 = tpu.memref_squeeze %parallel_loop3A_790 : memref<1x1x4x8x133xf32, #tpu.memory_space<vmem>> -> memref<4x8x133xf32, #tpu.memory_space<vmem>>
        tpu.vector_store_idx %parallel_loop3A_791[%add3A_28, %select_n3A_48, %parallel_loop3A_730], %parallel_loop3A_751 : memref<4x8x133xf32, #tpu.memory_space<vmem>>[vector<16xi32>, vector<16xi32>, vector<16xi32>], vector<16xf32>,
        %parallel_loop3A_792 = arith.constant 0 : i32
        %parallel_loop3A_793 = arith.constant 0 : i32
        %parallel_loop3A_794 = arith.constant 0 : i32
        %parallel_loop3A_795 = tpu.memref_slice %arg9[%parallel_loop3A_374, %parallel_loop3A_375, %parallel_loop3A_792, %parallel_loop3A_793, %parallel_loop3A_794] : memref<2x5x4x8x133xf32, #tpu.memory_space<vmem>> -> memref<1x1x4x8x133xf32, #tpu.memory_space<vmem>>
        %parallel_loop3A_796 = tpu.memref_squeeze %parallel_loop3A_795 : memref<1x1x4x8x133xf32, #tpu.memory_space<vmem>> -> memref<4x8x133xf32, #tpu.memory_space<vmem>>
        tpu.vector_store_idx %parallel_loop3A_796[%select_n3A, %select_n3A_48, %parallel_loop3A_733], %parallel_loop3A_752 : memref<4x8x133xf32, #tpu.memory_space<vmem>>[vector<16xi32>, vector<16xi32>, vector<16xi32>], vector<16xf32>,
        %parallel_loop3A_797 = arith.constant 0 : i32
        %parallel_loop3A_798 = arith.constant 0 : i32
        %parallel_loop3A_799 = arith.constant 0 : i32
        %parallel_loop3A_800 = tpu.memref_slice %arg9[%parallel_loop3A_374, %parallel_loop3A_375, %parallel_loop3A_797, %parallel_loop3A_798, %parallel_loop3A_799] : memref<2x5x4x8x133xf32, #tpu.memory_space<vmem>> -> memref<1x1x4x8x133xf32, #tpu.memory_space<vmem>>
        %parallel_loop3A_801 = tpu.memref_squeeze %parallel_loop3A_800 : memref<1x1x4x8x133xf32, #tpu.memory_space<vmem>> -> memref<4x8x133xf32, #tpu.memory_space<vmem>>
        tpu.vector_store_idx %parallel_loop3A_801[%add3A_28, %select_n3A_48, %parallel_loop3A_733], %parallel_loop3A_753 : memref<4x8x133xf32, #tpu.memory_space<vmem>>[vector<16xi32>, vector<16xi32>, vector<16xi32>], vector<16xf32>,
        %parallel_loop3A_802 = arith.constant 0 : i32
        %parallel_loop3A_803 = arith.constant 0 : i32
        %parallel_loop3A_804 = arith.constant 0 : i32
        %parallel_loop3A_805 = tpu.memref_slice %arg9[%parallel_loop3A_374, %parallel_loop3A_375, %parallel_loop3A_802, %parallel_loop3A_803, %parallel_loop3A_804] : memref<2x5x4x8x133xf32, #tpu.memory_space<vmem>> -> memref<1x1x4x8x133xf32, #tpu.memory_space<vmem>>
        %parallel_loop3A_806 = tpu.memref_squeeze %parallel_loop3A_805 : memref<1x1x4x8x133xf32, #tpu.memory_space<vmem>> -> memref<4x8x133xf32, #tpu.memory_space<vmem>>
        tpu.vector_store_idx %parallel_loop3A_806[%select_n3A, %select_n3A_48, %parallel_loop3A_736], %parallel_loop3A_754 : memref<4x8x133xf32, #tpu.memory_space<vmem>>[vector<16xi32>, vector<16xi32>, vector<16xi32>], vector<16xf32>,
        %parallel_loop3A_807 = arith.constant 0 : i32
        %parallel_loop3A_808 = arith.constant 0 : i32
        %parallel_loop3A_809 = arith.constant 0 : i32
        %parallel_loop3A_810 = tpu.memref_slice %arg9[%parallel_loop3A_374, %parallel_loop3A_375, %parallel_loop3A_807, %parallel_loop3A_808, %parallel_loop3A_809] : memref<2x5x4x8x133xf32, #tpu.memory_space<vmem>> -> memref<1x1x4x8x133xf32, #tpu.memory_space<vmem>>
        %parallel_loop3A_811 = tpu.memref_squeeze %parallel_loop3A_810 : memref<1x1x4x8x133xf32, #tpu.memory_space<vmem>> -> memref<4x8x133xf32, #tpu.memory_space<vmem>>
        tpu.vector_store_idx %parallel_loop3A_811[%add3A_28, %select_n3A_48, %parallel_loop3A_736], %parallel_loop3A_755 : memref<4x8x133xf32, #tpu.memory_space<vmem>>[vector<16xi32>, vector<16xi32>, vector<16xi32>], vector<16xf32>,
        %parallel_loop3A_812 = arith.constant 0 : i32
        %parallel_loop3A_813 = arith.constant 0 : i32
        %parallel_loop3A_814 = arith.constant 0 : i32
        %parallel_loop3A_815 = tpu.memref_slice %arg9[%parallel_loop3A_374, %parallel_loop3A_375, %parallel_loop3A_812, %parallel_loop3A_813, %parallel_loop3A_814] : memref<2x5x4x8x133xf32, #tpu.memory_space<vmem>> -> memref<1x1x4x8x133xf32, #tpu.memory_space<vmem>>
        %parallel_loop3A_816 = tpu.memref_squeeze %parallel_loop3A_815 : memref<1x1x4x8x133xf32, #tpu.memory_space<vmem>> -> memref<4x8x133xf32, #tpu.memory_space<vmem>>
        tpu.vector_store_idx %parallel_loop3A_816[%select_n3A, %select_n3A_48, %parallel_loop3A_739], %parallel_loop3A_756 : memref<4x8x133xf32, #tpu.memory_space<vmem>>[vector<16xi32>, vector<16xi32>, vector<16xi32>], vector<16xf32>,
        %parallel_loop3A_817 = arith.constant 0 : i32
        %parallel_loop3A_818 = arith.constant 0 : i32
        %parallel_loop3A_819 = arith.constant 0 : i32
        %parallel_loop3A_820 = tpu.memref_slice %arg9[%parallel_loop3A_374, %parallel_loop3A_375, %parallel_loop3A_817, %parallel_loop3A_818, %parallel_loop3A_819] : memref<2x5x4x8x133xf32, #tpu.memory_space<vmem>> -> memref<1x1x4x8x133xf32, #tpu.memory_space<vmem>>
        %parallel_loop3A_821 = tpu.memref_squeeze %parallel_loop3A_820 : memref<1x1x4x8x133xf32, #tpu.memory_space<vmem>> -> memref<4x8x133xf32, #tpu.memory_space<vmem>>
        tpu.vector_store_idx %parallel_loop3A_821[%add3A_28, %select_n3A_48, %parallel_loop3A_739], %parallel_loop3A_757 : memref<4x8x133xf32, #tpu.memory_space<vmem>>[vector<16xi32>, vector<16xi32>, vector<16xi32>], vector<16xf32>,
        %parallel_loop3A_822 = arith.constant 0 : i32
        %parallel_loop3A_823 = arith.constant 0 : i32
        %parallel_loop3A_824 = arith.constant 0 : i32
        %parallel_loop3A_825 = tpu.memref_slice %arg9[%parallel_loop3A_374, %parallel_loop3A_375, %parallel_loop3A_822, %parallel_loop3A_823, %parallel_loop3A_824] : memref<2x5x4x8x133xf32, #tpu.memory_space<vmem>> -> memref<1x1x4x8x133xf32, #tpu.memory_space<vmem>>
        %parallel_loop3A_826 = tpu.memref_squeeze %parallel_loop3A_825 : memref<1x1x4x8x133xf32, #tpu.memory_space<vmem>> -> memref<4x8x133xf32, #tpu.memory_space<vmem>>
        tpu.vector_store_idx %parallel_loop3A_826[%select_n3A, %select_n3A_48, %parallel_loop3A_742], %parallel_loop3A_758 : memref<4x8x133xf32, #tpu.memory_space<vmem>>[vector<16xi32>, vector<16xi32>, vector<16xi32>], vector<16xf32>,
        %parallel_loop3A_827 = arith.constant 0 : i32
        %parallel_loop3A_828 = arith.constant 0 : i32
        %parallel_loop3A_829 = arith.constant 0 : i32
        %parallel_loop3A_830 = tpu.memref_slice %arg9[%parallel_loop3A_374, %parallel_loop3A_375, %parallel_loop3A_827, %parallel_loop3A_828, %parallel_loop3A_829] : memref<2x5x4x8x133xf32, #tpu.memory_space<vmem>> -> memref<1x1x4x8x133xf32, #tpu.memory_space<vmem>>
        %parallel_loop3A_831 = tpu.memref_squeeze %parallel_loop3A_830 : memref<1x1x4x8x133xf32, #tpu.memory_space<vmem>> -> memref<4x8x133xf32, #tpu.memory_space<vmem>>
        tpu.vector_store_idx %parallel_loop3A_831[%add3A_28, %select_n3A_48, %parallel_loop3A_742], %parallel_loop3A_759 : memref<4x8x133xf32, #tpu.memory_space<vmem>>[vector<16xi32>, vector<16xi32>, vector<16xi32>], vector<16xf32>,
        %parallel_loop3A_832 = arith.constant 0 : i32
        %parallel_loop3A_833 = arith.constant 0 : i32
        %parallel_loop3A_834 = arith.constant 0 : i32
        %parallel_loop3A_835 = tpu.memref_slice %arg9[%parallel_loop3A_374, %parallel_loop3A_375, %parallel_loop3A_832, %parallel_loop3A_833, %parallel_loop3A_834] : memref<2x5x4x8x133xf32, #tpu.memory_space<vmem>> -> memref<1x1x4x8x133xf32, #tpu.memory_space<vmem>>
        %parallel_loop3A_836 = tpu.memref_squeeze %parallel_loop3A_835 : memref<1x1x4x8x133xf32, #tpu.memory_space<vmem>> -> memref<4x8x133xf32, #tpu.memory_space<vmem>>
        tpu.vector_store_idx %parallel_loop3A_836[%select_n3A, %select_n3A_48, %parallel_loop3A_745], %parallel_loop3A_760 : memref<4x8x133xf32, #tpu.memory_space<vmem>>[vector<16xi32>, vector<16xi32>, vector<16xi32>], vector<16xf32>,
        %parallel_loop3A_837 = arith.constant 0 : i32
        %parallel_loop3A_838 = arith.constant 0 : i32
        %parallel_loop3A_839 = arith.constant 0 : i32
        %parallel_loop3A_840 = tpu.memref_slice %arg9[%parallel_loop3A_374, %parallel_loop3A_375, %parallel_loop3A_837, %parallel_loop3A_838, %parallel_loop3A_839] : memref<2x5x4x8x133xf32, #tpu.memory_space<vmem>> -> memref<1x1x4x8x133xf32, #tpu.memory_space<vmem>>
        %parallel_loop3A_841 = tpu.memref_squeeze %parallel_loop3A_840 : memref<1x1x4x8x133xf32, #tpu.memory_space<vmem>> -> memref<4x8x133xf32, #tpu.memory_space<vmem>>
        tpu.vector_store_idx %parallel_loop3A_841[%add3A_28, %select_n3A_48, %parallel_loop3A_745], %parallel_loop3A_761 : memref<4x8x133xf32, #tpu.memory_space<vmem>>[vector<16xi32>, vector<16xi32>, vector<16xi32>], vector<16xf32>,
      } {sc.loop_unroll_factor = 1 : i64, sc.parallel_access}
      %mul3A_376 = arith.constant 5 : i32
      %mul3A_377 = arith.muli %add3A_216, %mul3A_376 : i32
      %dma_start3A_378 = arith.constant 0 : i32
      %dma_start3A_379 = arith.constant 0 : i32
      %dma_start3A_380 = arith.constant 0 : i32
      %dma_start3A_381 = arith.constant 0 : i32
      %dma_start3A_382 = arith.constant 0 : i32
      %dma_start3A_383 = tpu.memref_slice %arg9[%dma_start3A_378, %dma_start3A_379, %dma_start3A_380, %dma_start3A_381, %dma_start3A_382] : memref<2x5x4x8x133xf32, #tpu.memory_space<vmem>> -> memref<1x5x4x8x128xf32, #tpu.memory_space<vmem>>
      %dma_start3A_384 = tpu.memref_squeeze %dma_start3A_383 : memref<1x5x4x8x128xf32, #tpu.memory_space<vmem>> -> memref<5x4x8x128xf32, #tpu.memory_space<vmem>>
      %dma_start3A_385 = arith.constant 0 : i32
      %dma_start3A_386 = arith.constant 0 : i32
      %dma_start3A_387 = arith.constant 0 : i32
      %dma_start3A_388 = tpu.memref_slice %arg5[%mul3A_377, %dma_start3A_385, %add3A, %dma_start3A_386, %dma_start3A_387] : memref<200x4x32x8x128xf32, #tpu.memory_space<hbm>> -> memref<5x4x1x8x128xf32, #tpu.memory_space<hbm>>
      %dma_start3A_389 = tpu.memref_squeeze %dma_start3A_388 : memref<5x4x1x8x128xf32, #tpu.memory_space<hbm>> -> memref<5x4x8x128xf32, #tpu.memory_space<hbm>>
      %dma_start3A_390 = arith.constant 0 : i32
      %dma_start3A_391 = arith.constant 0 : i32
      %dma_start3A_392 = arith.constant 0 : i32
      %dma_start3A_393 = tpu.memref_slice %arg5[%mul3A_377, %dma_start3A_390, %add3A, %dma_start3A_391, %dma_start3A_392] : memref<200x4x32x8x128xf32, #tpu.memory_space<hbm>> -> memref<5x4x1x8x128xf32, #tpu.memory_space<hbm>>
      %dma_start3A_394 = tpu.memref_squeeze %dma_start3A_393 : memref<5x4x1x8x128xf32, #tpu.memory_space<hbm>> -> memref<5x4x8x128xf32, #tpu.memory_space<hbm>>
      %dma_start3A_395 = arith.constant 0 : i32
      %dma_start3A_396 = arith.constant 0 : i32
      %dma_start3A_397 = arith.constant 0 : i32
      %dma_start3A_398 = arith.constant 0 : i32
      %dma_start3A_399 = tpu.memref_slice %arg9[%dma_start3A_378, %dma_start3A_395, %dma_start3A_396, %dma_start3A_397, %dma_start3A_398] : memref<2x5x4x8x133xf32, #tpu.memory_space<vmem>> -> memref<1x5x4x8x128xf32, #tpu.memory_space<vmem>>
      %dma_start3A_400 = tpu.memref_squeeze %dma_start3A_399 : memref<1x5x4x8x128xf32, #tpu.memory_space<vmem>> -> memref<5x4x8x128xf32, #tpu.memory_space<vmem>>
      tpu.enqueue_dma source(%dma_start3A_400 : memref<5x4x8x128xf32, #tpu.memory_space<vmem>>) target(%dma_start3A_394 : memref<5x4x8x128xf32, #tpu.memory_space<hbm>>) target_semaphore(%arg12 : memref<!tpu.dma_semaphore, #tpu.memory_space<semaphore_mem>>)
      %add3A_401 = arith.constant 1 : i32
      %add3A_402 = arith.addi %add3A_214, %add3A_401 : i32
      %add3A_403 = arith.constant 1 : i32
      %add3A_404 = arith.addi %add3A_402, %add3A_403 : i32
      %lt3A_405 = arith.constant 40 : i32
      %lt3A_406 = arith.cmpi slt, %add3A_404, %lt3A_405 : i32
      %convert_element_type3A_407 = arith.extui %lt3A_406 : i1 to i32
      %cond3A_408 = arith.constant 0 : i32
      %cond3A_409 = arith.cmpi ne, %convert_element_type3A_407, %cond3A_408 : i32
      scf.if %cond3A_409 {
        %add3A_592 = arith.constant 1 : i32
        %add3A_593 = arith.addi %add3A_402, %add3A_592 : i32
        %mul3A_594 = arith.constant 5 : i32
        %mul3A_595 = arith.muli %add3A_593, %mul3A_594 : i32
        %dma_wait3A_596 = arith.constant 0 : i32
        %dma_wait3A_597 = arith.constant 0 : i32
        %dma_wait3A_598 = arith.constant 0 : i32
        %dma_wait3A_599 = tpu.memref_slice %arg6[%dma_wait3A_596, %dma_wait3A_597, %dma_wait3A_598] : memref<2x5x128xi32, #tpu.memory_space<vmem>> -> memref<1x5x128xi32, #tpu.memory_space<vmem>>
        %dma_wait3A_600 = tpu.memref_squeeze %dma_wait3A_599 : memref<1x5x128xi32, #tpu.memory_space<vmem>> -> memref<5x128xi32, #tpu.memory_space<vmem>>
        %dma_wait3A_601 = tpu.memref_slice %arg3[%mul3A_595, %mul3A_2] : memref<200x4096xi32, #tpu.memory_space<hbm>> -> memref<5x128xi32, #tpu.memory_space<hbm>>
        %dma_wait3A_602 = arith.constant 0 : i32
        %dma_wait3A_603 = arith.constant 0 : i32
        %dma_wait3A_604 = tpu.memref_slice %arg6[%dma_wait3A_596, %dma_wait3A_602, %dma_wait3A_603] : memref<2x5x128xi32, #tpu.memory_space<vmem>> -> memref<1x5x128xi32, #tpu.memory_space<vmem>>
        %dma_wait3A_605 = tpu.memref_squeeze %dma_wait3A_604 : memref<1x5x128xi32, #tpu.memory_space<vmem>> -> memref<5x128xi32, #tpu.memory_space<vmem>>
        %dma_wait3A_606 = tpu.memref_slice %arg3[%mul3A_595, %mul3A_2] : memref<200x4096xi32, #tpu.memory_space<hbm>> -> memref<5x128xi32, #tpu.memory_space<hbm>>
        tpu.wait_dma2 semaphore(%arg14 : memref<!tpu.dma_semaphore, #tpu.memory_space<semaphore_mem>>) src(%dma_wait3A_606 : memref<5x128xi32, #tpu.memory_space<hbm>>) dst(%dma_wait3A_605 : memref<5x128xi32, #tpu.memory_space<vmem>>)
        %dma_start3A_607 = arith.constant 0 : i32
        %dma_start3A_608 = arith.constant 0 : i32
        %dma_start3A_609 = arith.constant 0 : i32
        %dma_start3A_610 = arith.constant 0 : i32
        %dma_start3A_611 = arith.constant 0 : i32
        %dma_start3A_612 = arith.constant 0 : i32
        %dma_start3A_613 = tpu.memref_slice %arg8[%dma_start3A_609, %dma_start3A_610, %dma_start3A_611, %dma_start3A_612] : memref<2x5x128x32xf32, #tpu.memory_space<vmem>> -> memref<1x1x128x32xf32, #tpu.memory_space<vmem>>
        %dma_start3A_614 = tpu.memref_squeeze %dma_start3A_613 : memref<1x1x128x32xf32, #tpu.memory_space<vmem>> -> memref<128x32xf32, #tpu.memory_space<vmem>>
        %dma_start3A_615 = arith.constant 0 : i32
        %dma_start3A_616 = tpu.memref_slice %arg6[%dma_start3A_607, %dma_start3A_608, %dma_start3A_615] : memref<2x5x128xi32, #tpu.memory_space<vmem>> -> memref<1x1x128xi32, #tpu.memory_space<vmem>>
        %dma_start3A_617 = tpu.memref_squeeze %dma_start3A_616 : memref<1x1x128xi32, #tpu.memory_space<vmem>> -> memref<128xi32, #tpu.memory_space<vmem>>
        %dma_start3A_618 = arith.constant 0 : i32
        %dma_start3A_619 = arith.constant 0 : i32
        %dma_start3A_620 = tpu.memref_slice %arg2[%dma_start3A_618, %dma_start3A_619] : memref<100000x32xf32, #tpu.memory_space<hbm>> -> memref<100000x32xf32, #tpu.memory_space<hbm>>
        tpu.enqueue_indirect_dma source(%dma_start3A_620 : memref<100000x32xf32, #tpu.memory_space<hbm>>) target(%dma_start3A_614 : memref<128x32xf32, #tpu.memory_space<vmem>>) offsets(%dma_start3A_617 : memref<128xi32, #tpu.memory_space<vmem>>) semaphore(%arg10 : memref<!tpu.dma_semaphore, #tpu.memory_space<semaphore_mem>>)
        %dma_start3A_621 = arith.constant 0 : i32
        %dma_start3A_622 = arith.constant 1 : i32
        %dma_start3A_623 = arith.constant 0 : i32
        %dma_start3A_624 = arith.constant 1 : i32
        %dma_start3A_625 = arith.constant 0 : i32
        %dma_start3A_626 = arith.constant 0 : i32
        %dma_start3A_627 = tpu.memref_slice %arg8[%dma_start3A_623, %dma_start3A_624, %dma_start3A_625, %dma_start3A_626] : memref<2x5x128x32xf32, #tpu.memory_space<vmem>> -> memref<1x1x128x32xf32, #tpu.memory_space<vmem>>
        %dma_start3A_628 = tpu.memref_squeeze %dma_start3A_627 : memref<1x1x128x32xf32, #tpu.memory_space<vmem>> -> memref<128x32xf32, #tpu.memory_space<vmem>>
        %dma_start3A_629 = arith.constant 0 : i32
        %dma_start3A_630 = tpu.memref_slice %arg6[%dma_start3A_621, %dma_start3A_622, %dma_start3A_629] : memref<2x5x128xi32, #tpu.memory_space<vmem>> -> memref<1x1x128xi32, #tpu.memory_space<vmem>>
        %dma_start3A_631 = tpu.memref_squeeze %dma_start3A_630 : memref<1x1x128xi32, #tpu.memory_space<vmem>> -> memref<128xi32, #tpu.memory_space<vmem>>
        %dma_start3A_632 = arith.constant 0 : i32
        %dma_start3A_633 = arith.constant 0 : i32
        %dma_start3A_634 = tpu.memref_slice %arg2[%dma_start3A_632, %dma_start3A_633] : memref<100000x32xf32, #tpu.memory_space<hbm>> -> memref<100000x32xf32, #tpu.memory_space<hbm>>
        tpu.enqueue_indirect_dma source(%dma_start3A_634 : memref<100000x32xf32, #tpu.memory_space<hbm>>) target(%dma_start3A_628 : memref<128x32xf32, #tpu.memory_space<vmem>>) offsets(%dma_start3A_631 : memref<128xi32, #tpu.memory_space<vmem>>) semaphore(%arg10 : memref<!tpu.dma_semaphore, #tpu.memory_space<semaphore_mem>>)
        %dma_start3A_635 = arith.constant 0 : i32
        %dma_start3A_636 = arith.constant 2 : i32
        %dma_start3A_637 = arith.constant 0 : i32
        %dma_start3A_638 = arith.constant 2 : i32
        %dma_start3A_639 = arith.constant 0 : i32
        %dma_start3A_640 = arith.constant 0 : i32
        %dma_start3A_641 = tpu.memref_slice %arg8[%dma_start3A_637, %dma_start3A_638, %dma_start3A_639, %dma_start3A_640] : memref<2x5x128x32xf32, #tpu.memory_space<vmem>> -> memref<1x1x128x32xf32, #tpu.memory_space<vmem>>
        %dma_start3A_642 = tpu.memref_squeeze %dma_start3A_641 : memref<1x1x128x32xf32, #tpu.memory_space<vmem>> -> memref<128x32xf32, #tpu.memory_space<vmem>>
        %dma_start3A_643 = arith.constant 0 : i32
        %dma_start3A_644 = tpu.memref_slice %arg6[%dma_start3A_635, %dma_start3A_636, %dma_start3A_643] : memref<2x5x128xi32, #tpu.memory_space<vmem>> -> memref<1x1x128xi32, #tpu.memory_space<vmem>>
        %dma_start3A_645 = tpu.memref_squeeze %dma_start3A_644 : memref<1x1x128xi32, #tpu.memory_space<vmem>> -> memref<128xi32, #tpu.memory_space<vmem>>
        %dma_start3A_646 = arith.constant 0 : i32
        %dma_start3A_647 = arith.constant 0 : i32
        %dma_start3A_648 = tpu.memref_slice %arg2[%dma_start3A_646, %dma_start3A_647] : memref<100000x32xf32, #tpu.memory_space<hbm>> -> memref<100000x32xf32, #tpu.memory_space<hbm>>
        tpu.enqueue_indirect_dma source(%dma_start3A_648 : memref<100000x32xf32, #tpu.memory_space<hbm>>) target(%dma_start3A_642 : memref<128x32xf32, #tpu.memory_space<vmem>>) offsets(%dma_start3A_645 : memref<128xi32, #tpu.memory_space<vmem>>) semaphore(%arg10 : memref<!tpu.dma_semaphore, #tpu.memory_space<semaphore_mem>>)
        %dma_start3A_649 = arith.constant 0 : i32
        %dma_start3A_650 = arith.constant 3 : i32
        %dma_start3A_651 = arith.constant 0 : i32
        %dma_start3A_652 = arith.constant 3 : i32
        %dma_start3A_653 = arith.constant 0 : i32
        %dma_start3A_654 = arith.constant 0 : i32
        %dma_start3A_655 = tpu.memref_slice %arg8[%dma_start3A_651, %dma_start3A_652, %dma_start3A_653, %dma_start3A_654] : memref<2x5x128x32xf32, #tpu.memory_space<vmem>> -> memref<1x1x128x32xf32, #tpu.memory_space<vmem>>
        %dma_start3A_656 = tpu.memref_squeeze %dma_start3A_655 : memref<1x1x128x32xf32, #tpu.memory_space<vmem>> -> memref<128x32xf32, #tpu.memory_space<vmem>>
        %dma_start3A_657 = arith.constant 0 : i32
        %dma_start3A_658 = tpu.memref_slice %arg6[%dma_start3A_649, %dma_start3A_650, %dma_start3A_657] : memref<2x5x128xi32, #tpu.memory_space<vmem>> -> memref<1x1x128xi32, #tpu.memory_space<vmem>>
        %dma_start3A_659 = tpu.memref_squeeze %dma_start3A_658 : memref<1x1x128xi32, #tpu.memory_space<vmem>> -> memref<128xi32, #tpu.memory_space<vmem>>
        %dma_start3A_660 = arith.constant 0 : i32
        %dma_start3A_661 = arith.constant 0 : i32
        %dma_start3A_662 = tpu.memref_slice %arg2[%dma_start3A_660, %dma_start3A_661] : memref<100000x32xf32, #tpu.memory_space<hbm>> -> memref<100000x32xf32, #tpu.memory_space<hbm>>
        tpu.enqueue_indirect_dma source(%dma_start3A_662 : memref<100000x32xf32, #tpu.memory_space<hbm>>) target(%dma_start3A_656 : memref<128x32xf32, #tpu.memory_space<vmem>>) offsets(%dma_start3A_659 : memref<128xi32, #tpu.memory_space<vmem>>) semaphore(%arg10 : memref<!tpu.dma_semaphore, #tpu.memory_space<semaphore_mem>>)
        %dma_start3A_663 = arith.constant 0 : i32
        %dma_start3A_664 = arith.constant 4 : i32
        %dma_start3A_665 = arith.constant 0 : i32
        %dma_start3A_666 = arith.constant 4 : i32
        %dma_start3A_667 = arith.constant 0 : i32
        %dma_start3A_668 = arith.constant 0 : i32
        %dma_start3A_669 = tpu.memref_slice %arg8[%dma_start3A_665, %dma_start3A_666, %dma_start3A_667, %dma_start3A_668] : memref<2x5x128x32xf32, #tpu.memory_space<vmem>> -> memref<1x1x128x32xf32, #tpu.memory_space<vmem>>
        %dma_start3A_670 = tpu.memref_squeeze %dma_start3A_669 : memref<1x1x128x32xf32, #tpu.memory_space<vmem>> -> memref<128x32xf32, #tpu.memory_space<vmem>>
        %dma_start3A_671 = arith.constant 0 : i32
        %dma_start3A_672 = tpu.memref_slice %arg6[%dma_start3A_663, %dma_start3A_664, %dma_start3A_671] : memref<2x5x128xi32, #tpu.memory_space<vmem>> -> memref<1x1x128xi32, #tpu.memory_space<vmem>>
        %dma_start3A_673 = tpu.memref_squeeze %dma_start3A_672 : memref<1x1x128xi32, #tpu.memory_space<vmem>> -> memref<128xi32, #tpu.memory_space<vmem>>
        %dma_start3A_674 = arith.constant 0 : i32
        %dma_start3A_675 = arith.constant 0 : i32
        %dma_start3A_676 = tpu.memref_slice %arg2[%dma_start3A_674, %dma_start3A_675] : memref<100000x32xf32, #tpu.memory_space<hbm>> -> memref<100000x32xf32, #tpu.memory_space<hbm>>
        tpu.enqueue_indirect_dma source(%dma_start3A_676 : memref<100000x32xf32, #tpu.memory_space<hbm>>) target(%dma_start3A_670 : memref<128x32xf32, #tpu.memory_space<vmem>>) offsets(%dma_start3A_673 : memref<128xi32, #tpu.memory_space<vmem>>) semaphore(%arg10 : memref<!tpu.dma_semaphore, #tpu.memory_space<semaphore_mem>>)
      } else {
      }
      %dma_wait3A_410 = arith.constant 1 : i32
      %dma_wait3A_411 = arith.constant 0 : i32
      %dma_wait3A_412 = arith.constant 1 : i32
      %dma_wait3A_413 = arith.constant 0 : i32
      %dma_wait3A_414 = arith.constant 0 : i32
      %dma_wait3A_415 = arith.constant 0 : i32
      %dma_wait3A_416 = tpu.memref_slice %arg8[%dma_wait3A_412, %dma_wait3A_413, %dma_wait3A_414, %dma_wait3A_415] : memref<2x5x128x32xf32, #tpu.memory_space<vmem>> -> memref<1x1x128x32xf32, #tpu.memory_space<vmem>>
      %dma_wait3A_417 = tpu.memref_squeeze %dma_wait3A_416 : memref<1x1x128x32xf32, #tpu.memory_space<vmem>> -> memref<128x32xf32, #tpu.memory_space<vmem>>
      %dma_wait3A_418 = arith.constant 0 : i32
      %dma_wait3A_419 = tpu.memref_slice %arg6[%dma_wait3A_410, %dma_wait3A_411, %dma_wait3A_418] : memref<2x5x128xi32, #tpu.memory_space<vmem>> -> memref<1x1x128xi32, #tpu.memory_space<vmem>>
      %dma_wait3A_420 = tpu.memref_squeeze %dma_wait3A_419 : memref<1x1x128xi32, #tpu.memory_space<vmem>> -> memref<128xi32, #tpu.memory_space<vmem>>
      %dma_wait3A_421 = arith.constant 0 : i32
      %dma_wait3A_422 = arith.constant 0 : i32
      %dma_wait3A_423 = tpu.memref_slice %arg2[%dma_wait3A_421, %dma_wait3A_422] : memref<100000x32xf32, #tpu.memory_space<hbm>> -> memref<100000x32xf32, #tpu.memory_space<hbm>>
      tpu.wait_indirect_dma semaphore(%arg11 : memref<!tpu.dma_semaphore, #tpu.memory_space<semaphore_mem>>) src(%dma_wait3A_423 : memref<100000x32xf32, #tpu.memory_space<hbm>>) dst(%dma_wait3A_417 : memref<128x32xf32, #tpu.memory_space<vmem>>)
      %dma_wait3A_424 = arith.constant 1 : i32
      %dma_wait3A_425 = arith.constant 1 : i32
      %dma_wait3A_426 = arith.constant 1 : i32
      %dma_wait3A_427 = arith.constant 1 : i32
      %dma_wait3A_428 = arith.constant 0 : i32
      %dma_wait3A_429 = arith.constant 0 : i32
      %dma_wait3A_430 = tpu.memref_slice %arg8[%dma_wait3A_426, %dma_wait3A_427, %dma_wait3A_428, %dma_wait3A_429] : memref<2x5x128x32xf32, #tpu.memory_space<vmem>> -> memref<1x1x128x32xf32, #tpu.memory_space<vmem>>
      %dma_wait3A_431 = tpu.memref_squeeze %dma_wait3A_430 : memref<1x1x128x32xf32, #tpu.memory_space<vmem>> -> memref<128x32xf32, #tpu.memory_space<vmem>>
      %dma_wait3A_432 = arith.constant 0 : i32
      %dma_wait3A_433 = tpu.memref_slice %arg6[%dma_wait3A_424, %dma_wait3A_425, %dma_wait3A_432] : memref<2x5x128xi32, #tpu.memory_space<vmem>> -> memref<1x1x128xi32, #tpu.memory_space<vmem>>
      %dma_wait3A_434 = tpu.memref_squeeze %dma_wait3A_433 : memref<1x1x128xi32, #tpu.memory_space<vmem>> -> memref<128xi32, #tpu.memory_space<vmem>>
      %dma_wait3A_435 = arith.constant 0 : i32
      %dma_wait3A_436 = arith.constant 0 : i32
      %dma_wait3A_437 = tpu.memref_slice %arg2[%dma_wait3A_435, %dma_wait3A_436] : memref<100000x32xf32, #tpu.memory_space<hbm>> -> memref<100000x32xf32, #tpu.memory_space<hbm>>
      tpu.wait_indirect_dma semaphore(%arg11 : memref<!tpu.dma_semaphore, #tpu.memory_space<semaphore_mem>>) src(%dma_wait3A_437 : memref<100000x32xf32, #tpu.memory_space<hbm>>) dst(%dma_wait3A_431 : memref<128x32xf32, #tpu.memory_space<vmem>>)
      %dma_wait3A_438 = arith.constant 1 : i32
      %dma_wait3A_439 = arith.constant 2 : i32
      %dma_wait3A_440 = arith.constant 1 : i32
      %dma_wait3A_441 = arith.constant 2 : i32
      %dma_wait3A_442 = arith.constant 0 : i32
      %dma_wait3A_443 = arith.constant 0 : i32
      %dma_wait3A_444 = tpu.memref_slice %arg8[%dma_wait3A_440, %dma_wait3A_441, %dma_wait3A_442, %dma_wait3A_443] : memref<2x5x128x32xf32, #tpu.memory_space<vmem>> -> memref<1x1x128x32xf32, #tpu.memory_space<vmem>>
      %dma_wait3A_445 = tpu.memref_squeeze %dma_wait3A_444 : memref<1x1x128x32xf32, #tpu.memory_space<vmem>> -> memref<128x32xf32, #tpu.memory_space<vmem>>
      %dma_wait3A_446 = arith.constant 0 : i32
      %dma_wait3A_447 = tpu.memref_slice %arg6[%dma_wait3A_438, %dma_wait3A_439, %dma_wait3A_446] : memref<2x5x128xi32, #tpu.memory_space<vmem>> -> memref<1x1x128xi32, #tpu.memory_space<vmem>>
      %dma_wait3A_448 = tpu.memref_squeeze %dma_wait3A_447 : memref<1x1x128xi32, #tpu.memory_space<vmem>> -> memref<128xi32, #tpu.memory_space<vmem>>
      %dma_wait3A_449 = arith.constant 0 : i32
      %dma_wait3A_450 = arith.constant 0 : i32
      %dma_wait3A_451 = tpu.memref_slice %arg2[%dma_wait3A_449, %dma_wait3A_450] : memref<100000x32xf32, #tpu.memory_space<hbm>> -> memref<100000x32xf32, #tpu.memory_space<hbm>>
      tpu.wait_indirect_dma semaphore(%arg11 : memref<!tpu.dma_semaphore, #tpu.memory_space<semaphore_mem>>) src(%dma_wait3A_451 : memref<100000x32xf32, #tpu.memory_space<hbm>>) dst(%dma_wait3A_445 : memref<128x32xf32, #tpu.memory_space<vmem>>)
      %dma_wait3A_452 = arith.constant 1 : i32
      %dma_wait3A_453 = arith.constant 3 : i32
      %dma_wait3A_454 = arith.constant 1 : i32
      %dma_wait3A_455 = arith.constant 3 : i32
      %dma_wait3A_456 = arith.constant 0 : i32
      %dma_wait3A_457 = arith.constant 0 : i32
      %dma_wait3A_458 = tpu.memref_slice %arg8[%dma_wait3A_454, %dma_wait3A_455, %dma_wait3A_456, %dma_wait3A_457] : memref<2x5x128x32xf32, #tpu.memory_space<vmem>> -> memref<1x1x128x32xf32, #tpu.memory_space<vmem>>
      %dma_wait3A_459 = tpu.memref_squeeze %dma_wait3A_458 : memref<1x1x128x32xf32, #tpu.memory_space<vmem>> -> memref<128x32xf32, #tpu.memory_space<vmem>>
      %dma_wait3A_460 = arith.constant 0 : i32
      %dma_wait3A_461 = tpu.memref_slice %arg6[%dma_wait3A_452, %dma_wait3A_453, %dma_wait3A_460] : memref<2x5x128xi32, #tpu.memory_space<vmem>> -> memref<1x1x128xi32, #tpu.memory_space<vmem>>
      %dma_wait3A_462 = tpu.memref_squeeze %dma_wait3A_461 : memref<1x1x128xi32, #tpu.memory_space<vmem>> -> memref<128xi32, #tpu.memory_space<vmem>>
      %dma_wait3A_463 = arith.constant 0 : i32
      %dma_wait3A_464 = arith.constant 0 : i32
      %dma_wait3A_465 = tpu.memref_slice %arg2[%dma_wait3A_463, %dma_wait3A_464] : memref<100000x32xf32, #tpu.memory_space<hbm>> -> memref<100000x32xf32, #tpu.memory_space<hbm>>
      tpu.wait_indirect_dma semaphore(%arg11 : memref<!tpu.dma_semaphore, #tpu.memory_space<semaphore_mem>>) src(%dma_wait3A_465 : memref<100000x32xf32, #tpu.memory_space<hbm>>) dst(%dma_wait3A_459 : memref<128x32xf32, #tpu.memory_space<vmem>>)
      %dma_wait3A_466 = arith.constant 1 : i32
      %dma_wait3A_467 = arith.constant 4 : i32
      %dma_wait3A_468 = arith.constant 1 : i32
      %dma_wait3A_469 = arith.constant 4 : i32
      %dma_wait3A_470 = arith.constant 0 : i32
      %dma_wait3A_471 = arith.constant 0 : i32
      %dma_wait3A_472 = tpu.memref_slice %arg8[%dma_wait3A_468, %dma_wait3A_469, %dma_wait3A_470, %dma_wait3A_471] : memref<2x5x128x32xf32, #tpu.memory_space<vmem>> -> memref<1x1x128x32xf32, #tpu.memory_space<vmem>>
      %dma_wait3A_473 = tpu.memref_squeeze %dma_wait3A_472 : memref<1x1x128x32xf32, #tpu.memory_space<vmem>> -> memref<128x32xf32, #tpu.memory_space<vmem>>
      %dma_wait3A_474 = arith.constant 0 : i32
      %dma_wait3A_475 = tpu.memref_slice %arg6[%dma_wait3A_466, %dma_wait3A_467, %dma_wait3A_474] : memref<2x5x128xi32, #tpu.memory_space<vmem>> -> memref<1x1x128xi32, #tpu.memory_space<vmem>>
      %dma_wait3A_476 = tpu.memref_squeeze %dma_wait3A_475 : memref<1x1x128xi32, #tpu.memory_space<vmem>> -> memref<128xi32, #tpu.memory_space<vmem>>
      %dma_wait3A_477 = arith.constant 0 : i32
      %dma_wait3A_478 = arith.constant 0 : i32
      %dma_wait3A_479 = tpu.memref_slice %arg2[%dma_wait3A_477, %dma_wait3A_478] : memref<100000x32xf32, #tpu.memory_space<hbm>> -> memref<100000x32xf32, #tpu.memory_space<hbm>>
      tpu.wait_indirect_dma semaphore(%arg11 : memref<!tpu.dma_semaphore, #tpu.memory_space<semaphore_mem>>) src(%dma_wait3A_479 : memref<100000x32xf32, #tpu.memory_space<hbm>>) dst(%dma_wait3A_473 : memref<128x32xf32, #tpu.memory_space<vmem>>)
      %add3A_480 = arith.constant 2 : i32
      %add3A_481 = arith.addi %add3A_402, %add3A_480 : i32
      %lt3A_482 = arith.constant 40 : i32
      %lt3A_483 = arith.cmpi slt, %add3A_481, %lt3A_482 : i32
      %convert_element_type3A_484 = arith.extui %lt3A_483 : i1 to i32
      %cond3A_485 = arith.constant 0 : i32
      %cond3A_486 = arith.cmpi ne, %convert_element_type3A_484, %cond3A_485 : i32
      scf.if %cond3A_486 {
        %add3A_592 = arith.constant 2 : i32
        %add3A_593 = arith.addi %add3A_402, %add3A_592 : i32
        %mul3A_594 = arith.constant 5 : i32
        %mul3A_595 = arith.muli %add3A_593, %mul3A_594 : i32
        %dma_start3A_596 = arith.constant 1 : i32
        %dma_start3A_597 = arith.constant 0 : i32
        %dma_start3A_598 = arith.constant 0 : i32
        %dma_start3A_599 = tpu.memref_slice %arg6[%dma_start3A_596, %dma_start3A_597, %dma_start3A_598] : memref<2x5x128xi32, #tpu.memory_space<vmem>> -> memref<1x5x128xi32, #tpu.memory_space<vmem>>
        %dma_start3A_600 = tpu.memref_squeeze %dma_start3A_599 : memref<1x5x128xi32, #tpu.memory_space<vmem>> -> memref<5x128xi32, #tpu.memory_space<vmem>>
        %dma_start3A_601 = tpu.memref_slice %arg3[%mul3A_595, %mul3A_2] : memref<200x4096xi32, #tpu.memory_space<hbm>> -> memref<5x128xi32, #tpu.memory_space<hbm>>
        %dma_start3A_602 = arith.constant 0 : i32
        %dma_start3A_603 = arith.constant 0 : i32
        %dma_start3A_604 = tpu.memref_slice %arg6[%dma_start3A_596, %dma_start3A_602, %dma_start3A_603] : memref<2x5x128xi32, #tpu.memory_space<vmem>> -> memref<1x5x128xi32, #tpu.memory_space<vmem>>
        %dma_start3A_605 = tpu.memref_squeeze %dma_start3A_604 : memref<1x5x128xi32, #tpu.memory_space<vmem>> -> memref<5x128xi32, #tpu.memory_space<vmem>>
        %dma_start3A_606 = tpu.memref_slice %arg3[%mul3A_595, %mul3A_2] : memref<200x4096xi32, #tpu.memory_space<hbm>> -> memref<5x128xi32, #tpu.memory_space<hbm>>
        tpu.enqueue_dma source(%dma_start3A_606 : memref<5x128xi32, #tpu.memory_space<hbm>>) target(%dma_start3A_605 : memref<5x128xi32, #tpu.memory_space<vmem>>) target_semaphore(%arg15 : memref<!tpu.dma_semaphore, #tpu.memory_space<semaphore_mem>>)
      } else {
      }
      %ge3A_487 = arith.constant 2 : i32
      %ge3A_488 = arith.cmpi sge, %add3A_402, %ge3A_487 : i32
      %convert_element_type3A_489 = arith.extui %ge3A_488 : i1 to i32
      %cond3A_490 = arith.constant 0 : i32
      %cond3A_491 = arith.cmpi ne, %convert_element_type3A_489, %cond3A_490 : i32
      scf.if %cond3A_491 {
        %sub3A_592 = arith.constant 2 : i32
        %sub3A_593 = arith.subi %add3A_402, %sub3A_592 : i32
        %mul3A_594 = arith.constant 5 : i32
        %mul3A_595 = arith.muli %sub3A_593, %mul3A_594 : i32
        %dma_wait3A_596 = arith.constant 1 : i32
        %dma_wait3A_597 = arith.constant 0 : i32
        %dma_wait3A_598 = arith.constant 0 : i32
        %dma_wait3A_599 = arith.constant 0 : i32
        %dma_wait3A_600 = arith.constant 0 : i32
        %dma_wait3A_601 = tpu.memref_slice %arg9[%dma_wait3A_596, %dma_wait3A_597, %dma_wait3A_598, %dma_wait3A_599, %dma_wait3A_600] : memref<2x5x4x8x133xf32, #tpu.memory_space<vmem>> -> memref<1x5x4x8x128xf32, #tpu.memory_space<vmem>>
        %dma_wait3A_602 = tpu.memref_squeeze %dma_wait3A_601 : memref<1x5x4x8x128xf32, #tpu.memory_space<vmem>> -> memref<5x4x8x128xf32, #tpu.memory_space<vmem>>
        %dma_wait3A_603 = arith.constant 0 : i32
        %dma_wait3A_604 = arith.constant 0 : i32
        %dma_wait3A_605 = arith.constant 0 : i32
        %dma_wait3A_606 = tpu.memref_slice %arg5[%mul3A_595, %dma_wait3A_603, %add3A, %dma_wait3A_604, %dma_wait3A_605] : memref<200x4x32x8x128xf32, #tpu.memory_space<hbm>> -> memref<5x4x1x8x128xf32, #tpu.memory_space<hbm>>
        %dma_wait3A_607 = tpu.memref_squeeze %dma_wait3A_606 : memref<5x4x1x8x128xf32, #tpu.memory_space<hbm>> -> memref<5x4x8x128xf32, #tpu.memory_space<hbm>>
        %dma_wait3A_608 = arith.constant 0 : i32
        %dma_wait3A_609 = arith.constant 0 : i32
        %dma_wait3A_610 = arith.constant 0 : i32
        %dma_wait3A_611 = tpu.memref_slice %arg5[%mul3A_595, %dma_wait3A_608, %add3A, %dma_wait3A_609, %dma_wait3A_610] : memref<200x4x32x8x128xf32, #tpu.memory_space<hbm>> -> memref<5x4x1x8x128xf32, #tpu.memory_space<hbm>>
        %dma_wait3A_612 = tpu.memref_squeeze %dma_wait3A_611 : memref<5x4x1x8x128xf32, #tpu.memory_space<hbm>> -> memref<5x4x8x128xf32, #tpu.memory_space<hbm>>
        %dma_wait3A_613 = arith.constant 0 : i32
        %dma_wait3A_614 = arith.constant 0 : i32
        %dma_wait3A_615 = arith.constant 0 : i32
        %dma_wait3A_616 = arith.constant 0 : i32
        %dma_wait3A_617 = tpu.memref_slice %arg9[%dma_wait3A_596, %dma_wait3A_613, %dma_wait3A_614, %dma_wait3A_615, %dma_wait3A_616] : memref<2x5x4x8x133xf32, #tpu.memory_space<vmem>> -> memref<1x5x4x8x128xf32, #tpu.memory_space<vmem>>
        %dma_wait3A_618 = tpu.memref_squeeze %dma_wait3A_617 : memref<1x5x4x8x128xf32, #tpu.memory_space<vmem>> -> memref<5x4x8x128xf32, #tpu.memory_space<vmem>>
        tpu.wait_dma2 semaphore(%arg13 : memref<!tpu.dma_semaphore, #tpu.memory_space<semaphore_mem>>) src(%dma_wait3A_618 : memref<5x4x8x128xf32, #tpu.memory_space<vmem>>) dst(%dma_wait3A_612 : memref<5x4x8x128xf32, #tpu.memory_space<hbm>>)
      } else {
      }
      %mul3A_492 = arith.constant 5 : i32
      %mul3A_493 = arith.muli %add3A_402, %mul3A_492 : i32
      %add3A_494 = arith.constant 0 : i32
      %add3A_495 = arith.addi %mul3A_493, %add3A_494 : i32
      %get3A_496 = arith.index_cast %add3A_495 : i32 to index
      %get3A_497 = arith.constant 0 : index
      %get3A_498 = tpu.vector_load %arg7[%get3A_496, %get3A_497] {strides = array<i32>} : memref<200x32xf32, #tpu.memory_space<vmem>>, vector<16xf32>,
      %get3A_499 = arith.index_cast %add3A_495 : i32 to index
      %get3A_500 = arith.constant 16 : index
      %get3A_501 = tpu.vector_load %arg7[%get3A_499, %get3A_500] {strides = array<i32>} : memref<200x32xf32, #tpu.memory_space<vmem>>, vector<16xf32>,
      %parallel_loop3A_502 = arith.constant 0 : i32
      %parallel_loop3A_503 = arith.constant 128 : i32
      %parallel_loop3A_504 = arith.constant 8 : i32
      %parallel_loop3A_505 = arith.constant 1 : i32
      %parallel_loop3A_506 = arith.constant 0 : i32
      scf.for %parallel_loop3A_592 = %parallel_loop3A_502 to %parallel_loop3A_503 step %parallel_loop3A_504  : i32 {
        %parallel_loop3A_593 = arith.constant 0 : i32
        %parallel_loop3A_594 = vector.broadcast %parallel_loop3A_593 : i32 to vector<16xi32>
        %parallel_loop3A_595 = vector.broadcast %parallel_loop3A_592 : i32 to vector<16xi32>
        %parallel_loop3A_596 = arith.addi %parallel_loop3A_594, %parallel_loop3A_595 : vector<16xi32>
        %parallel_loop3A_597 = arith.constant 0 : i32
        %parallel_loop3A_598 = arith.addi %parallel_loop3A_592, %parallel_loop3A_597 : i32
        %parallel_loop3A_599 = arith.constant 1 : i32
        %parallel_loop3A_600 = arith.constant 0 : i32
        %parallel_loop3A_601 = arith.index_cast %parallel_loop3A_599 : i32 to index
        %parallel_loop3A_602 = arith.index_cast %parallel_loop3A_600 : i32 to index
        %parallel_loop3A_603 = arith.index_cast %parallel_loop3A_598 : i32 to index
        %parallel_loop3A_604 = arith.constant 0 : index
        %parallel_loop3A_605 = tpu.vector_load %arg8[%parallel_loop3A_601, %parallel_loop3A_602, %parallel_loop3A_603, %parallel_loop3A_604] {strides = array<i32>} : memref<2x5x128x32xf32, #tpu.memory_space<vmem>>, vector<16xf32>,
        %parallel_loop3A_606 = arith.constant 1 : i32
        %parallel_loop3A_607 = arith.constant 0 : i32
        %parallel_loop3A_608 = arith.index_cast %parallel_loop3A_606 : i32 to index
        %parallel_loop3A_609 = arith.index_cast %parallel_loop3A_607 : i32 to index
        %parallel_loop3A_610 = arith.index_cast %parallel_loop3A_598 : i32 to index
        %parallel_loop3A_611 = arith.constant 16 : index
        %parallel_loop3A_612 = tpu.vector_load %arg8[%parallel_loop3A_608, %parallel_loop3A_609, %parallel_loop3A_610, %parallel_loop3A_611] {strides = array<i32>} : memref<2x5x128x32xf32, #tpu.memory_space<vmem>>, vector<16xf32>,
        %parallel_loop3A_613 = arith.constant 1 : i32
        %parallel_loop3A_614 = arith.addi %parallel_loop3A_592, %parallel_loop3A_613 : i32
        %parallel_loop3A_615 = arith.constant 1 : i32
        %parallel_loop3A_616 = arith.constant 0 : i32
        %parallel_loop3A_617 = arith.index_cast %parallel_loop3A_615 : i32 to index
        %parallel_loop3A_618 = arith.index_cast %parallel_loop3A_616 : i32 to index
        %parallel_loop3A_619 = arith.index_cast %parallel_loop3A_614 : i32 to index
        %parallel_loop3A_620 = arith.constant 0 : index
        %parallel_loop3A_621 = tpu.vector_load %arg8[%parallel_loop3A_617, %parallel_loop3A_618, %parallel_loop3A_619, %parallel_loop3A_620] {strides = array<i32>} : memref<2x5x128x32xf32, #tpu.memory_space<vmem>>, vector<16xf32>,
        %parallel_loop3A_622 = arith.constant 1 : i32
        %parallel_loop3A_623 = arith.constant 0 : i32
        %parallel_loop3A_624 = arith.index_cast %parallel_loop3A_622 : i32 to index
        %parallel_loop3A_625 = arith.index_cast %parallel_loop3A_623 : i32 to index
        %parallel_loop3A_626 = arith.index_cast %parallel_loop3A_614 : i32 to index
        %parallel_loop3A_627 = arith.constant 16 : index
        %parallel_loop3A_628 = tpu.vector_load %arg8[%parallel_loop3A_624, %parallel_loop3A_625, %parallel_loop3A_626, %parallel_loop3A_627] {strides = array<i32>} : memref<2x5x128x32xf32, #tpu.memory_space<vmem>>, vector<16xf32>,
        %parallel_loop3A_629 = arith.constant 2 : i32
        %parallel_loop3A_630 = arith.addi %parallel_loop3A_592, %parallel_loop3A_629 : i32
        %parallel_loop3A_631 = arith.constant 1 : i32
        %parallel_loop3A_632 = arith.constant 0 : i32
        %parallel_loop3A_633 = arith.index_cast %parallel_loop3A_631 : i32 to index
        %parallel_loop3A_634 = arith.index_cast %parallel_loop3A_632 : i32 to index
        %parallel_loop3A_635 = arith.index_cast %parallel_loop3A_630 : i32 to index
        %parallel_loop3A_636 = arith.constant 0 : index
        %parallel_loop3A_637 = tpu.vector_load %arg8[%parallel_loop3A_633, %parallel_loop3A_634, %parallel_loop3A_635, %parallel_loop3A_636] {strides = array<i32>} : memref<2x5x128x32xf32, #tpu.memory_space<vmem>>, vector<16xf32>,
        %parallel_loop3A_638 = arith.constant 1 : i32
        %parallel_loop3A_639 = arith.constant 0 : i32
        %parallel_loop3A_640 = arith.index_cast %parallel_loop3A_638 : i32 to index
        %parallel_loop3A_641 = arith.index_cast %parallel_loop3A_639 : i32 to index
        %parallel_loop3A_642 = arith.index_cast %parallel_loop3A_630 : i32 to index
        %parallel_loop3A_643 = arith.constant 16 : index
        %parallel_loop3A_644 = tpu.vector_load %arg8[%parallel_loop3A_640, %parallel_loop3A_641, %parallel_loop3A_642, %parallel_loop3A_643] {strides = array<i32>} : memref<2x5x128x32xf32, #tpu.memory_space<vmem>>, vector<16xf32>,
        %parallel_loop3A_645 = arith.constant 3 : i32
        %parallel_loop3A_646 = arith.addi %parallel_loop3A_592, %parallel_loop3A_645 : i32
        %parallel_loop3A_647 = arith.constant 1 : i32
        %parallel_loop3A_648 = arith.constant 0 : i32
        %parallel_loop3A_649 = arith.index_cast %parallel_loop3A_647 : i32 to index
        %parallel_loop3A_650 = arith.index_cast %parallel_loop3A_648 : i32 to index
        %parallel_loop3A_651 = arith.index_cast %parallel_loop3A_646 : i32 to index
        %parallel_loop3A_652 = arith.constant 0 : index
        %parallel_loop3A_653 = tpu.vector_load %arg8[%parallel_loop3A_649, %parallel_loop3A_650, %parallel_loop3A_651, %parallel_loop3A_652] {strides = array<i32>} : memref<2x5x128x32xf32, #tpu.memory_space<vmem>>, vector<16xf32>,
        %parallel_loop3A_654 = arith.constant 1 : i32
        %parallel_loop3A_655 = arith.constant 0 : i32
        %parallel_loop3A_656 = arith.index_cast %parallel_loop3A_654 : i32 to index
        %parallel_loop3A_657 = arith.index_cast %parallel_loop3A_655 : i32 to index
        %parallel_loop3A_658 = arith.index_cast %parallel_loop3A_646 : i32 to index
        %parallel_loop3A_659 = arith.constant 16 : index
        %parallel_loop3A_660 = tpu.vector_load %arg8[%parallel_loop3A_656, %parallel_loop3A_657, %parallel_loop3A_658, %parallel_loop3A_659] {strides = array<i32>} : memref<2x5x128x32xf32, #tpu.memory_space<vmem>>, vector<16xf32>,
        %parallel_loop3A_661 = arith.constant 4 : i32
        %parallel_loop3A_662 = arith.addi %parallel_loop3A_592, %parallel_loop3A_661 : i32
        %parallel_loop3A_663 = arith.constant 1 : i32
        %parallel_loop3A_664 = arith.constant 0 : i32
        %parallel_loop3A_665 = arith.index_cast %parallel_loop3A_663 : i32 to index
        %parallel_loop3A_666 = arith.index_cast %parallel_loop3A_664 : i32 to index
        %parallel_loop3A_667 = arith.index_cast %parallel_loop3A_662 : i32 to index
        %parallel_loop3A_668 = arith.constant 0 : index
        %parallel_loop3A_669 = tpu.vector_load %arg8[%parallel_loop3A_665, %parallel_loop3A_666, %parallel_loop3A_667, %parallel_loop3A_668] {strides = array<i32>} : memref<2x5x128x32xf32, #tpu.memory_space<vmem>>, vector<16xf32>,
        %parallel_loop3A_670 = arith.constant 1 : i32
        %parallel_loop3A_671 = arith.constant 0 : i32
        %parallel_loop3A_672 = arith.index_cast %parallel_loop3A_670 : i32 to index
        %parallel_loop3A_673 = arith.index_cast %parallel_loop3A_671 : i32 to index
        %parallel_loop3A_674 = arith.index_cast %parallel_loop3A_662 : i32 to index
        %parallel_loop3A_675 = arith.constant 16 : index
        %parallel_loop3A_676 = tpu.vector_load %arg8[%parallel_loop3A_672, %parallel_loop3A_673, %parallel_loop3A_674, %parallel_loop3A_675] {strides = array<i32>} : memref<2x5x128x32xf32, #tpu.memory_space<vmem>>, vector<16xf32>,
        %parallel_loop3A_677 = arith.constant 5 : i32
        %parallel_loop3A_678 = arith.addi %parallel_loop3A_592, %parallel_loop3A_677 : i32
        %parallel_loop3A_679 = arith.constant 1 : i32
        %parallel_loop3A_680 = arith.constant 0 : i32
        %parallel_loop3A_681 = arith.index_cast %parallel_loop3A_679 : i32 to index
        %parallel_loop3A_682 = arith.index_cast %parallel_loop3A_680 : i32 to index
        %parallel_loop3A_683 = arith.index_cast %parallel_loop3A_678 : i32 to index
        %parallel_loop3A_684 = arith.constant 0 : index
        %parallel_loop3A_685 = tpu.vector_load %arg8[%parallel_loop3A_681, %parallel_loop3A_682, %parallel_loop3A_683, %parallel_loop3A_684] {strides = array<i32>} : memref<2x5x128x32xf32, #tpu.memory_space<vmem>>, vector<16xf32>,
        %parallel_loop3A_686 = arith.constant 1 : i32
        %parallel_loop3A_687 = arith.constant 0 : i32
        %parallel_loop3A_688 = arith.index_cast %parallel_loop3A_686 : i32 to index
        %parallel_loop3A_689 = arith.index_cast %parallel_loop3A_687 : i32 to index
        %parallel_loop3A_690 = arith.index_cast %parallel_loop3A_678 : i32 to index
        %parallel_loop3A_691 = arith.constant 16 : index
        %parallel_loop3A_692 = tpu.vector_load %arg8[%parallel_loop3A_688, %parallel_loop3A_689, %parallel_loop3A_690, %parallel_loop3A_691] {strides = array<i32>} : memref<2x5x128x32xf32, #tpu.memory_space<vmem>>, vector<16xf32>,
        %parallel_loop3A_693 = arith.constant 6 : i32
        %parallel_loop3A_694 = arith.addi %parallel_loop3A_592, %parallel_loop3A_693 : i32
        %parallel_loop3A_695 = arith.constant 1 : i32
        %parallel_loop3A_696 = arith.constant 0 : i32
        %parallel_loop3A_697 = arith.index_cast %parallel_loop3A_695 : i32 to index
        %parallel_loop3A_698 = arith.index_cast %parallel_loop3A_696 : i32 to index
        %parallel_loop3A_699 = arith.index_cast %parallel_loop3A_694 : i32 to index
        %parallel_loop3A_700 = arith.constant 0 : index
        %parallel_loop3A_701 = tpu.vector_load %arg8[%parallel_loop3A_697, %parallel_loop3A_698, %parallel_loop3A_699, %parallel_loop3A_700] {strides = array<i32>} : memref<2x5x128x32xf32, #tpu.memory_space<vmem>>, vector<16xf32>,
        %parallel_loop3A_702 = arith.constant 1 : i32
        %parallel_loop3A_703 = arith.constant 0 : i32
        %parallel_loop3A_704 = arith.index_cast %parallel_loop3A_702 : i32 to index
        %parallel_loop3A_705 = arith.index_cast %parallel_loop3A_703 : i32 to index
        %parallel_loop3A_706 = arith.index_cast %parallel_loop3A_694 : i32 to index
        %parallel_loop3A_707 = arith.constant 16 : index
        %parallel_loop3A_708 = tpu.vector_load %arg8[%parallel_loop3A_704, %parallel_loop3A_705, %parallel_loop3A_706, %parallel_loop3A_707] {strides = array<i32>} : memref<2x5x128x32xf32, #tpu.memory_space<vmem>>, vector<16xf32>,
        %parallel_loop3A_709 = arith.constant 7 : i32
        %parallel_loop3A_710 = arith.addi %parallel_loop3A_592, %parallel_loop3A_709 : i32
        %parallel_loop3A_711 = arith.constant 1 : i32
        %parallel_loop3A_712 = arith.constant 0 : i32
        %parallel_loop3A_713 = arith.index_cast %parallel_loop3A_711 : i32 to index
        %parallel_loop3A_714 = arith.index_cast %parallel_loop3A_712 : i32 to index
        %parallel_loop3A_715 = arith.index_cast %parallel_loop3A_710 : i32 to index
        %parallel_loop3A_716 = arith.constant 0 : index
        %parallel_loop3A_717 = tpu.vector_load %arg8[%parallel_loop3A_713, %parallel_loop3A_714, %parallel_loop3A_715, %parallel_loop3A_716] {strides = array<i32>} : memref<2x5x128x32xf32, #tpu.memory_space<vmem>>, vector<16xf32>,
        %parallel_loop3A_718 = arith.constant 1 : i32
        %parallel_loop3A_719 = arith.constant 0 : i32
        %parallel_loop3A_720 = arith.index_cast %parallel_loop3A_718 : i32 to index
        %parallel_loop3A_721 = arith.index_cast %parallel_loop3A_719 : i32 to index
        %parallel_loop3A_722 = arith.index_cast %parallel_loop3A_710 : i32 to index
        %parallel_loop3A_723 = arith.constant 16 : index
        %parallel_loop3A_724 = tpu.vector_load %arg8[%parallel_loop3A_720, %parallel_loop3A_721, %parallel_loop3A_722, %parallel_loop3A_723] {strides = array<i32>} : memref<2x5x128x32xf32, #tpu.memory_space<vmem>>, vector<16xf32>,
        %parallel_loop3A_725 = arith.constant 1 : i32
        %parallel_loop3A_726 = vector.broadcast %parallel_loop3A_725 : i32 to vector<16xi32>
        %parallel_loop3A_727 = arith.addi %parallel_loop3A_596, %parallel_loop3A_726 : vector<16xi32>
        %parallel_loop3A_728 = arith.constant 2 : i32
        %parallel_loop3A_729 = vector.broadcast %parallel_loop3A_728 : i32 to vector<16xi32>
        %parallel_loop3A_730 = arith.addi %parallel_loop3A_596, %parallel_loop3A_729 : vector<16xi32>
        %parallel_loop3A_731 = arith.constant 3 : i32
        %parallel_loop3A_732 = vector.broadcast %parallel_loop3A_731 : i32 to vector<16xi32>
        %parallel_loop3A_733 = arith.addi %parallel_loop3A_596, %parallel_loop3A_732 : vector<16xi32>
        %parallel_loop3A_734 = arith.constant 4 : i32
        %parallel_loop3A_735 = vector.broadcast %parallel_loop3A_734 : i32 to vector<16xi32>
        %parallel_loop3A_736 = arith.addi %parallel_loop3A_596, %parallel_loop3A_735 : vector<16xi32>
        %parallel_loop3A_737 = arith.constant 5 : i32
        %parallel_loop3A_738 = vector.broadcast %parallel_loop3A_737 : i32 to vector<16xi32>
        %parallel_loop3A_739 = arith.addi %parallel_loop3A_596, %parallel_loop3A_738 : vector<16xi32>
        %parallel_loop3A_740 = arith.constant 6 : i32
        %parallel_loop3A_741 = vector.broadcast %parallel_loop3A_740 : i32 to vector<16xi32>
        %parallel_loop3A_742 = arith.addi %parallel_loop3A_596, %parallel_loop3A_741 : vector<16xi32>
        %parallel_loop3A_743 = arith.constant 7 : i32
        %parallel_loop3A_744 = vector.broadcast %parallel_loop3A_743 : i32 to vector<16xi32>
        %parallel_loop3A_745 = arith.addi %parallel_loop3A_596, %parallel_loop3A_744 : vector<16xi32>
        %parallel_loop3A_746 = arith.addf %parallel_loop3A_605, %get3A_498 : vector<16xf32>
        %parallel_loop3A_747 = arith.addf %parallel_loop3A_612, %get3A_501 : vector<16xf32>
        %parallel_loop3A_748 = arith.addf %parallel_loop3A_621, %get3A_498 : vector<16xf32>
        %parallel_loop3A_749 = arith.addf %parallel_loop3A_628, %get3A_501 : vector<16xf32>
        %parallel_loop3A_750 = arith.addf %parallel_loop3A_637, %get3A_498 : vector<16xf32>
        %parallel_loop3A_751 = arith.addf %parallel_loop3A_644, %get3A_501 : vector<16xf32>
        %parallel_loop3A_752 = arith.addf %parallel_loop3A_653, %get3A_498 : vector<16xf32>
        %parallel_loop3A_753 = arith.addf %parallel_loop3A_660, %get3A_501 : vector<16xf32>
        %parallel_loop3A_754 = arith.addf %parallel_loop3A_669, %get3A_498 : vector<16xf32>
        %parallel_loop3A_755 = arith.addf %parallel_loop3A_676, %get3A_501 : vector<16xf32>
        %parallel_loop3A_756 = arith.addf %parallel_loop3A_685, %get3A_498 : vector<16xf32>
        %parallel_loop3A_757 = arith.addf %parallel_loop3A_692, %get3A_501 : vector<16xf32>
        %parallel_loop3A_758 = arith.addf %parallel_loop3A_701, %get3A_498 : vector<16xf32>
        %parallel_loop3A_759 = arith.addf %parallel_loop3A_708, %get3A_501 : vector<16xf32>
        %parallel_loop3A_760 = arith.addf %parallel_loop3A_717, %get3A_498 : vector<16xf32>
        %parallel_loop3A_761 = arith.addf %parallel_loop3A_724, %get3A_501 : vector<16xf32>
        %parallel_loop3A_762 = arith.constant 0 : i32
        %parallel_loop3A_763 = arith.constant 0 : i32
        %parallel_loop3A_764 = arith.constant 0 : i32
        %parallel_loop3A_765 = tpu.memref_slice %arg9[%parallel_loop3A_505, %parallel_loop3A_506, %parallel_loop3A_762, %parallel_loop3A_763, %parallel_loop3A_764] : memref<2x5x4x8x133xf32, #tpu.memory_space<vmem>> -> memref<1x1x4x8x133xf32, #tpu.memory_space<vmem>>
        %parallel_loop3A_766 = tpu.memref_squeeze %parallel_loop3A_765 : memref<1x1x4x8x133xf32, #tpu.memory_space<vmem>> -> memref<4x8x133xf32, #tpu.memory_space<vmem>>
        tpu.vector_store_idx %parallel_loop3A_766[%select_n3A, %select_n3A_48, %parallel_loop3A_596], %parallel_loop3A_746 : memref<4x8x133xf32, #tpu.memory_space<vmem>>[vector<16xi32>, vector<16xi32>, vector<16xi32>], vector<16xf32>,
        %parallel_loop3A_767 = arith.constant 0 : i32
        %parallel_loop3A_768 = arith.constant 0 : i32
        %parallel_loop3A_769 = arith.constant 0 : i32
        %parallel_loop3A_770 = tpu.memref_slice %arg9[%parallel_loop3A_505, %parallel_loop3A_506, %parallel_loop3A_767, %parallel_loop3A_768, %parallel_loop3A_769] : memref<2x5x4x8x133xf32, #tpu.memory_space<vmem>> -> memref<1x1x4x8x133xf32, #tpu.memory_space<vmem>>
        %parallel_loop3A_771 = tpu.memref_squeeze %parallel_loop3A_770 : memref<1x1x4x8x133xf32, #tpu.memory_space<vmem>> -> memref<4x8x133xf32, #tpu.memory_space<vmem>>
        tpu.vector_store_idx %parallel_loop3A_771[%add3A_28, %select_n3A_48, %parallel_loop3A_596], %parallel_loop3A_747 : memref<4x8x133xf32, #tpu.memory_space<vmem>>[vector<16xi32>, vector<16xi32>, vector<16xi32>], vector<16xf32>,
        %parallel_loop3A_772 = arith.constant 0 : i32
        %parallel_loop3A_773 = arith.constant 0 : i32
        %parallel_loop3A_774 = arith.constant 0 : i32
        %parallel_loop3A_775 = tpu.memref_slice %arg9[%parallel_loop3A_505, %parallel_loop3A_506, %parallel_loop3A_772, %parallel_loop3A_773, %parallel_loop3A_774] : memref<2x5x4x8x133xf32, #tpu.memory_space<vmem>> -> memref<1x1x4x8x133xf32, #tpu.memory_space<vmem>>
        %parallel_loop3A_776 = tpu.memref_squeeze %parallel_loop3A_775 : memref<1x1x4x8x133xf32, #tpu.memory_space<vmem>> -> memref<4x8x133xf32, #tpu.memory_space<vmem>>
        tpu.vector_store_idx %parallel_loop3A_776[%select_n3A, %select_n3A_48, %parallel_loop3A_727], %parallel_loop3A_748 : memref<4x8x133xf32, #tpu.memory_space<vmem>>[vector<16xi32>, vector<16xi32>, vector<16xi32>], vector<16xf32>,
        %parallel_loop3A_777 = arith.constant 0 : i32
        %parallel_loop3A_778 = arith.constant 0 : i32
        %parallel_loop3A_779 = arith.constant 0 : i32
        %parallel_loop3A_780 = tpu.memref_slice %arg9[%parallel_loop3A_505, %parallel_loop3A_506, %parallel_loop3A_777, %parallel_loop3A_778, %parallel_loop3A_779] : memref<2x5x4x8x133xf32, #tpu.memory_space<vmem>> -> memref<1x1x4x8x133xf32, #tpu.memory_space<vmem>>
        %parallel_loop3A_781 = tpu.memref_squeeze %parallel_loop3A_780 : memref<1x1x4x8x133xf32, #tpu.memory_space<vmem>> -> memref<4x8x133xf32, #tpu.memory_space<vmem>>
        tpu.vector_store_idx %parallel_loop3A_781[%add3A_28, %select_n3A_48, %parallel_loop3A_727], %parallel_loop3A_749 : memref<4x8x133xf32, #tpu.memory_space<vmem>>[vector<16xi32>, vector<16xi32>, vector<16xi32>], vector<16xf32>,
        %parallel_loop3A_782 = arith.constant 0 : i32
        %parallel_loop3A_783 = arith.constant 0 : i32
        %parallel_loop3A_784 = arith.constant 0 : i32
        %parallel_loop3A_785 = tpu.memref_slice %arg9[%parallel_loop3A_505, %parallel_loop3A_506, %parallel_loop3A_782, %parallel_loop3A_783, %parallel_loop3A_784] : memref<2x5x4x8x133xf32, #tpu.memory_space<vmem>> -> memref<1x1x4x8x133xf32, #tpu.memory_space<vmem>>
        %parallel_loop3A_786 = tpu.memref_squeeze %parallel_loop3A_785 : memref<1x1x4x8x133xf32, #tpu.memory_space<vmem>> -> memref<4x8x133xf32, #tpu.memory_space<vmem>>
        tpu.vector_store_idx %parallel_loop3A_786[%select_n3A, %select_n3A_48, %parallel_loop3A_730], %parallel_loop3A_750 : memref<4x8x133xf32, #tpu.memory_space<vmem>>[vector<16xi32>, vector<16xi32>, vector<16xi32>], vector<16xf32>,
        %parallel_loop3A_787 = arith.constant 0 : i32
        %parallel_loop3A_788 = arith.constant 0 : i32
        %parallel_loop3A_789 = arith.constant 0 : i32
        %parallel_loop3A_790 = tpu.memref_slice %arg9[%parallel_loop3A_505, %parallel_loop3A_506, %parallel_loop3A_787, %parallel_loop3A_788, %parallel_loop3A_789] : memref<2x5x4x8x133xf32, #tpu.memory_space<vmem>> -> memref<1x1x4x8x133xf32, #tpu.memory_space<vmem>>
        %parallel_loop3A_791 = tpu.memref_squeeze %parallel_loop3A_790 : memref<1x1x4x8x133xf32, #tpu.memory_space<vmem>> -> memref<4x8x133xf32, #tpu.memory_space<vmem>>
        tpu.vector_store_idx %parallel_loop3A_791[%add3A_28, %select_n3A_48, %parallel_loop3A_730], %parallel_loop3A_751 : memref<4x8x133xf32, #tpu.memory_space<vmem>>[vector<16xi32>, vector<16xi32>, vector<16xi32>], vector<16xf32>,
        %parallel_loop3A_792 = arith.constant 0 : i32
        %parallel_loop3A_793 = arith.constant 0 : i32
        %parallel_loop3A_794 = arith.constant 0 : i32
        %parallel_loop3A_795 = tpu.memref_slice %arg9[%parallel_loop3A_505, %parallel_loop3A_506, %parallel_loop3A_792, %parallel_loop3A_793, %parallel_loop3A_794] : memref<2x5x4x8x133xf32, #tpu.memory_space<vmem>> -> memref<1x1x4x8x133xf32, #tpu.memory_space<vmem>>
        %parallel_loop3A_796 = tpu.memref_squeeze %parallel_loop3A_795 : memref<1x1x4x8x133xf32, #tpu.memory_space<vmem>> -> memref<4x8x133xf32, #tpu.memory_space<vmem>>
        tpu.vector_store_idx %parallel_loop3A_796[%select_n3A, %select_n3A_48, %parallel_loop3A_733], %parallel_loop3A_752 : memref<4x8x133xf32, #tpu.memory_space<vmem>>[vector<16xi32>, vector<16xi32>, vector<16xi32>], vector<16xf32>,
        %parallel_loop3A_797 = arith.constant 0 : i32
        %parallel_loop3A_798 = arith.constant 0 : i32
        %parallel_loop3A_799 = arith.constant 0 : i32
        %parallel_loop3A_800 = tpu.memref_slice %arg9[%parallel_loop3A_505, %parallel_loop3A_506, %parallel_loop3A_797, %parallel_loop3A_798, %parallel_loop3A_799] : memref<2x5x4x8x133xf32, #tpu.memory_space<vmem>> -> memref<1x1x4x8x133xf32, #tpu.memory_space<vmem>>
        %parallel_loop3A_801 = tpu.memref_squeeze %parallel_loop3A_800 : memref<1x1x4x8x133xf32, #tpu.memory_space<vmem>> -> memref<4x8x133xf32, #tpu.memory_space<vmem>>
        tpu.vector_store_idx %parallel_loop3A_801[%add3A_28, %select_n3A_48, %parallel_loop3A_733], %parallel_loop3A_753 : memref<4x8x133xf32, #tpu.memory_space<vmem>>[vector<16xi32>, vector<16xi32>, vector<16xi32>], vector<16xf32>,
        %parallel_loop3A_802 = arith.constant 0 : i32
        %parallel_loop3A_803 = arith.constant 0 : i32
        %parallel_loop3A_804 = arith.constant 0 : i32
        %parallel_loop3A_805 = tpu.memref_slice %arg9[%parallel_loop3A_505, %parallel_loop3A_506, %parallel_loop3A_802, %parallel_loop3A_803, %parallel_loop3A_804] : memref<2x5x4x8x133xf32, #tpu.memory_space<vmem>> -> memref<1x1x4x8x133xf32, #tpu.memory_space<vmem>>
        %parallel_loop3A_806 = tpu.memref_squeeze %parallel_loop3A_805 : memref<1x1x4x8x133xf32, #tpu.memory_space<vmem>> -> memref<4x8x133xf32, #tpu.memory_space<vmem>>
        tpu.vector_store_idx %parallel_loop3A_806[%select_n3A, %select_n3A_48, %parallel_loop3A_736], %parallel_loop3A_754 : memref<4x8x133xf32, #tpu.memory_space<vmem>>[vector<16xi32>, vector<16xi32>, vector<16xi32>], vector<16xf32>,
        %parallel_loop3A_807 = arith.constant 0 : i32
        %parallel_loop3A_808 = arith.constant 0 : i32
        %parallel_loop3A_809 = arith.constant 0 : i32
        %parallel_loop3A_810 = tpu.memref_slice %arg9[%parallel_loop3A_505, %parallel_loop3A_506, %parallel_loop3A_807, %parallel_loop3A_808, %parallel_loop3A_809] : memref<2x5x4x8x133xf32, #tpu.memory_space<vmem>> -> memref<1x1x4x8x133xf32, #tpu.memory_space<vmem>>
        %parallel_loop3A_811 = tpu.memref_squeeze %parallel_loop3A_810 : memref<1x1x4x8x133xf32, #tpu.memory_space<vmem>> -> memref<4x8x133xf32, #tpu.memory_space<vmem>>
        tpu.vector_store_idx %parallel_loop3A_811[%add3A_28, %select_n3A_48, %parallel_loop3A_736], %parallel_loop3A_755 : memref<4x8x133xf32, #tpu.memory_space<vmem>>[vector<16xi32>, vector<16xi32>, vector<16xi32>], vector<16xf32>,
        %parallel_loop3A_812 = arith.constant 0 : i32
        %parallel_loop3A_813 = arith.constant 0 : i32
        %parallel_loop3A_814 = arith.constant 0 : i32
        %parallel_loop3A_815 = tpu.memref_slice %arg9[%parallel_loop3A_505, %parallel_loop3A_506, %parallel_loop3A_812, %parallel_loop3A_813, %parallel_loop3A_814] : memref<2x5x4x8x133xf32, #tpu.memory_space<vmem>> -> memref<1x1x4x8x133xf32, #tpu.memory_space<vmem>>
        %parallel_loop3A_816 = tpu.memref_squeeze %parallel_loop3A_815 : memref<1x1x4x8x133xf32, #tpu.memory_space<vmem>> -> memref<4x8x133xf32, #tpu.memory_space<vmem>>
        tpu.vector_store_idx %parallel_loop3A_816[%select_n3A, %select_n3A_48, %parallel_loop3A_739], %parallel_loop3A_756 : memref<4x8x133xf32, #tpu.memory_space<vmem>>[vector<16xi32>, vector<16xi32>, vector<16xi32>], vector<16xf32>,
        %parallel_loop3A_817 = arith.constant 0 : i32
        %parallel_loop3A_818 = arith.constant 0 : i32
        %parallel_loop3A_819 = arith.constant 0 : i32
        %parallel_loop3A_820 = tpu.memref_slice %arg9[%parallel_loop3A_505, %parallel_loop3A_506, %parallel_loop3A_817, %parallel_loop3A_818, %parallel_loop3A_819] : memref<2x5x4x8x133xf32, #tpu.memory_space<vmem>> -> memref<1x1x4x8x133xf32, #tpu.memory_space<vmem>>
        %parallel_loop3A_821 = tpu.memref_squeeze %parallel_loop3A_820 : memref<1x1x4x8x133xf32, #tpu.memory_space<vmem>> -> memref<4x8x133xf32, #tpu.memory_space<vmem>>
        tpu.vector_store_idx %parallel_loop3A_821[%add3A_28, %select_n3A_48, %parallel_loop3A_739], %parallel_loop3A_757 : memref<4x8x133xf32, #tpu.memory_space<vmem>>[vector<16xi32>, vector<16xi32>, vector<16xi32>], vector<16xf32>,
        %parallel_loop3A_822 = arith.constant 0 : i32
        %parallel_loop3A_823 = arith.constant 0 : i32
        %parallel_loop3A_824 = arith.constant 0 : i32
        %parallel_loop3A_825 = tpu.memref_slice %arg9[%parallel_loop3A_505, %parallel_loop3A_506, %parallel_loop3A_822, %parallel_loop3A_823, %parallel_loop3A_824] : memref<2x5x4x8x133xf32, #tpu.memory_space<vmem>> -> memref<1x1x4x8x133xf32, #tpu.memory_space<vmem>>
        %parallel_loop3A_826 = tpu.memref_squeeze %parallel_loop3A_825 : memref<1x1x4x8x133xf32, #tpu.memory_space<vmem>> -> memref<4x8x133xf32, #tpu.memory_space<vmem>>
        tpu.vector_store_idx %parallel_loop3A_826[%select_n3A, %select_n3A_48, %parallel_loop3A_742], %parallel_loop3A_758 : memref<4x8x133xf32, #tpu.memory_space<vmem>>[vector<16xi32>, vector<16xi32>, vector<16xi32>], vector<16xf32>,
        %parallel_loop3A_827 = arith.constant 0 : i32
        %parallel_loop3A_828 = arith.constant 0 : i32
        %parallel_loop3A_829 = arith.constant 0 : i32
        %parallel_loop3A_830 = tpu.memref_slice %arg9[%parallel_loop3A_505, %parallel_loop3A_506, %parallel_loop3A_827, %parallel_loop3A_828, %parallel_loop3A_829] : memref<2x5x4x8x133xf32, #tpu.memory_space<vmem>> -> memref<1x1x4x8x133xf32, #tpu.memory_space<vmem>>
        %parallel_loop3A_831 = tpu.memref_squeeze %parallel_loop3A_830 : memref<1x1x4x8x133xf32, #tpu.memory_space<vmem>> -> memref<4x8x133xf32, #tpu.memory_space<vmem>>
        tpu.vector_store_idx %parallel_loop3A_831[%add3A_28, %select_n3A_48, %parallel_loop3A_742], %parallel_loop3A_759 : memref<4x8x133xf32, #tpu.memory_space<vmem>>[vector<16xi32>, vector<16xi32>, vector<16xi32>], vector<16xf32>,
        %parallel_loop3A_832 = arith.constant 0 : i32
        %parallel_loop3A_833 = arith.constant 0 : i32
        %parallel_loop3A_834 = arith.constant 0 : i32
        %parallel_loop3A_835 = tpu.memref_slice %arg9[%parallel_loop3A_505, %parallel_loop3A_506, %parallel_loop3A_832, %parallel_loop3A_833, %parallel_loop3A_834] : memref<2x5x4x8x133xf32, #tpu.memory_space<vmem>> -> memref<1x1x4x8x133xf32, #tpu.memory_space<vmem>>
        %parallel_loop3A_836 = tpu.memref_squeeze %parallel_loop3A_835 : memref<1x1x4x8x133xf32, #tpu.memory_space<vmem>> -> memref<4x8x133xf32, #tpu.memory_space<vmem>>
        tpu.vector_store_idx %parallel_loop3A_836[%select_n3A, %select_n3A_48, %parallel_loop3A_745], %parallel_loop3A_760 : memref<4x8x133xf32, #tpu.memory_space<vmem>>[vector<16xi32>, vector<16xi32>, vector<16xi32>], vector<16xf32>,
        %parallel_loop3A_837 = arith.constant 0 : i32
        %parallel_loop3A_838 = arith.constant 0 : i32
        %parallel_loop3A_839 = arith.constant 0 : i32
        %parallel_loop3A_840 = tpu.memref_slice %arg9[%parallel_loop3A_505, %parallel_loop3A_506, %parallel_loop3A_837, %parallel_loop3A_838, %parallel_loop3A_839] : memref<2x5x4x8x133xf32, #tpu.memory_space<vmem>> -> memref<1x1x4x8x133xf32, #tpu.memory_space<vmem>>
        %parallel_loop3A_841 = tpu.memref_squeeze %parallel_loop3A_840 : memref<1x1x4x8x133xf32, #tpu.memory_space<vmem>> -> memref<4x8x133xf32, #tpu.memory_space<vmem>>
        tpu.vector_store_idx %parallel_loop3A_841[%add3A_28, %select_n3A_48, %parallel_loop3A_745], %parallel_loop3A_761 : memref<4x8x133xf32, #tpu.memory_space<vmem>>[vector<16xi32>, vector<16xi32>, vector<16xi32>], vector<16xf32>,
      } {sc.loop_unroll_factor = 1 : i64, sc.parallel_access}
      %mul3A_507 = arith.constant 5 : i32
      %mul3A_508 = arith.muli %add3A_402, %mul3A_507 : i32
      %add3A_509 = arith.constant 1 : i32
      %add3A_510 = arith.addi %mul3A_508, %add3A_509 : i32
      %get3A_511 = arith.index_cast %add3A_510 : i32 to index
      %get3A_512 = arith.constant 0 : index
      %get3A_513 = tpu.vector_load %arg7[%get3A_511, %get3A_512] {strides = array<i32>} : memref<200x32xf32, #tpu.memory_space<vmem>>, vector<16xf32>,
      %get3A_514 = arith.index_cast %add3A_510 : i32 to index
      %get3A_515 = arith.constant 16 : index
      %get3A_516 = tpu.vector_load %arg7[%get3A_514, %get3A_515] {strides = array<i32>} : memref<200x32xf32, #tpu.memory_space<vmem>>, vector<16xf32>,
      %parallel_loop3A_517 = arith.constant 0 : i32
      %parallel_loop3A_518 = arith.constant 128 : i32
      %parallel_loop3A_519 = arith.constant 8 : i32
      %parallel_loop3A_520 = arith.constant 1 : i32
      %parallel_loop3A_521 = arith.constant 1 : i32
      scf.for %parallel_loop3A_592 = %parallel_loop3A_517 to %parallel_loop3A_518 step %parallel_loop3A_519  : i32 {
        %parallel_loop3A_593 = arith.constant 0 : i32
        %parallel_loop3A_594 = vector.broadcast %parallel_loop3A_593 : i32 to vector<16xi32>
        %parallel_loop3A_595 = vector.broadcast %parallel_loop3A_592 : i32 to vector<16xi32>
        %parallel_loop3A_596 = arith.addi %parallel_loop3A_594, %parallel_loop3A_595 : vector<16xi32>
        %parallel_loop3A_597 = arith.constant 0 : i32
        %parallel_loop3A_598 = arith.addi %parallel_loop3A_592, %parallel_loop3A_597 : i32
        %parallel_loop3A_599 = arith.constant 1 : i32
        %parallel_loop3A_600 = arith.constant 1 : i32
        %parallel_loop3A_601 = arith.index_cast %parallel_loop3A_599 : i32 to index
        %parallel_loop3A_602 = arith.index_cast %parallel_loop3A_600 : i32 to index
        %parallel_loop3A_603 = arith.index_cast %parallel_loop3A_598 : i32 to index
        %parallel_loop3A_604 = arith.constant 0 : index
        %parallel_loop3A_605 = tpu.vector_load %arg8[%parallel_loop3A_601, %parallel_loop3A_602, %parallel_loop3A_603, %parallel_loop3A_604] {strides = array<i32>} : memref<2x5x128x32xf32, #tpu.memory_space<vmem>>, vector<16xf32>,
        %parallel_loop3A_606 = arith.constant 1 : i32
        %parallel_loop3A_607 = arith.constant 1 : i32
        %parallel_loop3A_608 = arith.index_cast %parallel_loop3A_606 : i32 to index
        %parallel_loop3A_609 = arith.index_cast %parallel_loop3A_607 : i32 to index
        %parallel_loop3A_610 = arith.index_cast %parallel_loop3A_598 : i32 to index
        %parallel_loop3A_611 = arith.constant 16 : index
        %parallel_loop3A_612 = tpu.vector_load %arg8[%parallel_loop3A_608, %parallel_loop3A_609, %parallel_loop3A_610, %parallel_loop3A_611] {strides = array<i32>} : memref<2x5x128x32xf32, #tpu.memory_space<vmem>>, vector<16xf32>,
        %parallel_loop3A_613 = arith.constant 1 : i32
        %parallel_loop3A_614 = arith.addi %parallel_loop3A_592, %parallel_loop3A_613 : i32
        %parallel_loop3A_615 = arith.constant 1 : i32
        %parallel_loop3A_616 = arith.constant 1 : i32
        %parallel_loop3A_617 = arith.index_cast %parallel_loop3A_615 : i32 to index
        %parallel_loop3A_618 = arith.index_cast %parallel_loop3A_616 : i32 to index
        %parallel_loop3A_619 = arith.index_cast %parallel_loop3A_614 : i32 to index
        %parallel_loop3A_620 = arith.constant 0 : index
        %parallel_loop3A_621 = tpu.vector_load %arg8[%parallel_loop3A_617, %parallel_loop3A_618, %parallel_loop3A_619, %parallel_loop3A_620] {strides = array<i32>} : memref<2x5x128x32xf32, #tpu.memory_space<vmem>>, vector<16xf32>,
        %parallel_loop3A_622 = arith.constant 1 : i32
        %parallel_loop3A_623 = arith.constant 1 : i32
        %parallel_loop3A_624 = arith.index_cast %parallel_loop3A_622 : i32 to index
        %parallel_loop3A_625 = arith.index_cast %parallel_loop3A_623 : i32 to index
        %parallel_loop3A_626 = arith.index_cast %parallel_loop3A_614 : i32 to index
        %parallel_loop3A_627 = arith.constant 16 : index
        %parallel_loop3A_628 = tpu.vector_load %arg8[%parallel_loop3A_624, %parallel_loop3A_625, %parallel_loop3A_626, %parallel_loop3A_627] {strides = array<i32>} : memref<2x5x128x32xf32, #tpu.memory_space<vmem>>, vector<16xf32>,
        %parallel_loop3A_629 = arith.constant 2 : i32
        %parallel_loop3A_630 = arith.addi %parallel_loop3A_592, %parallel_loop3A_629 : i32
        %parallel_loop3A_631 = arith.constant 1 : i32
        %parallel_loop3A_632 = arith.constant 1 : i32
        %parallel_loop3A_633 = arith.index_cast %parallel_loop3A_631 : i32 to index
        %parallel_loop3A_634 = arith.index_cast %parallel_loop3A_632 : i32 to index
        %parallel_loop3A_635 = arith.index_cast %parallel_loop3A_630 : i32 to index
        %parallel_loop3A_636 = arith.constant 0 : index
        %parallel_loop3A_637 = tpu.vector_load %arg8[%parallel_loop3A_633, %parallel_loop3A_634, %parallel_loop3A_635, %parallel_loop3A_636] {strides = array<i32>} : memref<2x5x128x32xf32, #tpu.memory_space<vmem>>, vector<16xf32>,
        %parallel_loop3A_638 = arith.constant 1 : i32
        %parallel_loop3A_639 = arith.constant 1 : i32
        %parallel_loop3A_640 = arith.index_cast %parallel_loop3A_638 : i32 to index
        %parallel_loop3A_641 = arith.index_cast %parallel_loop3A_639 : i32 to index
        %parallel_loop3A_642 = arith.index_cast %parallel_loop3A_630 : i32 to index
        %parallel_loop3A_643 = arith.constant 16 : index
        %parallel_loop3A_644 = tpu.vector_load %arg8[%parallel_loop3A_640, %parallel_loop3A_641, %parallel_loop3A_642, %parallel_loop3A_643] {strides = array<i32>} : memref<2x5x128x32xf32, #tpu.memory_space<vmem>>, vector<16xf32>,
        %parallel_loop3A_645 = arith.constant 3 : i32
        %parallel_loop3A_646 = arith.addi %parallel_loop3A_592, %parallel_loop3A_645 : i32
        %parallel_loop3A_647 = arith.constant 1 : i32
        %parallel_loop3A_648 = arith.constant 1 : i32
        %parallel_loop3A_649 = arith.index_cast %parallel_loop3A_647 : i32 to index
        %parallel_loop3A_650 = arith.index_cast %parallel_loop3A_648 : i32 to index
        %parallel_loop3A_651 = arith.index_cast %parallel_loop3A_646 : i32 to index
        %parallel_loop3A_652 = arith.constant 0 : index
        %parallel_loop3A_653 = tpu.vector_load %arg8[%parallel_loop3A_649, %parallel_loop3A_650, %parallel_loop3A_651, %parallel_loop3A_652] {strides = array<i32>} : memref<2x5x128x32xf32, #tpu.memory_space<vmem>>, vector<16xf32>,
        %parallel_loop3A_654 = arith.constant 1 : i32
        %parallel_loop3A_655 = arith.constant 1 : i32
        %parallel_loop3A_656 = arith.index_cast %parallel_loop3A_654 : i32 to index
        %parallel_loop3A_657 = arith.index_cast %parallel_loop3A_655 : i32 to index
        %parallel_loop3A_658 = arith.index_cast %parallel_loop3A_646 : i32 to index
        %parallel_loop3A_659 = arith.constant 16 : index
        %parallel_loop3A_660 = tpu.vector_load %arg8[%parallel_loop3A_656, %parallel_loop3A_657, %parallel_loop3A_658, %parallel_loop3A_659] {strides = array<i32>} : memref<2x5x128x32xf32, #tpu.memory_space<vmem>>, vector<16xf32>,
        %parallel_loop3A_661 = arith.constant 4 : i32
        %parallel_loop3A_662 = arith.addi %parallel_loop3A_592, %parallel_loop3A_661 : i32
        %parallel_loop3A_663 = arith.constant 1 : i32
        %parallel_loop3A_664 = arith.constant 1 : i32
        %parallel_loop3A_665 = arith.index_cast %parallel_loop3A_663 : i32 to index
        %parallel_loop3A_666 = arith.index_cast %parallel_loop3A_664 : i32 to index
        %parallel_loop3A_667 = arith.index_cast %parallel_loop3A_662 : i32 to index
        %parallel_loop3A_668 = arith.constant 0 : index
        %parallel_loop3A_669 = tpu.vector_load %arg8[%parallel_loop3A_665, %parallel_loop3A_666, %parallel_loop3A_667, %parallel_loop3A_668] {strides = array<i32>} : memref<2x5x128x32xf32, #tpu.memory_space<vmem>>, vector<16xf32>,
        %parallel_loop3A_670 = arith.constant 1 : i32
        %parallel_loop3A_671 = arith.constant 1 : i32
        %parallel_loop3A_672 = arith.index_cast %parallel_loop3A_670 : i32 to index
        %parallel_loop3A_673 = arith.index_cast %parallel_loop3A_671 : i32 to index
        %parallel_loop3A_674 = arith.index_cast %parallel_loop3A_662 : i32 to index
        %parallel_loop3A_675 = arith.constant 16 : index
        %parallel_loop3A_676 = tpu.vector_load %arg8[%parallel_loop3A_672, %parallel_loop3A_673, %parallel_loop3A_674, %parallel_loop3A_675] {strides = array<i32>} : memref<2x5x128x32xf32, #tpu.memory_space<vmem>>, vector<16xf32>,
        %parallel_loop3A_677 = arith.constant 5 : i32
        %parallel_loop3A_678 = arith.addi %parallel_loop3A_592, %parallel_loop3A_677 : i32
        %parallel_loop3A_679 = arith.constant 1 : i32
        %parallel_loop3A_680 = arith.constant 1 : i32
        %parallel_loop3A_681 = arith.index_cast %parallel_loop3A_679 : i32 to index
        %parallel_loop3A_682 = arith.index_cast %parallel_loop3A_680 : i32 to index
        %parallel_loop3A_683 = arith.index_cast %parallel_loop3A_678 : i32 to index
        %parallel_loop3A_684 = arith.constant 0 : index
        %parallel_loop3A_685 = tpu.vector_load %arg8[%parallel_loop3A_681, %parallel_loop3A_682, %parallel_loop3A_683, %parallel_loop3A_684] {strides = array<i32>} : memref<2x5x128x32xf32, #tpu.memory_space<vmem>>, vector<16xf32>,
        %parallel_loop3A_686 = arith.constant 1 : i32
        %parallel_loop3A_687 = arith.constant 1 : i32
        %parallel_loop3A_688 = arith.index_cast %parallel_loop3A_686 : i32 to index
        %parallel_loop3A_689 = arith.index_cast %parallel_loop3A_687 : i32 to index
        %parallel_loop3A_690 = arith.index_cast %parallel_loop3A_678 : i32 to index
        %parallel_loop3A_691 = arith.constant 16 : index
        %parallel_loop3A_692 = tpu.vector_load %arg8[%parallel_loop3A_688, %parallel_loop3A_689, %parallel_loop3A_690, %parallel_loop3A_691] {strides = array<i32>} : memref<2x5x128x32xf32, #tpu.memory_space<vmem>>, vector<16xf32>,
        %parallel_loop3A_693 = arith.constant 6 : i32
        %parallel_loop3A_694 = arith.addi %parallel_loop3A_592, %parallel_loop3A_693 : i32
        %parallel_loop3A_695 = arith.constant 1 : i32
        %parallel_loop3A_696 = arith.constant 1 : i32
        %parallel_loop3A_697 = arith.index_cast %parallel_loop3A_695 : i32 to index
        %parallel_loop3A_698 = arith.index_cast %parallel_loop3A_696 : i32 to index
        %parallel_loop3A_699 = arith.index_cast %parallel_loop3A_694 : i32 to index
        %parallel_loop3A_700 = arith.constant 0 : index
        %parallel_loop3A_701 = tpu.vector_load %arg8[%parallel_loop3A_697, %parallel_loop3A_698, %parallel_loop3A_699, %parallel_loop3A_700] {strides = array<i32>} : memref<2x5x128x32xf32, #tpu.memory_space<vmem>>, vector<16xf32>,
        %parallel_loop3A_702 = arith.constant 1 : i32
        %parallel_loop3A_703 = arith.constant 1 : i32
        %parallel_loop3A_704 = arith.index_cast %parallel_loop3A_702 : i32 to index
        %parallel_loop3A_705 = arith.index_cast %parallel_loop3A_703 : i32 to index
        %parallel_loop3A_706 = arith.index_cast %parallel_loop3A_694 : i32 to index
        %parallel_loop3A_707 = arith.constant 16 : index
        %parallel_loop3A_708 = tpu.vector_load %arg8[%parallel_loop3A_704, %parallel_loop3A_705, %parallel_loop3A_706, %parallel_loop3A_707] {strides = array<i32>} : memref<2x5x128x32xf32, #tpu.memory_space<vmem>>, vector<16xf32>,
        %parallel_loop3A_709 = arith.constant 7 : i32
        %parallel_loop3A_710 = arith.addi %parallel_loop3A_592, %parallel_loop3A_709 : i32
        %parallel_loop3A_711 = arith.constant 1 : i32
        %parallel_loop3A_712 = arith.constant 1 : i32
        %parallel_loop3A_713 = arith.index_cast %parallel_loop3A_711 : i32 to index
        %parallel_loop3A_714 = arith.index_cast %parallel_loop3A_712 : i32 to index
        %parallel_loop3A_715 = arith.index_cast %parallel_loop3A_710 : i32 to index
        %parallel_loop3A_716 = arith.constant 0 : index
        %parallel_loop3A_717 = tpu.vector_load %arg8[%parallel_loop3A_713, %parallel_loop3A_714, %parallel_loop3A_715, %parallel_loop3A_716] {strides = array<i32>} : memref<2x5x128x32xf32, #tpu.memory_space<vmem>>, vector<16xf32>,
        %parallel_loop3A_718 = arith.constant 1 : i32
        %parallel_loop3A_719 = arith.constant 1 : i32
        %parallel_loop3A_720 = arith.index_cast %parallel_loop3A_718 : i32 to index
        %parallel_loop3A_721 = arith.index_cast %parallel_loop3A_719 : i32 to index
        %parallel_loop3A_722 = arith.index_cast %parallel_loop3A_710 : i32 to index
        %parallel_loop3A_723 = arith.constant 16 : index
        %parallel_loop3A_724 = tpu.vector_load %arg8[%parallel_loop3A_720, %parallel_loop3A_721, %parallel_loop3A_722, %parallel_loop3A_723] {strides = array<i32>} : memref<2x5x128x32xf32, #tpu.memory_space<vmem>>, vector<16xf32>,
        %parallel_loop3A_725 = arith.constant 1 : i32
        %parallel_loop3A_726 = vector.broadcast %parallel_loop3A_725 : i32 to vector<16xi32>
        %parallel_loop3A_727 = arith.addi %parallel_loop3A_596, %parallel_loop3A_726 : vector<16xi32>
        %parallel_loop3A_728 = arith.constant 2 : i32
        %parallel_loop3A_729 = vector.broadcast %parallel_loop3A_728 : i32 to vector<16xi32>
        %parallel_loop3A_730 = arith.addi %parallel_loop3A_596, %parallel_loop3A_729 : vector<16xi32>
        %parallel_loop3A_731 = arith.constant 3 : i32
        %parallel_loop3A_732 = vector.broadcast %parallel_loop3A_731 : i32 to vector<16xi32>
        %parallel_loop3A_733 = arith.addi %parallel_loop3A_596, %parallel_loop3A_732 : vector<16xi32>
        %parallel_loop3A_734 = arith.constant 4 : i32
        %parallel_loop3A_735 = vector.broadcast %parallel_loop3A_734 : i32 to vector<16xi32>
        %parallel_loop3A_736 = arith.addi %parallel_loop3A_596, %parallel_loop3A_735 : vector<16xi32>
        %parallel_loop3A_737 = arith.constant 5 : i32
        %parallel_loop3A_738 = vector.broadcast %parallel_loop3A_737 : i32 to vector<16xi32>
        %parallel_loop3A_739 = arith.addi %parallel_loop3A_596, %parallel_loop3A_738 : vector<16xi32>
        %parallel_loop3A_740 = arith.constant 6 : i32
        %parallel_loop3A_741 = vector.broadcast %parallel_loop3A_740 : i32 to vector<16xi32>
        %parallel_loop3A_742 = arith.addi %parallel_loop3A_596, %parallel_loop3A_741 : vector<16xi32>
        %parallel_loop3A_743 = arith.constant 7 : i32
        %parallel_loop3A_744 = vector.broadcast %parallel_loop3A_743 : i32 to vector<16xi32>
        %parallel_loop3A_745 = arith.addi %parallel_loop3A_596, %parallel_loop3A_744 : vector<16xi32>
        %parallel_loop3A_746 = arith.addf %parallel_loop3A_605, %get3A_513 : vector<16xf32>
        %parallel_loop3A_747 = arith.addf %parallel_loop3A_612, %get3A_516 : vector<16xf32>
        %parallel_loop3A_748 = arith.addf %parallel_loop3A_621, %get3A_513 : vector<16xf32>
        %parallel_loop3A_749 = arith.addf %parallel_loop3A_628, %get3A_516 : vector<16xf32>
        %parallel_loop3A_750 = arith.addf %parallel_loop3A_637, %get3A_513 : vector<16xf32>
        %parallel_loop3A_751 = arith.addf %parallel_loop3A_644, %get3A_516 : vector<16xf32>
        %parallel_loop3A_752 = arith.addf %parallel_loop3A_653, %get3A_513 : vector<16xf32>
        %parallel_loop3A_753 = arith.addf %parallel_loop3A_660, %get3A_516 : vector<16xf32>
        %parallel_loop3A_754 = arith.addf %parallel_loop3A_669, %get3A_513 : vector<16xf32>
        %parallel_loop3A_755 = arith.addf %parallel_loop3A_676, %get3A_516 : vector<16xf32>
        %parallel_loop3A_756 = arith.addf %parallel_loop3A_685, %get3A_513 : vector<16xf32>
        %parallel_loop3A_757 = arith.addf %parallel_loop3A_692, %get3A_516 : vector<16xf32>
        %parallel_loop3A_758 = arith.addf %parallel_loop3A_701, %get3A_513 : vector<16xf32>
        %parallel_loop3A_759 = arith.addf %parallel_loop3A_708, %get3A_516 : vector<16xf32>
        %parallel_loop3A_760 = arith.addf %parallel_loop3A_717, %get3A_513 : vector<16xf32>
        %parallel_loop3A_761 = arith.addf %parallel_loop3A_724, %get3A_516 : vector<16xf32>
        %parallel_loop3A_762 = arith.constant 0 : i32
        %parallel_loop3A_763 = arith.constant 0 : i32
        %parallel_loop3A_764 = arith.constant 0 : i32
        %parallel_loop3A_765 = tpu.memref_slice %arg9[%parallel_loop3A_520, %parallel_loop3A_521, %parallel_loop3A_762, %parallel_loop3A_763, %parallel_loop3A_764] : memref<2x5x4x8x133xf32, #tpu.memory_space<vmem>> -> memref<1x1x4x8x133xf32, #tpu.memory_space<vmem>>
        %parallel_loop3A_766 = tpu.memref_squeeze %parallel_loop3A_765 : memref<1x1x4x8x133xf32, #tpu.memory_space<vmem>> -> memref<4x8x133xf32, #tpu.memory_space<vmem>>
        tpu.vector_store_idx %parallel_loop3A_766[%select_n3A, %select_n3A_48, %parallel_loop3A_596], %parallel_loop3A_746 : memref<4x8x133xf32, #tpu.memory_space<vmem>>[vector<16xi32>, vector<16xi32>, vector<16xi32>], vector<16xf32>,
        %parallel_loop3A_767 = arith.constant 0 : i32
        %parallel_loop3A_768 = arith.constant 0 : i32
        %parallel_loop3A_769 = arith.constant 0 : i32
        %parallel_loop3A_770 = tpu.memref_slice %arg9[%parallel_loop3A_520, %parallel_loop3A_521, %parallel_loop3A_767, %parallel_loop3A_768, %parallel_loop3A_769] : memref<2x5x4x8x133xf32, #tpu.memory_space<vmem>> -> memref<1x1x4x8x133xf32, #tpu.memory_space<vmem>>
        %parallel_loop3A_771 = tpu.memref_squeeze %parallel_loop3A_770 : memref<1x1x4x8x133xf32, #tpu.memory_space<vmem>> -> memref<4x8x133xf32, #tpu.memory_space<vmem>>
        tpu.vector_store_idx %parallel_loop3A_771[%add3A_28, %select_n3A_48, %parallel_loop3A_596], %parallel_loop3A_747 : memref<4x8x133xf32, #tpu.memory_space<vmem>>[vector<16xi32>, vector<16xi32>, vector<16xi32>], vector<16xf32>,
        %parallel_loop3A_772 = arith.constant 0 : i32
        %parallel_loop3A_773 = arith.constant 0 : i32
        %parallel_loop3A_774 = arith.constant 0 : i32
        %parallel_loop3A_775 = tpu.memref_slice %arg9[%parallel_loop3A_520, %parallel_loop3A_521, %parallel_loop3A_772, %parallel_loop3A_773, %parallel_loop3A_774] : memref<2x5x4x8x133xf32, #tpu.memory_space<vmem>> -> memref<1x1x4x8x133xf32, #tpu.memory_space<vmem>>
        %parallel_loop3A_776 = tpu.memref_squeeze %parallel_loop3A_775 : memref<1x1x4x8x133xf32, #tpu.memory_space<vmem>> -> memref<4x8x133xf32, #tpu.memory_space<vmem>>
        tpu.vector_store_idx %parallel_loop3A_776[%select_n3A, %select_n3A_48, %parallel_loop3A_727], %parallel_loop3A_748 : memref<4x8x133xf32, #tpu.memory_space<vmem>>[vector<16xi32>, vector<16xi32>, vector<16xi32>], vector<16xf32>,
        %parallel_loop3A_777 = arith.constant 0 : i32
        %parallel_loop3A_778 = arith.constant 0 : i32
        %parallel_loop3A_779 = arith.constant 0 : i32
        %parallel_loop3A_780 = tpu.memref_slice %arg9[%parallel_loop3A_520, %parallel_loop3A_521, %parallel_loop3A_777, %parallel_loop3A_778, %parallel_loop3A_779] : memref<2x5x4x8x133xf32, #tpu.memory_space<vmem>> -> memref<1x1x4x8x133xf32, #tpu.memory_space<vmem>>
        %parallel_loop3A_781 = tpu.memref_squeeze %parallel_loop3A_780 : memref<1x1x4x8x133xf32, #tpu.memory_space<vmem>> -> memref<4x8x133xf32, #tpu.memory_space<vmem>>
        tpu.vector_store_idx %parallel_loop3A_781[%add3A_28, %select_n3A_48, %parallel_loop3A_727], %parallel_loop3A_749 : memref<4x8x133xf32, #tpu.memory_space<vmem>>[vector<16xi32>, vector<16xi32>, vector<16xi32>], vector<16xf32>,
        %parallel_loop3A_782 = arith.constant 0 : i32
        %parallel_loop3A_783 = arith.constant 0 : i32
        %parallel_loop3A_784 = arith.constant 0 : i32
        %parallel_loop3A_785 = tpu.memref_slice %arg9[%parallel_loop3A_520, %parallel_loop3A_521, %parallel_loop3A_782, %parallel_loop3A_783, %parallel_loop3A_784] : memref<2x5x4x8x133xf32, #tpu.memory_space<vmem>> -> memref<1x1x4x8x133xf32, #tpu.memory_space<vmem>>
        %parallel_loop3A_786 = tpu.memref_squeeze %parallel_loop3A_785 : memref<1x1x4x8x133xf32, #tpu.memory_space<vmem>> -> memref<4x8x133xf32, #tpu.memory_space<vmem>>
        tpu.vector_store_idx %parallel_loop3A_786[%select_n3A, %select_n3A_48, %parallel_loop3A_730], %parallel_loop3A_750 : memref<4x8x133xf32, #tpu.memory_space<vmem>>[vector<16xi32>, vector<16xi32>, vector<16xi32>], vector<16xf32>,
        %parallel_loop3A_787 = arith.constant 0 : i32
        %parallel_loop3A_788 = arith.constant 0 : i32
        %parallel_loop3A_789 = arith.constant 0 : i32
        %parallel_loop3A_790 = tpu.memref_slice %arg9[%parallel_loop3A_520, %parallel_loop3A_521, %parallel_loop3A_787, %parallel_loop3A_788, %parallel_loop3A_789] : memref<2x5x4x8x133xf32, #tpu.memory_space<vmem>> -> memref<1x1x4x8x133xf32, #tpu.memory_space<vmem>>
        %parallel_loop3A_791 = tpu.memref_squeeze %parallel_loop3A_790 : memref<1x1x4x8x133xf32, #tpu.memory_space<vmem>> -> memref<4x8x133xf32, #tpu.memory_space<vmem>>
        tpu.vector_store_idx %parallel_loop3A_791[%add3A_28, %select_n3A_48, %parallel_loop3A_730], %parallel_loop3A_751 : memref<4x8x133xf32, #tpu.memory_space<vmem>>[vector<16xi32>, vector<16xi32>, vector<16xi32>], vector<16xf32>,
        %parallel_loop3A_792 = arith.constant 0 : i32
        %parallel_loop3A_793 = arith.constant 0 : i32
        %parallel_loop3A_794 = arith.constant 0 : i32
        %parallel_loop3A_795 = tpu.memref_slice %arg9[%parallel_loop3A_520, %parallel_loop3A_521, %parallel_loop3A_792, %parallel_loop3A_793, %parallel_loop3A_794] : memref<2x5x4x8x133xf32, #tpu.memory_space<vmem>> -> memref<1x1x4x8x133xf32, #tpu.memory_space<vmem>>
        %parallel_loop3A_796 = tpu.memref_squeeze %parallel_loop3A_795 : memref<1x1x4x8x133xf32, #tpu.memory_space<vmem>> -> memref<4x8x133xf32, #tpu.memory_space<vmem>>
        tpu.vector_store_idx %parallel_loop3A_796[%select_n3A, %select_n3A_48, %parallel_loop3A_733], %parallel_loop3A_752 : memref<4x8x133xf32, #tpu.memory_space<vmem>>[vector<16xi32>, vector<16xi32>, vector<16xi32>], vector<16xf32>,
        %parallel_loop3A_797 = arith.constant 0 : i32
        %parallel_loop3A_798 = arith.constant 0 : i32
        %parallel_loop3A_799 = arith.constant 0 : i32
        %parallel_loop3A_800 = tpu.memref_slice %arg9[%parallel_loop3A_520, %parallel_loop3A_521, %parallel_loop3A_797, %parallel_loop3A_798, %parallel_loop3A_799] : memref<2x5x4x8x133xf32, #tpu.memory_space<vmem>> -> memref<1x1x4x8x133xf32, #tpu.memory_space<vmem>>
        %parallel_loop3A_801 = tpu.memref_squeeze %parallel_loop3A_800 : memref<1x1x4x8x133xf32, #tpu.memory_space<vmem>> -> memref<4x8x133xf32, #tpu.memory_space<vmem>>
        tpu.vector_store_idx %parallel_loop3A_801[%add3A_28, %select_n3A_48, %parallel_loop3A_733], %parallel_loop3A_753 : memref<4x8x133xf32, #tpu.memory_space<vmem>>[vector<16xi32>, vector<16xi32>, vector<16xi32>], vector<16xf32>,
        %parallel_loop3A_802 = arith.constant 0 : i32
        %parallel_loop3A_803 = arith.constant 0 : i32
        %parallel_loop3A_804 = arith.constant 0 : i32
        %parallel_loop3A_805 = tpu.memref_slice %arg9[%parallel_loop3A_520, %parallel_loop3A_521, %parallel_loop3A_802, %parallel_loop3A_803, %parallel_loop3A_804] : memref<2x5x4x8x133xf32, #tpu.memory_space<vmem>> -> memref<1x1x4x8x133xf32, #tpu.memory_space<vmem>>
        %parallel_loop3A_806 = tpu.memref_squeeze %parallel_loop3A_805 : memref<1x1x4x8x133xf32, #tpu.memory_space<vmem>> -> memref<4x8x133xf32, #tpu.memory_space<vmem>>
        tpu.vector_store_idx %parallel_loop3A_806[%select_n3A, %select_n3A_48, %parallel_loop3A_736], %parallel_loop3A_754 : memref<4x8x133xf32, #tpu.memory_space<vmem>>[vector<16xi32>, vector<16xi32>, vector<16xi32>], vector<16xf32>,
        %parallel_loop3A_807 = arith.constant 0 : i32
        %parallel_loop3A_808 = arith.constant 0 : i32
        %parallel_loop3A_809 = arith.constant 0 : i32
        %parallel_loop3A_810 = tpu.memref_slice %arg9[%parallel_loop3A_520, %parallel_loop3A_521, %parallel_loop3A_807, %parallel_loop3A_808, %parallel_loop3A_809] : memref<2x5x4x8x133xf32, #tpu.memory_space<vmem>> -> memref<1x1x4x8x133xf32, #tpu.memory_space<vmem>>
        %parallel_loop3A_811 = tpu.memref_squeeze %parallel_loop3A_810 : memref<1x1x4x8x133xf32, #tpu.memory_space<vmem>> -> memref<4x8x133xf32, #tpu.memory_space<vmem>>
        tpu.vector_store_idx %parallel_loop3A_811[%add3A_28, %select_n3A_48, %parallel_loop3A_736], %parallel_loop3A_755 : memref<4x8x133xf32, #tpu.memory_space<vmem>>[vector<16xi32>, vector<16xi32>, vector<16xi32>], vector<16xf32>,
        %parallel_loop3A_812 = arith.constant 0 : i32
        %parallel_loop3A_813 = arith.constant 0 : i32
        %parallel_loop3A_814 = arith.constant 0 : i32
        %parallel_loop3A_815 = tpu.memref_slice %arg9[%parallel_loop3A_520, %parallel_loop3A_521, %parallel_loop3A_812, %parallel_loop3A_813, %parallel_loop3A_814] : memref<2x5x4x8x133xf32, #tpu.memory_space<vmem>> -> memref<1x1x4x8x133xf32, #tpu.memory_space<vmem>>
        %parallel_loop3A_816 = tpu.memref_squeeze %parallel_loop3A_815 : memref<1x1x4x8x133xf32, #tpu.memory_space<vmem>> -> memref<4x8x133xf32, #tpu.memory_space<vmem>>
        tpu.vector_store_idx %parallel_loop3A_816[%select_n3A, %select_n3A_48, %parallel_loop3A_739], %parallel_loop3A_756 : memref<4x8x133xf32, #tpu.memory_space<vmem>>[vector<16xi32>, vector<16xi32>, vector<16xi32>], vector<16xf32>,
        %parallel_loop3A_817 = arith.constant 0 : i32
        %parallel_loop3A_818 = arith.constant 0 : i32
        %parallel_loop3A_819 = arith.constant 0 : i32
        %parallel_loop3A_820 = tpu.memref_slice %arg9[%parallel_loop3A_520, %parallel_loop3A_521, %parallel_loop3A_817, %parallel_loop3A_818, %parallel_loop3A_819] : memref<2x5x4x8x133xf32, #tpu.memory_space<vmem>> -> memref<1x1x4x8x133xf32, #tpu.memory_space<vmem>>
        %parallel_loop3A_821 = tpu.memref_squeeze %parallel_loop3A_820 : memref<1x1x4x8x133xf32, #tpu.memory_space<vmem>> -> memref<4x8x133xf32, #tpu.memory_space<vmem>>
        tpu.vector_store_idx %parallel_loop3A_821[%add3A_28, %select_n3A_48, %parallel_loop3A_739], %parallel_loop3A_757 : memref<4x8x133xf32, #tpu.memory_space<vmem>>[vector<16xi32>, vector<16xi32>, vector<16xi32>], vector<16xf32>,
        %parallel_loop3A_822 = arith.constant 0 : i32
        %parallel_loop3A_823 = arith.constant 0 : i32
        %parallel_loop3A_824 = arith.constant 0 : i32
        %parallel_loop3A_825 = tpu.memref_slice %arg9[%parallel_loop3A_520, %parallel_loop3A_521, %parallel_loop3A_822, %parallel_loop3A_823, %parallel_loop3A_824] : memref<2x5x4x8x133xf32, #tpu.memory_space<vmem>> -> memref<1x1x4x8x133xf32, #tpu.memory_space<vmem>>
        %parallel_loop3A_826 = tpu.memref_squeeze %parallel_loop3A_825 : memref<1x1x4x8x133xf32, #tpu.memory_space<vmem>> -> memref<4x8x133xf32, #tpu.memory_space<vmem>>
        tpu.vector_store_idx %parallel_loop3A_826[%select_n3A, %select_n3A_48, %parallel_loop3A_742], %parallel_loop3A_758 : memref<4x8x133xf32, #tpu.memory_space<vmem>>[vector<16xi32>, vector<16xi32>, vector<16xi32>], vector<16xf32>,
        %parallel_loop3A_827 = arith.constant 0 : i32
        %parallel_loop3A_828 = arith.constant 0 : i32
        %parallel_loop3A_829 = arith.constant 0 : i32
        %parallel_loop3A_830 = tpu.memref_slice %arg9[%parallel_loop3A_520, %parallel_loop3A_521, %parallel_loop3A_827, %parallel_loop3A_828, %parallel_loop3A_829] : memref<2x5x4x8x133xf32, #tpu.memory_space<vmem>> -> memref<1x1x4x8x133xf32, #tpu.memory_space<vmem>>
        %parallel_loop3A_831 = tpu.memref_squeeze %parallel_loop3A_830 : memref<1x1x4x8x133xf32, #tpu.memory_space<vmem>> -> memref<4x8x133xf32, #tpu.memory_space<vmem>>
        tpu.vector_store_idx %parallel_loop3A_831[%add3A_28, %select_n3A_48, %parallel_loop3A_742], %parallel_loop3A_759 : memref<4x8x133xf32, #tpu.memory_space<vmem>>[vector<16xi32>, vector<16xi32>, vector<16xi32>], vector<16xf32>,
        %parallel_loop3A_832 = arith.constant 0 : i32
        %parallel_loop3A_833 = arith.constant 0 : i32
        %parallel_loop3A_834 = arith.constant 0 : i32
        %parallel_loop3A_835 = tpu.memref_slice %arg9[%parallel_loop3A_520, %parallel_loop3A_521, %parallel_loop3A_832, %parallel_loop3A_833, %parallel_loop3A_834] : memref<2x5x4x8x133xf32, #tpu.memory_space<vmem>> -> memref<1x1x4x8x133xf32, #tpu.memory_space<vmem>>
        %parallel_loop3A_836 = tpu.memref_squeeze %parallel_loop3A_835 : memref<1x1x4x8x133xf32, #tpu.memory_space<vmem>> -> memref<4x8x133xf32, #tpu.memory_space<vmem>>
        tpu.vector_store_idx %parallel_loop3A_836[%select_n3A, %select_n3A_48, %parallel_loop3A_745], %parallel_loop3A_760 : memref<4x8x133xf32, #tpu.memory_space<vmem>>[vector<16xi32>, vector<16xi32>, vector<16xi32>], vector<16xf32>,
        %parallel_loop3A_837 = arith.constant 0 : i32
        %parallel_loop3A_838 = arith.constant 0 : i32
        %parallel_loop3A_839 = arith.constant 0 : i32
        %parallel_loop3A_840 = tpu.memref_slice %arg9[%parallel_loop3A_520, %parallel_loop3A_521, %parallel_loop3A_837, %parallel_loop3A_838, %parallel_loop3A_839] : memref<2x5x4x8x133xf32, #tpu.memory_space<vmem>> -> memref<1x1x4x8x133xf32, #tpu.memory_space<vmem>>
        %parallel_loop3A_841 = tpu.memref_squeeze %parallel_loop3A_840 : memref<1x1x4x8x133xf32, #tpu.memory_space<vmem>> -> memref<4x8x133xf32, #tpu.memory_space<vmem>>
        tpu.vector_store_idx %parallel_loop3A_841[%add3A_28, %select_n3A_48, %parallel_loop3A_745], %parallel_loop3A_761 : memref<4x8x133xf32, #tpu.memory_space<vmem>>[vector<16xi32>, vector<16xi32>, vector<16xi32>], vector<16xf32>,
      } {sc.loop_unroll_factor = 1 : i64, sc.parallel_access}
      %mul3A_522 = arith.constant 5 : i32
      %mul3A_523 = arith.muli %add3A_402, %mul3A_522 : i32
      %add3A_524 = arith.constant 2 : i32
      %add3A_525 = arith.addi %mul3A_523, %add3A_524 : i32
      %get3A_526 = arith.index_cast %add3A_525 : i32 to index
      %get3A_527 = arith.constant 0 : index
      %get3A_528 = tpu.vector_load %arg7[%get3A_526, %get3A_527] {strides = array<i32>} : memref<200x32xf32, #tpu.memory_space<vmem>>, vector<16xf32>,
      %get3A_529 = arith.index_cast %add3A_525 : i32 to index
      %get3A_530 = arith.constant 16 : index
      %get3A_531 = tpu.vector_load %arg7[%get3A_529, %get3A_530] {strides = array<i32>} : memref<200x32xf32, #tpu.memory_space<vmem>>, vector<16xf32>,
      %parallel_loop3A_532 = arith.constant 0 : i32
      %parallel_loop3A_533 = arith.constant 128 : i32
      %parallel_loop3A_534 = arith.constant 8 : i32
      %parallel_loop3A_535 = arith.constant 1 : i32
      %parallel_loop3A_536 = arith.constant 2 : i32
      scf.for %parallel_loop3A_592 = %parallel_loop3A_532 to %parallel_loop3A_533 step %parallel_loop3A_534  : i32 {
        %parallel_loop3A_593 = arith.constant 0 : i32
        %parallel_loop3A_594 = vector.broadcast %parallel_loop3A_593 : i32 to vector<16xi32>
        %parallel_loop3A_595 = vector.broadcast %parallel_loop3A_592 : i32 to vector<16xi32>
        %parallel_loop3A_596 = arith.addi %parallel_loop3A_594, %parallel_loop3A_595 : vector<16xi32>
        %parallel_loop3A_597 = arith.constant 0 : i32
        %parallel_loop3A_598 = arith.addi %parallel_loop3A_592, %parallel_loop3A_597 : i32
        %parallel_loop3A_599 = arith.constant 1 : i32
        %parallel_loop3A_600 = arith.constant 2 : i32
        %parallel_loop3A_601 = arith.index_cast %parallel_loop3A_599 : i32 to index
        %parallel_loop3A_602 = arith.index_cast %parallel_loop3A_600 : i32 to index
        %parallel_loop3A_603 = arith.index_cast %parallel_loop3A_598 : i32 to index
        %parallel_loop3A_604 = arith.constant 0 : index
        %parallel_loop3A_605 = tpu.vector_load %arg8[%parallel_loop3A_601, %parallel_loop3A_602, %parallel_loop3A_603, %parallel_loop3A_604] {strides = array<i32>} : memref<2x5x128x32xf32, #tpu.memory_space<vmem>>, vector<16xf32>,
        %parallel_loop3A_606 = arith.constant 1 : i32
        %parallel_loop3A_607 = arith.constant 2 : i32
        %parallel_loop3A_608 = arith.index_cast %parallel_loop3A_606 : i32 to index
        %parallel_loop3A_609 = arith.index_cast %parallel_loop3A_607 : i32 to index
        %parallel_loop3A_610 = arith.index_cast %parallel_loop3A_598 : i32 to index
        %parallel_loop3A_611 = arith.constant 16 : index
        %parallel_loop3A_612 = tpu.vector_load %arg8[%parallel_loop3A_608, %parallel_loop3A_609, %parallel_loop3A_610, %parallel_loop3A_611] {strides = array<i32>} : memref<2x5x128x32xf32, #tpu.memory_space<vmem>>, vector<16xf32>,
        %parallel_loop3A_613 = arith.constant 1 : i32
        %parallel_loop3A_614 = arith.addi %parallel_loop3A_592, %parallel_loop3A_613 : i32
        %parallel_loop3A_615 = arith.constant 1 : i32
        %parallel_loop3A_616 = arith.constant 2 : i32
        %parallel_loop3A_617 = arith.index_cast %parallel_loop3A_615 : i32 to index
        %parallel_loop3A_618 = arith.index_cast %parallel_loop3A_616 : i32 to index
        %parallel_loop3A_619 = arith.index_cast %parallel_loop3A_614 : i32 to index
        %parallel_loop3A_620 = arith.constant 0 : index
        %parallel_loop3A_621 = tpu.vector_load %arg8[%parallel_loop3A_617, %parallel_loop3A_618, %parallel_loop3A_619, %parallel_loop3A_620] {strides = array<i32>} : memref<2x5x128x32xf32, #tpu.memory_space<vmem>>, vector<16xf32>,
        %parallel_loop3A_622 = arith.constant 1 : i32
        %parallel_loop3A_623 = arith.constant 2 : i32
        %parallel_loop3A_624 = arith.index_cast %parallel_loop3A_622 : i32 to index
        %parallel_loop3A_625 = arith.index_cast %parallel_loop3A_623 : i32 to index
        %parallel_loop3A_626 = arith.index_cast %parallel_loop3A_614 : i32 to index
        %parallel_loop3A_627 = arith.constant 16 : index
        %parallel_loop3A_628 = tpu.vector_load %arg8[%parallel_loop3A_624, %parallel_loop3A_625, %parallel_loop3A_626, %parallel_loop3A_627] {strides = array<i32>} : memref<2x5x128x32xf32, #tpu.memory_space<vmem>>, vector<16xf32>,
        %parallel_loop3A_629 = arith.constant 2 : i32
        %parallel_loop3A_630 = arith.addi %parallel_loop3A_592, %parallel_loop3A_629 : i32
        %parallel_loop3A_631 = arith.constant 1 : i32
        %parallel_loop3A_632 = arith.constant 2 : i32
        %parallel_loop3A_633 = arith.index_cast %parallel_loop3A_631 : i32 to index
        %parallel_loop3A_634 = arith.index_cast %parallel_loop3A_632 : i32 to index
        %parallel_loop3A_635 = arith.index_cast %parallel_loop3A_630 : i32 to index
        %parallel_loop3A_636 = arith.constant 0 : index
        %parallel_loop3A_637 = tpu.vector_load %arg8[%parallel_loop3A_633, %parallel_loop3A_634, %parallel_loop3A_635, %parallel_loop3A_636] {strides = array<i32>} : memref<2x5x128x32xf32, #tpu.memory_space<vmem>>, vector<16xf32>,
        %parallel_loop3A_638 = arith.constant 1 : i32
        %parallel_loop3A_639 = arith.constant 2 : i32
        %parallel_loop3A_640 = arith.index_cast %parallel_loop3A_638 : i32 to index
        %parallel_loop3A_641 = arith.index_cast %parallel_loop3A_639 : i32 to index
        %parallel_loop3A_642 = arith.index_cast %parallel_loop3A_630 : i32 to index
        %parallel_loop3A_643 = arith.constant 16 : index
        %parallel_loop3A_644 = tpu.vector_load %arg8[%parallel_loop3A_640, %parallel_loop3A_641, %parallel_loop3A_642, %parallel_loop3A_643] {strides = array<i32>} : memref<2x5x128x32xf32, #tpu.memory_space<vmem>>, vector<16xf32>,
        %parallel_loop3A_645 = arith.constant 3 : i32
        %parallel_loop3A_646 = arith.addi %parallel_loop3A_592, %parallel_loop3A_645 : i32
        %parallel_loop3A_647 = arith.constant 1 : i32
        %parallel_loop3A_648 = arith.constant 2 : i32
        %parallel_loop3A_649 = arith.index_cast %parallel_loop3A_647 : i32 to index
        %parallel_loop3A_650 = arith.index_cast %parallel_loop3A_648 : i32 to index
        %parallel_loop3A_651 = arith.index_cast %parallel_loop3A_646 : i32 to index
        %parallel_loop3A_652 = arith.constant 0 : index
        %parallel_loop3A_653 = tpu.vector_load %arg8[%parallel_loop3A_649, %parallel_loop3A_650, %parallel_loop3A_651, %parallel_loop3A_652] {strides = array<i32>} : memref<2x5x128x32xf32, #tpu.memory_space<vmem>>, vector<16xf32>,
        %parallel_loop3A_654 = arith.constant 1 : i32
        %parallel_loop3A_655 = arith.constant 2 : i32
        %parallel_loop3A_656 = arith.index_cast %parallel_loop3A_654 : i32 to index
        %parallel_loop3A_657 = arith.index_cast %parallel_loop3A_655 : i32 to index
        %parallel_loop3A_658 = arith.index_cast %parallel_loop3A_646 : i32 to index
        %parallel_loop3A_659 = arith.constant 16 : index
        %parallel_loop3A_660 = tpu.vector_load %arg8[%parallel_loop3A_656, %parallel_loop3A_657, %parallel_loop3A_658, %parallel_loop3A_659] {strides = array<i32>} : memref<2x5x128x32xf32, #tpu.memory_space<vmem>>, vector<16xf32>,
        %parallel_loop3A_661 = arith.constant 4 : i32
        %parallel_loop3A_662 = arith.addi %parallel_loop3A_592, %parallel_loop3A_661 : i32
        %parallel_loop3A_663 = arith.constant 1 : i32
        %parallel_loop3A_664 = arith.constant 2 : i32
        %parallel_loop3A_665 = arith.index_cast %parallel_loop3A_663 : i32 to index
        %parallel_loop3A_666 = arith.index_cast %parallel_loop3A_664 : i32 to index
        %parallel_loop3A_667 = arith.index_cast %parallel_loop3A_662 : i32 to index
        %parallel_loop3A_668 = arith.constant 0 : index
        %parallel_loop3A_669 = tpu.vector_load %arg8[%parallel_loop3A_665, %parallel_loop3A_666, %parallel_loop3A_667, %parallel_loop3A_668] {strides = array<i32>} : memref<2x5x128x32xf32, #tpu.memory_space<vmem>>, vector<16xf32>,
        %parallel_loop3A_670 = arith.constant 1 : i32
        %parallel_loop3A_671 = arith.constant 2 : i32
        %parallel_loop3A_672 = arith.index_cast %parallel_loop3A_670 : i32 to index
        %parallel_loop3A_673 = arith.index_cast %parallel_loop3A_671 : i32 to index
        %parallel_loop3A_674 = arith.index_cast %parallel_loop3A_662 : i32 to index
        %parallel_loop3A_675 = arith.constant 16 : index
        %parallel_loop3A_676 = tpu.vector_load %arg8[%parallel_loop3A_672, %parallel_loop3A_673, %parallel_loop3A_674, %parallel_loop3A_675] {strides = array<i32>} : memref<2x5x128x32xf32, #tpu.memory_space<vmem>>, vector<16xf32>,
        %parallel_loop3A_677 = arith.constant 5 : i32
        %parallel_loop3A_678 = arith.addi %parallel_loop3A_592, %parallel_loop3A_677 : i32
        %parallel_loop3A_679 = arith.constant 1 : i32
        %parallel_loop3A_680 = arith.constant 2 : i32
        %parallel_loop3A_681 = arith.index_cast %parallel_loop3A_679 : i32 to index
        %parallel_loop3A_682 = arith.index_cast %parallel_loop3A_680 : i32 to index
        %parallel_loop3A_683 = arith.index_cast %parallel_loop3A_678 : i32 to index
        %parallel_loop3A_684 = arith.constant 0 : index
        %parallel_loop3A_685 = tpu.vector_load %arg8[%parallel_loop3A_681, %parallel_loop3A_682, %parallel_loop3A_683, %parallel_loop3A_684] {strides = array<i32>} : memref<2x5x128x32xf32, #tpu.memory_space<vmem>>, vector<16xf32>,
        %parallel_loop3A_686 = arith.constant 1 : i32
        %parallel_loop3A_687 = arith.constant 2 : i32
        %parallel_loop3A_688 = arith.index_cast %parallel_loop3A_686 : i32 to index
        %parallel_loop3A_689 = arith.index_cast %parallel_loop3A_687 : i32 to index
        %parallel_loop3A_690 = arith.index_cast %parallel_loop3A_678 : i32 to index
        %parallel_loop3A_691 = arith.constant 16 : index
        %parallel_loop3A_692 = tpu.vector_load %arg8[%parallel_loop3A_688, %parallel_loop3A_689, %parallel_loop3A_690, %parallel_loop3A_691] {strides = array<i32>} : memref<2x5x128x32xf32, #tpu.memory_space<vmem>>, vector<16xf32>,
        %parallel_loop3A_693 = arith.constant 6 : i32
        %parallel_loop3A_694 = arith.addi %parallel_loop3A_592, %parallel_loop3A_693 : i32
        %parallel_loop3A_695 = arith.constant 1 : i32
        %parallel_loop3A_696 = arith.constant 2 : i32
        %parallel_loop3A_697 = arith.index_cast %parallel_loop3A_695 : i32 to index
        %parallel_loop3A_698 = arith.index_cast %parallel_loop3A_696 : i32 to index
        %parallel_loop3A_699 = arith.index_cast %parallel_loop3A_694 : i32 to index
        %parallel_loop3A_700 = arith.constant 0 : index
        %parallel_loop3A_701 = tpu.vector_load %arg8[%parallel_loop3A_697, %parallel_loop3A_698, %parallel_loop3A_699, %parallel_loop3A_700] {strides = array<i32>} : memref<2x5x128x32xf32, #tpu.memory_space<vmem>>, vector<16xf32>,
        %parallel_loop3A_702 = arith.constant 1 : i32
        %parallel_loop3A_703 = arith.constant 2 : i32
        %parallel_loop3A_704 = arith.index_cast %parallel_loop3A_702 : i32 to index
        %parallel_loop3A_705 = arith.index_cast %parallel_loop3A_703 : i32 to index
        %parallel_loop3A_706 = arith.index_cast %parallel_loop3A_694 : i32 to index
        %parallel_loop3A_707 = arith.constant 16 : index
        %parallel_loop3A_708 = tpu.vector_load %arg8[%parallel_loop3A_704, %parallel_loop3A_705, %parallel_loop3A_706, %parallel_loop3A_707] {strides = array<i32>} : memref<2x5x128x32xf32, #tpu.memory_space<vmem>>, vector<16xf32>,
        %parallel_loop3A_709 = arith.constant 7 : i32
        %parallel_loop3A_710 = arith.addi %parallel_loop3A_592, %parallel_loop3A_709 : i32
        %parallel_loop3A_711 = arith.constant 1 : i32
        %parallel_loop3A_712 = arith.constant 2 : i32
        %parallel_loop3A_713 = arith.index_cast %parallel_loop3A_711 : i32 to index
        %parallel_loop3A_714 = arith.index_cast %parallel_loop3A_712 : i32 to index
        %parallel_loop3A_715 = arith.index_cast %parallel_loop3A_710 : i32 to index
        %parallel_loop3A_716 = arith.constant 0 : index
        %parallel_loop3A_717 = tpu.vector_load %arg8[%parallel_loop3A_713, %parallel_loop3A_714, %parallel_loop3A_715, %parallel_loop3A_716] {strides = array<i32>} : memref<2x5x128x32xf32, #tpu.memory_space<vmem>>, vector<16xf32>,
        %parallel_loop3A_718 = arith.constant 1 : i32
        %parallel_loop3A_719 = arith.constant 2 : i32
        %parallel_loop3A_720 = arith.index_cast %parallel_loop3A_718 : i32 to index
        %parallel_loop3A_721 = arith.index_cast %parallel_loop3A_719 : i32 to index
        %parallel_loop3A_722 = arith.index_cast %parallel_loop3A_710 : i32 to index
        %parallel_loop3A_723 = arith.constant 16 : index
        %parallel_loop3A_724 = tpu.vector_load %arg8[%parallel_loop3A_720, %parallel_loop3A_721, %parallel_loop3A_722, %parallel_loop3A_723] {strides = array<i32>} : memref<2x5x128x32xf32, #tpu.memory_space<vmem>>, vector<16xf32>,
        %parallel_loop3A_725 = arith.constant 1 : i32
        %parallel_loop3A_726 = vector.broadcast %parallel_loop3A_725 : i32 to vector<16xi32>
        %parallel_loop3A_727 = arith.addi %parallel_loop3A_596, %parallel_loop3A_726 : vector<16xi32>
        %parallel_loop3A_728 = arith.constant 2 : i32
        %parallel_loop3A_729 = vector.broadcast %parallel_loop3A_728 : i32 to vector<16xi32>
        %parallel_loop3A_730 = arith.addi %parallel_loop3A_596, %parallel_loop3A_729 : vector<16xi32>
        %parallel_loop3A_731 = arith.constant 3 : i32
        %parallel_loop3A_732 = vector.broadcast %parallel_loop3A_731 : i32 to vector<16xi32>
        %parallel_loop3A_733 = arith.addi %parallel_loop3A_596, %parallel_loop3A_732 : vector<16xi32>
        %parallel_loop3A_734 = arith.constant 4 : i32
        %parallel_loop3A_735 = vector.broadcast %parallel_loop3A_734 : i32 to vector<16xi32>
        %parallel_loop3A_736 = arith.addi %parallel_loop3A_596, %parallel_loop3A_735 : vector<16xi32>
        %parallel_loop3A_737 = arith.constant 5 : i32
        %parallel_loop3A_738 = vector.broadcast %parallel_loop3A_737 : i32 to vector<16xi32>
        %parallel_loop3A_739 = arith.addi %parallel_loop3A_596, %parallel_loop3A_738 : vector<16xi32>
        %parallel_loop3A_740 = arith.constant 6 : i32
        %parallel_loop3A_741 = vector.broadcast %parallel_loop3A_740 : i32 to vector<16xi32>
        %parallel_loop3A_742 = arith.addi %parallel_loop3A_596, %parallel_loop3A_741 : vector<16xi32>
        %parallel_loop3A_743 = arith.constant 7 : i32
        %parallel_loop3A_744 = vector.broadcast %parallel_loop3A_743 : i32 to vector<16xi32>
        %parallel_loop3A_745 = arith.addi %parallel_loop3A_596, %parallel_loop3A_744 : vector<16xi32>
        %parallel_loop3A_746 = arith.addf %parallel_loop3A_605, %get3A_528 : vector<16xf32>
        %parallel_loop3A_747 = arith.addf %parallel_loop3A_612, %get3A_531 : vector<16xf32>
        %parallel_loop3A_748 = arith.addf %parallel_loop3A_621, %get3A_528 : vector<16xf32>
        %parallel_loop3A_749 = arith.addf %parallel_loop3A_628, %get3A_531 : vector<16xf32>
        %parallel_loop3A_750 = arith.addf %parallel_loop3A_637, %get3A_528 : vector<16xf32>
        %parallel_loop3A_751 = arith.addf %parallel_loop3A_644, %get3A_531 : vector<16xf32>
        %parallel_loop3A_752 = arith.addf %parallel_loop3A_653, %get3A_528 : vector<16xf32>
        %parallel_loop3A_753 = arith.addf %parallel_loop3A_660, %get3A_531 : vector<16xf32>
        %parallel_loop3A_754 = arith.addf %parallel_loop3A_669, %get3A_528 : vector<16xf32>
        %parallel_loop3A_755 = arith.addf %parallel_loop3A_676, %get3A_531 : vector<16xf32>
        %parallel_loop3A_756 = arith.addf %parallel_loop3A_685, %get3A_528 : vector<16xf32>
        %parallel_loop3A_757 = arith.addf %parallel_loop3A_692, %get3A_531 : vector<16xf32>
        %parallel_loop3A_758 = arith.addf %parallel_loop3A_701, %get3A_528 : vector<16xf32>
        %parallel_loop3A_759 = arith.addf %parallel_loop3A_708, %get3A_531 : vector<16xf32>
        %parallel_loop3A_760 = arith.addf %parallel_loop3A_717, %get3A_528 : vector<16xf32>
        %parallel_loop3A_761 = arith.addf %parallel_loop3A_724, %get3A_531 : vector<16xf32>
        %parallel_loop3A_762 = arith.constant 0 : i32
        %parallel_loop3A_763 = arith.constant 0 : i32
        %parallel_loop3A_764 = arith.constant 0 : i32
        %parallel_loop3A_765 = tpu.memref_slice %arg9[%parallel_loop3A_535, %parallel_loop3A_536, %parallel_loop3A_762, %parallel_loop3A_763, %parallel_loop3A_764] : memref<2x5x4x8x133xf32, #tpu.memory_space<vmem>> -> memref<1x1x4x8x133xf32, #tpu.memory_space<vmem>>
        %parallel_loop3A_766 = tpu.memref_squeeze %parallel_loop3A_765 : memref<1x1x4x8x133xf32, #tpu.memory_space<vmem>> -> memref<4x8x133xf32, #tpu.memory_space<vmem>>
        tpu.vector_store_idx %parallel_loop3A_766[%select_n3A, %select_n3A_48, %parallel_loop3A_596], %parallel_loop3A_746 : memref<4x8x133xf32, #tpu.memory_space<vmem>>[vector<16xi32>, vector<16xi32>, vector<16xi32>], vector<16xf32>,
        %parallel_loop3A_767 = arith.constant 0 : i32
        %parallel_loop3A_768 = arith.constant 0 : i32
        %parallel_loop3A_769 = arith.constant 0 : i32
        %parallel_loop3A_770 = tpu.memref_slice %arg9[%parallel_loop3A_535, %parallel_loop3A_536, %parallel_loop3A_767, %parallel_loop3A_768, %parallel_loop3A_769] : memref<2x5x4x8x133xf32, #tpu.memory_space<vmem>> -> memref<1x1x4x8x133xf32, #tpu.memory_space<vmem>>
        %parallel_loop3A_771 = tpu.memref_squeeze %parallel_loop3A_770 : memref<1x1x4x8x133xf32, #tpu.memory_space<vmem>> -> memref<4x8x133xf32, #tpu.memory_space<vmem>>
        tpu.vector_store_idx %parallel_loop3A_771[%add3A_28, %select_n3A_48, %parallel_loop3A_596], %parallel_loop3A_747 : memref<4x8x133xf32, #tpu.memory_space<vmem>>[vector<16xi32>, vector<16xi32>, vector<16xi32>], vector<16xf32>,
        %parallel_loop3A_772 = arith.constant 0 : i32
        %parallel_loop3A_773 = arith.constant 0 : i32
        %parallel_loop3A_774 = arith.constant 0 : i32
        %parallel_loop3A_775 = tpu.memref_slice %arg9[%parallel_loop3A_535, %parallel_loop3A_536, %parallel_loop3A_772, %parallel_loop3A_773, %parallel_loop3A_774] : memref<2x5x4x8x133xf32, #tpu.memory_space<vmem>> -> memref<1x1x4x8x133xf32, #tpu.memory_space<vmem>>
        %parallel_loop3A_776 = tpu.memref_squeeze %parallel_loop3A_775 : memref<1x1x4x8x133xf32, #tpu.memory_space<vmem>> -> memref<4x8x133xf32, #tpu.memory_space<vmem>>
        tpu.vector_store_idx %parallel_loop3A_776[%select_n3A, %select_n3A_48, %parallel_loop3A_727], %parallel_loop3A_748 : memref<4x8x133xf32, #tpu.memory_space<vmem>>[vector<16xi32>, vector<16xi32>, vector<16xi32>], vector<16xf32>,
        %parallel_loop3A_777 = arith.constant 0 : i32
        %parallel_loop3A_778 = arith.constant 0 : i32
        %parallel_loop3A_779 = arith.constant 0 : i32
        %parallel_loop3A_780 = tpu.memref_slice %arg9[%parallel_loop3A_535, %parallel_loop3A_536, %parallel_loop3A_777, %parallel_loop3A_778, %parallel_loop3A_779] : memref<2x5x4x8x133xf32, #tpu.memory_space<vmem>> -> memref<1x1x4x8x133xf32, #tpu.memory_space<vmem>>
        %parallel_loop3A_781 = tpu.memref_squeeze %parallel_loop3A_780 : memref<1x1x4x8x133xf32, #tpu.memory_space<vmem>> -> memref<4x8x133xf32, #tpu.memory_space<vmem>>
        tpu.vector_store_idx %parallel_loop3A_781[%add3A_28, %select_n3A_48, %parallel_loop3A_727], %parallel_loop3A_749 : memref<4x8x133xf32, #tpu.memory_space<vmem>>[vector<16xi32>, vector<16xi32>, vector<16xi32>], vector<16xf32>,
        %parallel_loop3A_782 = arith.constant 0 : i32
        %parallel_loop3A_783 = arith.constant 0 : i32
        %parallel_loop3A_784 = arith.constant 0 : i32
        %parallel_loop3A_785 = tpu.memref_slice %arg9[%parallel_loop3A_535, %parallel_loop3A_536, %parallel_loop3A_782, %parallel_loop3A_783, %parallel_loop3A_784] : memref<2x5x4x8x133xf32, #tpu.memory_space<vmem>> -> memref<1x1x4x8x133xf32, #tpu.memory_space<vmem>>
        %parallel_loop3A_786 = tpu.memref_squeeze %parallel_loop3A_785 : memref<1x1x4x8x133xf32, #tpu.memory_space<vmem>> -> memref<4x8x133xf32, #tpu.memory_space<vmem>>
        tpu.vector_store_idx %parallel_loop3A_786[%select_n3A, %select_n3A_48, %parallel_loop3A_730], %parallel_loop3A_750 : memref<4x8x133xf32, #tpu.memory_space<vmem>>[vector<16xi32>, vector<16xi32>, vector<16xi32>], vector<16xf32>,
        %parallel_loop3A_787 = arith.constant 0 : i32
        %parallel_loop3A_788 = arith.constant 0 : i32
        %parallel_loop3A_789 = arith.constant 0 : i32
        %parallel_loop3A_790 = tpu.memref_slice %arg9[%parallel_loop3A_535, %parallel_loop3A_536, %parallel_loop3A_787, %parallel_loop3A_788, %parallel_loop3A_789] : memref<2x5x4x8x133xf32, #tpu.memory_space<vmem>> -> memref<1x1x4x8x133xf32, #tpu.memory_space<vmem>>
        %parallel_loop3A_791 = tpu.memref_squeeze %parallel_loop3A_790 : memref<1x1x4x8x133xf32, #tpu.memory_space<vmem>> -> memref<4x8x133xf32, #tpu.memory_space<vmem>>
        tpu.vector_store_idx %parallel_loop3A_791[%add3A_28, %select_n3A_48, %parallel_loop3A_730], %parallel_loop3A_751 : memref<4x8x133xf32, #tpu.memory_space<vmem>>[vector<16xi32>, vector<16xi32>, vector<16xi32>], vector<16xf32>,
        %parallel_loop3A_792 = arith.constant 0 : i32
        %parallel_loop3A_793 = arith.constant 0 : i32
        %parallel_loop3A_794 = arith.constant 0 : i32
        %parallel_loop3A_795 = tpu.memref_slice %arg9[%parallel_loop3A_535, %parallel_loop3A_536, %parallel_loop3A_792, %parallel_loop3A_793, %parallel_loop3A_794] : memref<2x5x4x8x133xf32, #tpu.memory_space<vmem>> -> memref<1x1x4x8x133xf32, #tpu.memory_space<vmem>>
        %parallel_loop3A_796 = tpu.memref_squeeze %parallel_loop3A_795 : memref<1x1x4x8x133xf32, #tpu.memory_space<vmem>> -> memref<4x8x133xf32, #tpu.memory_space<vmem>>
        tpu.vector_store_idx %parallel_loop3A_796[%select_n3A, %select_n3A_48, %parallel_loop3A_733], %parallel_loop3A_752 : memref<4x8x133xf32, #tpu.memory_space<vmem>>[vector<16xi32>, vector<16xi32>, vector<16xi32>], vector<16xf32>,
        %parallel_loop3A_797 = arith.constant 0 : i32
        %parallel_loop3A_798 = arith.constant 0 : i32
        %parallel_loop3A_799 = arith.constant 0 : i32
        %parallel_loop3A_800 = tpu.memref_slice %arg9[%parallel_loop3A_535, %parallel_loop3A_536, %parallel_loop3A_797, %parallel_loop3A_798, %parallel_loop3A_799] : memref<2x5x4x8x133xf32, #tpu.memory_space<vmem>> -> memref<1x1x4x8x133xf32, #tpu.memory_space<vmem>>
        %parallel_loop3A_801 = tpu.memref_squeeze %parallel_loop3A_800 : memref<1x1x4x8x133xf32, #tpu.memory_space<vmem>> -> memref<4x8x133xf32, #tpu.memory_space<vmem>>
        tpu.vector_store_idx %parallel_loop3A_801[%add3A_28, %select_n3A_48, %parallel_loop3A_733], %parallel_loop3A_753 : memref<4x8x133xf32, #tpu.memory_space<vmem>>[vector<16xi32>, vector<16xi32>, vector<16xi32>], vector<16xf32>,
        %parallel_loop3A_802 = arith.constant 0 : i32
        %parallel_loop3A_803 = arith.constant 0 : i32
        %parallel_loop3A_804 = arith.constant 0 : i32
        %parallel_loop3A_805 = tpu.memref_slice %arg9[%parallel_loop3A_535, %parallel_loop3A_536, %parallel_loop3A_802, %parallel_loop3A_803, %parallel_loop3A_804] : memref<2x5x4x8x133xf32, #tpu.memory_space<vmem>> -> memref<1x1x4x8x133xf32, #tpu.memory_space<vmem>>
        %parallel_loop3A_806 = tpu.memref_squeeze %parallel_loop3A_805 : memref<1x1x4x8x133xf32, #tpu.memory_space<vmem>> -> memref<4x8x133xf32, #tpu.memory_space<vmem>>
        tpu.vector_store_idx %parallel_loop3A_806[%select_n3A, %select_n3A_48, %parallel_loop3A_736], %parallel_loop3A_754 : memref<4x8x133xf32, #tpu.memory_space<vmem>>[vector<16xi32>, vector<16xi32>, vector<16xi32>], vector<16xf32>,
        %parallel_loop3A_807 = arith.constant 0 : i32
        %parallel_loop3A_808 = arith.constant 0 : i32
        %parallel_loop3A_809 = arith.constant 0 : i32
        %parallel_loop3A_810 = tpu.memref_slice %arg9[%parallel_loop3A_535, %parallel_loop3A_536, %parallel_loop3A_807, %parallel_loop3A_808, %parallel_loop3A_809] : memref<2x5x4x8x133xf32, #tpu.memory_space<vmem>> -> memref<1x1x4x8x133xf32, #tpu.memory_space<vmem>>
        %parallel_loop3A_811 = tpu.memref_squeeze %parallel_loop3A_810 : memref<1x1x4x8x133xf32, #tpu.memory_space<vmem>> -> memref<4x8x133xf32, #tpu.memory_space<vmem>>
        tpu.vector_store_idx %parallel_loop3A_811[%add3A_28, %select_n3A_48, %parallel_loop3A_736], %parallel_loop3A_755 : memref<4x8x133xf32, #tpu.memory_space<vmem>>[vector<16xi32>, vector<16xi32>, vector<16xi32>], vector<16xf32>,
        %parallel_loop3A_812 = arith.constant 0 : i32
        %parallel_loop3A_813 = arith.constant 0 : i32
        %parallel_loop3A_814 = arith.constant 0 : i32
        %parallel_loop3A_815 = tpu.memref_slice %arg9[%parallel_loop3A_535, %parallel_loop3A_536, %parallel_loop3A_812, %parallel_loop3A_813, %parallel_loop3A_814] : memref<2x5x4x8x133xf32, #tpu.memory_space<vmem>> -> memref<1x1x4x8x133xf32, #tpu.memory_space<vmem>>
        %parallel_loop3A_816 = tpu.memref_squeeze %parallel_loop3A_815 : memref<1x1x4x8x133xf32, #tpu.memory_space<vmem>> -> memref<4x8x133xf32, #tpu.memory_space<vmem>>
        tpu.vector_store_idx %parallel_loop3A_816[%select_n3A, %select_n3A_48, %parallel_loop3A_739], %parallel_loop3A_756 : memref<4x8x133xf32, #tpu.memory_space<vmem>>[vector<16xi32>, vector<16xi32>, vector<16xi32>], vector<16xf32>,
        %parallel_loop3A_817 = arith.constant 0 : i32
        %parallel_loop3A_818 = arith.constant 0 : i32
        %parallel_loop3A_819 = arith.constant 0 : i32
        %parallel_loop3A_820 = tpu.memref_slice %arg9[%parallel_loop3A_535, %parallel_loop3A_536, %parallel_loop3A_817, %parallel_loop3A_818, %parallel_loop3A_819] : memref<2x5x4x8x133xf32, #tpu.memory_space<vmem>> -> memref<1x1x4x8x133xf32, #tpu.memory_space<vmem>>
        %parallel_loop3A_821 = tpu.memref_squeeze %parallel_loop3A_820 : memref<1x1x4x8x133xf32, #tpu.memory_space<vmem>> -> memref<4x8x133xf32, #tpu.memory_space<vmem>>
        tpu.vector_store_idx %parallel_loop3A_821[%add3A_28, %select_n3A_48, %parallel_loop3A_739], %parallel_loop3A_757 : memref<4x8x133xf32, #tpu.memory_space<vmem>>[vector<16xi32>, vector<16xi32>, vector<16xi32>], vector<16xf32>,
        %parallel_loop3A_822 = arith.constant 0 : i32
        %parallel_loop3A_823 = arith.constant 0 : i32
        %parallel_loop3A_824 = arith.constant 0 : i32
        %parallel_loop3A_825 = tpu.memref_slice %arg9[%parallel_loop3A_535, %parallel_loop3A_536, %parallel_loop3A_822, %parallel_loop3A_823, %parallel_loop3A_824] : memref<2x5x4x8x133xf32, #tpu.memory_space<vmem>> -> memref<1x1x4x8x133xf32, #tpu.memory_space<vmem>>
        %parallel_loop3A_826 = tpu.memref_squeeze %parallel_loop3A_825 : memref<1x1x4x8x133xf32, #tpu.memory_space<vmem>> -> memref<4x8x133xf32, #tpu.memory_space<vmem>>
        tpu.vector_store_idx %parallel_loop3A_826[%select_n3A, %select_n3A_48, %parallel_loop3A_742], %parallel_loop3A_758 : memref<4x8x133xf32, #tpu.memory_space<vmem>>[vector<16xi32>, vector<16xi32>, vector<16xi32>], vector<16xf32>,
        %parallel_loop3A_827 = arith.constant 0 : i32
        %parallel_loop3A_828 = arith.constant 0 : i32
        %parallel_loop3A_829 = arith.constant 0 : i32
        %parallel_loop3A_830 = tpu.memref_slice %arg9[%parallel_loop3A_535, %parallel_loop3A_536, %parallel_loop3A_827, %parallel_loop3A_828, %parallel_loop3A_829] : memref<2x5x4x8x133xf32, #tpu.memory_space<vmem>> -> memref<1x1x4x8x133xf32, #tpu.memory_space<vmem>>
        %parallel_loop3A_831 = tpu.memref_squeeze %parallel_loop3A_830 : memref<1x1x4x8x133xf32, #tpu.memory_space<vmem>> -> memref<4x8x133xf32, #tpu.memory_space<vmem>>
        tpu.vector_store_idx %parallel_loop3A_831[%add3A_28, %select_n3A_48, %parallel_loop3A_742], %parallel_loop3A_759 : memref<4x8x133xf32, #tpu.memory_space<vmem>>[vector<16xi32>, vector<16xi32>, vector<16xi32>], vector<16xf32>,
        %parallel_loop3A_832 = arith.constant 0 : i32
        %parallel_loop3A_833 = arith.constant 0 : i32
        %parallel_loop3A_834 = arith.constant 0 : i32
        %parallel_loop3A_835 = tpu.memref_slice %arg9[%parallel_loop3A_535, %parallel_loop3A_536, %parallel_loop3A_832, %parallel_loop3A_833, %parallel_loop3A_834] : memref<2x5x4x8x133xf32, #tpu.memory_space<vmem>> -> memref<1x1x4x8x133xf32, #tpu.memory_space<vmem>>
        %parallel_loop3A_836 = tpu.memref_squeeze %parallel_loop3A_835 : memref<1x1x4x8x133xf32, #tpu.memory_space<vmem>> -> memref<4x8x133xf32, #tpu.memory_space<vmem>>
        tpu.vector_store_idx %parallel_loop3A_836[%select_n3A, %select_n3A_48, %parallel_loop3A_745], %parallel_loop3A_760 : memref<4x8x133xf32, #tpu.memory_space<vmem>>[vector<16xi32>, vector<16xi32>, vector<16xi32>], vector<16xf32>,
        %parallel_loop3A_837 = arith.constant 0 : i32
        %parallel_loop3A_838 = arith.constant 0 : i32
        %parallel_loop3A_839 = arith.constant 0 : i32
        %parallel_loop3A_840 = tpu.memref_slice %arg9[%parallel_loop3A_535, %parallel_loop3A_536, %parallel_loop3A_837, %parallel_loop3A_838, %parallel_loop3A_839] : memref<2x5x4x8x133xf32, #tpu.memory_space<vmem>> -> memref<1x1x4x8x133xf32, #tpu.memory_space<vmem>>
        %parallel_loop3A_841 = tpu.memref_squeeze %parallel_loop3A_840 : memref<1x1x4x8x133xf32, #tpu.memory_space<vmem>> -> memref<4x8x133xf32, #tpu.memory_space<vmem>>
        tpu.vector_store_idx %parallel_loop3A_841[%add3A_28, %select_n3A_48, %parallel_loop3A_745], %parallel_loop3A_761 : memref<4x8x133xf32, #tpu.memory_space<vmem>>[vector<16xi32>, vector<16xi32>, vector<16xi32>], vector<16xf32>,
      } {sc.loop_unroll_factor = 1 : i64, sc.parallel_access}
      %mul3A_537 = arith.constant 5 : i32
      %mul3A_538 = arith.muli %add3A_402, %mul3A_537 : i32
      %add3A_539 = arith.constant 3 : i32
      %add3A_540 = arith.addi %mul3A_538, %add3A_539 : i32
      %get3A_541 = arith.index_cast %add3A_540 : i32 to index
      %get3A_542 = arith.constant 0 : index
      %get3A_543 = tpu.vector_load %arg7[%get3A_541, %get3A_542] {strides = array<i32>} : memref<200x32xf32, #tpu.memory_space<vmem>>, vector<16xf32>,
      %get3A_544 = arith.index_cast %add3A_540 : i32 to index
      %get3A_545 = arith.constant 16 : index
      %get3A_546 = tpu.vector_load %arg7[%get3A_544, %get3A_545] {strides = array<i32>} : memref<200x32xf32, #tpu.memory_space<vmem>>, vector<16xf32>,
      %parallel_loop3A_547 = arith.constant 0 : i32
      %parallel_loop3A_548 = arith.constant 128 : i32
      %parallel_loop3A_549 = arith.constant 8 : i32
      %parallel_loop3A_550 = arith.constant 1 : i32
      %parallel_loop3A_551 = arith.constant 3 : i32
      scf.for %parallel_loop3A_592 = %parallel_loop3A_547 to %parallel_loop3A_548 step %parallel_loop3A_549  : i32 {
        %parallel_loop3A_593 = arith.constant 0 : i32
        %parallel_loop3A_594 = vector.broadcast %parallel_loop3A_593 : i32 to vector<16xi32>
        %parallel_loop3A_595 = vector.broadcast %parallel_loop3A_592 : i32 to vector<16xi32>
        %parallel_loop3A_596 = arith.addi %parallel_loop3A_594, %parallel_loop3A_595 : vector<16xi32>
        %parallel_loop3A_597 = arith.constant 0 : i32
        %parallel_loop3A_598 = arith.addi %parallel_loop3A_592, %parallel_loop3A_597 : i32
        %parallel_loop3A_599 = arith.constant 1 : i32
        %parallel_loop3A_600 = arith.constant 3 : i32
        %parallel_loop3A_601 = arith.index_cast %parallel_loop3A_599 : i32 to index
        %parallel_loop3A_602 = arith.index_cast %parallel_loop3A_600 : i32 to index
        %parallel_loop3A_603 = arith.index_cast %parallel_loop3A_598 : i32 to index
        %parallel_loop3A_604 = arith.constant 0 : index
        %parallel_loop3A_605 = tpu.vector_load %arg8[%parallel_loop3A_601, %parallel_loop3A_602, %parallel_loop3A_603, %parallel_loop3A_604] {strides = array<i32>} : memref<2x5x128x32xf32, #tpu.memory_space<vmem>>, vector<16xf32>,
        %parallel_loop3A_606 = arith.constant 1 : i32
        %parallel_loop3A_607 = arith.constant 3 : i32
        %parallel_loop3A_608 = arith.index_cast %parallel_loop3A_606 : i32 to index
        %parallel_loop3A_609 = arith.index_cast %parallel_loop3A_607 : i32 to index
        %parallel_loop3A_610 = arith.index_cast %parallel_loop3A_598 : i32 to index
        %parallel_loop3A_611 = arith.constant 16 : index
        %parallel_loop3A_612 = tpu.vector_load %arg8[%parallel_loop3A_608, %parallel_loop3A_609, %parallel_loop3A_610, %parallel_loop3A_611] {strides = array<i32>} : memref<2x5x128x32xf32, #tpu.memory_space<vmem>>, vector<16xf32>,
        %parallel_loop3A_613 = arith.constant 1 : i32
        %parallel_loop3A_614 = arith.addi %parallel_loop3A_592, %parallel_loop3A_613 : i32
        %parallel_loop3A_615 = arith.constant 1 : i32
        %parallel_loop3A_616 = arith.constant 3 : i32
        %parallel_loop3A_617 = arith.index_cast %parallel_loop3A_615 : i32 to index
        %parallel_loop3A_618 = arith.index_cast %parallel_loop3A_616 : i32 to index
        %parallel_loop3A_619 = arith.index_cast %parallel_loop3A_614 : i32 to index
        %parallel_loop3A_620 = arith.constant 0 : index
        %parallel_loop3A_621 = tpu.vector_load %arg8[%parallel_loop3A_617, %parallel_loop3A_618, %parallel_loop3A_619, %parallel_loop3A_620] {strides = array<i32>} : memref<2x5x128x32xf32, #tpu.memory_space<vmem>>, vector<16xf32>,
        %parallel_loop3A_622 = arith.constant 1 : i32
        %parallel_loop3A_623 = arith.constant 3 : i32
        %parallel_loop3A_624 = arith.index_cast %parallel_loop3A_622 : i32 to index
        %parallel_loop3A_625 = arith.index_cast %parallel_loop3A_623 : i32 to index
        %parallel_loop3A_626 = arith.index_cast %parallel_loop3A_614 : i32 to index
        %parallel_loop3A_627 = arith.constant 16 : index
        %parallel_loop3A_628 = tpu.vector_load %arg8[%parallel_loop3A_624, %parallel_loop3A_625, %parallel_loop3A_626, %parallel_loop3A_627] {strides = array<i32>} : memref<2x5x128x32xf32, #tpu.memory_space<vmem>>, vector<16xf32>,
        %parallel_loop3A_629 = arith.constant 2 : i32
        %parallel_loop3A_630 = arith.addi %parallel_loop3A_592, %parallel_loop3A_629 : i32
        %parallel_loop3A_631 = arith.constant 1 : i32
        %parallel_loop3A_632 = arith.constant 3 : i32
        %parallel_loop3A_633 = arith.index_cast %parallel_loop3A_631 : i32 to index
        %parallel_loop3A_634 = arith.index_cast %parallel_loop3A_632 : i32 to index
        %parallel_loop3A_635 = arith.index_cast %parallel_loop3A_630 : i32 to index
        %parallel_loop3A_636 = arith.constant 0 : index
        %parallel_loop3A_637 = tpu.vector_load %arg8[%parallel_loop3A_633, %parallel_loop3A_634, %parallel_loop3A_635, %parallel_loop3A_636] {strides = array<i32>} : memref<2x5x128x32xf32, #tpu.memory_space<vmem>>, vector<16xf32>,
        %parallel_loop3A_638 = arith.constant 1 : i32
        %parallel_loop3A_639 = arith.constant 3 : i32
        %parallel_loop3A_640 = arith.index_cast %parallel_loop3A_638 : i32 to index
        %parallel_loop3A_641 = arith.index_cast %parallel_loop3A_639 : i32 to index
        %parallel_loop3A_642 = arith.index_cast %parallel_loop3A_630 : i32 to index
        %parallel_loop3A_643 = arith.constant 16 : index
        %parallel_loop3A_644 = tpu.vector_load %arg8[%parallel_loop3A_640, %parallel_loop3A_641, %parallel_loop3A_642, %parallel_loop3A_643] {strides = array<i32>} : memref<2x5x128x32xf32, #tpu.memory_space<vmem>>, vector<16xf32>,
        %parallel_loop3A_645 = arith.constant 3 : i32
        %parallel_loop3A_646 = arith.addi %parallel_loop3A_592, %parallel_loop3A_645 : i32
        %parallel_loop3A_647 = arith.constant 1 : i32
        %parallel_loop3A_648 = arith.constant 3 : i32
        %parallel_loop3A_649 = arith.index_cast %parallel_loop3A_647 : i32 to index
        %parallel_loop3A_650 = arith.index_cast %parallel_loop3A_648 : i32 to index
        %parallel_loop3A_651 = arith.index_cast %parallel_loop3A_646 : i32 to index
        %parallel_loop3A_652 = arith.constant 0 : index
        %parallel_loop3A_653 = tpu.vector_load %arg8[%parallel_loop3A_649, %parallel_loop3A_650, %parallel_loop3A_651, %parallel_loop3A_652] {strides = array<i32>} : memref<2x5x128x32xf32, #tpu.memory_space<vmem>>, vector<16xf32>,
        %parallel_loop3A_654 = arith.constant 1 : i32
        %parallel_loop3A_655 = arith.constant 3 : i32
        %parallel_loop3A_656 = arith.index_cast %parallel_loop3A_654 : i32 to index
        %parallel_loop3A_657 = arith.index_cast %parallel_loop3A_655 : i32 to index
        %parallel_loop3A_658 = arith.index_cast %parallel_loop3A_646 : i32 to index
        %parallel_loop3A_659 = arith.constant 16 : index
        %parallel_loop3A_660 = tpu.vector_load %arg8[%parallel_loop3A_656, %parallel_loop3A_657, %parallel_loop3A_658, %parallel_loop3A_659] {strides = array<i32>} : memref<2x5x128x32xf32, #tpu.memory_space<vmem>>, vector<16xf32>,
        %parallel_loop3A_661 = arith.constant 4 : i32
        %parallel_loop3A_662 = arith.addi %parallel_loop3A_592, %parallel_loop3A_661 : i32
        %parallel_loop3A_663 = arith.constant 1 : i32
        %parallel_loop3A_664 = arith.constant 3 : i32
        %parallel_loop3A_665 = arith.index_cast %parallel_loop3A_663 : i32 to index
        %parallel_loop3A_666 = arith.index_cast %parallel_loop3A_664 : i32 to index
        %parallel_loop3A_667 = arith.index_cast %parallel_loop3A_662 : i32 to index
        %parallel_loop3A_668 = arith.constant 0 : index
        %parallel_loop3A_669 = tpu.vector_load %arg8[%parallel_loop3A_665, %parallel_loop3A_666, %parallel_loop3A_667, %parallel_loop3A_668] {strides = array<i32>} : memref<2x5x128x32xf32, #tpu.memory_space<vmem>>, vector<16xf32>,
        %parallel_loop3A_670 = arith.constant 1 : i32
        %parallel_loop3A_671 = arith.constant 3 : i32
        %parallel_loop3A_672 = arith.index_cast %parallel_loop3A_670 : i32 to index
        %parallel_loop3A_673 = arith.index_cast %parallel_loop3A_671 : i32 to index
        %parallel_loop3A_674 = arith.index_cast %parallel_loop3A_662 : i32 to index
        %parallel_loop3A_675 = arith.constant 16 : index
        %parallel_loop3A_676 = tpu.vector_load %arg8[%parallel_loop3A_672, %parallel_loop3A_673, %parallel_loop3A_674, %parallel_loop3A_675] {strides = array<i32>} : memref<2x5x128x32xf32, #tpu.memory_space<vmem>>, vector<16xf32>,
        %parallel_loop3A_677 = arith.constant 5 : i32
        %parallel_loop3A_678 = arith.addi %parallel_loop3A_592, %parallel_loop3A_677 : i32
        %parallel_loop3A_679 = arith.constant 1 : i32
        %parallel_loop3A_680 = arith.constant 3 : i32
        %parallel_loop3A_681 = arith.index_cast %parallel_loop3A_679 : i32 to index
        %parallel_loop3A_682 = arith.index_cast %parallel_loop3A_680 : i32 to index
        %parallel_loop3A_683 = arith.index_cast %parallel_loop3A_678 : i32 to index
        %parallel_loop3A_684 = arith.constant 0 : index
        %parallel_loop3A_685 = tpu.vector_load %arg8[%parallel_loop3A_681, %parallel_loop3A_682, %parallel_loop3A_683, %parallel_loop3A_684] {strides = array<i32>} : memref<2x5x128x32xf32, #tpu.memory_space<vmem>>, vector<16xf32>,
        %parallel_loop3A_686 = arith.constant 1 : i32
        %parallel_loop3A_687 = arith.constant 3 : i32
        %parallel_loop3A_688 = arith.index_cast %parallel_loop3A_686 : i32 to index
        %parallel_loop3A_689 = arith.index_cast %parallel_loop3A_687 : i32 to index
        %parallel_loop3A_690 = arith.index_cast %parallel_loop3A_678 : i32 to index
        %parallel_loop3A_691 = arith.constant 16 : index
        %parallel_loop3A_692 = tpu.vector_load %arg8[%parallel_loop3A_688, %parallel_loop3A_689, %parallel_loop3A_690, %parallel_loop3A_691] {strides = array<i32>} : memref<2x5x128x32xf32, #tpu.memory_space<vmem>>, vector<16xf32>,
        %parallel_loop3A_693 = arith.constant 6 : i32
        %parallel_loop3A_694 = arith.addi %parallel_loop3A_592, %parallel_loop3A_693 : i32
        %parallel_loop3A_695 = arith.constant 1 : i32
        %parallel_loop3A_696 = arith.constant 3 : i32
        %parallel_loop3A_697 = arith.index_cast %parallel_loop3A_695 : i32 to index
        %parallel_loop3A_698 = arith.index_cast %parallel_loop3A_696 : i32 to index
        %parallel_loop3A_699 = arith.index_cast %parallel_loop3A_694 : i32 to index
        %parallel_loop3A_700 = arith.constant 0 : index
        %parallel_loop3A_701 = tpu.vector_load %arg8[%parallel_loop3A_697, %parallel_loop3A_698, %parallel_loop3A_699, %parallel_loop3A_700] {strides = array<i32>} : memref<2x5x128x32xf32, #tpu.memory_space<vmem>>, vector<16xf32>,
        %parallel_loop3A_702 = arith.constant 1 : i32
        %parallel_loop3A_703 = arith.constant 3 : i32
        %parallel_loop3A_704 = arith.index_cast %parallel_loop3A_702 : i32 to index
        %parallel_loop3A_705 = arith.index_cast %parallel_loop3A_703 : i32 to index
        %parallel_loop3A_706 = arith.index_cast %parallel_loop3A_694 : i32 to index
        %parallel_loop3A_707 = arith.constant 16 : index
        %parallel_loop3A_708 = tpu.vector_load %arg8[%parallel_loop3A_704, %parallel_loop3A_705, %parallel_loop3A_706, %parallel_loop3A_707] {strides = array<i32>} : memref<2x5x128x32xf32, #tpu.memory_space<vmem>>, vector<16xf32>,
        %parallel_loop3A_709 = arith.constant 7 : i32
        %parallel_loop3A_710 = arith.addi %parallel_loop3A_592, %parallel_loop3A_709 : i32
        %parallel_loop3A_711 = arith.constant 1 : i32
        %parallel_loop3A_712 = arith.constant 3 : i32
        %parallel_loop3A_713 = arith.index_cast %parallel_loop3A_711 : i32 to index
        %parallel_loop3A_714 = arith.index_cast %parallel_loop3A_712 : i32 to index
        %parallel_loop3A_715 = arith.index_cast %parallel_loop3A_710 : i32 to index
        %parallel_loop3A_716 = arith.constant 0 : index
        %parallel_loop3A_717 = tpu.vector_load %arg8[%parallel_loop3A_713, %parallel_loop3A_714, %parallel_loop3A_715, %parallel_loop3A_716] {strides = array<i32>} : memref<2x5x128x32xf32, #tpu.memory_space<vmem>>, vector<16xf32>,
        %parallel_loop3A_718 = arith.constant 1 : i32
        %parallel_loop3A_719 = arith.constant 3 : i32
        %parallel_loop3A_720 = arith.index_cast %parallel_loop3A_718 : i32 to index
        %parallel_loop3A_721 = arith.index_cast %parallel_loop3A_719 : i32 to index
        %parallel_loop3A_722 = arith.index_cast %parallel_loop3A_710 : i32 to index
        %parallel_loop3A_723 = arith.constant 16 : index
        %parallel_loop3A_724 = tpu.vector_load %arg8[%parallel_loop3A_720, %parallel_loop3A_721, %parallel_loop3A_722, %parallel_loop3A_723] {strides = array<i32>} : memref<2x5x128x32xf32, #tpu.memory_space<vmem>>, vector<16xf32>,
        %parallel_loop3A_725 = arith.constant 1 : i32
        %parallel_loop3A_726 = vector.broadcast %parallel_loop3A_725 : i32 to vector<16xi32>
        %parallel_loop3A_727 = arith.addi %parallel_loop3A_596, %parallel_loop3A_726 : vector<16xi32>
        %parallel_loop3A_728 = arith.constant 2 : i32
        %parallel_loop3A_729 = vector.broadcast %parallel_loop3A_728 : i32 to vector<16xi32>
        %parallel_loop3A_730 = arith.addi %parallel_loop3A_596, %parallel_loop3A_729 : vector<16xi32>
        %parallel_loop3A_731 = arith.constant 3 : i32
        %parallel_loop3A_732 = vector.broadcast %parallel_loop3A_731 : i32 to vector<16xi32>
        %parallel_loop3A_733 = arith.addi %parallel_loop3A_596, %parallel_loop3A_732 : vector<16xi32>
        %parallel_loop3A_734 = arith.constant 4 : i32
        %parallel_loop3A_735 = vector.broadcast %parallel_loop3A_734 : i32 to vector<16xi32>
        %parallel_loop3A_736 = arith.addi %parallel_loop3A_596, %parallel_loop3A_735 : vector<16xi32>
        %parallel_loop3A_737 = arith.constant 5 : i32
        %parallel_loop3A_738 = vector.broadcast %parallel_loop3A_737 : i32 to vector<16xi32>
        %parallel_loop3A_739 = arith.addi %parallel_loop3A_596, %parallel_loop3A_738 : vector<16xi32>
        %parallel_loop3A_740 = arith.constant 6 : i32
        %parallel_loop3A_741 = vector.broadcast %parallel_loop3A_740 : i32 to vector<16xi32>
        %parallel_loop3A_742 = arith.addi %parallel_loop3A_596, %parallel_loop3A_741 : vector<16xi32>
        %parallel_loop3A_743 = arith.constant 7 : i32
        %parallel_loop3A_744 = vector.broadcast %parallel_loop3A_743 : i32 to vector<16xi32>
        %parallel_loop3A_745 = arith.addi %parallel_loop3A_596, %parallel_loop3A_744 : vector<16xi32>
        %parallel_loop3A_746 = arith.addf %parallel_loop3A_605, %get3A_543 : vector<16xf32>
        %parallel_loop3A_747 = arith.addf %parallel_loop3A_612, %get3A_546 : vector<16xf32>
        %parallel_loop3A_748 = arith.addf %parallel_loop3A_621, %get3A_543 : vector<16xf32>
        %parallel_loop3A_749 = arith.addf %parallel_loop3A_628, %get3A_546 : vector<16xf32>
        %parallel_loop3A_750 = arith.addf %parallel_loop3A_637, %get3A_543 : vector<16xf32>
        %parallel_loop3A_751 = arith.addf %parallel_loop3A_644, %get3A_546 : vector<16xf32>
        %parallel_loop3A_752 = arith.addf %parallel_loop3A_653, %get3A_543 : vector<16xf32>
        %parallel_loop3A_753 = arith.addf %parallel_loop3A_660, %get3A_546 : vector<16xf32>
        %parallel_loop3A_754 = arith.addf %parallel_loop3A_669, %get3A_543 : vector<16xf32>
        %parallel_loop3A_755 = arith.addf %parallel_loop3A_676, %get3A_546 : vector<16xf32>
        %parallel_loop3A_756 = arith.addf %parallel_loop3A_685, %get3A_543 : vector<16xf32>
        %parallel_loop3A_757 = arith.addf %parallel_loop3A_692, %get3A_546 : vector<16xf32>
        %parallel_loop3A_758 = arith.addf %parallel_loop3A_701, %get3A_543 : vector<16xf32>
        %parallel_loop3A_759 = arith.addf %parallel_loop3A_708, %get3A_546 : vector<16xf32>
        %parallel_loop3A_760 = arith.addf %parallel_loop3A_717, %get3A_543 : vector<16xf32>
        %parallel_loop3A_761 = arith.addf %parallel_loop3A_724, %get3A_546 : vector<16xf32>
        %parallel_loop3A_762 = arith.constant 0 : i32
        %parallel_loop3A_763 = arith.constant 0 : i32
        %parallel_loop3A_764 = arith.constant 0 : i32
        %parallel_loop3A_765 = tpu.memref_slice %arg9[%parallel_loop3A_550, %parallel_loop3A_551, %parallel_loop3A_762, %parallel_loop3A_763, %parallel_loop3A_764] : memref<2x5x4x8x133xf32, #tpu.memory_space<vmem>> -> memref<1x1x4x8x133xf32, #tpu.memory_space<vmem>>
        %parallel_loop3A_766 = tpu.memref_squeeze %parallel_loop3A_765 : memref<1x1x4x8x133xf32, #tpu.memory_space<vmem>> -> memref<4x8x133xf32, #tpu.memory_space<vmem>>
        tpu.vector_store_idx %parallel_loop3A_766[%select_n3A, %select_n3A_48, %parallel_loop3A_596], %parallel_loop3A_746 : memref<4x8x133xf32, #tpu.memory_space<vmem>>[vector<16xi32>, vector<16xi32>, vector<16xi32>], vector<16xf32>,
        %parallel_loop3A_767 = arith.constant 0 : i32
        %parallel_loop3A_768 = arith.constant 0 : i32
        %parallel_loop3A_769 = arith.constant 0 : i32
        %parallel_loop3A_770 = tpu.memref_slice %arg9[%parallel_loop3A_550, %parallel_loop3A_551, %parallel_loop3A_767, %parallel_loop3A_768, %parallel_loop3A_769] : memref<2x5x4x8x133xf32, #tpu.memory_space<vmem>> -> memref<1x1x4x8x133xf32, #tpu.memory_space<vmem>>
        %parallel_loop3A_771 = tpu.memref_squeeze %parallel_loop3A_770 : memref<1x1x4x8x133xf32, #tpu.memory_space<vmem>> -> memref<4x8x133xf32, #tpu.memory_space<vmem>>
        tpu.vector_store_idx %parallel_loop3A_771[%add3A_28, %select_n3A_48, %parallel_loop3A_596], %parallel_loop3A_747 : memref<4x8x133xf32, #tpu.memory_space<vmem>>[vector<16xi32>, vector<16xi32>, vector<16xi32>], vector<16xf32>,
        %parallel_loop3A_772 = arith.constant 0 : i32
        %parallel_loop3A_773 = arith.constant 0 : i32
        %parallel_loop3A_774 = arith.constant 0 : i32
        %parallel_loop3A_775 = tpu.memref_slice %arg9[%parallel_loop3A_550, %parallel_loop3A_551, %parallel_loop3A_772, %parallel_loop3A_773, %parallel_loop3A_774] : memref<2x5x4x8x133xf32, #tpu.memory_space<vmem>> -> memref<1x1x4x8x133xf32, #tpu.memory_space<vmem>>
        %parallel_loop3A_776 = tpu.memref_squeeze %parallel_loop3A_775 : memref<1x1x4x8x133xf32, #tpu.memory_space<vmem>> -> memref<4x8x133xf32, #tpu.memory_space<vmem>>
        tpu.vector_store_idx %parallel_loop3A_776[%select_n3A, %select_n3A_48, %parallel_loop3A_727], %parallel_loop3A_748 : memref<4x8x133xf32, #tpu.memory_space<vmem>>[vector<16xi32>, vector<16xi32>, vector<16xi32>], vector<16xf32>,
        %parallel_loop3A_777 = arith.constant 0 : i32
        %parallel_loop3A_778 = arith.constant 0 : i32
        %parallel_loop3A_779 = arith.constant 0 : i32
        %parallel_loop3A_780 = tpu.memref_slice %arg9[%parallel_loop3A_550, %parallel_loop3A_551, %parallel_loop3A_777, %parallel_loop3A_778, %parallel_loop3A_779] : memref<2x5x4x8x133xf32, #tpu.memory_space<vmem>> -> memref<1x1x4x8x133xf32, #tpu.memory_space<vmem>>
        %parallel_loop3A_781 = tpu.memref_squeeze %parallel_loop3A_780 : memref<1x1x4x8x133xf32, #tpu.memory_space<vmem>> -> memref<4x8x133xf32, #tpu.memory_space<vmem>>
        tpu.vector_store_idx %parallel_loop3A_781[%add3A_28, %select_n3A_48, %parallel_loop3A_727], %parallel_loop3A_749 : memref<4x8x133xf32, #tpu.memory_space<vmem>>[vector<16xi32>, vector<16xi32>, vector<16xi32>], vector<16xf32>,
        %parallel_loop3A_782 = arith.constant 0 : i32
        %parallel_loop3A_783 = arith.constant 0 : i32
        %parallel_loop3A_784 = arith.constant 0 : i32
        %parallel_loop3A_785 = tpu.memref_slice %arg9[%parallel_loop3A_550, %parallel_loop3A_551, %parallel_loop3A_782, %parallel_loop3A_783, %parallel_loop3A_784] : memref<2x5x4x8x133xf32, #tpu.memory_space<vmem>> -> memref<1x1x4x8x133xf32, #tpu.memory_space<vmem>>
        %parallel_loop3A_786 = tpu.memref_squeeze %parallel_loop3A_785 : memref<1x1x4x8x133xf32, #tpu.memory_space<vmem>> -> memref<4x8x133xf32, #tpu.memory_space<vmem>>
        tpu.vector_store_idx %parallel_loop3A_786[%select_n3A, %select_n3A_48, %parallel_loop3A_730], %parallel_loop3A_750 : memref<4x8x133xf32, #tpu.memory_space<vmem>>[vector<16xi32>, vector<16xi32>, vector<16xi32>], vector<16xf32>,
        %parallel_loop3A_787 = arith.constant 0 : i32
        %parallel_loop3A_788 = arith.constant 0 : i32
        %parallel_loop3A_789 = arith.constant 0 : i32
        %parallel_loop3A_790 = tpu.memref_slice %arg9[%parallel_loop3A_550, %parallel_loop3A_551, %parallel_loop3A_787, %parallel_loop3A_788, %parallel_loop3A_789] : memref<2x5x4x8x133xf32, #tpu.memory_space<vmem>> -> memref<1x1x4x8x133xf32, #tpu.memory_space<vmem>>
        %parallel_loop3A_791 = tpu.memref_squeeze %parallel_loop3A_790 : memref<1x1x4x8x133xf32, #tpu.memory_space<vmem>> -> memref<4x8x133xf32, #tpu.memory_space<vmem>>
        tpu.vector_store_idx %parallel_loop3A_791[%add3A_28, %select_n3A_48, %parallel_loop3A_730], %parallel_loop3A_751 : memref<4x8x133xf32, #tpu.memory_space<vmem>>[vector<16xi32>, vector<16xi32>, vector<16xi32>], vector<16xf32>,
        %parallel_loop3A_792 = arith.constant 0 : i32
        %parallel_loop3A_793 = arith.constant 0 : i32
        %parallel_loop3A_794 = arith.constant 0 : i32
        %parallel_loop3A_795 = tpu.memref_slice %arg9[%parallel_loop3A_550, %parallel_loop3A_551, %parallel_loop3A_792, %parallel_loop3A_793, %parallel_loop3A_794] : memref<2x5x4x8x133xf32, #tpu.memory_space<vmem>> -> memref<1x1x4x8x133xf32, #tpu.memory_space<vmem>>
        %parallel_loop3A_796 = tpu.memref_squeeze %parallel_loop3A_795 : memref<1x1x4x8x133xf32, #tpu.memory_space<vmem>> -> memref<4x8x133xf32, #tpu.memory_space<vmem>>
        tpu.vector_store_idx %parallel_loop3A_796[%select_n3A, %select_n3A_48, %parallel_loop3A_733], %parallel_loop3A_752 : memref<4x8x133xf32, #tpu.memory_space<vmem>>[vector<16xi32>, vector<16xi32>, vector<16xi32>], vector<16xf32>,
        %parallel_loop3A_797 = arith.constant 0 : i32
        %parallel_loop3A_798 = arith.constant 0 : i32
        %parallel_loop3A_799 = arith.constant 0 : i32
        %parallel_loop3A_800 = tpu.memref_slice %arg9[%parallel_loop3A_550, %parallel_loop3A_551, %parallel_loop3A_797, %parallel_loop3A_798, %parallel_loop3A_799] : memref<2x5x4x8x133xf32, #tpu.memory_space<vmem>> -> memref<1x1x4x8x133xf32, #tpu.memory_space<vmem>>
        %parallel_loop3A_801 = tpu.memref_squeeze %parallel_loop3A_800 : memref<1x1x4x8x133xf32, #tpu.memory_space<vmem>> -> memref<4x8x133xf32, #tpu.memory_space<vmem>>
        tpu.vector_store_idx %parallel_loop3A_801[%add3A_28, %select_n3A_48, %parallel_loop3A_733], %parallel_loop3A_753 : memref<4x8x133xf32, #tpu.memory_space<vmem>>[vector<16xi32>, vector<16xi32>, vector<16xi32>], vector<16xf32>,
        %parallel_loop3A_802 = arith.constant 0 : i32
        %parallel_loop3A_803 = arith.constant 0 : i32
        %parallel_loop3A_804 = arith.constant 0 : i32
        %parallel_loop3A_805 = tpu.memref_slice %arg9[%parallel_loop3A_550, %parallel_loop3A_551, %parallel_loop3A_802, %parallel_loop3A_803, %parallel_loop3A_804] : memref<2x5x4x8x133xf32, #tpu.memory_space<vmem>> -> memref<1x1x4x8x133xf32, #tpu.memory_space<vmem>>
        %parallel_loop3A_806 = tpu.memref_squeeze %parallel_loop3A_805 : memref<1x1x4x8x133xf32, #tpu.memory_space<vmem>> -> memref<4x8x133xf32, #tpu.memory_space<vmem>>
        tpu.vector_store_idx %parallel_loop3A_806[%select_n3A, %select_n3A_48, %parallel_loop3A_736], %parallel_loop3A_754 : memref<4x8x133xf32, #tpu.memory_space<vmem>>[vector<16xi32>, vector<16xi32>, vector<16xi32>], vector<16xf32>,
        %parallel_loop3A_807 = arith.constant 0 : i32
        %parallel_loop3A_808 = arith.constant 0 : i32
        %parallel_loop3A_809 = arith.constant 0 : i32
        %parallel_loop3A_810 = tpu.memref_slice %arg9[%parallel_loop3A_550, %parallel_loop3A_551, %parallel_loop3A_807, %parallel_loop3A_808, %parallel_loop3A_809] : memref<2x5x4x8x133xf32, #tpu.memory_space<vmem>> -> memref<1x1x4x8x133xf32, #tpu.memory_space<vmem>>
        %parallel_loop3A_811 = tpu.memref_squeeze %parallel_loop3A_810 : memref<1x1x4x8x133xf32, #tpu.memory_space<vmem>> -> memref<4x8x133xf32, #tpu.memory_space<vmem>>
        tpu.vector_store_idx %parallel_loop3A_811[%add3A_28, %select_n3A_48, %parallel_loop3A_736], %parallel_loop3A_755 : memref<4x8x133xf32, #tpu.memory_space<vmem>>[vector<16xi32>, vector<16xi32>, vector<16xi32>], vector<16xf32>,
        %parallel_loop3A_812 = arith.constant 0 : i32
        %parallel_loop3A_813 = arith.constant 0 : i32
        %parallel_loop3A_814 = arith.constant 0 : i32
        %parallel_loop3A_815 = tpu.memref_slice %arg9[%parallel_loop3A_550, %parallel_loop3A_551, %parallel_loop3A_812, %parallel_loop3A_813, %parallel_loop3A_814] : memref<2x5x4x8x133xf32, #tpu.memory_space<vmem>> -> memref<1x1x4x8x133xf32, #tpu.memory_space<vmem>>
        %parallel_loop3A_816 = tpu.memref_squeeze %parallel_loop3A_815 : memref<1x1x4x8x133xf32, #tpu.memory_space<vmem>> -> memref<4x8x133xf32, #tpu.memory_space<vmem>>
        tpu.vector_store_idx %parallel_loop3A_816[%select_n3A, %select_n3A_48, %parallel_loop3A_739], %parallel_loop3A_756 : memref<4x8x133xf32, #tpu.memory_space<vmem>>[vector<16xi32>, vector<16xi32>, vector<16xi32>], vector<16xf32>,
        %parallel_loop3A_817 = arith.constant 0 : i32
        %parallel_loop3A_818 = arith.constant 0 : i32
        %parallel_loop3A_819 = arith.constant 0 : i32
        %parallel_loop3A_820 = tpu.memref_slice %arg9[%parallel_loop3A_550, %parallel_loop3A_551, %parallel_loop3A_817, %parallel_loop3A_818, %parallel_loop3A_819] : memref<2x5x4x8x133xf32, #tpu.memory_space<vmem>> -> memref<1x1x4x8x133xf32, #tpu.memory_space<vmem>>
        %parallel_loop3A_821 = tpu.memref_squeeze %parallel_loop3A_820 : memref<1x1x4x8x133xf32, #tpu.memory_space<vmem>> -> memref<4x8x133xf32, #tpu.memory_space<vmem>>
        tpu.vector_store_idx %parallel_loop3A_821[%add3A_28, %select_n3A_48, %parallel_loop3A_739], %parallel_loop3A_757 : memref<4x8x133xf32, #tpu.memory_space<vmem>>[vector<16xi32>, vector<16xi32>, vector<16xi32>], vector<16xf32>,
        %parallel_loop3A_822 = arith.constant 0 : i32
        %parallel_loop3A_823 = arith.constant 0 : i32
        %parallel_loop3A_824 = arith.constant 0 : i32
        %parallel_loop3A_825 = tpu.memref_slice %arg9[%parallel_loop3A_550, %parallel_loop3A_551, %parallel_loop3A_822, %parallel_loop3A_823, %parallel_loop3A_824] : memref<2x5x4x8x133xf32, #tpu.memory_space<vmem>> -> memref<1x1x4x8x133xf32, #tpu.memory_space<vmem>>
        %parallel_loop3A_826 = tpu.memref_squeeze %parallel_loop3A_825 : memref<1x1x4x8x133xf32, #tpu.memory_space<vmem>> -> memref<4x8x133xf32, #tpu.memory_space<vmem>>
        tpu.vector_store_idx %parallel_loop3A_826[%select_n3A, %select_n3A_48, %parallel_loop3A_742], %parallel_loop3A_758 : memref<4x8x133xf32, #tpu.memory_space<vmem>>[vector<16xi32>, vector<16xi32>, vector<16xi32>], vector<16xf32>,
        %parallel_loop3A_827 = arith.constant 0 : i32
        %parallel_loop3A_828 = arith.constant 0 : i32
        %parallel_loop3A_829 = arith.constant 0 : i32
        %parallel_loop3A_830 = tpu.memref_slice %arg9[%parallel_loop3A_550, %parallel_loop3A_551, %parallel_loop3A_827, %parallel_loop3A_828, %parallel_loop3A_829] : memref<2x5x4x8x133xf32, #tpu.memory_space<vmem>> -> memref<1x1x4x8x133xf32, #tpu.memory_space<vmem>>
        %parallel_loop3A_831 = tpu.memref_squeeze %parallel_loop3A_830 : memref<1x1x4x8x133xf32, #tpu.memory_space<vmem>> -> memref<4x8x133xf32, #tpu.memory_space<vmem>>
        tpu.vector_store_idx %parallel_loop3A_831[%add3A_28, %select_n3A_48, %parallel_loop3A_742], %parallel_loop3A_759 : memref<4x8x133xf32, #tpu.memory_space<vmem>>[vector<16xi32>, vector<16xi32>, vector<16xi32>], vector<16xf32>,
        %parallel_loop3A_832 = arith.constant 0 : i32
        %parallel_loop3A_833 = arith.constant 0 : i32
        %parallel_loop3A_834 = arith.constant 0 : i32
        %parallel_loop3A_835 = tpu.memref_slice %arg9[%parallel_loop3A_550, %parallel_loop3A_551, %parallel_loop3A_832, %parallel_loop3A_833, %parallel_loop3A_834] : memref<2x5x4x8x133xf32, #tpu.memory_space<vmem>> -> memref<1x1x4x8x133xf32, #tpu.memory_space<vmem>>
        %parallel_loop3A_836 = tpu.memref_squeeze %parallel_loop3A_835 : memref<1x1x4x8x133xf32, #tpu.memory_space<vmem>> -> memref<4x8x133xf32, #tpu.memory_space<vmem>>
        tpu.vector_store_idx %parallel_loop3A_836[%select_n3A, %select_n3A_48, %parallel_loop3A_745], %parallel_loop3A_760 : memref<4x8x133xf32, #tpu.memory_space<vmem>>[vector<16xi32>, vector<16xi32>, vector<16xi32>], vector<16xf32>,
        %parallel_loop3A_837 = arith.constant 0 : i32
        %parallel_loop3A_838 = arith.constant 0 : i32
        %parallel_loop3A_839 = arith.constant 0 : i32
        %parallel_loop3A_840 = tpu.memref_slice %arg9[%parallel_loop3A_550, %parallel_loop3A_551, %parallel_loop3A_837, %parallel_loop3A_838, %parallel_loop3A_839] : memref<2x5x4x8x133xf32, #tpu.memory_space<vmem>> -> memref<1x1x4x8x133xf32, #tpu.memory_space<vmem>>
        %parallel_loop3A_841 = tpu.memref_squeeze %parallel_loop3A_840 : memref<1x1x4x8x133xf32, #tpu.memory_space<vmem>> -> memref<4x8x133xf32, #tpu.memory_space<vmem>>
        tpu.vector_store_idx %parallel_loop3A_841[%add3A_28, %select_n3A_48, %parallel_loop3A_745], %parallel_loop3A_761 : memref<4x8x133xf32, #tpu.memory_space<vmem>>[vector<16xi32>, vector<16xi32>, vector<16xi32>], vector<16xf32>,
      } {sc.loop_unroll_factor = 1 : i64, sc.parallel_access}
      %mul3A_552 = arith.constant 5 : i32
      %mul3A_553 = arith.muli %add3A_402, %mul3A_552 : i32
      %add3A_554 = arith.constant 4 : i32
      %add3A_555 = arith.addi %mul3A_553, %add3A_554 : i32
      %get3A_556 = arith.index_cast %add3A_555 : i32 to index
      %get3A_557 = arith.constant 0 : index
      %get3A_558 = tpu.vector_load %arg7[%get3A_556, %get3A_557] {strides = array<i32>} : memref<200x32xf32, #tpu.memory_space<vmem>>, vector<16xf32>,
      %get3A_559 = arith.index_cast %add3A_555 : i32 to index
      %get3A_560 = arith.constant 16 : index
      %get3A_561 = tpu.vector_load %arg7[%get3A_559, %get3A_560] {strides = array<i32>} : memref<200x32xf32, #tpu.memory_space<vmem>>, vector<16xf32>,
      %parallel_loop3A_562 = arith.constant 0 : i32
      %parallel_loop3A_563 = arith.constant 128 : i32
      %parallel_loop3A_564 = arith.constant 8 : i32
      %parallel_loop3A_565 = arith.constant 1 : i32
      %parallel_loop3A_566 = arith.constant 4 : i32
      scf.for %parallel_loop3A_592 = %parallel_loop3A_562 to %parallel_loop3A_563 step %parallel_loop3A_564  : i32 {
        %parallel_loop3A_593 = arith.constant 0 : i32
        %parallel_loop3A_594 = vector.broadcast %parallel_loop3A_593 : i32 to vector<16xi32>
        %parallel_loop3A_595 = vector.broadcast %parallel_loop3A_592 : i32 to vector<16xi32>
        %parallel_loop3A_596 = arith.addi %parallel_loop3A_594, %parallel_loop3A_595 : vector<16xi32>
        %parallel_loop3A_597 = arith.constant 0 : i32
        %parallel_loop3A_598 = arith.addi %parallel_loop3A_592, %parallel_loop3A_597 : i32
        %parallel_loop3A_599 = arith.constant 1 : i32
        %parallel_loop3A_600 = arith.constant 4 : i32
        %parallel_loop3A_601 = arith.index_cast %parallel_loop3A_599 : i32 to index
        %parallel_loop3A_602 = arith.index_cast %parallel_loop3A_600 : i32 to index
        %parallel_loop3A_603 = arith.index_cast %parallel_loop3A_598 : i32 to index
        %parallel_loop3A_604 = arith.constant 0 : index
        %parallel_loop3A_605 = tpu.vector_load %arg8[%parallel_loop3A_601, %parallel_loop3A_602, %parallel_loop3A_603, %parallel_loop3A_604] {strides = array<i32>} : memref<2x5x128x32xf32, #tpu.memory_space<vmem>>, vector<16xf32>,
        %parallel_loop3A_606 = arith.constant 1 : i32
        %parallel_loop3A_607 = arith.constant 4 : i32
        %parallel_loop3A_608 = arith.index_cast %parallel_loop3A_606 : i32 to index
        %parallel_loop3A_609 = arith.index_cast %parallel_loop3A_607 : i32 to index
        %parallel_loop3A_610 = arith.index_cast %parallel_loop3A_598 : i32 to index
        %parallel_loop3A_611 = arith.constant 16 : index
        %parallel_loop3A_612 = tpu.vector_load %arg8[%parallel_loop3A_608, %parallel_loop3A_609, %parallel_loop3A_610, %parallel_loop3A_611] {strides = array<i32>} : memref<2x5x128x32xf32, #tpu.memory_space<vmem>>, vector<16xf32>,
        %parallel_loop3A_613 = arith.constant 1 : i32
        %parallel_loop3A_614 = arith.addi %parallel_loop3A_592, %parallel_loop3A_613 : i32
        %parallel_loop3A_615 = arith.constant 1 : i32
        %parallel_loop3A_616 = arith.constant 4 : i32
        %parallel_loop3A_617 = arith.index_cast %parallel_loop3A_615 : i32 to index
        %parallel_loop3A_618 = arith.index_cast %parallel_loop3A_616 : i32 to index
        %parallel_loop3A_619 = arith.index_cast %parallel_loop3A_614 : i32 to index
        %parallel_loop3A_620 = arith.constant 0 : index
        %parallel_loop3A_621 = tpu.vector_load %arg8[%parallel_loop3A_617, %parallel_loop3A_618, %parallel_loop3A_619, %parallel_loop3A_620] {strides = array<i32>} : memref<2x5x128x32xf32, #tpu.memory_space<vmem>>, vector<16xf32>,
        %parallel_loop3A_622 = arith.constant 1 : i32
        %parallel_loop3A_623 = arith.constant 4 : i32
        %parallel_loop3A_624 = arith.index_cast %parallel_loop3A_622 : i32 to index
        %parallel_loop3A_625 = arith.index_cast %parallel_loop3A_623 : i32 to index
        %parallel_loop3A_626 = arith.index_cast %parallel_loop3A_614 : i32 to index
        %parallel_loop3A_627 = arith.constant 16 : index
        %parallel_loop3A_628 = tpu.vector_load %arg8[%parallel_loop3A_624, %parallel_loop3A_625, %parallel_loop3A_626, %parallel_loop3A_627] {strides = array<i32>} : memref<2x5x128x32xf32, #tpu.memory_space<vmem>>, vector<16xf32>,
        %parallel_loop3A_629 = arith.constant 2 : i32
        %parallel_loop3A_630 = arith.addi %parallel_loop3A_592, %parallel_loop3A_629 : i32
        %parallel_loop3A_631 = arith.constant 1 : i32
        %parallel_loop3A_632 = arith.constant 4 : i32
        %parallel_loop3A_633 = arith.index_cast %parallel_loop3A_631 : i32 to index
        %parallel_loop3A_634 = arith.index_cast %parallel_loop3A_632 : i32 to index
        %parallel_loop3A_635 = arith.index_cast %parallel_loop3A_630 : i32 to index
        %parallel_loop3A_636 = arith.constant 0 : index
        %parallel_loop3A_637 = tpu.vector_load %arg8[%parallel_loop3A_633, %parallel_loop3A_634, %parallel_loop3A_635, %parallel_loop3A_636] {strides = array<i32>} : memref<2x5x128x32xf32, #tpu.memory_space<vmem>>, vector<16xf32>,
        %parallel_loop3A_638 = arith.constant 1 : i32
        %parallel_loop3A_639 = arith.constant 4 : i32
        %parallel_loop3A_640 = arith.index_cast %parallel_loop3A_638 : i32 to index
        %parallel_loop3A_641 = arith.index_cast %parallel_loop3A_639 : i32 to index
        %parallel_loop3A_642 = arith.index_cast %parallel_loop3A_630 : i32 to index
        %parallel_loop3A_643 = arith.constant 16 : index
        %parallel_loop3A_644 = tpu.vector_load %arg8[%parallel_loop3A_640, %parallel_loop3A_641, %parallel_loop3A_642, %parallel_loop3A_643] {strides = array<i32>} : memref<2x5x128x32xf32, #tpu.memory_space<vmem>>, vector<16xf32>,
        %parallel_loop3A_645 = arith.constant 3 : i32
        %parallel_loop3A_646 = arith.addi %parallel_loop3A_592, %parallel_loop3A_645 : i32
        %parallel_loop3A_647 = arith.constant 1 : i32
        %parallel_loop3A_648 = arith.constant 4 : i32
        %parallel_loop3A_649 = arith.index_cast %parallel_loop3A_647 : i32 to index
        %parallel_loop3A_650 = arith.index_cast %parallel_loop3A_648 : i32 to index
        %parallel_loop3A_651 = arith.index_cast %parallel_loop3A_646 : i32 to index
        %parallel_loop3A_652 = arith.constant 0 : index
        %parallel_loop3A_653 = tpu.vector_load %arg8[%parallel_loop3A_649, %parallel_loop3A_650, %parallel_loop3A_651, %parallel_loop3A_652] {strides = array<i32>} : memref<2x5x128x32xf32, #tpu.memory_space<vmem>>, vector<16xf32>,
        %parallel_loop3A_654 = arith.constant 1 : i32
        %parallel_loop3A_655 = arith.constant 4 : i32
        %parallel_loop3A_656 = arith.index_cast %parallel_loop3A_654 : i32 to index
        %parallel_loop3A_657 = arith.index_cast %parallel_loop3A_655 : i32 to index
        %parallel_loop3A_658 = arith.index_cast %parallel_loop3A_646 : i32 to index
        %parallel_loop3A_659 = arith.constant 16 : index
        %parallel_loop3A_660 = tpu.vector_load %arg8[%parallel_loop3A_656, %parallel_loop3A_657, %parallel_loop3A_658, %parallel_loop3A_659] {strides = array<i32>} : memref<2x5x128x32xf32, #tpu.memory_space<vmem>>, vector<16xf32>,
        %parallel_loop3A_661 = arith.constant 4 : i32
        %parallel_loop3A_662 = arith.addi %parallel_loop3A_592, %parallel_loop3A_661 : i32
        %parallel_loop3A_663 = arith.constant 1 : i32
        %parallel_loop3A_664 = arith.constant 4 : i32
        %parallel_loop3A_665 = arith.index_cast %parallel_loop3A_663 : i32 to index
        %parallel_loop3A_666 = arith.index_cast %parallel_loop3A_664 : i32 to index
        %parallel_loop3A_667 = arith.index_cast %parallel_loop3A_662 : i32 to index
        %parallel_loop3A_668 = arith.constant 0 : index
        %parallel_loop3A_669 = tpu.vector_load %arg8[%parallel_loop3A_665, %parallel_loop3A_666, %parallel_loop3A_667, %parallel_loop3A_668] {strides = array<i32>} : memref<2x5x128x32xf32, #tpu.memory_space<vmem>>, vector<16xf32>,
        %parallel_loop3A_670 = arith.constant 1 : i32
        %parallel_loop3A_671 = arith.constant 4 : i32
        %parallel_loop3A_672 = arith.index_cast %parallel_loop3A_670 : i32 to index
        %parallel_loop3A_673 = arith.index_cast %parallel_loop3A_671 : i32 to index
        %parallel_loop3A_674 = arith.index_cast %parallel_loop3A_662 : i32 to index
        %parallel_loop3A_675 = arith.constant 16 : index
        %parallel_loop3A_676 = tpu.vector_load %arg8[%parallel_loop3A_672, %parallel_loop3A_673, %parallel_loop3A_674, %parallel_loop3A_675] {strides = array<i32>} : memref<2x5x128x32xf32, #tpu.memory_space<vmem>>, vector<16xf32>,
        %parallel_loop3A_677 = arith.constant 5 : i32
        %parallel_loop3A_678 = arith.addi %parallel_loop3A_592, %parallel_loop3A_677 : i32
        %parallel_loop3A_679 = arith.constant 1 : i32
        %parallel_loop3A_680 = arith.constant 4 : i32
        %parallel_loop3A_681 = arith.index_cast %parallel_loop3A_679 : i32 to index
        %parallel_loop3A_682 = arith.index_cast %parallel_loop3A_680 : i32 to index
        %parallel_loop3A_683 = arith.index_cast %parallel_loop3A_678 : i32 to index
        %parallel_loop3A_684 = arith.constant 0 : index
        %parallel_loop3A_685 = tpu.vector_load %arg8[%parallel_loop3A_681, %parallel_loop3A_682, %parallel_loop3A_683, %parallel_loop3A_684] {strides = array<i32>} : memref<2x5x128x32xf32, #tpu.memory_space<vmem>>, vector<16xf32>,
        %parallel_loop3A_686 = arith.constant 1 : i32
        %parallel_loop3A_687 = arith.constant 4 : i32
        %parallel_loop3A_688 = arith.index_cast %parallel_loop3A_686 : i32 to index
        %parallel_loop3A_689 = arith.index_cast %parallel_loop3A_687 : i32 to index
        %parallel_loop3A_690 = arith.index_cast %parallel_loop3A_678 : i32 to index
        %parallel_loop3A_691 = arith.constant 16 : index
        %parallel_loop3A_692 = tpu.vector_load %arg8[%parallel_loop3A_688, %parallel_loop3A_689, %parallel_loop3A_690, %parallel_loop3A_691] {strides = array<i32>} : memref<2x5x128x32xf32, #tpu.memory_space<vmem>>, vector<16xf32>,
        %parallel_loop3A_693 = arith.constant 6 : i32
        %parallel_loop3A_694 = arith.addi %parallel_loop3A_592, %parallel_loop3A_693 : i32
        %parallel_loop3A_695 = arith.constant 1 : i32
        %parallel_loop3A_696 = arith.constant 4 : i32
        %parallel_loop3A_697 = arith.index_cast %parallel_loop3A_695 : i32 to index
        %parallel_loop3A_698 = arith.index_cast %parallel_loop3A_696 : i32 to index
        %parallel_loop3A_699 = arith.index_cast %parallel_loop3A_694 : i32 to index
        %parallel_loop3A_700 = arith.constant 0 : index
        %parallel_loop3A_701 = tpu.vector_load %arg8[%parallel_loop3A_697, %parallel_loop3A_698, %parallel_loop3A_699, %parallel_loop3A_700] {strides = array<i32>} : memref<2x5x128x32xf32, #tpu.memory_space<vmem>>, vector<16xf32>,
        %parallel_loop3A_702 = arith.constant 1 : i32
        %parallel_loop3A_703 = arith.constant 4 : i32
        %parallel_loop3A_704 = arith.index_cast %parallel_loop3A_702 : i32 to index
        %parallel_loop3A_705 = arith.index_cast %parallel_loop3A_703 : i32 to index
        %parallel_loop3A_706 = arith.index_cast %parallel_loop3A_694 : i32 to index
        %parallel_loop3A_707 = arith.constant 16 : index
        %parallel_loop3A_708 = tpu.vector_load %arg8[%parallel_loop3A_704, %parallel_loop3A_705, %parallel_loop3A_706, %parallel_loop3A_707] {strides = array<i32>} : memref<2x5x128x32xf32, #tpu.memory_space<vmem>>, vector<16xf32>,
        %parallel_loop3A_709 = arith.constant 7 : i32
        %parallel_loop3A_710 = arith.addi %parallel_loop3A_592, %parallel_loop3A_709 : i32
        %parallel_loop3A_711 = arith.constant 1 : i32
        %parallel_loop3A_712 = arith.constant 4 : i32
        %parallel_loop3A_713 = arith.index_cast %parallel_loop3A_711 : i32 to index
        %parallel_loop3A_714 = arith.index_cast %parallel_loop3A_712 : i32 to index
        %parallel_loop3A_715 = arith.index_cast %parallel_loop3A_710 : i32 to index
        %parallel_loop3A_716 = arith.constant 0 : index
        %parallel_loop3A_717 = tpu.vector_load %arg8[%parallel_loop3A_713, %parallel_loop3A_714, %parallel_loop3A_715, %parallel_loop3A_716] {strides = array<i32>} : memref<2x5x128x32xf32, #tpu.memory_space<vmem>>, vector<16xf32>,
        %parallel_loop3A_718 = arith.constant 1 : i32
        %parallel_loop3A_719 = arith.constant 4 : i32
        %parallel_loop3A_720 = arith.index_cast %parallel_loop3A_718 : i32 to index
        %parallel_loop3A_721 = arith.index_cast %parallel_loop3A_719 : i32 to index
        %parallel_loop3A_722 = arith.index_cast %parallel_loop3A_710 : i32 to index
        %parallel_loop3A_723 = arith.constant 16 : index
        %parallel_loop3A_724 = tpu.vector_load %arg8[%parallel_loop3A_720, %parallel_loop3A_721, %parallel_loop3A_722, %parallel_loop3A_723] {strides = array<i32>} : memref<2x5x128x32xf32, #tpu.memory_space<vmem>>, vector<16xf32>,
        %parallel_loop3A_725 = arith.constant 1 : i32
        %parallel_loop3A_726 = vector.broadcast %parallel_loop3A_725 : i32 to vector<16xi32>
        %parallel_loop3A_727 = arith.addi %parallel_loop3A_596, %parallel_loop3A_726 : vector<16xi32>
        %parallel_loop3A_728 = arith.constant 2 : i32
        %parallel_loop3A_729 = vector.broadcast %parallel_loop3A_728 : i32 to vector<16xi32>
        %parallel_loop3A_730 = arith.addi %parallel_loop3A_596, %parallel_loop3A_729 : vector<16xi32>
        %parallel_loop3A_731 = arith.constant 3 : i32
        %parallel_loop3A_732 = vector.broadcast %parallel_loop3A_731 : i32 to vector<16xi32>
        %parallel_loop3A_733 = arith.addi %parallel_loop3A_596, %parallel_loop3A_732 : vector<16xi32>
        %parallel_loop3A_734 = arith.constant 4 : i32
        %parallel_loop3A_735 = vector.broadcast %parallel_loop3A_734 : i32 to vector<16xi32>
        %parallel_loop3A_736 = arith.addi %parallel_loop3A_596, %parallel_loop3A_735 : vector<16xi32>
        %parallel_loop3A_737 = arith.constant 5 : i32
        %parallel_loop3A_738 = vector.broadcast %parallel_loop3A_737 : i32 to vector<16xi32>
        %parallel_loop3A_739 = arith.addi %parallel_loop3A_596, %parallel_loop3A_738 : vector<16xi32>
        %parallel_loop3A_740 = arith.constant 6 : i32
        %parallel_loop3A_741 = vector.broadcast %parallel_loop3A_740 : i32 to vector<16xi32>
        %parallel_loop3A_742 = arith.addi %parallel_loop3A_596, %parallel_loop3A_741 : vector<16xi32>
        %parallel_loop3A_743 = arith.constant 7 : i32
        %parallel_loop3A_744 = vector.broadcast %parallel_loop3A_743 : i32 to vector<16xi32>
        %parallel_loop3A_745 = arith.addi %parallel_loop3A_596, %parallel_loop3A_744 : vector<16xi32>
        %parallel_loop3A_746 = arith.addf %parallel_loop3A_605, %get3A_558 : vector<16xf32>
        %parallel_loop3A_747 = arith.addf %parallel_loop3A_612, %get3A_561 : vector<16xf32>
        %parallel_loop3A_748 = arith.addf %parallel_loop3A_621, %get3A_558 : vector<16xf32>
        %parallel_loop3A_749 = arith.addf %parallel_loop3A_628, %get3A_561 : vector<16xf32>
        %parallel_loop3A_750 = arith.addf %parallel_loop3A_637, %get3A_558 : vector<16xf32>
        %parallel_loop3A_751 = arith.addf %parallel_loop3A_644, %get3A_561 : vector<16xf32>
        %parallel_loop3A_752 = arith.addf %parallel_loop3A_653, %get3A_558 : vector<16xf32>
        %parallel_loop3A_753 = arith.addf %parallel_loop3A_660, %get3A_561 : vector<16xf32>
        %parallel_loop3A_754 = arith.addf %parallel_loop3A_669, %get3A_558 : vector<16xf32>
        %parallel_loop3A_755 = arith.addf %parallel_loop3A_676, %get3A_561 : vector<16xf32>
        %parallel_loop3A_756 = arith.addf %parallel_loop3A_685, %get3A_558 : vector<16xf32>
        %parallel_loop3A_757 = arith.addf %parallel_loop3A_692, %get3A_561 : vector<16xf32>
        %parallel_loop3A_758 = arith.addf %parallel_loop3A_701, %get3A_558 : vector<16xf32>
        %parallel_loop3A_759 = arith.addf %parallel_loop3A_708, %get3A_561 : vector<16xf32>
        %parallel_loop3A_760 = arith.addf %parallel_loop3A_717, %get3A_558 : vector<16xf32>
        %parallel_loop3A_761 = arith.addf %parallel_loop3A_724, %get3A_561 : vector<16xf32>
        %parallel_loop3A_762 = arith.constant 0 : i32
        %parallel_loop3A_763 = arith.constant 0 : i32
        %parallel_loop3A_764 = arith.constant 0 : i32
        %parallel_loop3A_765 = tpu.memref_slice %arg9[%parallel_loop3A_565, %parallel_loop3A_566, %parallel_loop3A_762, %parallel_loop3A_763, %parallel_loop3A_764] : memref<2x5x4x8x133xf32, #tpu.memory_space<vmem>> -> memref<1x1x4x8x133xf32, #tpu.memory_space<vmem>>
        %parallel_loop3A_766 = tpu.memref_squeeze %parallel_loop3A_765 : memref<1x1x4x8x133xf32, #tpu.memory_space<vmem>> -> memref<4x8x133xf32, #tpu.memory_space<vmem>>
        tpu.vector_store_idx %parallel_loop3A_766[%select_n3A, %select_n3A_48, %parallel_loop3A_596], %parallel_loop3A_746 : memref<4x8x133xf32, #tpu.memory_space<vmem>>[vector<16xi32>, vector<16xi32>, vector<16xi32>], vector<16xf32>,
        %parallel_loop3A_767 = arith.constant 0 : i32
        %parallel_loop3A_768 = arith.constant 0 : i32
        %parallel_loop3A_769 = arith.constant 0 : i32
        %parallel_loop3A_770 = tpu.memref_slice %arg9[%parallel_loop3A_565, %parallel_loop3A_566, %parallel_loop3A_767, %parallel_loop3A_768, %parallel_loop3A_769] : memref<2x5x4x8x133xf32, #tpu.memory_space<vmem>> -> memref<1x1x4x8x133xf32, #tpu.memory_space<vmem>>
        %parallel_loop3A_771 = tpu.memref_squeeze %parallel_loop3A_770 : memref<1x1x4x8x133xf32, #tpu.memory_space<vmem>> -> memref<4x8x133xf32, #tpu.memory_space<vmem>>
        tpu.vector_store_idx %parallel_loop3A_771[%add3A_28, %select_n3A_48, %parallel_loop3A_596], %parallel_loop3A_747 : memref<4x8x133xf32, #tpu.memory_space<vmem>>[vector<16xi32>, vector<16xi32>, vector<16xi32>], vector<16xf32>,
        %parallel_loop3A_772 = arith.constant 0 : i32
        %parallel_loop3A_773 = arith.constant 0 : i32
        %parallel_loop3A_774 = arith.constant 0 : i32
        %parallel_loop3A_775 = tpu.memref_slice %arg9[%parallel_loop3A_565, %parallel_loop3A_566, %parallel_loop3A_772, %parallel_loop3A_773, %parallel_loop3A_774] : memref<2x5x4x8x133xf32, #tpu.memory_space<vmem>> -> memref<1x1x4x8x133xf32, #tpu.memory_space<vmem>>
        %parallel_loop3A_776 = tpu.memref_squeeze %parallel_loop3A_775 : memref<1x1x4x8x133xf32, #tpu.memory_space<vmem>> -> memref<4x8x133xf32, #tpu.memory_space<vmem>>
        tpu.vector_store_idx %parallel_loop3A_776[%select_n3A, %select_n3A_48, %parallel_loop3A_727], %parallel_loop3A_748 : memref<4x8x133xf32, #tpu.memory_space<vmem>>[vector<16xi32>, vector<16xi32>, vector<16xi32>], vector<16xf32>,
        %parallel_loop3A_777 = arith.constant 0 : i32
        %parallel_loop3A_778 = arith.constant 0 : i32
        %parallel_loop3A_779 = arith.constant 0 : i32
        %parallel_loop3A_780 = tpu.memref_slice %arg9[%parallel_loop3A_565, %parallel_loop3A_566, %parallel_loop3A_777, %parallel_loop3A_778, %parallel_loop3A_779] : memref<2x5x4x8x133xf32, #tpu.memory_space<vmem>> -> memref<1x1x4x8x133xf32, #tpu.memory_space<vmem>>
        %parallel_loop3A_781 = tpu.memref_squeeze %parallel_loop3A_780 : memref<1x1x4x8x133xf32, #tpu.memory_space<vmem>> -> memref<4x8x133xf32, #tpu.memory_space<vmem>>
        tpu.vector_store_idx %parallel_loop3A_781[%add3A_28, %select_n3A_48, %parallel_loop3A_727], %parallel_loop3A_749 : memref<4x8x133xf32, #tpu.memory_space<vmem>>[vector<16xi32>, vector<16xi32>, vector<16xi32>], vector<16xf32>,
        %parallel_loop3A_782 = arith.constant 0 : i32
        %parallel_loop3A_783 = arith.constant 0 : i32
        %parallel_loop3A_784 = arith.constant 0 : i32
        %parallel_loop3A_785 = tpu.memref_slice %arg9[%parallel_loop3A_565, %parallel_loop3A_566, %parallel_loop3A_782, %parallel_loop3A_783, %parallel_loop3A_784] : memref<2x5x4x8x133xf32, #tpu.memory_space<vmem>> -> memref<1x1x4x8x133xf32, #tpu.memory_space<vmem>>
        %parallel_loop3A_786 = tpu.memref_squeeze %parallel_loop3A_785 : memref<1x1x4x8x133xf32, #tpu.memory_space<vmem>> -> memref<4x8x133xf32, #tpu.memory_space<vmem>>
        tpu.vector_store_idx %parallel_loop3A_786[%select_n3A, %select_n3A_48, %parallel_loop3A_730], %parallel_loop3A_750 : memref<4x8x133xf32, #tpu.memory_space<vmem>>[vector<16xi32>, vector<16xi32>, vector<16xi32>], vector<16xf32>,
        %parallel_loop3A_787 = arith.constant 0 : i32
        %parallel_loop3A_788 = arith.constant 0 : i32
        %parallel_loop3A_789 = arith.constant 0 : i32
        %parallel_loop3A_790 = tpu.memref_slice %arg9[%parallel_loop3A_565, %parallel_loop3A_566, %parallel_loop3A_787, %parallel_loop3A_788, %parallel_loop3A_789] : memref<2x5x4x8x133xf32, #tpu.memory_space<vmem>> -> memref<1x1x4x8x133xf32, #tpu.memory_space<vmem>>
        %parallel_loop3A_791 = tpu.memref_squeeze %parallel_loop3A_790 : memref<1x1x4x8x133xf32, #tpu.memory_space<vmem>> -> memref<4x8x133xf32, #tpu.memory_space<vmem>>
        tpu.vector_store_idx %parallel_loop3A_791[%add3A_28, %select_n3A_48, %parallel_loop3A_730], %parallel_loop3A_751 : memref<4x8x133xf32, #tpu.memory_space<vmem>>[vector<16xi32>, vector<16xi32>, vector<16xi32>], vector<16xf32>,
        %parallel_loop3A_792 = arith.constant 0 : i32
        %parallel_loop3A_793 = arith.constant 0 : i32
        %parallel_loop3A_794 = arith.constant 0 : i32
        %parallel_loop3A_795 = tpu.memref_slice %arg9[%parallel_loop3A_565, %parallel_loop3A_566, %parallel_loop3A_792, %parallel_loop3A_793, %parallel_loop3A_794] : memref<2x5x4x8x133xf32, #tpu.memory_space<vmem>> -> memref<1x1x4x8x133xf32, #tpu.memory_space<vmem>>
        %parallel_loop3A_796 = tpu.memref_squeeze %parallel_loop3A_795 : memref<1x1x4x8x133xf32, #tpu.memory_space<vmem>> -> memref<4x8x133xf32, #tpu.memory_space<vmem>>
        tpu.vector_store_idx %parallel_loop3A_796[%select_n3A, %select_n3A_48, %parallel_loop3A_733], %parallel_loop3A_752 : memref<4x8x133xf32, #tpu.memory_space<vmem>>[vector<16xi32>, vector<16xi32>, vector<16xi32>], vector<16xf32>,
        %parallel_loop3A_797 = arith.constant 0 : i32
        %parallel_loop3A_798 = arith.constant 0 : i32
        %parallel_loop3A_799 = arith.constant 0 : i32
        %parallel_loop3A_800 = tpu.memref_slice %arg9[%parallel_loop3A_565, %parallel_loop3A_566, %parallel_loop3A_797, %parallel_loop3A_798, %parallel_loop3A_799] : memref<2x5x4x8x133xf32, #tpu.memory_space<vmem>> -> memref<1x1x4x8x133xf32, #tpu.memory_space<vmem>>
        %parallel_loop3A_801 = tpu.memref_squeeze %parallel_loop3A_800 : memref<1x1x4x8x133xf32, #tpu.memory_space<vmem>> -> memref<4x8x133xf32, #tpu.memory_space<vmem>>
        tpu.vector_store_idx %parallel_loop3A_801[%add3A_28, %select_n3A_48, %parallel_loop3A_733], %parallel_loop3A_753 : memref<4x8x133xf32, #tpu.memory_space<vmem>>[vector<16xi32>, vector<16xi32>, vector<16xi32>], vector<16xf32>,
        %parallel_loop3A_802 = arith.constant 0 : i32
        %parallel_loop3A_803 = arith.constant 0 : i32
        %parallel_loop3A_804 = arith.constant 0 : i32
        %parallel_loop3A_805 = tpu.memref_slice %arg9[%parallel_loop3A_565, %parallel_loop3A_566, %parallel_loop3A_802, %parallel_loop3A_803, %parallel_loop3A_804] : memref<2x5x4x8x133xf32, #tpu.memory_space<vmem>> -> memref<1x1x4x8x133xf32, #tpu.memory_space<vmem>>
        %parallel_loop3A_806 = tpu.memref_squeeze %parallel_loop3A_805 : memref<1x1x4x8x133xf32, #tpu.memory_space<vmem>> -> memref<4x8x133xf32, #tpu.memory_space<vmem>>
        tpu.vector_store_idx %parallel_loop3A_806[%select_n3A, %select_n3A_48, %parallel_loop3A_736], %parallel_loop3A_754 : memref<4x8x133xf32, #tpu.memory_space<vmem>>[vector<16xi32>, vector<16xi32>, vector<16xi32>], vector<16xf32>,
        %parallel_loop3A_807 = arith.constant 0 : i32
        %parallel_loop3A_808 = arith.constant 0 : i32
        %parallel_loop3A_809 = arith.constant 0 : i32
        %parallel_loop3A_810 = tpu.memref_slice %arg9[%parallel_loop3A_565, %parallel_loop3A_566, %parallel_loop3A_807, %parallel_loop3A_808, %parallel_loop3A_809] : memref<2x5x4x8x133xf32, #tpu.memory_space<vmem>> -> memref<1x1x4x8x133xf32, #tpu.memory_space<vmem>>
        %parallel_loop3A_811 = tpu.memref_squeeze %parallel_loop3A_810 : memref<1x1x4x8x133xf32, #tpu.memory_space<vmem>> -> memref<4x8x133xf32, #tpu.memory_space<vmem>>
        tpu.vector_store_idx %parallel_loop3A_811[%add3A_28, %select_n3A_48, %parallel_loop3A_736], %parallel_loop3A_755 : memref<4x8x133xf32, #tpu.memory_space<vmem>>[vector<16xi32>, vector<16xi32>, vector<16xi32>], vector<16xf32>,
        %parallel_loop3A_812 = arith.constant 0 : i32
        %parallel_loop3A_813 = arith.constant 0 : i32
        %parallel_loop3A_814 = arith.constant 0 : i32
        %parallel_loop3A_815 = tpu.memref_slice %arg9[%parallel_loop3A_565, %parallel_loop3A_566, %parallel_loop3A_812, %parallel_loop3A_813, %parallel_loop3A_814] : memref<2x5x4x8x133xf32, #tpu.memory_space<vmem>> -> memref<1x1x4x8x133xf32, #tpu.memory_space<vmem>>
        %parallel_loop3A_816 = tpu.memref_squeeze %parallel_loop3A_815 : memref<1x1x4x8x133xf32, #tpu.memory_space<vmem>> -> memref<4x8x133xf32, #tpu.memory_space<vmem>>
        tpu.vector_store_idx %parallel_loop3A_816[%select_n3A, %select_n3A_48, %parallel_loop3A_739], %parallel_loop3A_756 : memref<4x8x133xf32, #tpu.memory_space<vmem>>[vector<16xi32>, vector<16xi32>, vector<16xi32>], vector<16xf32>,
        %parallel_loop3A_817 = arith.constant 0 : i32
        %parallel_loop3A_818 = arith.constant 0 : i32
        %parallel_loop3A_819 = arith.constant 0 : i32
        %parallel_loop3A_820 = tpu.memref_slice %arg9[%parallel_loop3A_565, %parallel_loop3A_566, %parallel_loop3A_817, %parallel_loop3A_818, %parallel_loop3A_819] : memref<2x5x4x8x133xf32, #tpu.memory_space<vmem>> -> memref<1x1x4x8x133xf32, #tpu.memory_space<vmem>>
        %parallel_loop3A_821 = tpu.memref_squeeze %parallel_loop3A_820 : memref<1x1x4x8x133xf32, #tpu.memory_space<vmem>> -> memref<4x8x133xf32, #tpu.memory_space<vmem>>
        tpu.vector_store_idx %parallel_loop3A_821[%add3A_28, %select_n3A_48, %parallel_loop3A_739], %parallel_loop3A_757 : memref<4x8x133xf32, #tpu.memory_space<vmem>>[vector<16xi32>, vector<16xi32>, vector<16xi32>], vector<16xf32>,
        %parallel_loop3A_822 = arith.constant 0 : i32
        %parallel_loop3A_823 = arith.constant 0 : i32
        %parallel_loop3A_824 = arith.constant 0 : i32
        %parallel_loop3A_825 = tpu.memref_slice %arg9[%parallel_loop3A_565, %parallel_loop3A_566, %parallel_loop3A_822, %parallel_loop3A_823, %parallel_loop3A_824] : memref<2x5x4x8x133xf32, #tpu.memory_space<vmem>> -> memref<1x1x4x8x133xf32, #tpu.memory_space<vmem>>
        %parallel_loop3A_826 = tpu.memref_squeeze %parallel_loop3A_825 : memref<1x1x4x8x133xf32, #tpu.memory_space<vmem>> -> memref<4x8x133xf32, #tpu.memory_space<vmem>>
        tpu.vector_store_idx %parallel_loop3A_826[%select_n3A, %select_n3A_48, %parallel_loop3A_742], %parallel_loop3A_758 : memref<4x8x133xf32, #tpu.memory_space<vmem>>[vector<16xi32>, vector<16xi32>, vector<16xi32>], vector<16xf32>,
        %parallel_loop3A_827 = arith.constant 0 : i32
        %parallel_loop3A_828 = arith.constant 0 : i32
        %parallel_loop3A_829 = arith.constant 0 : i32
        %parallel_loop3A_830 = tpu.memref_slice %arg9[%parallel_loop3A_565, %parallel_loop3A_566, %parallel_loop3A_827, %parallel_loop3A_828, %parallel_loop3A_829] : memref<2x5x4x8x133xf32, #tpu.memory_space<vmem>> -> memref<1x1x4x8x133xf32, #tpu.memory_space<vmem>>
        %parallel_loop3A_831 = tpu.memref_squeeze %parallel_loop3A_830 : memref<1x1x4x8x133xf32, #tpu.memory_space<vmem>> -> memref<4x8x133xf32, #tpu.memory_space<vmem>>
        tpu.vector_store_idx %parallel_loop3A_831[%add3A_28, %select_n3A_48, %parallel_loop3A_742], %parallel_loop3A_759 : memref<4x8x133xf32, #tpu.memory_space<vmem>>[vector<16xi32>, vector<16xi32>, vector<16xi32>], vector<16xf32>,
        %parallel_loop3A_832 = arith.constant 0 : i32
        %parallel_loop3A_833 = arith.constant 0 : i32
        %parallel_loop3A_834 = arith.constant 0 : i32
        %parallel_loop3A_835 = tpu.memref_slice %arg9[%parallel_loop3A_565, %parallel_loop3A_566, %parallel_loop3A_832, %parallel_loop3A_833, %parallel_loop3A_834] : memref<2x5x4x8x133xf32, #tpu.memory_space<vmem>> -> memref<1x1x4x8x133xf32, #tpu.memory_space<vmem>>
        %parallel_loop3A_836 = tpu.memref_squeeze %parallel_loop3A_835 : memref<1x1x4x8x133xf32, #tpu.memory_space<vmem>> -> memref<4x8x133xf32, #tpu.memory_space<vmem>>
        tpu.vector_store_idx %parallel_loop3A_836[%select_n3A, %select_n3A_48, %parallel_loop3A_745], %parallel_loop3A_760 : memref<4x8x133xf32, #tpu.memory_space<vmem>>[vector<16xi32>, vector<16xi32>, vector<16xi32>], vector<16xf32>,
        %parallel_loop3A_837 = arith.constant 0 : i32
        %parallel_loop3A_838 = arith.constant 0 : i32
        %parallel_loop3A_839 = arith.constant 0 : i32
        %parallel_loop3A_840 = tpu.memref_slice %arg9[%parallel_loop3A_565, %parallel_loop3A_566, %parallel_loop3A_837, %parallel_loop3A_838, %parallel_loop3A_839] : memref<2x5x4x8x133xf32, #tpu.memory_space<vmem>> -> memref<1x1x4x8x133xf32, #tpu.memory_space<vmem>>
        %parallel_loop3A_841 = tpu.memref_squeeze %parallel_loop3A_840 : memref<1x1x4x8x133xf32, #tpu.memory_space<vmem>> -> memref<4x8x133xf32, #tpu.memory_space<vmem>>
        tpu.vector_store_idx %parallel_loop3A_841[%add3A_28, %select_n3A_48, %parallel_loop3A_745], %parallel_loop3A_761 : memref<4x8x133xf32, #tpu.memory_space<vmem>>[vector<16xi32>, vector<16xi32>, vector<16xi32>], vector<16xf32>,
      } {sc.loop_unroll_factor = 1 : i64, sc.parallel_access}
      %mul3A_567 = arith.constant 5 : i32
      %mul3A_568 = arith.muli %add3A_402, %mul3A_567 : i32
      %dma_start3A_569 = arith.constant 1 : i32
      %dma_start3A_570 = arith.constant 0 : i32
      %dma_start3A_571 = arith.constant 0 : i32
      %dma_start3A_572 = arith.constant 0 : i32
      %dma_start3A_573 = arith.constant 0 : i32
      %dma_start3A_574 = tpu.memref_slice %arg9[%dma_start3A_569, %dma_start3A_570, %dma_start3A_571, %dma_start3A_572, %dma_start3A_573] : memref<2x5x4x8x133xf32, #tpu.memory_space<vmem>> -> memref<1x5x4x8x128xf32, #tpu.memory_space<vmem>>
      %dma_start3A_575 = tpu.memref_squeeze %dma_start3A_574 : memref<1x5x4x8x128xf32, #tpu.memory_space<vmem>> -> memref<5x4x8x128xf32, #tpu.memory_space<vmem>>
      %dma_start3A_576 = arith.constant 0 : i32
      %dma_start3A_577 = arith.constant 0 : i32
      %dma_start3A_578 = arith.constant 0 : i32
      %dma_start3A_579 = tpu.memref_slice %arg5[%mul3A_568, %dma_start3A_576, %add3A, %dma_start3A_577, %dma_start3A_578] : memref<200x4x32x8x128xf32, #tpu.memory_space<hbm>> -> memref<5x4x1x8x128xf32, #tpu.memory_space<hbm>>
      %dma_start3A_580 = tpu.memref_squeeze %dma_start3A_579 : memref<5x4x1x8x128xf32, #tpu.memory_space<hbm>> -> memref<5x4x8x128xf32, #tpu.memory_space<hbm>>
      %dma_start3A_581 = arith.constant 0 : i32
      %dma_start3A_582 = arith.constant 0 : i32
      %dma_start3A_583 = arith.constant 0 : i32
      %dma_start3A_584 = tpu.memref_slice %arg5[%mul3A_568, %dma_start3A_581, %add3A, %dma_start3A_582, %dma_start3A_583] : memref<200x4x32x8x128xf32, #tpu.memory_space<hbm>> -> memref<5x4x1x8x128xf32, #tpu.memory_space<hbm>>
      %dma_start3A_585 = tpu.memref_squeeze %dma_start3A_584 : memref<5x4x1x8x128xf32, #tpu.memory_space<hbm>> -> memref<5x4x8x128xf32, #tpu.memory_space<hbm>>
      %dma_start3A_586 = arith.constant 0 : i32
      %dma_start3A_587 = arith.constant 0 : i32
      %dma_start3A_588 = arith.constant 0 : i32
      %dma_start3A_589 = arith.constant 0 : i32
      %dma_start3A_590 = tpu.memref_slice %arg9[%dma_start3A_569, %dma_start3A_586, %dma_start3A_587, %dma_start3A_588, %dma_start3A_589] : memref<2x5x4x8x133xf32, #tpu.memory_space<vmem>> -> memref<1x5x4x8x128xf32, #tpu.memory_space<vmem>>
      %dma_start3A_591 = tpu.memref_squeeze %dma_start3A_590 : memref<1x5x4x8x128xf32, #tpu.memory_space<vmem>> -> memref<5x4x8x128xf32, #tpu.memory_space<vmem>>
      tpu.enqueue_dma source(%dma_start3A_591 : memref<5x4x8x128xf32, #tpu.memory_space<vmem>>) target(%dma_start3A_585 : memref<5x4x8x128xf32, #tpu.memory_space<hbm>>) target_semaphore(%arg13 : memref<!tpu.dma_semaphore, #tpu.memory_space<semaphore_mem>>)
    }
    %scan3A_159 = arith.constant 20 : i32
    %dma_wait3A_160 = arith.constant 0 : i32
    %dma_wait3A_161 = arith.constant 0 : i32
    %dma_wait3A_162 = arith.constant 0 : i32
    %dma_wait3A_163 = arith.constant 0 : i32
    %dma_wait3A_164 = arith.constant 0 : i32
    %dma_wait3A_165 = tpu.memref_slice %arg9[%dma_wait3A_160, %dma_wait3A_161, %dma_wait3A_162, %dma_wait3A_163, %dma_wait3A_164] : memref<2x5x4x8x133xf32, #tpu.memory_space<vmem>> -> memref<1x5x4x8x128xf32, #tpu.memory_space<vmem>>
    %dma_wait3A_166 = tpu.memref_squeeze %dma_wait3A_165 : memref<1x5x4x8x128xf32, #tpu.memory_space<vmem>> -> memref<5x4x8x128xf32, #tpu.memory_space<vmem>>
    %dma_wait3A_167 = arith.constant 190 : i32
    %dma_wait3A_168 = arith.constant 0 : i32
    %dma_wait3A_169 = arith.constant 0 : i32
    %dma_wait3A_170 = arith.constant 0 : i32
    %dma_wait3A_171 = tpu.memref_slice %arg5[%dma_wait3A_167, %dma_wait3A_168, %add3A, %dma_wait3A_169, %dma_wait3A_170] : memref<200x4x32x8x128xf32, #tpu.memory_space<hbm>> -> memref<5x4x1x8x128xf32, #tpu.memory_space<hbm>>
    %dma_wait3A_172 = tpu.memref_squeeze %dma_wait3A_171 : memref<5x4x1x8x128xf32, #tpu.memory_space<hbm>> -> memref<5x4x8x128xf32, #tpu.memory_space<hbm>>
    %dma_wait3A_173 = arith.constant 190 : i32
    %dma_wait3A_174 = arith.constant 0 : i32
    %dma_wait3A_175 = arith.constant 0 : i32
    %dma_wait3A_176 = arith.constant 0 : i32
    %dma_wait3A_177 = tpu.memref_slice %arg5[%dma_wait3A_173, %dma_wait3A_174, %add3A, %dma_wait3A_175, %dma_wait3A_176] : memref<200x4x32x8x128xf32, #tpu.memory_space<hbm>> -> memref<5x4x1x8x128xf32, #tpu.memory_space<hbm>>
    %dma_wait3A_178 = tpu.memref_squeeze %dma_wait3A_177 : memref<5x4x1x8x128xf32, #tpu.memory_space<hbm>> -> memref<5x4x8x128xf32, #tpu.memory_space<hbm>>
    %dma_wait3A_179 = arith.constant 0 : i32
    %dma_wait3A_180 = arith.constant 0 : i32
    %dma_wait3A_181 = arith.constant 0 : i32
    %dma_wait3A_182 = arith.constant 0 : i32
    %dma_wait3A_183 = tpu.memref_slice %arg9[%dma_wait3A_160, %dma_wait3A_179, %dma_wait3A_180, %dma_wait3A_181, %dma_wait3A_182] : memref<2x5x4x8x133xf32, #tpu.memory_space<vmem>> -> memref<1x5x4x8x128xf32, #tpu.memory_space<vmem>>
    %dma_wait3A_184 = tpu.memref_squeeze %dma_wait3A_183 : memref<1x5x4x8x128xf32, #tpu.memory_space<vmem>> -> memref<5x4x8x128xf32, #tpu.memory_space<vmem>>
    tpu.wait_dma2 semaphore(%arg12 : memref<!tpu.dma_semaphore, #tpu.memory_space<semaphore_mem>>) src(%dma_wait3A_184 : memref<5x4x8x128xf32, #tpu.memory_space<vmem>>) dst(%dma_wait3A_178 : memref<5x4x8x128xf32, #tpu.memory_space<hbm>>)
    %dma_wait3A_185 = arith.constant 1 : i32
    %dma_wait3A_186 = arith.constant 0 : i32
    %dma_wait3A_187 = arith.constant 0 : i32
    %dma_wait3A_188 = arith.constant 0 : i32
    %dma_wait3A_189 = arith.constant 0 : i32
    %dma_wait3A_190 = tpu.memref_slice %arg9[%dma_wait3A_185, %dma_wait3A_186, %dma_wait3A_187, %dma_wait3A_188, %dma_wait3A_189] : memref<2x5x4x8x133xf32, #tpu.memory_space<vmem>> -> memref<1x5x4x8x128xf32, #tpu.memory_space<vmem>>
    %dma_wait3A_191 = tpu.memref_squeeze %dma_wait3A_190 : memref<1x5x4x8x128xf32, #tpu.memory_space<vmem>> -> memref<5x4x8x128xf32, #tpu.memory_space<vmem>>
    %dma_wait3A_192 = arith.constant 195 : i32
    %dma_wait3A_193 = arith.constant 0 : i32
    %dma_wait3A_194 = arith.constant 0 : i32
    %dma_wait3A_195 = arith.constant 0 : i32
    %dma_wait3A_196 = tpu.memref_slice %arg5[%dma_wait3A_192, %dma_wait3A_193, %add3A, %dma_wait3A_194, %dma_wait3A_195] : memref<200x4x32x8x128xf32, #tpu.memory_space<hbm>> -> memref<5x4x1x8x128xf32, #tpu.memory_space<hbm>>
    %dma_wait3A_197 = tpu.memref_squeeze %dma_wait3A_196 : memref<5x4x1x8x128xf32, #tpu.memory_space<hbm>> -> memref<5x4x8x128xf32, #tpu.memory_space<hbm>>
    %dma_wait3A_198 = arith.constant 195 : i32
    %dma_wait3A_199 = arith.constant 0 : i32
    %dma_wait3A_200 = arith.constant 0 : i32
    %dma_wait3A_201 = arith.constant 0 : i32
    %dma_wait3A_202 = tpu.memref_slice %arg5[%dma_wait3A_198, %dma_wait3A_199, %add3A, %dma_wait3A_200, %dma_wait3A_201] : memref<200x4x32x8x128xf32, #tpu.memory_space<hbm>> -> memref<5x4x1x8x128xf32, #tpu.memory_space<hbm>>
    %dma_wait3A_203 = tpu.memref_squeeze %dma_wait3A_202 : memref<5x4x1x8x128xf32, #tpu.memory_space<hbm>> -> memref<5x4x8x128xf32, #tpu.memory_space<hbm>>
    %dma_wait3A_204 = arith.constant 0 : i32
    %dma_wait3A_205 = arith.constant 0 : i32
    %dma_wait3A_206 = arith.constant 0 : i32
    %dma_wait3A_207 = arith.constant 0 : i32
    %dma_wait3A_208 = tpu.memref_slice %arg9[%dma_wait3A_185, %dma_wait3A_204, %dma_wait3A_205, %dma_wait3A_206, %dma_wait3A_207] : memref<2x5x4x8x133xf32, #tpu.memory_space<vmem>> -> memref<1x5x4x8x128xf32, #tpu.memory_space<vmem>>
    %dma_wait3A_209 = tpu.memref_squeeze %dma_wait3A_208 : memref<1x5x4x8x128xf32, #tpu.memory_space<vmem>> -> memref<5x4x8x128xf32, #tpu.memory_space<vmem>>
    tpu.wait_dma2 semaphore(%arg13 : memref<!tpu.dma_semaphore, #tpu.memory_space<semaphore_mem>>) src(%dma_wait3A_209 : memref<5x4x8x128xf32, #tpu.memory_space<vmem>>) dst(%dma_wait3A_203 : memref<5x4x8x128xf32, #tpu.memory_space<hbm>>)
    return
  }
}

</mosaic_0001>

<sc_bundles>
// kernel: kernel.3.cloned.1.call-start
scs
__scs_entry_jumppad:
0x0: {  	(pc) =	sbr.rel $0x88, $3  }
0x1: {  	(tag) =	ssettag $0x0;
	lr =	simm.s32 $0x1  }
0x2: {  	[smem:$0x3F9E] =	sst lr;
	_ =	strace $0xD0000000  }
0x3: {  	_ = 	snop  }
0x4: {  	_ = 	snop  }
0x5: {  	_ = 	snop  }
0x6: {  	_ = 	snop  }
0x7: {  	_ = 	snop  }
__scs_overlays_trampoline_lowered:
0x8: {  	[smem:$0x3FAD] =	sst s0  }
0x9: {  	[smem:$0x3FAE] =	sst s1  }
0xa: {  	[smem:$0x3FAF] =	sst s2  }
0xb: {  	[smem:$0x3FB0] =	sst s3  }
0xc: {  	[smem:$0x3FB1] =	sst s4  }
0xd: {  	[smem:$0x3FB2] =	sst s5  }
0xe: {  	[smem:$0x3FB3] =	sst s6  }
0xf: {  	[smem:$0x3FB4] =	sst s7  }
0x10: {  	[smem:$0x3FB5] =	sst s8  }
0x11: {  	[smem:$0x3FB6] =	sst s9;
	s0 =	simm.s32 @!p0 $0x0  }
0x12: {  	s1 =	sld [smem:$0x3F9C];
	s0 =	simm.s32 @p0 $0x1  }
0x13: {  	[smem:$0x3FB7] =	sst s0;
	s0 =	simm.s32 @!p1 $0x0  }
0x14: {  	s2 =	sld [smem:$0x3F9B];
	s0 =	simm.s32 @p1 $0x1  }
0x15: {  	[smem:$0x3FB8] =	sst s0;
	s0 =	simm.s32 @!p2 $0x0  }
0x16: {  	s3 =	sld [smem:$0x3FDB];
	s0 =	simm.s32 @p2 $0x1  }
0x17: {  	s4 =	simm.s32 $0x1BF5;
	[smem:$0x3FBA] =	sst s0  }
0x18: {  	s0 =	sld [smem:$0x3F9D];
	_ =	swait.ge [sflag:s4], $0x0  }
0x19: {  	s7 =	sld [smem:$0x3F9E]  }
0x1a: {  	s8 =	sadd.s32 $0xFFFFE003, lr  }
0x1b: {  	s9 =	sadd.s32 $0xFFFFFEF7, lr;
	s5 =	simm.s32 $0xFFFFFFFF;
	p2 =	slt.u32 s8, $0xFFFFF086  }
0x1c: {  	p1 =	slt.u32 s9, $0xF7A;
	s5 =	simm.s32 @!p2 $0x0  }
0x1d: {  	s5 =	simm.s32 @p1 $0x1;
	p0 =	seq.s32 s7, s2  }
0x1e: {  	s7 =	smul.u32 @!p0 $0xF7A, s2;
	p2 =	seq.s32 @!p0 s5, $0x0  }
0x1f: {  	s9 =	smul.u32 $0xF7A, s1;
	s8 =	simm.s32 @!p0 $0x1BF5;
	p2 =	por !p2, p0  }
0x20: {  	[sflag:s8] =	ssyncset.s32 @!p0 $0xFFFFF086;
	s6 =	sadd.s32 @!p0 s3, s7;
	s7 =	simm.s32 @!p0 $0x108  }
0x21: {  	s3 =	sadd.s32 s3, s9;
	s6 =	sadd.s32 @!p0 $0x88, s6;
	s7 =	simm.s32 @p2 $0x1082  }
0x22: {  	[simem:s7], [sflag:s8] =	dma.local @!p0 [hbm:s6], $0xF7A  }
0x23: {  	s9 =	sor.u32 $0xD0000000, s2;
	s6 =	simm.s32 $0x108;
	_ =	swait.ge @!p0 [sflag:s8], $0x0  }
0x24: {  	s3 =	sadd.s32 $0x88, s3;
	s6 =	simm.s32 @!p1 $0x1082;
	[sflag:s4] =	ssyncset.s32 $0xFFFFF086  }
0x25: {  	[simem:s6], [sflag:s4] =	dma.local [hbm:s3], $0xF7A  }
0x26: {  	[smem:$0x3F9E] =	sst s1;
	(tag) =	ssettag s2;
	_ =	strace s9  }
0x27: {  	s1 =	sld [smem:$0x3FAE]  }
0x28: {  	s2 =	sld [smem:$0x3FAF]  }
0x29: {  	s4 =	sld [smem:$0x3FB1]  }
0x2a: {  	p0 =	seq.s32 s5, $0x0;
	s5 =	sld [smem:$0x3FB2]  }
0x2b: {  	s6 =	sld [smem:$0x3FB3]  }
0x2c: {  	s7 =	sld [smem:$0x3FB4]  }
0x2d: {  	s3 =	simm.s32 $0x108;
	s8 =	sld [smem:$0x3FB5]  }
0x2e: {  	s3 =	simm.s32 @!p0 $0x1082;
	s9 =	sld [smem:$0x3FB6]  }
0x2f: {  	lr =	sadd.s32 s0, s3;
	s0 =	sld [smem:$0x3FAD]  }
0x30: {  	s3 =	sld [smem:$0x3FB0]  }
0x31: {  	[smem:$0x3FB9] =	sst s10  }
0x32: {  	s10 =	sld [smem:$0x3FB7];
	_ =	sdelay $0x3  }
0x33: {  	p0 =	seq.s32 s10, $0x1;
	s10 =	sld [smem:$0x3FB9];
	_ =	sdelay $0x3  }
0x34: {  	[smem:$0x3FB9] =	sst s10  }
0x35: {  	s10 =	sld [smem:$0x3FB8];
	_ =	sdelay $0x3  }
0x36: {  	p1 =	seq.s32 s10, $0x1;
	s10 =	sld [smem:$0x3FB9];
	_ =	sdelay $0x3  }
0x37: {  	[smem:$0x3FB9] =	sst s10  }
0x38: {  	s10 =	sld [smem:$0x3FBA]  }
0x39: {  	_ = 	snop;
	(pc) =	sbr.ind lr, $3  }
0x3a: {  	_ = 	snop  }
0x3b: {  	_ = 	snop  }
0x3c: {  	p2 =	seq.s32 s10, $0x1;
	s10 =	sld [smem:$0x3FB9]  }
0x3d: {  	_ =	shalt  }
0x3e: {  	_ =	shalt  }
0x3f: {  	_ =	shalt  }
0x40: {  	_ =	shalt  }
0x41: {  	_ =	shalt  }
0x42: {  	_ =	shalt  }
0x43: {  	_ =	shalt  }
0x44: {  	_ =	shalt  }
0x45: {  	_ =	shalt  }
0x46: {  	_ =	shalt  }
0x47: {  	_ =	shalt  }
0x48: {  	_ =	shalt  }
0x49: {  	_ =	shalt  }
0x4a: {  	_ =	shalt  }
0x4b: {  	_ =	shalt  }
0x4c: {  	_ =	shalt  }
0x4d: {  	_ =	shalt  }
0x4e: {  	_ =	shalt  }
0x4f: {  	_ =	shalt  }
0x50: {  	_ =	shalt  }
0x51: {  	_ =	shalt  }
0x52: {  	_ =	shalt  }
0x53: {  	_ =	shalt  }
0x54: {  	_ =	shalt  }
0x55: {  	_ =	shalt  }
0x56: {  	_ =	shalt  }
0x57: {  	_ =	shalt  }
0x58: {  	_ =	shalt  }
0x59: {  	_ =	shalt  }
0x5a: {  	_ =	shalt  }
0x5b: {  	_ =	shalt  }
0x5c: {  	_ =	shalt  }
0x5d: {  	_ =	shalt  }
0x5e: {  	_ =	shalt  }
0x5f: {  	_ =	shalt  }
0x60: {  	_ =	shalt  }
0x61: {  	_ =	shalt  }
0x62: {  	_ =	shalt  }
0x63: {  	_ =	shalt  }
0x64: {  	_ =	shalt  }
0x65: {  	_ =	shalt  }
0x66: {  	_ =	shalt  }
0x67: {  	_ =	shalt  }
0x68: {  	_ =	shalt  }
0x69: {  	_ =	shalt  }
0x6a: {  	_ =	shalt  }
0x6b: {  	_ =	shalt  }
0x6c: {  	_ =	shalt  }
0x6d: {  	_ =	shalt  }
0x6e: {  	_ =	shalt  }
0x6f: {  	_ =	shalt  }
0x70: {  	_ =	shalt  }
0x71: {  	_ =	shalt  }
0x72: {  	_ =	shalt  }
0x73: {  	_ =	shalt  }
0x74: {  	_ =	shalt  }
0x75: {  	_ =	shalt  }
0x76: {  	_ =	shalt  }
0x77: {  	_ =	shalt  }
0x78: {  	_ =	shalt  }
0x79: {  	_ =	shalt  }
0x7a: {  	_ =	shalt  }
0x7b: {  	_ =	shalt  }
0x7c: {  	_ =	shalt  }
0x7d: {  	_ =	shalt  }
0x7e: {  	_ =	shalt  }
0x7f: {  	_ =	shalt  }
0x80: {  	_ =	shalt  }
0x81: {  	_ =	shalt  }
0x82: {  	_ =	shalt  }
0x83: {  	_ =	shalt  }
0x84: {  	_ =	shalt  }
0x85: {  	_ =	shalt  }
0x86: {  	_ =	shalt  }
0x87: {  	_ =	shalt  }
.Lfunc_end0:
.L_simem_size_0:
called_computation_lowered:
.L_overlay_start_0:
0x88: {  	s2 =	sld [smem:$0x3FD9]  }
0x89: {  	s3 =	sld [smem:$0x3FFE];
	_ =	sdelay $0x1  }
0x8a: {  	s1 =	srdreg.scid  }
0x8b: {  	s0 =	sand.u32 $0x1, s1  }
0x8c: {  	s17 =	sshll.u32 s0, $0xA;
	s2 =	sadd.s32 s3, s2  }
0x8d: {  	s2 =	sadd.s32 s2, s17  }
0x8e: {  	[smem:$0x3FC5] =	sst s2  }
0x8f: {  	_ = 	snop  }
0x90: {  	s2 =	sld [smem:$0x3FD0];
	(tm) =	ssettm $0x1  }
0x91: {  	s18 =	sld [smem:$0x3FFB];
	_ =	sdelay $0x3  }
0x92: {  	_ =	strace s18  }
0x93: {  	s3 =	sld [smem:$0x3FFC];
	_ =	sdelay $0x3  }
0x94: {  	_ =	strace s3  }
0x95: {  	s3 =	sld [smem:$0x3FFD];
	_ =	sdelay $0x3  }
0x96: {  	_ =	strace s3  }
0x97: {  	_ =	strace $0x8FFFFFFF  }
0x98: {  	s19 =	sld [smem:$0x3FDB];
	_ =	sdelay $0x1  }
0x99: {  	s4 =	simm.s32 $_scs_section_size  }
0x9a: {  	s5 =	simm.s32 $_size__tile_overlayer_lowered;
	s6 =	simm.s32 $_tile_overlayer_lowered  }
0x9b: {  	s22 =	simm.s32 $0x1BFF;
	s21 =	sshll.u32 s6, $0x1;
	s3 =	sadd.s32 s4, s19  }
0x9c: {  	s7 =	simm.s32 $0x0;
	s20 =	sshll.u32 s5, $0x1;
	s5 =	sadd.s32 s21, s3  }
0x9d: {  	[timem:s7], [sflag:s22] =	dma.local [hbm:s5], s20  }
0x9e: {  	_ =	swait.ge [sflag:s22], s20  }
0x9f: {  	s4 =	ssub.s32 $0x0, s20;
	[sflag:s22] =	ssyncset.done $0x0  }
0xa0: {  	[sflag:s22] =	ssyncadd.s32 s4;
	_ =	sdelay $0x1  }
0xa1: {  	s23 =	simm.s32 $0x1B8B  }
0xa2: {  	_ =	swait.ge [sflag:s23], $0x1  }
0xa3: {  	[sflag:s23] =	ssyncset.done $0x0  }
0xa4: {  	s25 =	simm.s32 $0x1B8E;
	s24 =	sld [smem:$0x3FFE];
	[sflag:s23] =	ssyncadd.s32 $0xFFFFFFFF  }
0xa5: {  	s26 =	simm.s32 $execute0_lowered;
	[smem:$0x3FD2] =	sst s25  }
0xa6: {  	s5 =	sshll.u32 s26, $0x1;
	_ =	strace $0x80000046;
	[dreg:$0x1] =	wrdreg $0xFFFFFFFF  }
0xa7: {  	s28 =	simm.s32 $_size_execute0_lowered;
	s3 =	sadd.s32 s3, s5;
	[dreg:$0x0] =	wrdreg $0x0  }
0xa8: {  	s5 =	sshll.u32 s28, $0x1;
	[dreg:$0x2] =	wrdreg s3  }
0xa9: {  	[dreg:$0x3] =	wrdreg s5  }
0xaa: {  	[dreg:$0x4] =	wrdreg $0xC0  }
0xab: {  	_ =	task [dreg:s7], $0x5FFFF  }
0xac: {  	[dreg:$0x1] =	wrdreg $0xFFFFFFFF  }
0xad: {  	[dreg:$0x0] =	wrdreg $0x60  }
0xae: {  	[dreg:$0x2] =	wrdreg s24  }
0xaf: {  	[dreg:$0x3] =	wrdreg s2  }
0xb0: {  	[dreg:$0x4] =	wrdreg $0x9  }
0xb1: {  	_ =	task.clear_ibuf [dreg:s7], $0x5FFFF;
	_ =	strace $0x90000046  }
0xb2: {  	s29 =	simm.s32 $0x9;
	_ =	strace $0x80000048  }
0xb3: {  	_ =	swait.ge [sflag:s29], $0x1  }
0xb4: {  	[sflag:s29] =	ssyncadd.s32 $0xFFFFFFFF  }
0xb5: {  	_ =	strace $0x90000048  }
0xb6: {  	_ =	sfence  }
0xb7: {  	s30 =	sld [smem:$0x0];
	_ =	sdelay $0x2  }
0xb8: {  	s31 =	sshll.u32 s1, $0xD;
	s1 =	sshrl.u32 s1, $0x2  }
0xb9: {  	s3 =	sand.u32 $0x4000, s31;
	s1 =	sadd.s32 s1, s30  }
0xba: {  	s0 =	sor.u32 s3, s0;
	s1 =	sshll.u32 s1, $0x11  }
0xbb: {  	s0 =	sor.u32 s1, s0  }
0xbc: {  	s0 =	sadd.s32 $0x8F2B, s0  }
0xbd: {  	[sflag:s0] =	ssyncadd.remote.s32 $0x1  }
0xbe: {  	_ =	sfence.sel $0xFFFF  }
0xbf: {  	[dreg:$0x0] =	wrdreg $0xFFFFFFFF;
	(pc) =	sbr.abs _section_cstart, $3  }
0xc0: {  	[dreg:$0x1] =	wrdreg $0xFFFFFFFF  }
0xc1: {  	_ =	task.clear_ibuf [dreg:s7], $0x2FFFF;
	_ =	strace $0x9FFFFFFF  }
0xc2: {  	(tm) =	ssettm $0x7FFFFFFF  }
0xc3: {  	_ =	shalt  }
tec
execute0_lowered:
.L_overlay_start_1:
0x0: {  	(tag) =	ssettag $0x1  }
0x1: {  	s0 =	rddreg [dreg:$0x0]  }
0x2: {  	s1 =	rddreg [dreg:$0x1]  }
0x3: {  	s3 =	simm.s32 $0x0;
	s2 =	srdreg.scid;
	s4 =	stileid.u32  }
0x4: {  	s15 =	simm.s32 $0x80;
	s28 =	simm.s32 $0x6;
	s21 =	simm.s32 $0x1  }
0x5: {  	s22 =	simm.s32 $0xBE00;
	s23 =	simm.s32 $0xCF00;
	s24 =	simm.s32 $0xE000  }
0x6: {  	s25 =	simm.s32 $0xF100;
	s16 =	simm.s32 $0x10200;
	s12 =	simm.s32 $0x12400  }
0x7: {  	s14 =	simm.s32 $0x14600;
	s17 =	simm.s32 $0x15700;
	s29 =	simm.s32 $0x3  }
0x8: {  	s13 =	simm.s32 $0x0;
	[smem:$0x7FF] =	sst s3;
	s2 =	sand.u32 $0x1, s2  }
0x9: {  	v0 =	vlaneseq.u32;
	s6 =	sshll.u32 s4, $0x1;
	s4 =	sadd.s32 $0x19800, s0;
	s5 =	sadd.s32 $0x800, s0  }
0xa: {  	s0 =	sadd.s32 $0x400, s0;
	v0 =	vmul.u32 $0x88, v0;
	_ =	strace $0x80000047;
	s6 =	sor.u32 s2, s6  }
0xb: {  	[dreg:$0x3] =	wrdreg s0;
	s30 =	ssub.s32 $0x2, s2;
	s31 =	sshll.u32 s6, $0x4  }
0xc: {  	s7 =	sshrl.u32 s30, $0x1;
	s8 =	sshll.u32 s6, $0x7;
	s11 =	sshll.u32 s6, $0xA;
	v1 =	vadd.s32 $0x880, v0;
	v2 =	vor.u32 $0x1, v0;
	v3 =	vadd.s32 $0x881, v0  }
0xd: {  	v4 =	vor.u32 $0x2, v0;
	v5 =	vadd.s32 $0x882, v0;
	v6 =	vor.u32 $0x3, v0;
	s6 =	simm.s32 $0x2;
	s2 =	sadd.s32 s5, s31;
	s0 =	ssub.s32 s30, s7  }
0xe: {  	v7 =	vadd.s32 $0x883, v0;
	v8 =	vor.u32 $0x4, v0;
	v9 =	vadd.s32 $0x884, v0;
	s9 =	sor.u32 $0xA000, s8;
	[dreg:$0x4] =	wrdreg s2;
	s2 =	sadd.s32 $0xA00, s2  }
0xf: {  	v10 =	vor.u32 $0x5, v0;
	v11 =	vadd.s32 $0x885, v0;
	v12 =	vor.u32 $0x6, v0;
	s10 =	sor.u32 $0xF000, s8;
	s0 =	smax.u32 s0, $0x1;
	[dreg:$0x5] =	wrdreg s2  }
0x10: {  	v13 =	vadd.s32 $0x886, v0;
	v14 =	vor.u32 $0x7, v0;
	v15 =	vadd.s32 $0x887, v0;
	s8 =	simm.s32 $0x11300;
	s7 =	simm.s32 $0x13500;
	[dreg:$0x6] =	wrdreg s0  }
.LBB2_1:
0x11: {  	s0 =	rddreg [dreg:$0x3];
	s2 =	simm.s32 $0x500  }
0x12: {  	[tilespmem:s2], [sflag:$0x7] =	stream.linear.gather [hbm4b:s0+s3], $0x1900, $0x38;
	[tilespmem:$0x16800] =	vst v63  }
0x13: {  	[dreg:$0x7] =	wrdreg s13;
	s2 =	simm.s32 $0x7  }
0x14: {  	_ =	swait.ge [sflag:s2], $0x1900  }
0x15: {  	s18 =	simm.s32 $0x5;
	[sflag:s2] =	ssyncset.done $0x0  }
0x16: {  	s13 =	rddreg [dreg:$0x4];
	[sflag:s2] =	ssyncadd.s32 $0xFFFFE700;
	s2 =	simm.s32 $0x1000  }
0x17: {  	[tilespmem:s3], [sflag:$0x5] =	stream.strided.gather [hbm4b:s13+s15], $0x280, s2, s15, $0x38;
	[tilespmem:$0x16800] =	vst v63  }
0x18: {  	_ =	swait.ge [sflag:s18], $0x280  }
0x19: {  	[sflag:s18] =	ssyncset.done $0x0  }
0x1a: {  	s19 =	simm.s32 $0x1E00;
	[sflag:s18] =	ssyncadd.s32 $0xFFFFFD80  }
0x1b: {  	[tilespmem:s19], [sflag:$0x1] =	stream.indirect.gather [hbm4b:s4+s15], $0x20, s3, s15, $0xb8;
	[tilespmem:$0x16800] =	vst v63  }
0x1c: {  	s20 =	simm.s32 $0x2E00  }
0x1d: {  	[tilespmem:s20], [sflag:$0x1] =	stream.indirect.gather [hbm4b:s4+s15], $0x20, s15, s15, $0xb8;
	[tilespmem:$0x16800] =	vst v63  }
0x1e: {  	s26 =	simm.s32 $0x100;
	s30 =	simm.s32 $0x3E00  }
0x1f: {  	[tilespmem:s30], [sflag:$0x1] =	stream.indirect.gather [hbm4b:s4+s15], $0x20, s26, s15, $0xb8;
	[tilespmem:$0x16800] =	vst v63  }
0x20: {  	s13 =	simm.s32 $0x180;
	s18 =	simm.s32 $0x4E00  }
0x21: {  	[tilespmem:s18], [sflag:$0x1] =	stream.indirect.gather [hbm4b:s4+s15], $0x20, s13, s15, $0xb8;
	[tilespmem:$0x16800] =	vst v63  }
0x22: {  	s19 =	simm.s32 $0x200;
	s20 =	simm.s32 $0x5E00  }
0x23: {  	[tilespmem:s20], [sflag:$0x1] =	stream.indirect.gather [hbm4b:s4+s15], $0x20, s19, s15, $0xb8;
	[tilespmem:$0x16800] =	vst v63  }
0x24: {  	s31 =	simm.s32 $0x0;
	s26 =	rddreg [dreg:$0x5];
	s30 =	simm.s32 $0x280  }
0x25: {  	[tilespmem:s30], [sflag:$0x6] =	stream.strided.gather [hbm4b:s26+s15], $0x280, s2, s15, $0x38;
	[tilespmem:$0x16800] =	vst v63  }
.LBB2_2:
0x26: {  	_ =	swait.ge [sflag:s28], $0x280  }
0x27: {  	[sflag:s28] =	ssyncset.done $0x0  }
0x28: {  	s0 =	simm.s32 $0x280;
	s2 =	simm.s32 $0x6E00;
	[sflag:s28] =	ssyncadd.s32 $0xFFFFFD80  }
0x29: {  	[tilespmem:s2], [sflag:$0x2] =	stream.indirect.gather [hbm4b:s4+s15], $0x20, s0, s15, $0xb8;
	[tilespmem:$0x16800] =	vst v63  }
0x2a: {  	s26 =	simm.s32 $0x300;
	s30 =	simm.s32 $0x7E00  }
0x2b: {  	[tilespmem:s30], [sflag:$0x2] =	stream.indirect.gather [hbm4b:s4+s15], $0x20, s26, s15, $0xb8;
	[tilespmem:$0x16800] =	vst v63  }
0x2c: {  	s13 =	simm.s32 $0x380;
	s18 =	simm.s32 $0x8E00  }
0x2d: {  	[tilespmem:s18], [sflag:$0x2] =	stream.indirect.gather [hbm4b:s4+s15], $0x20, s13, s15, $0xb8;
	[tilespmem:$0x16800] =	vst v63  }
0x2e: {  	s19 =	simm.s32 $0x400;
	s20 =	simm.s32 $0x9E00  }
0x2f: {  	[tilespmem:s20], [sflag:$0x2] =	stream.indirect.gather [hbm4b:s4+s15], $0x20, s19, s15, $0xb8;
	[tilespmem:$0x16800] =	vst v63  }
0x30: {  	s26 =	simm.s32 $0x480;
	s30 =	simm.s32 $0xAE00  }
0x31: {  	[tilespmem:s30], [sflag:$0x2] =	stream.indirect.gather [hbm4b:s4+s15], $0x20, s26, s15, $0xb8;
	[tilespmem:$0x16800] =	vst v63  }
0x32: {  	_ =	swait.ge [sflag:s21], $0x1000  }
0x33: {  	[sflag:s21] =	ssyncset.done $0x0  }
0x34: {  	[sflag:s21] =	ssyncadd.s32 $0xFFFFF000  }
0x35: {  	_ =	swait.ge [sflag:s21], $0x1000  }
0x36: {  	[sflag:s21] =	ssyncset.done $0x0  }
0x37: {  	[sflag:s21] =	ssyncadd.s32 $0xFFFFF000  }
0x38: {  	_ =	swait.ge [sflag:s21], $0x1000  }
0x39: {  	[sflag:s21] =	ssyncset.done $0x0  }
0x3a: {  	p0 =	seq.s32 s31, $0x13;
	[sflag:s21] =	ssyncadd.s32 $0xFFFFF000  }
0x3b: {  	p1 =	seq.s32 @!p0 s31, $0x0;
	s2 =	smul.u32 @!p0 $0xA000, s31;
	_ =	swait.ge [sflag:s21], $0x1000  }
0x3c: {  	p1 =	por p0, !p1;
	[sflag:s21] =	ssyncset.done $0x0  }
.Ltmp0:
0x3d: {  	s0 =	sadd.s32 @!p0 s9, s2;
	[sflag:s21] =	ssyncadd.s32 $0xFFFFF000;
	(pc) =	sbr.rel @!p1 .LBB2_3-.Ltmp0, $4  }
0x3e: {  	s0 =	sshrl.u32 @!p0 s0, $0x3;
	_ =	swait.ge [sflag:s21], $0x1000  }
0x3f: {  	s0 =	sadd.s32 @!p0 s5, s0;
	s13 =	simm.s32 @!p0 $0x80;
	[sflag:s21] =	ssyncset.done $0x0  }
0x40: {  	s18 =	simm.s32 @!p0 $0x1000;
	s19 =	simm.s32 @!p0 $0x0;
	[sflag:s21] =	ssyncadd.s32 $0xFFFFF000  }
0x41: {  	[tilespmem:s19], [sflag:$0x5] =	stream.strided.gather @!p0 [hbm4b:s0+s13], $0x280, s18, s13, $0x38;
	[tilespmem:$0x16800] =	vst v63  }
.Ltmp1:
0x42: {  	(pc) =	sbr.rel .LBB2_5-.Ltmp1, $4  }
0x43: {  	_ = 	snop  }
0x44: {  	_ =	swait.ge [sflag:s29], $0x5000  }
0x45: {  	[sflag:s29] =	ssyncset.done $0x0  }
0x46: {  	p1 =	por $0x0, $0x0;
	[sflag:s29] =	ssyncadd.s32 $0xFFFFB000  }
.LBB2_3:
0x47: {  	p1 =	por @!p0 $0x1, $0x1  }
.LBB2_5:
0x48: {  	s30 =	simm.s32 $0x1E80  }
0x49: {  	v19 =	vld [tilespmem:s30+$0xFFFFFF80]  }
0x4a: {  	v20 =	vld [tilespmem:s30+$0xFFFFFF90]  }
0x4b: {  	v35 =	vld [tilespmem:s30+$0xFFFFFFA0]  }
0x4c: {  	v30 =	vld [tilespmem:s30+$0xFFFFFFB0]  }
0x4d: {  	v29 =	vld [tilespmem:s30+$0xFFFFFFC0]  }
0x4e: {  	v28 =	vld [tilespmem:s30+$0xFFFFFFD0]  }
0x4f: {  	v27 =	vld [tilespmem:s30+$0xFFFFFFE0]  }
0x50: {  	s0 =	smul.u32 $0x500, s31;
	v26 =	vld [tilespmem:s30+$0xFFFFFFF0]  }
0x51: {  	v25 =	vld [tilespmem:s30+$0x0]  }
0x52: {  	v22 =	vld [tilespmem:s30+$0x10];
	s13 =	sshra.s32 s0, $0x2  }
0x53: {  	v17 =	vld [tilespmem:s13+$0x500]  }
0x54: {  	s18 =	simm.s32 $0x0;
	v16 =	vld [tilespmem:s13+$0x510]  }
0x55: {  	v23 =	vld [tilespmem:s30+$0x20];
	v38 =	vadd.s32 s18, v0  }
0x56: {  	v24 =	vld [tilespmem:s30+$0x30];
	v32 =	vadd.s32 s18, v1  }
0x57: {  	v21 =	vld [tilespmem:s30+$0x40];
	v33 =	vadd.s32 s18, v2  }
0x58: {  	v18 =	vld [tilespmem:s30+$0x50];
	v31 =	vadd.s32 s18, v3;
	v39 =	vadd.f32 v19, v17  }
0x59: {  	v34 =	vadd.s32 s18, v4;
	v19 =	vld [tilespmem:s30+$0x60];
	v36 =	vadd.f32 v20, v16  }
0x5a: {  	s19 =	simm.s32 $0x1F80;
	s0 =	sshllo.u32 s31, $0x1;
	v20 =	vld [tilespmem:s30+$0x70];
	v37 =	vadd.f32 v35, v17;
	v35 =	vadd.s32 s18, v5;
	[tilespmem:v38+s22+$0x0] =	vst.idx.msk $0xffff, v39  }
.LBB2_6:
0x5b: {  	v38 =	vld [tilespmem:s19+$0xFFFFFF80];
	v30 =	vadd.f32 v30, v16;
	[tilespmem:v32+s22+$0x0] =	vst.idx.msk $0xffff, v36;
	v32 =	vadd.s32 s18, v6  }
0x5c: {  	v29 =	vadd.f32 v29, v17;
	v36 =	vld [tilespmem:s19+$0xFFFFFF90];
	[tilespmem:v33+s22+$0x0] =	vst.idx.msk $0xffff, v37;
	v33 =	vadd.s32 s18, v7  }
0x5d: {  	v28 =	vadd.f32 v28, v16;
	v37 =	vld [tilespmem:s19+$0xFFFFFFA0];
	[tilespmem:v31+s22+$0x0] =	vst.idx.msk $0xffff, v30;
	v31 =	vadd.s32 s18, v8  }
0x5e: {  	v27 =	vadd.f32 v27, v17;
	v30 =	vld [tilespmem:s19+$0xFFFFFFB0];
	[tilespmem:v34+s22+$0x0] =	vst.idx.msk $0xffff, v29;
	v34 =	vadd.s32 s18, v9  }
0x5f: {  	v26 =	vadd.f32 v26, v16;
	v29 =	vld [tilespmem:s19+$0xFFFFFFC0];
	[tilespmem:v35+s22+$0x0] =	vst.idx.msk $0xffff, v28;
	v35 =	vadd.s32 s18, v10  }
0x60: {  	v25 =	vadd.f32 v25, v17;
	v28 =	vld [tilespmem:s19+$0xFFFFFFD0];
	[tilespmem:v32+s22+$0x0] =	vst.idx.msk $0xffff, v27;
	v32 =	vadd.s32 s18, v11  }
0x61: {  	v22 =	vadd.f32 v22, v16;
	v27 =	vld [tilespmem:s19+$0xFFFFFFE0];
	[tilespmem:v33+s22+$0x0] =	vst.idx.msk $0xffff, v26;
	v33 =	vadd.s32 s18, v12  }
0x62: {  	v23 =	vadd.f32 v23, v17;
	v26 =	vld [tilespmem:s19+$0xFFFFFFF0];
	[tilespmem:v31+s22+$0x0] =	vst.idx.msk $0xffff, v25;
	v31 =	vadd.s32 s18, v13  }
0x63: {  	v24 =	vadd.f32 v24, v16;
	v25 =	vld [tilespmem:s19+$0x0];
	[tilespmem:v34+s22+$0x0] =	vst.idx.msk $0xffff, v22;
	v34 =	vadd.s32 s18, v14  }
0x64: {  	v21 =	vadd.f32 v21, v17;
	v22 =	vld [tilespmem:s19+$0x10];
	[tilespmem:v35+s22+$0x0] =	vst.idx.msk $0xffff, v23;
	v35 =	vadd.s32 s18, v15;
	s18 =	sadd.s32 $0x8, s18  }
0x65: {  	v18 =	vadd.f32 v18, v16;
	v23 =	vld [tilespmem:s19+$0x20];
	v39 =	vadd.s32 s18, v0;
	p2 =	slt.u32 s18, $0x78;
	[tilespmem:v32+s22+$0x0] =	vst.idx.msk $0xffff, v24  }
.Ltmp2:
0x66: {  	v19 =	vadd.f32 v19, v17;
	v32 =	vadd.s32 s18, v1;
	v24 =	vld [tilespmem:s19+$0x30];
	[tilespmem:v33+s22+$0x0] =	vst.idx.msk $0xffff, v21;
	(pc) =	sbr.rel @p2 .LBB2_6-.Ltmp2, $4  }
0x67: {  	v20 =	vadd.f32 v20, v16;
	v33 =	vadd.s32 s18, v2;
	v21 =	vld [tilespmem:s19+$0x40];
	[tilespmem:v31+s22+$0x0] =	vst.idx.msk $0xffff, v18  }
0x68: {  	v38 =	vadd.f32 v38, v17;
	v31 =	vadd.s32 s18, v3;
	v18 =	vld [tilespmem:s19+$0x50];
	[tilespmem:v34+s22+$0x0] =	vst.idx.msk $0xffff, v19  }
0x69: {  	v36 =	vadd.f32 v36, v16;
	v34 =	vadd.s32 s18, v4;
	v19 =	vld [tilespmem:s19+$0x60];
	[tilespmem:v35+s22+$0x0] =	vst.idx.msk $0xffff, v20  }
0x6a: {  	v37 =	vadd.f32 v37, v17;
	v35 =	vadd.s32 s18, v5;
	v20 =	vld [tilespmem:s19+$0x70];
	[tilespmem:v39+s22+$0x0] =	vst.idx.msk $0xffff, v38;
	s19 =	sadd.s32 $0x100, s19  }
0x6b: {  	_ =	sdelay $0x3  }
0x6c: {  	v30 =	vadd.f32 v30, v16;
	[tilespmem:v32+s22+$0x0] =	vst.idx.msk $0xffff, v36;
	v62 =	vadd.s32 s18, v6  }
0x6d: {  	v29 =	vadd.f32 v29, v17;
	v63 =	vadd.s32 s18, v7;
	[tilespmem:v33+s22+$0x0] =	vst.idx.msk $0xffff, v37  }
0x6e: {  	v28 =	vadd.f32 v28, v16;
	[tilespmem:v31+s22+$0x0] =	vst.idx.msk $0xffff, v30;
	v30 =	vadd.s32 s18, v8  }
0x6f: {  	v27 =	vadd.f32 v27, v17;
	[tilespmem:v34+s22+$0x0] =	vst.idx.msk $0xffff, v29;
	v29 =	vadd.s32 s18, v9  }
0x70: {  	v26 =	vadd.f32 v26, v16;
	[tilespmem:v35+s22+$0x0] =	vst.idx.msk $0xffff, v28;
	v28 =	vadd.s32 s18, v10  }
0x71: {  	v25 =	vadd.f32 v25, v17;
	[tilespmem:v62+s22+$0x0] =	vst.idx.msk $0xffff, v27;
	v27 =	vadd.s32 s18, v11  }
0x72: {  	v22 =	vadd.f32 v22, v16;
	[tilespmem:v63+s22+$0x0] =	vst.idx.msk $0xffff, v26;
	v26 =	vadd.s32 s18, v12  }
0x73: {  	v23 =	vadd.f32 v23, v17;
	[tilespmem:v30+s22+$0x0] =	vst.idx.msk $0xffff, v25;
	v25 =	vadd.s32 s18, v13  }
0x74: {  	v24 =	vadd.f32 v24, v16;
	[tilespmem:v29+s22+$0x0] =	vst.idx.msk $0xffff, v22;
	v22 =	vadd.s32 s18, v14  }
0x75: {  	v21 =	vadd.f32 v21, v17;
	[tilespmem:v28+s22+$0x0] =	vst.idx.msk $0xffff, v23;
	v23 =	vadd.s32 s18, v15  }
0x76: {  	v18 =	vadd.f32 v18, v16;
	[tilespmem:v27+s22+$0x0] =	vst.idx.msk $0xffff, v24  }
0x77: {  	v17 =	vadd.f32 v19, v17;
	[tilespmem:v26+s22+$0x0] =	vst.idx.msk $0xffff, v21  }
0x78: {  	v16 =	vadd.f32 v20, v16;
	[tilespmem:v25+s22+$0x0] =	vst.idx.msk $0xffff, v18  }
0x79: {  	[tilespmem:v22+s22+$0x0] =	vst.idx.msk $0xffff, v17  }
0x7a: {  	[tilespmem:v23+s22+$0x0] =	vst.idx.msk $0xffff, v16  }
0x7b: {  	v17 =	vld [tilespmem:s13+$0x520]  }
0x7c: {  	s19 =	simm.s32 $0x2EF0;
	v16 =	vld [tilespmem:s13+$0x530]  }
0x7d: {  	v19 =	vld [tilespmem:s19+$0xFFFFFF10]  }
0x7e: {  	v20 =	vld [tilespmem:s19+$0xFFFFFF20]  }
0x7f: {  	v35 =	vld [tilespmem:s19+$0xFFFFFF30]  }
0x80: {  	v30 =	vld [tilespmem:s19+$0xFFFFFF40]  }
0x81: {  	v29 =	vld [tilespmem:s19+$0xFFFFFF50]  }
0x82: {  	v28 =	vld [tilespmem:s19+$0xFFFFFF60]  }
0x83: {  	v27 =	vld [tilespmem:s19+$0xFFFFFF70]  }
0x84: {  	v26 =	vld [tilespmem:s19+$0xFFFFFF80]  }
0x85: {  	v25 =	vld [tilespmem:s19+$0xFFFFFF90]  }
0x86: {  	s18 =	simm.s32 $0x0;
	v22 =	vld [tilespmem:s19+$0xFFFFFFA0]  }
0x87: {  	v38 =	vadd.s32 s18, v0;
	v23 =	vld [tilespmem:s19+$0xFFFFFFB0]  }
0x88: {  	v33 =	vadd.s32 s18, v1;
	v24 =	vld [tilespmem:s19+$0xFFFFFFC0]  }
0x89: {  	v34 =	vadd.s32 s18, v2;
	v21 =	vld [tilespmem:s19+$0xFFFFFFD0]  }
0x8a: {  	v31 =	vadd.s32 s18, v3;
	v18 =	vld [tilespmem:s19+$0xFFFFFFE0];
	v39 =	vadd.f32 v19, v17  }
0x8b: {  	v32 =	vadd.s32 s18, v4;
	v19 =	vld [tilespmem:s19+$0xFFFFFFF0];
	v36 =	vadd.f32 v20, v16  }
0x8c: {  	v20 =	vld [tilespmem:s19+$0x0];
	v37 =	vadd.f32 v35, v17;
	v35 =	vadd.s32 s18, v5;
	s19 =	simm.s32 $0x2FF0;
	[tilespmem:v38+s23+$0x0] =	vst.idx.msk $0xffff, v39  }
.LBB2_8:
0x8d: {  	v38 =	vld [tilespmem:s19+$0xFFFFFF10];
	v30 =	vadd.f32 v30, v16;
	[tilespmem:v33+s23+$0x0] =	vst.idx.msk $0xffff, v36;
	v33 =	vadd.s32 s18, v6  }
0x8e: {  	v29 =	vadd.f32 v29, v17;
	v36 =	vld [tilespmem:s19+$0xFFFFFF20];
	[tilespmem:v34+s23+$0x0] =	vst.idx.msk $0xffff, v37;
	v34 =	vadd.s32 s18, v7  }
0x8f: {  	v28 =	vadd.f32 v28, v16;
	v37 =	vld [tilespmem:s19+$0xFFFFFF30];
	[tilespmem:v31+s23+$0x0] =	vst.idx.msk $0xffff, v30;
	v31 =	vadd.s32 s18, v8  }
0x90: {  	v27 =	vadd.f32 v27, v17;
	v30 =	vld [tilespmem:s19+$0xFFFFFF40];
	[tilespmem:v32+s23+$0x0] =	vst.idx.msk $0xffff, v29;
	v32 =	vadd.s32 s18, v9  }
0x91: {  	v26 =	vadd.f32 v26, v16;
	v29 =	vld [tilespmem:s19+$0xFFFFFF50];
	[tilespmem:v35+s23+$0x0] =	vst.idx.msk $0xffff, v28;
	v35 =	vadd.s32 s18, v10  }
0x92: {  	v25 =	vadd.f32 v25, v17;
	v28 =	vld [tilespmem:s19+$0xFFFFFF60];
	[tilespmem:v33+s23+$0x0] =	vst.idx.msk $0xffff, v27;
	v33 =	vadd.s32 s18, v11  }
0x93: {  	v22 =	vadd.f32 v22, v16;
	v27 =	vld [tilespmem:s19+$0xFFFFFF70];
	[tilespmem:v34+s23+$0x0] =	vst.idx.msk $0xffff, v26;
	v34 =	vadd.s32 s18, v12  }
0x94: {  	v23 =	vadd.f32 v23, v17;
	v26 =	vld [tilespmem:s19+$0xFFFFFF80];
	[tilespmem:v31+s23+$0x0] =	vst.idx.msk $0xffff, v25;
	v31 =	vadd.s32 s18, v13  }
0x95: {  	v24 =	vadd.f32 v24, v16;
	v25 =	vld [tilespmem:s19+$0xFFFFFF90];
	[tilespmem:v32+s23+$0x0] =	vst.idx.msk $0xffff, v22;
	v32 =	vadd.s32 s18, v14  }
0x96: {  	v21 =	vadd.f32 v21, v17;
	v22 =	vld [tilespmem:s19+$0xFFFFFFA0];
	[tilespmem:v35+s23+$0x0] =	vst.idx.msk $0xffff, v23;
	v35 =	vadd.s32 s18, v15;
	s18 =	sadd.s32 $0x8, s18  }
0x97: {  	v18 =	vadd.f32 v18, v16;
	v23 =	vld [tilespmem:s19+$0xFFFFFFB0];
	v39 =	vadd.s32 s18, v0;
	p2 =	slt.u32 s18, $0x78;
	[tilespmem:v33+s23+$0x0] =	vst.idx.msk $0xffff, v24  }
.Ltmp3:
0x98: {  	v19 =	vadd.f32 v19, v17;
	v33 =	vadd.s32 s18, v1;
	v24 =	vld [tilespmem:s19+$0xFFFFFFC0];
	[tilespmem:v34+s23+$0x0] =	vst.idx.msk $0xffff, v21;
	(pc) =	sbr.rel @p2 .LBB2_8-.Ltmp3, $4  }
0x99: {  	v20 =	vadd.f32 v20, v16;
	v34 =	vadd.s32 s18, v2;
	v21 =	vld [tilespmem:s19+$0xFFFFFFD0];
	[tilespmem:v31+s23+$0x0] =	vst.idx.msk $0xffff, v18  }
0x9a: {  	v38 =	vadd.f32 v38, v17;
	v31 =	vadd.s32 s18, v3;
	v18 =	vld [tilespmem:s19+$0xFFFFFFE0];
	[tilespmem:v32+s23+$0x0] =	vst.idx.msk $0xffff, v19  }
0x9b: {  	v36 =	vadd.f32 v36, v16;
	v32 =	vadd.s32 s18, v4;
	v19 =	vld [tilespmem:s19+$0xFFFFFFF0];
	[tilespmem:v35+s23+$0x0] =	vst.idx.msk $0xffff, v20  }
0x9c: {  	v37 =	vadd.f32 v37, v17;
	v35 =	vadd.s32 s18, v5;
	v20 =	vld [tilespmem:s19+$0x0];
	[tilespmem:v39+s23+$0x0] =	vst.idx.msk $0xffff, v38;
	s19 =	sadd.s32 $0x100, s19  }
0x9d: {  	_ =	sdelay $0x3  }
0x9e: {  	v30 =	vadd.f32 v30, v16;
	[tilespmem:v33+s23+$0x0] =	vst.idx.msk $0xffff, v36;
	v62 =	vadd.s32 s18, v6  }
0x9f: {  	v29 =	vadd.f32 v29, v17;
	v63 =	vadd.s32 s18, v7;
	[tilespmem:v34+s23+$0x0] =	vst.idx.msk $0xffff, v37  }
0xa0: {  	v28 =	vadd.f32 v28, v16;
	[tilespmem:v31+s23+$0x0] =	vst.idx.msk $0xffff, v30;
	v30 =	vadd.s32 s18, v8  }
0xa1: {  	v27 =	vadd.f32 v27, v17;
	[tilespmem:v32+s23+$0x0] =	vst.idx.msk $0xffff, v29;
	v29 =	vadd.s32 s18, v9  }
0xa2: {  	v26 =	vadd.f32 v26, v16;
	[tilespmem:v35+s23+$0x0] =	vst.idx.msk $0xffff, v28;
	v28 =	vadd.s32 s18, v10  }
0xa3: {  	v25 =	vadd.f32 v25, v17;
	[tilespmem:v62+s23+$0x0] =	vst.idx.msk $0xffff, v27;
	v27 =	vadd.s32 s18, v11  }
0xa4: {  	v22 =	vadd.f32 v22, v16;
	[tilespmem:v63+s23+$0x0] =	vst.idx.msk $0xffff, v26;
	v26 =	vadd.s32 s18, v12  }
0xa5: {  	v23 =	vadd.f32 v23, v17;
	[tilespmem:v30+s23+$0x0] =	vst.idx.msk $0xffff, v25;
	v25 =	vadd.s32 s18, v13  }
0xa6: {  	v24 =	vadd.f32 v24, v16;
	[tilespmem:v29+s23+$0x0] =	vst.idx.msk $0xffff, v22;
	v22 =	vadd.s32 s18, v14  }
0xa7: {  	v21 =	vadd.f32 v21, v17;
	[tilespmem:v28+s23+$0x0] =	vst.idx.msk $0xffff, v23;
	v23 =	vadd.s32 s18, v15  }
0xa8: {  	v18 =	vadd.f32 v18, v16;
	[tilespmem:v27+s23+$0x0] =	vst.idx.msk $0xffff, v24  }
0xa9: {  	v17 =	vadd.f32 v19, v17;
	[tilespmem:v26+s23+$0x0] =	vst.idx.msk $0xffff, v21  }
0xaa: {  	v16 =	vadd.f32 v20, v16;
	[tilespmem:v25+s23+$0x0] =	vst.idx.msk $0xffff, v18  }
0xab: {  	[tilespmem:v22+s23+$0x0] =	vst.idx.msk $0xffff, v17  }
0xac: {  	[tilespmem:v23+s23+$0x0] =	vst.idx.msk $0xffff, v16  }
0xad: {  	v17 =	vld [tilespmem:s13+$0x540]  }
0xae: {  	s19 =	simm.s32 $0x3EF0;
	v16 =	vld [tilespmem:s13+$0x550]  }
0xaf: {  	v19 =	vld [tilespmem:s19+$0xFFFFFF10]  }
0xb0: {  	v20 =	vld [tilespmem:s19+$0xFFFFFF20]  }
0xb1: {  	v35 =	vld [tilespmem:s19+$0xFFFFFF30]  }
0xb2: {  	v30 =	vld [tilespmem:s19+$0xFFFFFF40]  }
0xb3: {  	v29 =	vld [tilespmem:s19+$0xFFFFFF50]  }
0xb4: {  	v28 =	vld [tilespmem:s19+$0xFFFFFF60]  }
0xb5: {  	v27 =	vld [tilespmem:s19+$0xFFFFFF70]  }
0xb6: {  	v26 =	vld [tilespmem:s19+$0xFFFFFF80]  }
0xb7: {  	v25 =	vld [tilespmem:s19+$0xFFFFFF90]  }
0xb8: {  	s18 =	simm.s32 $0x0;
	v22 =	vld [tilespmem:s19+$0xFFFFFFA0]  }
0xb9: {  	v38 =	vadd.s32 s18, v0;
	v23 =	vld [tilespmem:s19+$0xFFFFFFB0]  }
0xba: {  	v33 =	vadd.s32 s18, v1;
	v24 =	vld [tilespmem:s19+$0xFFFFFFC0]  }
0xbb: {  	v34 =	vadd.s32 s18, v2;
	v21 =	vld [tilespmem:s19+$0xFFFFFFD0]  }
0xbc: {  	v31 =	vadd.s32 s18, v3;
	v18 =	vld [tilespmem:s19+$0xFFFFFFE0];
	v39 =	vadd.f32 v19, v17  }
0xbd: {  	v32 =	vadd.s32 s18, v4;
	v19 =	vld [tilespmem:s19+$0xFFFFFFF0];
	v36 =	vadd.f32 v20, v16  }
0xbe: {  	v20 =	vld [tilespmem:s19+$0x0];
	v37 =	vadd.f32 v35, v17;
	v35 =	vadd.s32 s18, v5;
	s19 =	simm.s32 $0x3FF0;
	[tilespmem:v38+s24+$0x0] =	vst.idx.msk $0xffff, v39  }
.LBB2_10:
0xbf: {  	v38 =	vld [tilespmem:s19+$0xFFFFFF10];
	v30 =	vadd.f32 v30, v16;
	[tilespmem:v33+s24+$0x0] =	vst.idx.msk $0xffff, v36;
	v33 =	vadd.s32 s18, v6  }
0xc0: {  	v29 =	vadd.f32 v29, v17;
	v36 =	vld [tilespmem:s19+$0xFFFFFF20];
	[tilespmem:v34+s24+$0x0] =	vst.idx.msk $0xffff, v37;
	v34 =	vadd.s32 s18, v7  }
0xc1: {  	v28 =	vadd.f32 v28, v16;
	v37 =	vld [tilespmem:s19+$0xFFFFFF30];
	[tilespmem:v31+s24+$0x0] =	vst.idx.msk $0xffff, v30;
	v31 =	vadd.s32 s18, v8  }
0xc2: {  	v27 =	vadd.f32 v27, v17;
	v30 =	vld [tilespmem:s19+$0xFFFFFF40];
	[tilespmem:v32+s24+$0x0] =	vst.idx.msk $0xffff, v29;
	v32 =	vadd.s32 s18, v9  }
0xc3: {  	v26 =	vadd.f32 v26, v16;
	v29 =	vld [tilespmem:s19+$0xFFFFFF50];
	[tilespmem:v35+s24+$0x0] =	vst.idx.msk $0xffff, v28;
	v35 =	vadd.s32 s18, v10  }
0xc4: {  	v25 =	vadd.f32 v25, v17;
	v28 =	vld [tilespmem:s19+$0xFFFFFF60];
	[tilespmem:v33+s24+$0x0] =	vst.idx.msk $0xffff, v27;
	v33 =	vadd.s32 s18, v11  }
0xc5: {  	v22 =	vadd.f32 v22, v16;
	v27 =	vld [tilespmem:s19+$0xFFFFFF70];
	[tilespmem:v34+s24+$0x0] =	vst.idx.msk $0xffff, v26;
	v34 =	vadd.s32 s18, v12  }
0xc6: {  	v23 =	vadd.f32 v23, v17;
	v26 =	vld [tilespmem:s19+$0xFFFFFF80];
	[tilespmem:v31+s24+$0x0] =	vst.idx.msk $0xffff, v25;
	v31 =	vadd.s32 s18, v13  }
0xc7: {  	v24 =	vadd.f32 v24, v16;
	v25 =	vld [tilespmem:s19+$0xFFFFFF90];
	[tilespmem:v32+s24+$0x0] =	vst.idx.msk $0xffff, v22;
	v32 =	vadd.s32 s18, v14  }
0xc8: {  	v21 =	vadd.f32 v21, v17;
	v22 =	vld [tilespmem:s19+$0xFFFFFFA0];
	[tilespmem:v35+s24+$0x0] =	vst.idx.msk $0xffff, v23;
	v35 =	vadd.s32 s18, v15;
	s18 =	sadd.s32 $0x8, s18  }
0xc9: {  	v18 =	vadd.f32 v18, v16;
	v23 =	vld [tilespmem:s19+$0xFFFFFFB0];
	v39 =	vadd.s32 s18, v0;
	p2 =	slt.u32 s18, $0x78;
	[tilespmem:v33+s24+$0x0] =	vst.idx.msk $0xffff, v24  }
.Ltmp4:
0xca: {  	v19 =	vadd.f32 v19, v17;
	v33 =	vadd.s32 s18, v1;
	v24 =	vld [tilespmem:s19+$0xFFFFFFC0];
	[tilespmem:v34+s24+$0x0] =	vst.idx.msk $0xffff, v21;
	(pc) =	sbr.rel @p2 .LBB2_10-.Ltmp4, $4  }
0xcb: {  	v20 =	vadd.f32 v20, v16;
	v34 =	vadd.s32 s18, v2;
	v21 =	vld [tilespmem:s19+$0xFFFFFFD0];
	[tilespmem:v31+s24+$0x0] =	vst.idx.msk $0xffff, v18  }
0xcc: {  	v38 =	vadd.f32 v38, v17;
	v31 =	vadd.s32 s18, v3;
	v18 =	vld [tilespmem:s19+$0xFFFFFFE0];
	[tilespmem:v32+s24+$0x0] =	vst.idx.msk $0xffff, v19  }
0xcd: {  	v36 =	vadd.f32 v36, v16;
	v32 =	vadd.s32 s18, v4;
	v19 =	vld [tilespmem:s19+$0xFFFFFFF0];
	[tilespmem:v35+s24+$0x0] =	vst.idx.msk $0xffff, v20  }
0xce: {  	v37 =	vadd.f32 v37, v17;
	v35 =	vadd.s32 s18, v5;
	v20 =	vld [tilespmem:s19+$0x0];
	[tilespmem:v39+s24+$0x0] =	vst.idx.msk $0xffff, v38;
	s19 =	sadd.s32 $0x100, s19  }
0xcf: {  	_ =	sdelay $0x3  }
0xd0: {  	v30 =	vadd.f32 v30, v16;
	[tilespmem:v33+s24+$0x0] =	vst.idx.msk $0xffff, v36;
	v62 =	vadd.s32 s18, v6  }
0xd1: {  	v29 =	vadd.f32 v29, v17;
	v63 =	vadd.s32 s18, v7;
	[tilespmem:v34+s24+$0x0] =	vst.idx.msk $0xffff, v37  }
0xd2: {  	v28 =	vadd.f32 v28, v16;
	[tilespmem:v31+s24+$0x0] =	vst.idx.msk $0xffff, v30;
	v30 =	vadd.s32 s18, v8  }
0xd3: {  	v27 =	vadd.f32 v27, v17;
	[tilespmem:v32+s24+$0x0] =	vst.idx.msk $0xffff, v29;
	v29 =	vadd.s32 s18, v9  }
0xd4: {  	v26 =	vadd.f32 v26, v16;
	[tilespmem:v35+s24+$0x0] =	vst.idx.msk $0xffff, v28;
	v28 =	vadd.s32 s18, v10  }
0xd5: {  	v25 =	vadd.f32 v25, v17;
	[tilespmem:v62+s24+$0x0] =	vst.idx.msk $0xffff, v27;
	v27 =	vadd.s32 s18, v11  }
0xd6: {  	v22 =	vadd.f32 v22, v16;
	[tilespmem:v63+s24+$0x0] =	vst.idx.msk $0xffff, v26;
	v26 =	vadd.s32 s18, v12  }
0xd7: {  	v23 =	vadd.f32 v23, v17;
	[tilespmem:v30+s24+$0x0] =	vst.idx.msk $0xffff, v25;
	v25 =	vadd.s32 s18, v13  }
0xd8: {  	v24 =	vadd.f32 v24, v16;
	[tilespmem:v29+s24+$0x0] =	vst.idx.msk $0xffff, v22;
	v22 =	vadd.s32 s18, v14  }
0xd9: {  	v21 =	vadd.f32 v21, v17;
	[tilespmem:v28+s24+$0x0] =	vst.idx.msk $0xffff, v23;
	v23 =	vadd.s32 s18, v15  }
0xda: {  	v18 =	vadd.f32 v18, v16;
	[tilespmem:v27+s24+$0x0] =	vst.idx.msk $0xffff, v24  }
0xdb: {  	v17 =	vadd.f32 v19, v17;
	[tilespmem:v26+s24+$0x0] =	vst.idx.msk $0xffff, v21  }
0xdc: {  	v16 =	vadd.f32 v20, v16;
	[tilespmem:v25+s24+$0x0] =	vst.idx.msk $0xffff, v18  }
0xdd: {  	[tilespmem:v22+s24+$0x0] =	vst.idx.msk $0xffff, v17  }
0xde: {  	[tilespmem:v23+s24+$0x0] =	vst.idx.msk $0xffff, v16  }
0xdf: {  	v17 =	vld [tilespmem:s13+$0x560]  }
0xe0: {  	s19 =	simm.s32 $0x4EF0;
	v16 =	vld [tilespmem:s13+$0x570]  }
0xe1: {  	v19 =	vld [tilespmem:s19+$0xFFFFFF10]  }
0xe2: {  	v20 =	vld [tilespmem:s19+$0xFFFFFF20]  }
0xe3: {  	v35 =	vld [tilespmem:s19+$0xFFFFFF30]  }
0xe4: {  	v30 =	vld [tilespmem:s19+$0xFFFFFF40]  }
0xe5: {  	v29 =	vld [tilespmem:s19+$0xFFFFFF50]  }
0xe6: {  	v28 =	vld [tilespmem:s19+$0xFFFFFF60]  }
0xe7: {  	v27 =	vld [tilespmem:s19+$0xFFFFFF70]  }
0xe8: {  	v26 =	vld [tilespmem:s19+$0xFFFFFF80]  }
0xe9: {  	v25 =	vld [tilespmem:s19+$0xFFFFFF90]  }
0xea: {  	s18 =	simm.s32 $0x0;
	v22 =	vld [tilespmem:s19+$0xFFFFFFA0]  }
0xeb: {  	v38 =	vadd.s32 s18, v0;
	v23 =	vld [tilespmem:s19+$0xFFFFFFB0]  }
0xec: {  	v33 =	vadd.s32 s18, v1;
	v24 =	vld [tilespmem:s19+$0xFFFFFFC0]  }
0xed: {  	v34 =	vadd.s32 s18, v2;
	v21 =	vld [tilespmem:s19+$0xFFFFFFD0]  }
0xee: {  	v31 =	vadd.s32 s18, v3;
	v18 =	vld [tilespmem:s19+$0xFFFFFFE0];
	v39 =	vadd.f32 v19, v17  }
0xef: {  	v32 =	vadd.s32 s18, v4;
	v19 =	vld [tilespmem:s19+$0xFFFFFFF0];
	v36 =	vadd.f32 v20, v16  }
0xf0: {  	v20 =	vld [tilespmem:s19+$0x0];
	v37 =	vadd.f32 v35, v17;
	v35 =	vadd.s32 s18, v5;
	s19 =	simm.s32 $0x4FF0;
	[tilespmem:v38+s25+$0x0] =	vst.idx.msk $0xffff, v39  }
.LBB2_12:
0xf1: {  	v38 =	vld [tilespmem:s19+$0xFFFFFF10];
	v30 =	vadd.f32 v30, v16;
	[tilespmem:v33+s25+$0x0] =	vst.idx.msk $0xffff, v36;
	v33 =	vadd.s32 s18, v6  }
0xf2: {  	v29 =	vadd.f32 v29, v17;
	v36 =	vld [tilespmem:s19+$0xFFFFFF20];
	[tilespmem:v34+s25+$0x0] =	vst.idx.msk $0xffff, v37;
	v34 =	vadd.s32 s18, v7  }
0xf3: {  	v28 =	vadd.f32 v28, v16;
	v37 =	vld [tilespmem:s19+$0xFFFFFF30];
	[tilespmem:v31+s25+$0x0] =	vst.idx.msk $0xffff, v30;
	v31 =	vadd.s32 s18, v8  }
0xf4: {  	v27 =	vadd.f32 v27, v17;
	v30 =	vld [tilespmem:s19+$0xFFFFFF40];
	[tilespmem:v32+s25+$0x0] =	vst.idx.msk $0xffff, v29;
	v32 =	vadd.s32 s18, v9  }
0xf5: {  	v26 =	vadd.f32 v26, v16;
	v29 =	vld [tilespmem:s19+$0xFFFFFF50];
	[tilespmem:v35+s25+$0x0] =	vst.idx.msk $0xffff, v28;
	v35 =	vadd.s32 s18, v10  }
0xf6: {  	v25 =	vadd.f32 v25, v17;
	v28 =	vld [tilespmem:s19+$0xFFFFFF60];
	[tilespmem:v33+s25+$0x0] =	vst.idx.msk $0xffff, v27;
	v33 =	vadd.s32 s18, v11  }
0xf7: {  	v22 =	vadd.f32 v22, v16;
	v27 =	vld [tilespmem:s19+$0xFFFFFF70];
	[tilespmem:v34+s25+$0x0] =	vst.idx.msk $0xffff, v26;
	v34 =	vadd.s32 s18, v12  }
0xf8: {  	v23 =	vadd.f32 v23, v17;
	v26 =	vld [tilespmem:s19+$0xFFFFFF80];
	[tilespmem:v31+s25+$0x0] =	vst.idx.msk $0xffff, v25;
	v31 =	vadd.s32 s18, v13  }
0xf9: {  	v24 =	vadd.f32 v24, v16;
	v25 =	vld [tilespmem:s19+$0xFFFFFF90];
	[tilespmem:v32+s25+$0x0] =	vst.idx.msk $0xffff, v22;
	v32 =	vadd.s32 s18, v14  }
0xfa: {  	v21 =	vadd.f32 v21, v17;
	v22 =	vld [tilespmem:s19+$0xFFFFFFA0];
	[tilespmem:v35+s25+$0x0] =	vst.idx.msk $0xffff, v23;
	v35 =	vadd.s32 s18, v15;
	s18 =	sadd.s32 $0x8, s18  }
0xfb: {  	v18 =	vadd.f32 v18, v16;
	v23 =	vld [tilespmem:s19+$0xFFFFFFB0];
	v39 =	vadd.s32 s18, v0;
	p2 =	slt.u32 s18, $0x78;
	[tilespmem:v33+s25+$0x0] =	vst.idx.msk $0xffff, v24  }
.Ltmp5:
0xfc: {  	v19 =	vadd.f32 v19, v17;
	v33 =	vadd.s32 s18, v1;
	v24 =	vld [tilespmem:s19+$0xFFFFFFC0];
	[tilespmem:v34+s25+$0x0] =	vst.idx.msk $0xffff, v21;
	(pc) =	sbr.rel @p2 .LBB2_12-.Ltmp5, $4  }
0xfd: {  	v20 =	vadd.f32 v20, v16;
	v34 =	vadd.s32 s18, v2;
	v21 =	vld [tilespmem:s19+$0xFFFFFFD0];
	[tilespmem:v31+s25+$0x0] =	vst.idx.msk $0xffff, v18  }
0xfe: {  	v38 =	vadd.f32 v38, v17;
	v31 =	vadd.s32 s18, v3;
	v18 =	vld [tilespmem:s19+$0xFFFFFFE0];
	[tilespmem:v32+s25+$0x0] =	vst.idx.msk $0xffff, v19  }
0xff: {  	v36 =	vadd.f32 v36, v16;
	v32 =	vadd.s32 s18, v4;
	v19 =	vld [tilespmem:s19+$0xFFFFFFF0];
	[tilespmem:v35+s25+$0x0] =	vst.idx.msk $0xffff, v20  }
0x100: {  	v37 =	vadd.f32 v37, v17;
	v35 =	vadd.s32 s18, v5;
	v20 =	vld [tilespmem:s19+$0x0];
	[tilespmem:v39+s25+$0x0] =	vst.idx.msk $0xffff, v38;
	s19 =	sadd.s32 $0x100, s19  }
0x101: {  	_ =	sdelay $0x3  }
0x102: {  	v30 =	vadd.f32 v30, v16;
	[tilespmem:v33+s25+$0x0] =	vst.idx.msk $0xffff, v36;
	v62 =	vadd.s32 s18, v6  }
0x103: {  	v29 =	vadd.f32 v29, v17;
	v63 =	vadd.s32 s18, v7;
	[tilespmem:v34+s25+$0x0] =	vst.idx.msk $0xffff, v37  }
0x104: {  	v28 =	vadd.f32 v28, v16;
	[tilespmem:v31+s25+$0x0] =	vst.idx.msk $0xffff, v30;
	v30 =	vadd.s32 s18, v8  }
0x105: {  	v27 =	vadd.f32 v27, v17;
	[tilespmem:v32+s25+$0x0] =	vst.idx.msk $0xffff, v29;
	v29 =	vadd.s32 s18, v9  }
0x106: {  	v26 =	vadd.f32 v26, v16;
	[tilespmem:v35+s25+$0x0] =	vst.idx.msk $0xffff, v28;
	v28 =	vadd.s32 s18, v10  }
0x107: {  	v25 =	vadd.f32 v25, v17;
	[tilespmem:v62+s25+$0x0] =	vst.idx.msk $0xffff, v27;
	v27 =	vadd.s32 s18, v11  }
0x108: {  	v22 =	vadd.f32 v22, v16;
	[tilespmem:v63+s25+$0x0] =	vst.idx.msk $0xffff, v26;
	v26 =	vadd.s32 s18, v12  }
0x109: {  	v23 =	vadd.f32 v23, v17;
	[tilespmem:v30+s25+$0x0] =	vst.idx.msk $0xffff, v25;
	v25 =	vadd.s32 s18, v13  }
0x10a: {  	v24 =	vadd.f32 v24, v16;
	[tilespmem:v29+s25+$0x0] =	vst.idx.msk $0xffff, v22;
	v22 =	vadd.s32 s18, v14  }
0x10b: {  	v21 =	vadd.f32 v21, v17;
	[tilespmem:v28+s25+$0x0] =	vst.idx.msk $0xffff, v23;
	v23 =	vadd.s32 s18, v15  }
0x10c: {  	v18 =	vadd.f32 v18, v16;
	[tilespmem:v27+s25+$0x0] =	vst.idx.msk $0xffff, v24  }
0x10d: {  	v17 =	vadd.f32 v19, v17;
	[tilespmem:v26+s25+$0x0] =	vst.idx.msk $0xffff, v21  }
0x10e: {  	v16 =	vadd.f32 v20, v16;
	[tilespmem:v25+s25+$0x0] =	vst.idx.msk $0xffff, v18  }
0x10f: {  	[tilespmem:v22+s25+$0x0] =	vst.idx.msk $0xffff, v17  }
0x110: {  	[tilespmem:v23+s25+$0x0] =	vst.idx.msk $0xffff, v16  }
0x111: {  	v17 =	vld [tilespmem:s13+$0x580]  }
0x112: {  	s30 =	simm.s32 $0x5E00;
	v16 =	vld [tilespmem:s13+$0x590]  }
0x113: {  	v19 =	vld [tilespmem:s30+$0x0]  }
0x114: {  	v20 =	vld [tilespmem:s30+$0x10]  }
0x115: {  	v35 =	vld [tilespmem:s30+$0x20]  }
0x116: {  	v30 =	vld [tilespmem:s30+$0x30]  }
0x117: {  	v29 =	vld [tilespmem:s30+$0x40]  }
0x118: {  	v28 =	vld [tilespmem:s30+$0x50]  }
0x119: {  	v27 =	vld [tilespmem:s30+$0x60]  }
0x11a: {  	v26 =	vld [tilespmem:s30+$0x70]  }
0x11b: {  	v25 =	vld [tilespmem:s30+$0x80]  }
0x11c: {  	v22 =	vld [tilespmem:s30+$0x90];
	s13 =	simm.s32 $0x0  }
0x11d: {  	v23 =	vld [tilespmem:s30+$0xA0];
	v38 =	vadd.s32 s13, v0  }
0x11e: {  	v24 =	vld [tilespmem:s30+$0xB0];
	v33 =	vadd.s32 s13, v1  }
0x11f: {  	v21 =	vld [tilespmem:s30+$0xC0];
	v34 =	vadd.s32 s13, v2  }
0x120: {  	v18 =	vld [tilespmem:s30+$0xD0];
	v31 =	vadd.s32 s13, v3;
	v39 =	vadd.f32 v19, v17  }
0x121: {  	v32 =	vadd.s32 s13, v4;
	v19 =	vld [tilespmem:s30+$0xE0];
	v36 =	vadd.f32 v20, v16  }
0x122: {  	s18 =	simm.s32 $0x5F00;
	v20 =	vld [tilespmem:s30+$0xF0];
	v37 =	vadd.f32 v35, v17;
	v35 =	vadd.s32 s13, v5;
	[tilespmem:v38+s16+$0x0] =	vst.idx.msk $0xffff, v39  }
.LBB2_14:
0x123: {  	v38 =	vld [tilespmem:s18+$0x0];
	v30 =	vadd.f32 v30, v16;
	[tilespmem:v33+s16+$0x0] =	vst.idx.msk $0xffff, v36;
	v33 =	vadd.s32 s13, v6  }
0x124: {  	v29 =	vadd.f32 v29, v17;
	v36 =	vld [tilespmem:s18+$0x10];
	[tilespmem:v34+s16+$0x0] =	vst.idx.msk $0xffff, v37;
	v34 =	vadd.s32 s13, v7  }
0x125: {  	v28 =	vadd.f32 v28, v16;
	v37 =	vld [tilespmem:s18+$0x20];
	[tilespmem:v31+s16+$0x0] =	vst.idx.msk $0xffff, v30;
	v31 =	vadd.s32 s13, v8  }
0x126: {  	v27 =	vadd.f32 v27, v17;
	v30 =	vld [tilespmem:s18+$0x30];
	[tilespmem:v32+s16+$0x0] =	vst.idx.msk $0xffff, v29;
	v32 =	vadd.s32 s13, v9  }
0x127: {  	v26 =	vadd.f32 v26, v16;
	v29 =	vld [tilespmem:s18+$0x40];
	[tilespmem:v35+s16+$0x0] =	vst.idx.msk $0xffff, v28;
	v35 =	vadd.s32 s13, v10  }
0x128: {  	v25 =	vadd.f32 v25, v17;
	v28 =	vld [tilespmem:s18+$0x50];
	[tilespmem:v33+s16+$0x0] =	vst.idx.msk $0xffff, v27;
	v33 =	vadd.s32 s13, v11  }
0x129: {  	v22 =	vadd.f32 v22, v16;
	v27 =	vld [tilespmem:s18+$0x60];
	[tilespmem:v34+s16+$0x0] =	vst.idx.msk $0xffff, v26;
	v34 =	vadd.s32 s13, v12  }
0x12a: {  	v23 =	vadd.f32 v23, v17;
	v26 =	vld [tilespmem:s18+$0x70];
	[tilespmem:v31+s16+$0x0] =	vst.idx.msk $0xffff, v25;
	v31 =	vadd.s32 s13, v13  }
0x12b: {  	v24 =	vadd.f32 v24, v16;
	v25 =	vld [tilespmem:s18+$0x80];
	[tilespmem:v32+s16+$0x0] =	vst.idx.msk $0xffff, v22;
	v32 =	vadd.s32 s13, v14  }
0x12c: {  	v21 =	vadd.f32 v21, v17;
	v22 =	vld [tilespmem:s18+$0x90];
	[tilespmem:v35+s16+$0x0] =	vst.idx.msk $0xffff, v23;
	v35 =	vadd.s32 s13, v15;
	s13 =	sadd.s32 $0x8, s13  }
0x12d: {  	v18 =	vadd.f32 v18, v16;
	v23 =	vld [tilespmem:s18+$0xA0];
	v39 =	vadd.s32 s13, v0;
	p2 =	slt.u32 s13, $0x78;
	[tilespmem:v33+s16+$0x0] =	vst.idx.msk $0xffff, v24  }
.Ltmp6:
0x12e: {  	v19 =	vadd.f32 v19, v17;
	v33 =	vadd.s32 s13, v1;
	v24 =	vld [tilespmem:s18+$0xB0];
	[tilespmem:v34+s16+$0x0] =	vst.idx.msk $0xffff, v21;
	(pc) =	sbr.rel @p2 .LBB2_14-.Ltmp6, $4  }
0x12f: {  	v20 =	vadd.f32 v20, v16;
	v34 =	vadd.s32 s13, v2;
	v21 =	vld [tilespmem:s18+$0xC0];
	[tilespmem:v31+s16+$0x0] =	vst.idx.msk $0xffff, v18  }
0x130: {  	v38 =	vadd.f32 v38, v17;
	v31 =	vadd.s32 s13, v3;
	v18 =	vld [tilespmem:s18+$0xD0];
	[tilespmem:v32+s16+$0x0] =	vst.idx.msk $0xffff, v19  }
0x131: {  	v36 =	vadd.f32 v36, v16;
	v32 =	vadd.s32 s13, v4;
	v19 =	vld [tilespmem:s18+$0xE0];
	[tilespmem:v35+s16+$0x0] =	vst.idx.msk $0xffff, v20  }
0x132: {  	v37 =	vadd.f32 v37, v17;
	v35 =	vadd.s32 s13, v5;
	v20 =	vld [tilespmem:s18+$0xF0];
	[tilespmem:v39+s16+$0x0] =	vst.idx.msk $0xffff, v38;
	s18 =	sadd.s32 $0x100, s18  }
0x133: {  	_ =	sdelay $0x3  }
0x134: {  	v30 =	vadd.f32 v30, v16;
	[tilespmem:v33+s16+$0x0] =	vst.idx.msk $0xffff, v36;
	v54 =	vadd.s32 s13, v6  }
0x135: {  	v29 =	vadd.f32 v29, v17;
	v55 =	vadd.s32 s13, v7;
	[tilespmem:v34+s16+$0x0] =	vst.idx.msk $0xffff, v37  }
0x136: {  	v28 =	vadd.f32 v28, v16;
	v56 =	vadd.s32 s13, v8;
	[tilespmem:v31+s16+$0x0] =	vst.idx.msk $0xffff, v30  }
0x137: {  	v27 =	vadd.f32 v27, v17;
	v57 =	vadd.s32 s13, v9;
	[tilespmem:v32+s16+$0x0] =	vst.idx.msk $0xffff, v29  }
0x138: {  	v26 =	vadd.f32 v26, v16;
	v58 =	vadd.s32 s13, v10;
	[tilespmem:v35+s16+$0x0] =	vst.idx.msk $0xffff, v28  }
0x139: {  	v25 =	vadd.f32 v25, v17;
	v59 =	vadd.s32 s13, v11;
	[tilespmem:v54+s16+$0x0] =	vst.idx.msk $0xffff, v27  }
0x13a: {  	v22 =	vadd.f32 v22, v16;
	v60 =	vadd.s32 s13, v12;
	[tilespmem:v55+s16+$0x0] =	vst.idx.msk $0xffff, v26  }
0x13b: {  	v23 =	vadd.f32 v23, v17;
	v61 =	vadd.s32 s13, v13;
	[tilespmem:v56+s16+$0x0] =	vst.idx.msk $0xffff, v25  }
0x13c: {  	v24 =	vadd.f32 v24, v16;
	v62 =	vadd.s32 s13, v14;
	[tilespmem:v57+s16+$0x0] =	vst.idx.msk $0xffff, v22  }
0x13d: {  	v63 =	vadd.s32 s13, v15;
	v21 =	vadd.f32 v21, v17;
	[tilespmem:v58+s16+$0x0] =	vst.idx.msk $0xffff, v23  }
0x13e: {  	s18 =	smul.u32 $0x140000, s31;
	v18 =	vadd.f32 v18, v16;
	[tilespmem:v59+s16+$0x0] =	vst.idx.msk $0xffff, v24  }
0x13f: {  	v17 =	vadd.f32 v19, v17;
	[tilespmem:v60+s16+$0x0] =	vst.idx.msk $0xffff, v21  }
0x140: {  	s13 =	sor.u32 s11, s18;
	v16 =	vadd.f32 v20, v16;
	[tilespmem:v61+s16+$0x0] =	vst.idx.msk $0xffff, v18  }
0x141: {  	s13 =	sshrl.u32 s13, $0x3;
	[tilespmem:v62+s16+$0x0] =	vst.idx.msk $0xffff, v17  }
0x142: {  	s19 =	simm.s32 $0xBE00;
	s18 =	sadd.s32 s1, s13;
	[tilespmem:v63+s16+$0x0] =	vst.idx.msk $0xffff, v16  }
0x143: {  	[hbm4b:s18+s3] =	stream.linear.scatter [tilespmem:s19], [sflag:$0x3], $0x80, $0x38;
	[tilespmem:$0x16800] =	vst v63  }
0x144: {  	s20 =	simm.s32 $0xBE88;
	s19 =	sadd.s32 $0x10, s18  }
0x145: {  	[hbm4b:s19+s3] =	stream.linear.scatter [tilespmem:s20], [sflag:$0x3], $0x80, $0x38;
	[tilespmem:$0x16800] =	vst v63  }
0x146: {  	s26 =	simm.s32 $0xBF10;
	s30 =	sadd.s32 $0x20, s18  }
0x147: {  	[hbm4b:s30+s3] =	stream.linear.scatter [tilespmem:s26], [sflag:$0x3], $0x80, $0x38;
	[tilespmem:$0x16800] =	vst v63  }
0x148: {  	s19 =	simm.s32 $0xBF98;
	s20 =	sadd.s32 $0x30, s18  }
0x149: {  	[hbm4b:s20+s3] =	stream.linear.scatter [tilespmem:s19], [sflag:$0x3], $0x80, $0x38;
	[tilespmem:$0x16800] =	vst v63  }
0x14a: {  	s26 =	simm.s32 $0xC020;
	s30 =	sadd.s32 $0x40, s18  }
0x14b: {  	[hbm4b:s30+s3] =	stream.linear.scatter [tilespmem:s26], [sflag:$0x3], $0x80, $0x38;
	[tilespmem:$0x16800] =	vst v63  }
0x14c: {  	s13 =	simm.s32 $0x440;
	s19 =	simm.s32 $0xC0A8;
	s20 =	sadd.s32 $0x50, s18  }
0x14d: {  	[hbm4b:s20+s3] =	stream.linear.scatter [tilespmem:s19], [sflag:$0x3], $0x80, $0x38;
	[tilespmem:$0x16800] =	vst v63  }
0x14e: {  	s26 =	simm.s32 $0xC130;
	s30 =	sadd.s32 $0x60, s18;
	s19 =	simm.s32 $0x2200  }
0x14f: {  	[hbm4b:s30+s3] =	stream.linear.scatter [tilespmem:s26], [sflag:$0x3], $0x80, $0x38;
	[tilespmem:$0x16800] =	vst v63  }
0x150: {  	s20 =	simm.s32 $0xC1B8;
	s26 =	sadd.s32 $0x70, s18;
	s18 =	sadd.s32 $0x1000, s18  }
.LBB2_16:
0x151: {  	[hbm4b:s26+s3] =	stream.linear.scatter [tilespmem:s20], [sflag:$0x3], $0x80, $0x38;
	[tilespmem:$0x16800] =	vst v63  }
0x152: {  	s20 =	smov.u32 s13;
	s13 =	smov.u32 s19  }
0x153: {  	s30 =	sadd.s32 $0x1100, s19;
	s13 =	sshra.s32 s13, $0x2;
	s26 =	sadd.s32 $0xBE00, s20  }
0x154: {  	[hbm4b:s18+s3] =	stream.linear.scatter [tilespmem:s26], [sflag:$0x3], $0x80, $0x38;
	[tilespmem:$0x16800] =	vst v63  }
0x155: {  	p2 =	sne.s32 s19, $0x14300;
	s19 =	sadd.s32 $0xBE88, s20;
	s26 =	sadd.s32 $0x10, s18  }
0x156: {  	[hbm4b:s26+s3] =	stream.linear.scatter [tilespmem:s19], [sflag:$0x3], $0x80, $0x38;
	[tilespmem:$0x16800] =	vst v63  }
0x157: {  	s19 =	sadd.s32 $0xBF10, s20;
	s26 =	sadd.s32 $0x20, s18  }
0x158: {  	[hbm4b:s26+s3] =	stream.linear.scatter [tilespmem:s19], [sflag:$0x3], $0x80, $0x38;
	[tilespmem:$0x16800] =	vst v63  }
0x159: {  	s19 =	sadd.s32 $0xBF98, s20;
	s26 =	sadd.s32 $0x30, s18  }
0x15a: {  	[hbm4b:s26+s3] =	stream.linear.scatter [tilespmem:s19], [sflag:$0x3], $0x80, $0x38;
	[tilespmem:$0x16800] =	vst v63  }
0x15b: {  	s19 =	sadd.s32 $0xC020, s20;
	s26 =	sadd.s32 $0x40, s18  }
0x15c: {  	[hbm4b:s26+s3] =	stream.linear.scatter [tilespmem:s19], [sflag:$0x3], $0x80, $0x38;
	[tilespmem:$0x16800] =	vst v63  }
.Ltmp7:
0x15d: {  	s19 =	sadd.s32 $0xC0A8, s20;
	s26 =	sadd.s32 $0x50, s18;
	(pc) =	sbr.rel @p2 .LBB2_16-.Ltmp7, $4  }
0x15e: {  	[hbm4b:s26+s3] =	stream.linear.scatter [tilespmem:s19], [sflag:$0x3], $0x80, $0x38;
	[tilespmem:$0x16800] =	vst v63  }
0x15f: {  	s19 =	sadd.s32 $0xC130, s20;
	s26 =	sadd.s32 $0x60, s18;
	s20 =	sadd.s32 $0xC1B8, s20  }
0x160: {  	[hbm4b:s26+s3] =	stream.linear.scatter [tilespmem:s19], [sflag:$0x3], $0x80, $0x38;
	[tilespmem:$0x16800] =	vst v63  }
0x161: {  	s26 =	sadd.s32 $0x70, s18;
	s18 =	sadd.s32 $0x1000, s18;
	s19 =	smov.u32 s30  }
0x162: {  	[hbm4b:s26+s3] =	stream.linear.scatter [tilespmem:s20], [sflag:$0x3], $0x80, $0x38;
	[tilespmem:$0x16800] =	vst v63  }
0x163: {  	s19 =	sadd.s32 $0xBE00, s13  }
0x164: {  	[hbm4b:s18+s3] =	stream.linear.scatter [tilespmem:s19], [sflag:$0x3], $0x80, $0x38;
	[tilespmem:$0x16800] =	vst v63  }
0x165: {  	s26 =	sadd.s32 $0xBE88, s13;
	s30 =	sadd.s32 $0x10, s18  }
0x166: {  	[hbm4b:s30+s3] =	stream.linear.scatter [tilespmem:s26], [sflag:$0x3], $0x80, $0x38;
	[tilespmem:$0x16800] =	vst v63  }
0x167: {  	s26 =	sadd.s32 $0xBF10, s13;
	s30 =	sadd.s32 $0x20, s18  }
0x168: {  	[hbm4b:s30+s3] =	stream.linear.scatter [tilespmem:s26], [sflag:$0x3], $0x80, $0x38;
	[tilespmem:$0x16800] =	vst v63  }
0x169: {  	s26 =	sadd.s32 $0xBF98, s13;
	s30 =	sadd.s32 $0x30, s18  }
0x16a: {  	[hbm4b:s30+s3] =	stream.linear.scatter [tilespmem:s26], [sflag:$0x3], $0x80, $0x38;
	[tilespmem:$0x16800] =	vst v63  }
0x16b: {  	s26 =	sadd.s32 $0xC020, s13;
	s30 =	sadd.s32 $0x40, s18  }
0x16c: {  	[hbm4b:s30+s3] =	stream.linear.scatter [tilespmem:s26], [sflag:$0x3], $0x80, $0x38;
	[tilespmem:$0x16800] =	vst v63  }
0x16d: {  	s26 =	sadd.s32 $0xC0A8, s13;
	s30 =	sadd.s32 $0x50, s18  }
0x16e: {  	[hbm4b:s30+s3] =	stream.linear.scatter [tilespmem:s26], [sflag:$0x3], $0x80, $0x38;
	[tilespmem:$0x16800] =	vst v63  }
0x16f: {  	s26 =	sadd.s32 $0xC130, s13;
	s30 =	sadd.s32 $0x60, s18  }
0x170: {  	[hbm4b:s30+s3] =	stream.linear.scatter [tilespmem:s26], [sflag:$0x3], $0x80, $0x38;
	[tilespmem:$0x16800] =	vst v63  }
0x171: {  	s20 =	sadd.s32 $0x70, s18;
	s19 =	sadd.s32 $0xC1B8, s13;
	s13 =	simm.s32 @!p0 $0x5  }
0x172: {  	[hbm4b:s20+s3] =	stream.linear.scatter [tilespmem:s19], [sflag:$0x3], $0x80, $0x38;
	[tilespmem:$0x16800] =	vst v63  }
0x173: {  	_ =	swait.ge @!p0 [sflag:s13], $0x280  }
0x174: {  	s18 =	simm.s32 @!p0 $0x0;
	[sflag:s13] =	ssyncset.done @!p0 $0x0  }
0x175: {  	s19 =	simm.s32 @!p0 $0x1E00;
	[sflag:s13] =	ssyncadd.s32 @!p0 $0xFFFFFD80;
	s13 =	simm.s32 @!p0 $0x80  }
0x176: {  	[tilespmem:s19], [sflag:$0x1] =	stream.indirect.gather @!p0 [hbm4b:s4+s13], $0x20, s18, s13, $0xb8;
	[tilespmem:$0x16800] =	vst v63  }
0x177: {  	s18 =	simm.s32 @!p0 $0x2E00  }
0x178: {  	[tilespmem:s18], [sflag:$0x1] =	stream.indirect.gather @!p0 [hbm4b:s4+s13], $0x20, s13, s13, $0xb8;
	[tilespmem:$0x16800] =	vst v63  }
0x179: {  	s19 =	simm.s32 @!p0 $0x3E00;
	s18 =	simm.s32 @!p0 $0x100  }
0x17a: {  	[tilespmem:s19], [sflag:$0x1] =	stream.indirect.gather @!p0 [hbm4b:s4+s13], $0x20, s18, s13, $0xb8;
	[tilespmem:$0x16800] =	vst v63  }
0x17b: {  	s18 =	simm.s32 @!p0 $0x180;
	s19 =	simm.s32 @!p0 $0x4E00  }
0x17c: {  	[tilespmem:s19], [sflag:$0x1] =	stream.indirect.gather @!p0 [hbm4b:s4+s13], $0x20, s18, s13, $0xb8;
	[tilespmem:$0x16800] =	vst v63  }
0x17d: {  	s18 =	simm.s32 @!p0 $0x200;
	s19 =	simm.s32 @!p0 $0x5E00  }
0x17e: {  	[tilespmem:s19], [sflag:$0x1] =	stream.indirect.gather @!p0 [hbm4b:s4+s13], $0x20, s18, s13, $0xb8;
	[tilespmem:$0x16800] =	vst v63  }
0x17f: {  	_ =	swait.ge [sflag:s6], $0x1000  }
0x180: {  	[sflag:s6] =	ssyncset.done $0x0  }
0x181: {  	[sflag:s6] =	ssyncadd.s32 $0xFFFFF000  }
0x182: {  	_ =	swait.ge [sflag:s6], $0x1000  }
0x183: {  	[sflag:s6] =	ssyncset.done $0x0  }
0x184: {  	[sflag:s6] =	ssyncadd.s32 $0xFFFFF000  }
0x185: {  	_ =	swait.ge [sflag:s6], $0x1000  }
0x186: {  	[sflag:s6] =	ssyncset.done $0x0  }
0x187: {  	[sflag:s6] =	ssyncadd.s32 $0xFFFFF000  }
0x188: {  	_ =	swait.ge [sflag:s6], $0x1000  }
0x189: {  	[sflag:s6] =	ssyncset.done $0x0  }
0x18a: {  	s2 =	sadd.s32 @!p0 s10, s2;
	[sflag:s6] =	ssyncadd.s32 $0xFFFFF000  }
0x18b: {  	s2 =	sshrl.u32 @!p0 s2, $0x3;
	_ =	swait.ge [sflag:s6], $0x1000  }
0x18c: {  	s2 =	sadd.s32 @!p0 s5, s2;
	[sflag:s6] =	ssyncset.done $0x0  }
0x18d: {  	s18 =	simm.s32 @!p0 $0x1000;
	s19 =	simm.s32 @!p0 $0x280;
	[sflag:s6] =	ssyncadd.s32 $0xFFFFF000  }
0x18e: {  	[tilespmem:s19], [sflag:$0x6] =	stream.strided.gather @!p0 [hbm4b:s2+s13], $0x280, s18, s13, $0x38;
	[tilespmem:$0x16800] =	vst v63  }
0x18f: {  	p0 =	por p0, !p1  }
0x190: {  	s2 =	simm.s32 @p0 $0x4  }
0x191: {  	s26 =	smul.u32 $0x280, s0;
	_ =	swait.ge @p0 [sflag:s2], $0x5000  }
0x192: {  	[sflag:s2] =	ssyncset.done @p0 $0x0  }
0x193: {  	[sflag:s2] =	ssyncadd.s32 @p0 $0xFFFFB000;
	s2 =	sshra.s32 s26, $0x2  }
0x194: {  	v17 =	vld [tilespmem:s2+$0x500]  }
0x195: {  	s30 =	simm.s32 $0x6E00;
	v16 =	vld [tilespmem:s2+$0x510]  }
0x196: {  	v19 =	vld [tilespmem:s30+$0x0]  }
0x197: {  	v20 =	vld [tilespmem:s30+$0x10]  }
0x198: {  	v35 =	vld [tilespmem:s30+$0x20]  }
0x199: {  	v30 =	vld [tilespmem:s30+$0x30]  }
0x19a: {  	v29 =	vld [tilespmem:s30+$0x40]  }
0x19b: {  	v28 =	vld [tilespmem:s30+$0x50]  }
0x19c: {  	v27 =	vld [tilespmem:s30+$0x60]  }
0x19d: {  	v26 =	vld [tilespmem:s30+$0x70]  }
0x19e: {  	v25 =	vld [tilespmem:s30+$0x80]  }
0x19f: {  	s13 =	simm.s32 $0x0;
	v22 =	vld [tilespmem:s30+$0x90]  }
0x1a0: {  	v38 =	vadd.s32 s13, v0;
	v23 =	vld [tilespmem:s30+$0xA0]  }
0x1a1: {  	v33 =	vadd.s32 s13, v1;
	v24 =	vld [tilespmem:s30+$0xB0]  }
0x1a2: {  	v34 =	vadd.s32 s13, v2;
	v21 =	vld [tilespmem:s30+$0xC0]  }
0x1a3: {  	v31 =	vadd.s32 s13, v3;
	v18 =	vld [tilespmem:s30+$0xD0];
	v39 =	vadd.f32 v19, v17  }
0x1a4: {  	v32 =	vadd.s32 s13, v4;
	v19 =	vld [tilespmem:s30+$0xE0];
	v36 =	vadd.f32 v20, v16  }
0x1a5: {  	s18 =	simm.s32 $0x6F00;
	v20 =	vld [tilespmem:s30+$0xF0];
	v37 =	vadd.f32 v35, v17;
	v35 =	vadd.s32 s13, v5;
	[tilespmem:v38+s8+$0x0] =	vst.idx.msk $0xffff, v39  }
.LBB2_18:
0x1a6: {  	v38 =	vld [tilespmem:s18+$0x0];
	v30 =	vadd.f32 v30, v16;
	[tilespmem:v33+s8+$0x0] =	vst.idx.msk $0xffff, v36;
	v33 =	vadd.s32 s13, v6  }
0x1a7: {  	v29 =	vadd.f32 v29, v17;
	v36 =	vld [tilespmem:s18+$0x10];
	[tilespmem:v34+s8+$0x0] =	vst.idx.msk $0xffff, v37;
	v34 =	vadd.s32 s13, v7  }
0x1a8: {  	v28 =	vadd.f32 v28, v16;
	v37 =	vld [tilespmem:s18+$0x20];
	[tilespmem:v31+s8+$0x0] =	vst.idx.msk $0xffff, v30;
	v31 =	vadd.s32 s13, v8  }
0x1a9: {  	v27 =	vadd.f32 v27, v17;
	v30 =	vld [tilespmem:s18+$0x30];
	[tilespmem:v32+s8+$0x0] =	vst.idx.msk $0xffff, v29;
	v32 =	vadd.s32 s13, v9  }
0x1aa: {  	v26 =	vadd.f32 v26, v16;
	v29 =	vld [tilespmem:s18+$0x40];
	[tilespmem:v35+s8+$0x0] =	vst.idx.msk $0xffff, v28;
	v35 =	vadd.s32 s13, v10  }
0x1ab: {  	v25 =	vadd.f32 v25, v17;
	v28 =	vld [tilespmem:s18+$0x50];
	[tilespmem:v33+s8+$0x0] =	vst.idx.msk $0xffff, v27;
	v33 =	vadd.s32 s13, v11  }
0x1ac: {  	v22 =	vadd.f32 v22, v16;
	v27 =	vld [tilespmem:s18+$0x60];
	[tilespmem:v34+s8+$0x0] =	vst.idx.msk $0xffff, v26;
	v34 =	vadd.s32 s13, v12  }
0x1ad: {  	v23 =	vadd.f32 v23, v17;
	v26 =	vld [tilespmem:s18+$0x70];
	[tilespmem:v31+s8+$0x0] =	vst.idx.msk $0xffff, v25;
	v31 =	vadd.s32 s13, v13  }
0x1ae: {  	v24 =	vadd.f32 v24, v16;
	v25 =	vld [tilespmem:s18+$0x80];
	[tilespmem:v32+s8+$0x0] =	vst.idx.msk $0xffff, v22;
	v32 =	vadd.s32 s13, v14  }
0x1af: {  	v21 =	vadd.f32 v21, v17;
	v22 =	vld [tilespmem:s18+$0x90];
	[tilespmem:v35+s8+$0x0] =	vst.idx.msk $0xffff, v23;
	v35 =	vadd.s32 s13, v15;
	s13 =	sadd.s32 $0x8, s13  }
0x1b0: {  	v18 =	vadd.f32 v18, v16;
	v23 =	vld [tilespmem:s18+$0xA0];
	v39 =	vadd.s32 s13, v0;
	p0 =	slt.u32 s13, $0x78;
	[tilespmem:v33+s8+$0x0] =	vst.idx.msk $0xffff, v24  }
.Ltmp8:
0x1b1: {  	v19 =	vadd.f32 v19, v17;
	v33 =	vadd.s32 s13, v1;
	v24 =	vld [tilespmem:s18+$0xB0];
	[tilespmem:v34+s8+$0x0] =	vst.idx.msk $0xffff, v21;
	(pc) =	sbr.rel @p0 .LBB2_18-.Ltmp8, $4  }
0x1b2: {  	v20 =	vadd.f32 v20, v16;
	v34 =	vadd.s32 s13, v2;
	v21 =	vld [tilespmem:s18+$0xC0];
	[tilespmem:v31+s8+$0x0] =	vst.idx.msk $0xffff, v18  }
0x1b3: {  	v38 =	vadd.f32 v38, v17;
	v31 =	vadd.s32 s13, v3;
	v18 =	vld [tilespmem:s18+$0xD0];
	[tilespmem:v32+s8+$0x0] =	vst.idx.msk $0xffff, v19  }
0x1b4: {  	v36 =	vadd.f32 v36, v16;
	v32 =	vadd.s32 s13, v4;
	v19 =	vld [tilespmem:s18+$0xE0];
	[tilespmem:v35+s8+$0x0] =	vst.idx.msk $0xffff, v20  }
0x1b5: {  	v37 =	vadd.f32 v37, v17;
	v35 =	vadd.s32 s13, v5;
	v20 =	vld [tilespmem:s18+$0xF0];
	[tilespmem:v39+s8+$0x0] =	vst.idx.msk $0xffff, v38;
	s18 =	sadd.s32 $0x100, s18  }
0x1b6: {  	_ =	sdelay $0x3  }
0x1b7: {  	v30 =	vadd.f32 v30, v16;
	[tilespmem:v33+s8+$0x0] =	vst.idx.msk $0xffff, v36;
	v62 =	vadd.s32 s13, v6  }
0x1b8: {  	v29 =	vadd.f32 v29, v17;
	v63 =	vadd.s32 s13, v7;
	[tilespmem:v34+s8+$0x0] =	vst.idx.msk $0xffff, v37  }
0x1b9: {  	v28 =	vadd.f32 v28, v16;
	[tilespmem:v31+s8+$0x0] =	vst.idx.msk $0xffff, v30;
	v30 =	vadd.s32 s13, v8  }
0x1ba: {  	v27 =	vadd.f32 v27, v17;
	[tilespmem:v32+s8+$0x0] =	vst.idx.msk $0xffff, v29;
	v29 =	vadd.s32 s13, v9  }
0x1bb: {  	v26 =	vadd.f32 v26, v16;
	[tilespmem:v35+s8+$0x0] =	vst.idx.msk $0xffff, v28;
	v28 =	vadd.s32 s13, v10  }
0x1bc: {  	v25 =	vadd.f32 v25, v17;
	[tilespmem:v62+s8+$0x0] =	vst.idx.msk $0xffff, v27;
	v27 =	vadd.s32 s13, v11  }
0x1bd: {  	v22 =	vadd.f32 v22, v16;
	[tilespmem:v63+s8+$0x0] =	vst.idx.msk $0xffff, v26;
	v26 =	vadd.s32 s13, v12  }
0x1be: {  	v23 =	vadd.f32 v23, v17;
	[tilespmem:v30+s8+$0x0] =	vst.idx.msk $0xffff, v25;
	v25 =	vadd.s32 s13, v13  }
0x1bf: {  	v24 =	vadd.f32 v24, v16;
	[tilespmem:v29+s8+$0x0] =	vst.idx.msk $0xffff, v22;
	v22 =	vadd.s32 s13, v14  }
0x1c0: {  	v21 =	vadd.f32 v21, v17;
	[tilespmem:v28+s8+$0x0] =	vst.idx.msk $0xffff, v23;
	v23 =	vadd.s32 s13, v15  }
0x1c1: {  	v18 =	vadd.f32 v18, v16;
	[tilespmem:v27+s8+$0x0] =	vst.idx.msk $0xffff, v24  }
0x1c2: {  	v17 =	vadd.f32 v19, v17;
	[tilespmem:v26+s8+$0x0] =	vst.idx.msk $0xffff, v21  }
0x1c3: {  	v16 =	vadd.f32 v20, v16;
	[tilespmem:v25+s8+$0x0] =	vst.idx.msk $0xffff, v18  }
0x1c4: {  	[tilespmem:v22+s8+$0x0] =	vst.idx.msk $0xffff, v17  }
0x1c5: {  	[tilespmem:v23+s8+$0x0] =	vst.idx.msk $0xffff, v16  }
0x1c6: {  	v17 =	vld [tilespmem:s2+$0x520]  }
0x1c7: {  	s18 =	simm.s32 $0x7E00;
	v16 =	vld [tilespmem:s2+$0x530]  }
0x1c8: {  	v19 =	vld [tilespmem:s18+$0x0]  }
0x1c9: {  	v20 =	vld [tilespmem:s18+$0x10]  }
0x1ca: {  	v35 =	vld [tilespmem:s18+$0x20]  }
0x1cb: {  	v30 =	vld [tilespmem:s18+$0x30]  }
0x1cc: {  	v29 =	vld [tilespmem:s18+$0x40]  }
0x1cd: {  	v28 =	vld [tilespmem:s18+$0x50]  }
0x1ce: {  	v27 =	vld [tilespmem:s18+$0x60]  }
0x1cf: {  	v26 =	vld [tilespmem:s18+$0x70]  }
0x1d0: {  	v25 =	vld [tilespmem:s18+$0x80]  }
0x1d1: {  	s13 =	simm.s32 $0x0;
	v22 =	vld [tilespmem:s18+$0x90]  }
0x1d2: {  	v38 =	vadd.s32 s13, v0;
	v23 =	vld [tilespmem:s18+$0xA0]  }
0x1d3: {  	v33 =	vadd.s32 s13, v1;
	v24 =	vld [tilespmem:s18+$0xB0]  }
0x1d4: {  	v34 =	vadd.s32 s13, v2;
	v21 =	vld [tilespmem:s18+$0xC0]  }
0x1d5: {  	v31 =	vadd.s32 s13, v3;
	v18 =	vld [tilespmem:s18+$0xD0];
	v39 =	vadd.f32 v19, v17  }
0x1d6: {  	v32 =	vadd.s32 s13, v4;
	v19 =	vld [tilespmem:s18+$0xE0];
	v36 =	vadd.f32 v20, v16  }
0x1d7: {  	v20 =	vld [tilespmem:s18+$0xF0];
	v37 =	vadd.f32 v35, v17;
	v35 =	vadd.s32 s13, v5;
	s18 =	simm.s32 $0x7F00;
	[tilespmem:v38+s12+$0x0] =	vst.idx.msk $0xffff, v39  }
.LBB2_20:
0x1d8: {  	v38 =	vld [tilespmem:s18+$0x0];
	v30 =	vadd.f32 v30, v16;
	[tilespmem:v33+s12+$0x0] =	vst.idx.msk $0xffff, v36;
	v33 =	vadd.s32 s13, v6  }
0x1d9: {  	v29 =	vadd.f32 v29, v17;
	v36 =	vld [tilespmem:s18+$0x10];
	[tilespmem:v34+s12+$0x0] =	vst.idx.msk $0xffff, v37;
	v34 =	vadd.s32 s13, v7  }
0x1da: {  	v28 =	vadd.f32 v28, v16;
	v37 =	vld [tilespmem:s18+$0x20];
	[tilespmem:v31+s12+$0x0] =	vst.idx.msk $0xffff, v30;
	v31 =	vadd.s32 s13, v8  }
0x1db: {  	v27 =	vadd.f32 v27, v17;
	v30 =	vld [tilespmem:s18+$0x30];
	[tilespmem:v32+s12+$0x0] =	vst.idx.msk $0xffff, v29;
	v32 =	vadd.s32 s13, v9  }
0x1dc: {  	v26 =	vadd.f32 v26, v16;
	v29 =	vld [tilespmem:s18+$0x40];
	[tilespmem:v35+s12+$0x0] =	vst.idx.msk $0xffff, v28;
	v35 =	vadd.s32 s13, v10  }
0x1dd: {  	v25 =	vadd.f32 v25, v17;
	v28 =	vld [tilespmem:s18+$0x50];
	[tilespmem:v33+s12+$0x0] =	vst.idx.msk $0xffff, v27;
	v33 =	vadd.s32 s13, v11  }
0x1de: {  	v22 =	vadd.f32 v22, v16;
	v27 =	vld [tilespmem:s18+$0x60];
	[tilespmem:v34+s12+$0x0] =	vst.idx.msk $0xffff, v26;
	v34 =	vadd.s32 s13, v12  }
0x1df: {  	v23 =	vadd.f32 v23, v17;
	v26 =	vld [tilespmem:s18+$0x70];
	[tilespmem:v31+s12+$0x0] =	vst.idx.msk $0xffff, v25;
	v31 =	vadd.s32 s13, v13  }
0x1e0: {  	v24 =	vadd.f32 v24, v16;
	v25 =	vld [tilespmem:s18+$0x80];
	[tilespmem:v32+s12+$0x0] =	vst.idx.msk $0xffff, v22;
	v32 =	vadd.s32 s13, v14  }
0x1e1: {  	v21 =	vadd.f32 v21, v17;
	v22 =	vld [tilespmem:s18+$0x90];
	[tilespmem:v35+s12+$0x0] =	vst.idx.msk $0xffff, v23;
	v35 =	vadd.s32 s13, v15;
	s13 =	sadd.s32 $0x8, s13  }
0x1e2: {  	v18 =	vadd.f32 v18, v16;
	v23 =	vld [tilespmem:s18+$0xA0];
	v39 =	vadd.s32 s13, v0;
	p0 =	slt.u32 s13, $0x78;
	[tilespmem:v33+s12+$0x0] =	vst.idx.msk $0xffff, v24  }
.Ltmp9:
0x1e3: {  	v19 =	vadd.f32 v19, v17;
	v33 =	vadd.s32 s13, v1;
	v24 =	vld [tilespmem:s18+$0xB0];
	[tilespmem:v34+s12+$0x0] =	vst.idx.msk $0xffff, v21;
	(pc) =	sbr.rel @p0 .LBB2_20-.Ltmp9, $4  }
0x1e4: {  	v20 =	vadd.f32 v20, v16;
	v34 =	vadd.s32 s13, v2;
	v21 =	vld [tilespmem:s18+$0xC0];
	[tilespmem:v31+s12+$0x0] =	vst.idx.msk $0xffff, v18  }
0x1e5: {  	v38 =	vadd.f32 v38, v17;
	v31 =	vadd.s32 s13, v3;
	v18 =	vld [tilespmem:s18+$0xD0];
	[tilespmem:v32+s12+$0x0] =	vst.idx.msk $0xffff, v19  }
0x1e6: {  	v36 =	vadd.f32 v36, v16;
	v32 =	vadd.s32 s13, v4;
	v19 =	vld [tilespmem:s18+$0xE0];
	[tilespmem:v35+s12+$0x0] =	vst.idx.msk $0xffff, v20  }
0x1e7: {  	v37 =	vadd.f32 v37, v17;
	v35 =	vadd.s32 s13, v5;
	v20 =	vld [tilespmem:s18+$0xF0];
	[tilespmem:v39+s12+$0x0] =	vst.idx.msk $0xffff, v38;
	s18 =	sadd.s32 $0x100, s18  }
0x1e8: {  	_ =	sdelay $0x3  }
0x1e9: {  	v30 =	vadd.f32 v30, v16;
	[tilespmem:v33+s12+$0x0] =	vst.idx.msk $0xffff, v36;
	v62 =	vadd.s32 s13, v6  }
0x1ea: {  	v29 =	vadd.f32 v29, v17;
	v63 =	vadd.s32 s13, v7;
	[tilespmem:v34+s12+$0x0] =	vst.idx.msk $0xffff, v37  }
0x1eb: {  	v28 =	vadd.f32 v28, v16;
	[tilespmem:v31+s12+$0x0] =	vst.idx.msk $0xffff, v30;
	v30 =	vadd.s32 s13, v8  }
0x1ec: {  	v27 =	vadd.f32 v27, v17;
	[tilespmem:v32+s12+$0x0] =	vst.idx.msk $0xffff, v29;
	v29 =	vadd.s32 s13, v9  }
0x1ed: {  	v26 =	vadd.f32 v26, v16;
	[tilespmem:v35+s12+$0x0] =	vst.idx.msk $0xffff, v28;
	v28 =	vadd.s32 s13, v10  }
0x1ee: {  	v25 =	vadd.f32 v25, v17;
	[tilespmem:v62+s12+$0x0] =	vst.idx.msk $0xffff, v27;
	v27 =	vadd.s32 s13, v11  }
0x1ef: {  	v22 =	vadd.f32 v22, v16;
	[tilespmem:v63+s12+$0x0] =	vst.idx.msk $0xffff, v26;
	v26 =	vadd.s32 s13, v12  }
0x1f0: {  	v23 =	vadd.f32 v23, v17;
	[tilespmem:v30+s12+$0x0] =	vst.idx.msk $0xffff, v25;
	v25 =	vadd.s32 s13, v13  }
0x1f1: {  	v24 =	vadd.f32 v24, v16;
	[tilespmem:v29+s12+$0x0] =	vst.idx.msk $0xffff, v22;
	v22 =	vadd.s32 s13, v14  }
0x1f2: {  	v21 =	vadd.f32 v21, v17;
	[tilespmem:v28+s12+$0x0] =	vst.idx.msk $0xffff, v23;
	v23 =	vadd.s32 s13, v15  }
0x1f3: {  	v18 =	vadd.f32 v18, v16;
	[tilespmem:v27+s12+$0x0] =	vst.idx.msk $0xffff, v24  }
0x1f4: {  	v17 =	vadd.f32 v19, v17;
	[tilespmem:v26+s12+$0x0] =	vst.idx.msk $0xffff, v21  }
0x1f5: {  	v16 =	vadd.f32 v20, v16;
	[tilespmem:v25+s12+$0x0] =	vst.idx.msk $0xffff, v18  }
0x1f6: {  	[tilespmem:v22+s12+$0x0] =	vst.idx.msk $0xffff, v17  }
0x1f7: {  	[tilespmem:v23+s12+$0x0] =	vst.idx.msk $0xffff, v16  }
0x1f8: {  	v17 =	vld [tilespmem:s2+$0x540]  }
0x1f9: {  	s18 =	simm.s32 $0x8E00;
	v16 =	vld [tilespmem:s2+$0x550]  }
0x1fa: {  	v19 =	vld [tilespmem:s18+$0x0]  }
0x1fb: {  	v20 =	vld [tilespmem:s18+$0x10]  }
0x1fc: {  	v35 =	vld [tilespmem:s18+$0x20]  }
0x1fd: {  	v30 =	vld [tilespmem:s18+$0x30]  }
0x1fe: {  	v29 =	vld [tilespmem:s18+$0x40]  }
0x1ff: {  	v28 =	vld [tilespmem:s18+$0x50]  }
0x200: {  	v27 =	vld [tilespmem:s18+$0x60]  }
0x201: {  	v26 =	vld [tilespmem:s18+$0x70]  }
0x202: {  	v25 =	vld [tilespmem:s18+$0x80]  }
0x203: {  	s13 =	simm.s32 $0x0;
	v22 =	vld [tilespmem:s18+$0x90]  }
0x204: {  	v38 =	vadd.s32 s13, v0;
	v23 =	vld [tilespmem:s18+$0xA0]  }
0x205: {  	v33 =	vadd.s32 s13, v1;
	v24 =	vld [tilespmem:s18+$0xB0]  }
0x206: {  	v34 =	vadd.s32 s13, v2;
	v21 =	vld [tilespmem:s18+$0xC0]  }
0x207: {  	v31 =	vadd.s32 s13, v3;
	v18 =	vld [tilespmem:s18+$0xD0];
	v39 =	vadd.f32 v19, v17  }
0x208: {  	v32 =	vadd.s32 s13, v4;
	v19 =	vld [tilespmem:s18+$0xE0];
	v36 =	vadd.f32 v20, v16  }
0x209: {  	v20 =	vld [tilespmem:s18+$0xF0];
	v37 =	vadd.f32 v35, v17;
	v35 =	vadd.s32 s13, v5;
	s18 =	simm.s32 $0x8F00;
	[tilespmem:v38+s7+$0x0] =	vst.idx.msk $0xffff, v39  }
.LBB2_22:
0x20a: {  	v38 =	vld [tilespmem:s18+$0x0];
	v30 =	vadd.f32 v30, v16;
	[tilespmem:v33+s7+$0x0] =	vst.idx.msk $0xffff, v36;
	v33 =	vadd.s32 s13, v6  }
0x20b: {  	v29 =	vadd.f32 v29, v17;
	v36 =	vld [tilespmem:s18+$0x10];
	[tilespmem:v34+s7+$0x0] =	vst.idx.msk $0xffff, v37;
	v34 =	vadd.s32 s13, v7  }
0x20c: {  	v28 =	vadd.f32 v28, v16;
	v37 =	vld [tilespmem:s18+$0x20];
	[tilespmem:v31+s7+$0x0] =	vst.idx.msk $0xffff, v30;
	v31 =	vadd.s32 s13, v8  }
0x20d: {  	v27 =	vadd.f32 v27, v17;
	v30 =	vld [tilespmem:s18+$0x30];
	[tilespmem:v32+s7+$0x0] =	vst.idx.msk $0xffff, v29;
	v32 =	vadd.s32 s13, v9  }
0x20e: {  	v26 =	vadd.f32 v26, v16;
	v29 =	vld [tilespmem:s18+$0x40];
	[tilespmem:v35+s7+$0x0] =	vst.idx.msk $0xffff, v28;
	v35 =	vadd.s32 s13, v10  }
0x20f: {  	v25 =	vadd.f32 v25, v17;
	v28 =	vld [tilespmem:s18+$0x50];
	[tilespmem:v33+s7+$0x0] =	vst.idx.msk $0xffff, v27;
	v33 =	vadd.s32 s13, v11  }
0x210: {  	v22 =	vadd.f32 v22, v16;
	v27 =	vld [tilespmem:s18+$0x60];
	[tilespmem:v34+s7+$0x0] =	vst.idx.msk $0xffff, v26;
	v34 =	vadd.s32 s13, v12  }
0x211: {  	v23 =	vadd.f32 v23, v17;
	v26 =	vld [tilespmem:s18+$0x70];
	[tilespmem:v31+s7+$0x0] =	vst.idx.msk $0xffff, v25;
	v31 =	vadd.s32 s13, v13  }
0x212: {  	v24 =	vadd.f32 v24, v16;
	v25 =	vld [tilespmem:s18+$0x80];
	[tilespmem:v32+s7+$0x0] =	vst.idx.msk $0xffff, v22;
	v32 =	vadd.s32 s13, v14  }
0x213: {  	v21 =	vadd.f32 v21, v17;
	v22 =	vld [tilespmem:s18+$0x90];
	[tilespmem:v35+s7+$0x0] =	vst.idx.msk $0xffff, v23;
	v35 =	vadd.s32 s13, v15;
	s13 =	sadd.s32 $0x8, s13  }
0x214: {  	v18 =	vadd.f32 v18, v16;
	v23 =	vld [tilespmem:s18+$0xA0];
	v39 =	vadd.s32 s13, v0;
	p0 =	slt.u32 s13, $0x78;
	[tilespmem:v33+s7+$0x0] =	vst.idx.msk $0xffff, v24  }
.Ltmp10:
0x215: {  	v19 =	vadd.f32 v19, v17;
	v33 =	vadd.s32 s13, v1;
	v24 =	vld [tilespmem:s18+$0xB0];
	[tilespmem:v34+s7+$0x0] =	vst.idx.msk $0xffff, v21;
	(pc) =	sbr.rel @p0 .LBB2_22-.Ltmp10, $4  }
0x216: {  	v20 =	vadd.f32 v20, v16;
	v34 =	vadd.s32 s13, v2;
	v21 =	vld [tilespmem:s18+$0xC0];
	[tilespmem:v31+s7+$0x0] =	vst.idx.msk $0xffff, v18  }
0x217: {  	v38 =	vadd.f32 v38, v17;
	v31 =	vadd.s32 s13, v3;
	v18 =	vld [tilespmem:s18+$0xD0];
	[tilespmem:v32+s7+$0x0] =	vst.idx.msk $0xffff, v19  }
0x218: {  	v36 =	vadd.f32 v36, v16;
	v32 =	vadd.s32 s13, v4;
	v19 =	vld [tilespmem:s18+$0xE0];
	[tilespmem:v35+s7+$0x0] =	vst.idx.msk $0xffff, v20  }
0x219: {  	v37 =	vadd.f32 v37, v17;
	v35 =	vadd.s32 s13, v5;
	v20 =	vld [tilespmem:s18+$0xF0];
	[tilespmem:v39+s7+$0x0] =	vst.idx.msk $0xffff, v38;
	s18 =	sadd.s32 $0x100, s18  }
0x21a: {  	_ =	sdelay $0x3  }
0x21b: {  	v30 =	vadd.f32 v30, v16;
	[tilespmem:v33+s7+$0x0] =	vst.idx.msk $0xffff, v36;
	v62 =	vadd.s32 s13, v6  }
0x21c: {  	v29 =	vadd.f32 v29, v17;
	v63 =	vadd.s32 s13, v7;
	[tilespmem:v34+s7+$0x0] =	vst.idx.msk $0xffff, v37  }
0x21d: {  	v28 =	vadd.f32 v28, v16;
	[tilespmem:v31+s7+$0x0] =	vst.idx.msk $0xffff, v30;
	v30 =	vadd.s32 s13, v8  }
0x21e: {  	v27 =	vadd.f32 v27, v17;
	[tilespmem:v32+s7+$0x0] =	vst.idx.msk $0xffff, v29;
	v29 =	vadd.s32 s13, v9  }
0x21f: {  	v26 =	vadd.f32 v26, v16;
	[tilespmem:v35+s7+$0x0] =	vst.idx.msk $0xffff, v28;
	v28 =	vadd.s32 s13, v10  }
0x220: {  	v25 =	vadd.f32 v25, v17;
	[tilespmem:v62+s7+$0x0] =	vst.idx.msk $0xffff, v27;
	v27 =	vadd.s32 s13, v11  }
0x221: {  	v22 =	vadd.f32 v22, v16;
	[tilespmem:v63+s7+$0x0] =	vst.idx.msk $0xffff, v26;
	v26 =	vadd.s32 s13, v12  }
0x222: {  	v23 =	vadd.f32 v23, v17;
	[tilespmem:v30+s7+$0x0] =	vst.idx.msk $0xffff, v25;
	v25 =	vadd.s32 s13, v13  }
0x223: {  	v24 =	vadd.f32 v24, v16;
	[tilespmem:v29+s7+$0x0] =	vst.idx.msk $0xffff, v22;
	v22 =	vadd.s32 s13, v14  }
0x224: {  	v21 =	vadd.f32 v21, v17;
	[tilespmem:v28+s7+$0x0] =	vst.idx.msk $0xffff, v23;
	v23 =	vadd.s32 s13, v15  }
0x225: {  	v18 =	vadd.f32 v18, v16;
	[tilespmem:v27+s7+$0x0] =	vst.idx.msk $0xffff, v24  }
0x226: {  	v17 =	vadd.f32 v19, v17;
	[tilespmem:v26+s7+$0x0] =	vst.idx.msk $0xffff, v21  }
0x227: {  	v16 =	vadd.f32 v20, v16;
	[tilespmem:v25+s7+$0x0] =	vst.idx.msk $0xffff, v18  }
0x228: {  	[tilespmem:v22+s7+$0x0] =	vst.idx.msk $0xffff, v17  }
0x229: {  	[tilespmem:v23+s7+$0x0] =	vst.idx.msk $0xffff, v16  }
0x22a: {  	v17 =	vld [tilespmem:s2+$0x560]  }
0x22b: {  	s18 =	simm.s32 $0x9E00;
	v16 =	vld [tilespmem:s2+$0x570]  }
0x22c: {  	v19 =	vld [tilespmem:s18+$0x0]  }
0x22d: {  	v20 =	vld [tilespmem:s18+$0x10]  }
0x22e: {  	v35 =	vld [tilespmem:s18+$0x20]  }
0x22f: {  	v30 =	vld [tilespmem:s18+$0x30]  }
0x230: {  	v29 =	vld [tilespmem:s18+$0x40]  }
0x231: {  	v28 =	vld [tilespmem:s18+$0x50]  }
0x232: {  	v27 =	vld [tilespmem:s18+$0x60]  }
0x233: {  	v26 =	vld [tilespmem:s18+$0x70]  }
0x234: {  	v25 =	vld [tilespmem:s18+$0x80]  }
0x235: {  	s13 =	simm.s32 $0x0;
	v22 =	vld [tilespmem:s18+$0x90]  }
0x236: {  	v38 =	vadd.s32 s13, v0;
	v23 =	vld [tilespmem:s18+$0xA0]  }
0x237: {  	v33 =	vadd.s32 s13, v1;
	v24 =	vld [tilespmem:s18+$0xB0]  }
0x238: {  	v34 =	vadd.s32 s13, v2;
	v21 =	vld [tilespmem:s18+$0xC0]  }
0x239: {  	v31 =	vadd.s32 s13, v3;
	v18 =	vld [tilespmem:s18+$0xD0];
	v39 =	vadd.f32 v19, v17  }
0x23a: {  	v32 =	vadd.s32 s13, v4;
	v19 =	vld [tilespmem:s18+$0xE0];
	v36 =	vadd.f32 v20, v16  }
0x23b: {  	v20 =	vld [tilespmem:s18+$0xF0];
	v37 =	vadd.f32 v35, v17;
	v35 =	vadd.s32 s13, v5;
	s18 =	simm.s32 $0x9F00;
	[tilespmem:v38+s14+$0x0] =	vst.idx.msk $0xffff, v39  }
.LBB2_24:
0x23c: {  	v38 =	vld [tilespmem:s18+$0x0];
	v30 =	vadd.f32 v30, v16;
	[tilespmem:v33+s14+$0x0] =	vst.idx.msk $0xffff, v36;
	v33 =	vadd.s32 s13, v6  }
0x23d: {  	v29 =	vadd.f32 v29, v17;
	v36 =	vld [tilespmem:s18+$0x10];
	[tilespmem:v34+s14+$0x0] =	vst.idx.msk $0xffff, v37;
	v34 =	vadd.s32 s13, v7  }
0x23e: {  	v28 =	vadd.f32 v28, v16;
	v37 =	vld [tilespmem:s18+$0x20];
	[tilespmem:v31+s14+$0x0] =	vst.idx.msk $0xffff, v30;
	v31 =	vadd.s32 s13, v8  }
0x23f: {  	v27 =	vadd.f32 v27, v17;
	v30 =	vld [tilespmem:s18+$0x30];
	[tilespmem:v32+s14+$0x0] =	vst.idx.msk $0xffff, v29;
	v32 =	vadd.s32 s13, v9  }
0x240: {  	v26 =	vadd.f32 v26, v16;
	v29 =	vld [tilespmem:s18+$0x40];
	[tilespmem:v35+s14+$0x0] =	vst.idx.msk $0xffff, v28;
	v35 =	vadd.s32 s13, v10  }
0x241: {  	v25 =	vadd.f32 v25, v17;
	v28 =	vld [tilespmem:s18+$0x50];
	[tilespmem:v33+s14+$0x0] =	vst.idx.msk $0xffff, v27;
	v33 =	vadd.s32 s13, v11  }
0x242: {  	v22 =	vadd.f32 v22, v16;
	v27 =	vld [tilespmem:s18+$0x60];
	[tilespmem:v34+s14+$0x0] =	vst.idx.msk $0xffff, v26;
	v34 =	vadd.s32 s13, v12  }
0x243: {  	v23 =	vadd.f32 v23, v17;
	v26 =	vld [tilespmem:s18+$0x70];
	[tilespmem:v31+s14+$0x0] =	vst.idx.msk $0xffff, v25;
	v31 =	vadd.s32 s13, v13  }
0x244: {  	v24 =	vadd.f32 v24, v16;
	v25 =	vld [tilespmem:s18+$0x80];
	[tilespmem:v32+s14+$0x0] =	vst.idx.msk $0xffff, v22;
	v32 =	vadd.s32 s13, v14  }
0x245: {  	v21 =	vadd.f32 v21, v17;
	v22 =	vld [tilespmem:s18+$0x90];
	[tilespmem:v35+s14+$0x0] =	vst.idx.msk $0xffff, v23;
	v35 =	vadd.s32 s13, v15;
	s13 =	sadd.s32 $0x8, s13  }
0x246: {  	v18 =	vadd.f32 v18, v16;
	v23 =	vld [tilespmem:s18+$0xA0];
	v39 =	vadd.s32 s13, v0;
	p0 =	slt.u32 s13, $0x78;
	[tilespmem:v33+s14+$0x0] =	vst.idx.msk $0xffff, v24  }
.Ltmp11:
0x247: {  	v19 =	vadd.f32 v19, v17;
	v33 =	vadd.s32 s13, v1;
	v24 =	vld [tilespmem:s18+$0xB0];
	[tilespmem:v34+s14+$0x0] =	vst.idx.msk $0xffff, v21;
	(pc) =	sbr.rel @p0 .LBB2_24-.Ltmp11, $4  }
0x248: {  	v20 =	vadd.f32 v20, v16;
	v34 =	vadd.s32 s13, v2;
	v21 =	vld [tilespmem:s18+$0xC0];
	[tilespmem:v31+s14+$0x0] =	vst.idx.msk $0xffff, v18  }
0x249: {  	v38 =	vadd.f32 v38, v17;
	v31 =	vadd.s32 s13, v3;
	v18 =	vld [tilespmem:s18+$0xD0];
	[tilespmem:v32+s14+$0x0] =	vst.idx.msk $0xffff, v19  }
0x24a: {  	v36 =	vadd.f32 v36, v16;
	v32 =	vadd.s32 s13, v4;
	v19 =	vld [tilespmem:s18+$0xE0];
	[tilespmem:v35+s14+$0x0] =	vst.idx.msk $0xffff, v20  }
0x24b: {  	v37 =	vadd.f32 v37, v17;
	v35 =	vadd.s32 s13, v5;
	v20 =	vld [tilespmem:s18+$0xF0];
	[tilespmem:v39+s14+$0x0] =	vst.idx.msk $0xffff, v38;
	s18 =	sadd.s32 $0x100, s18  }
0x24c: {  	_ =	sdelay $0x3  }
0x24d: {  	v30 =	vadd.f32 v30, v16;
	[tilespmem:v33+s14+$0x0] =	vst.idx.msk $0xffff, v36;
	v62 =	vadd.s32 s13, v6  }
0x24e: {  	v29 =	vadd.f32 v29, v17;
	v63 =	vadd.s32 s13, v7;
	[tilespmem:v34+s14+$0x0] =	vst.idx.msk $0xffff, v37  }
0x24f: {  	v28 =	vadd.f32 v28, v16;
	[tilespmem:v31+s14+$0x0] =	vst.idx.msk $0xffff, v30;
	v30 =	vadd.s32 s13, v8  }
0x250: {  	v27 =	vadd.f32 v27, v17;
	[tilespmem:v32+s14+$0x0] =	vst.idx.msk $0xffff, v29;
	v29 =	vadd.s32 s13, v9  }
0x251: {  	v26 =	vadd.f32 v26, v16;
	[tilespmem:v35+s14+$0x0] =	vst.idx.msk $0xffff, v28;
	v28 =	vadd.s32 s13, v10  }
0x252: {  	v25 =	vadd.f32 v25, v17;
	[tilespmem:v62+s14+$0x0] =	vst.idx.msk $0xffff, v27;
	v27 =	vadd.s32 s13, v11  }
0x253: {  	v22 =	vadd.f32 v22, v16;
	[tilespmem:v63+s14+$0x0] =	vst.idx.msk $0xffff, v26;
	v26 =	vadd.s32 s13, v12  }
0x254: {  	v23 =	vadd.f32 v23, v17;
	[tilespmem:v30+s14+$0x0] =	vst.idx.msk $0xffff, v25;
	v25 =	vadd.s32 s13, v13  }
0x255: {  	v24 =	vadd.f32 v24, v16;
	[tilespmem:v29+s14+$0x0] =	vst.idx.msk $0xffff, v22;
	v22 =	vadd.s32 s13, v14  }
0x256: {  	v21 =	vadd.f32 v21, v17;
	[tilespmem:v28+s14+$0x0] =	vst.idx.msk $0xffff, v23;
	v23 =	vadd.s32 s13, v15  }
0x257: {  	v18 =	vadd.f32 v18, v16;
	[tilespmem:v27+s14+$0x0] =	vst.idx.msk $0xffff, v24  }
0x258: {  	v17 =	vadd.f32 v19, v17;
	[tilespmem:v26+s14+$0x0] =	vst.idx.msk $0xffff, v21  }
0x259: {  	v16 =	vadd.f32 v20, v16;
	[tilespmem:v25+s14+$0x0] =	vst.idx.msk $0xffff, v18  }
0x25a: {  	[tilespmem:v22+s14+$0x0] =	vst.idx.msk $0xffff, v17  }
0x25b: {  	[tilespmem:v23+s14+$0x0] =	vst.idx.msk $0xffff, v16  }
0x25c: {  	v17 =	vld [tilespmem:s2+$0x580]  }
0x25d: {  	s30 =	simm.s32 $0xAE00;
	v16 =	vld [tilespmem:s2+$0x590]  }
0x25e: {  	v19 =	vld [tilespmem:s30+$0x0]  }
0x25f: {  	v20 =	vld [tilespmem:s30+$0x10]  }
0x260: {  	v35 =	vld [tilespmem:s30+$0x20]  }
0x261: {  	v30 =	vld [tilespmem:s30+$0x30]  }
0x262: {  	v29 =	vld [tilespmem:s30+$0x40]  }
0x263: {  	v28 =	vld [tilespmem:s30+$0x50]  }
0x264: {  	v27 =	vld [tilespmem:s30+$0x60]  }
0x265: {  	v26 =	vld [tilespmem:s30+$0x70]  }
0x266: {  	v25 =	vld [tilespmem:s30+$0x80]  }
0x267: {  	v22 =	vld [tilespmem:s30+$0x90];
	s2 =	simm.s32 $0x0  }
0x268: {  	v23 =	vld [tilespmem:s30+$0xA0];
	v38 =	vadd.s32 s2, v0  }
0x269: {  	v24 =	vld [tilespmem:s30+$0xB0];
	v33 =	vadd.s32 s2, v1  }
0x26a: {  	v21 =	vld [tilespmem:s30+$0xC0];
	v34 =	vadd.s32 s2, v2  }
0x26b: {  	v18 =	vld [tilespmem:s30+$0xD0];
	v31 =	vadd.s32 s2, v3;
	v39 =	vadd.f32 v19, v17  }
0x26c: {  	v32 =	vadd.s32 s2, v4;
	v19 =	vld [tilespmem:s30+$0xE0];
	v36 =	vadd.f32 v20, v16  }
0x26d: {  	s13 =	simm.s32 $0xAF00;
	v20 =	vld [tilespmem:s30+$0xF0];
	v37 =	vadd.f32 v35, v17;
	v35 =	vadd.s32 s2, v5;
	[tilespmem:v38+s17+$0x0] =	vst.idx.msk $0xffff, v39  }
.LBB2_26:
0x26e: {  	v38 =	vld [tilespmem:s13+$0x0];
	v30 =	vadd.f32 v30, v16;
	[tilespmem:v33+s17+$0x0] =	vst.idx.msk $0xffff, v36;
	v33 =	vadd.s32 s2, v6  }
0x26f: {  	v29 =	vadd.f32 v29, v17;
	v36 =	vld [tilespmem:s13+$0x10];
	[tilespmem:v34+s17+$0x0] =	vst.idx.msk $0xffff, v37;
	v34 =	vadd.s32 s2, v7  }
0x270: {  	v28 =	vadd.f32 v28, v16;
	v37 =	vld [tilespmem:s13+$0x20];
	[tilespmem:v31+s17+$0x0] =	vst.idx.msk $0xffff, v30;
	v31 =	vadd.s32 s2, v8  }
0x271: {  	v27 =	vadd.f32 v27, v17;
	v30 =	vld [tilespmem:s13+$0x30];
	[tilespmem:v32+s17+$0x0] =	vst.idx.msk $0xffff, v29;
	v32 =	vadd.s32 s2, v9  }
0x272: {  	v26 =	vadd.f32 v26, v16;
	v29 =	vld [tilespmem:s13+$0x40];
	[tilespmem:v35+s17+$0x0] =	vst.idx.msk $0xffff, v28;
	v35 =	vadd.s32 s2, v10  }
0x273: {  	v25 =	vadd.f32 v25, v17;
	v28 =	vld [tilespmem:s13+$0x50];
	[tilespmem:v33+s17+$0x0] =	vst.idx.msk $0xffff, v27;
	v33 =	vadd.s32 s2, v11  }
0x274: {  	v22 =	vadd.f32 v22, v16;
	v27 =	vld [tilespmem:s13+$0x60];
	[tilespmem:v34+s17+$0x0] =	vst.idx.msk $0xffff, v26;
	v34 =	vadd.s32 s2, v12  }
0x275: {  	v23 =	vadd.f32 v23, v17;
	v26 =	vld [tilespmem:s13+$0x70];
	[tilespmem:v31+s17+$0x0] =	vst.idx.msk $0xffff, v25;
	v31 =	vadd.s32 s2, v13  }
0x276: {  	v24 =	vadd.f32 v24, v16;
	v25 =	vld [tilespmem:s13+$0x80];
	[tilespmem:v32+s17+$0x0] =	vst.idx.msk $0xffff, v22;
	v32 =	vadd.s32 s2, v14  }
0x277: {  	v21 =	vadd.f32 v21, v17;
	v22 =	vld [tilespmem:s13+$0x90];
	[tilespmem:v35+s17+$0x0] =	vst.idx.msk $0xffff, v23;
	v35 =	vadd.s32 s2, v15;
	s2 =	sadd.s32 $0x8, s2  }
0x278: {  	v18 =	vadd.f32 v18, v16;
	v23 =	vld [tilespmem:s13+$0xA0];
	v39 =	vadd.s32 s2, v0;
	p0 =	slt.u32 s2, $0x78;
	[tilespmem:v33+s17+$0x0] =	vst.idx.msk $0xffff, v24  }
.Ltmp12:
0x279: {  	v19 =	vadd.f32 v19, v17;
	v33 =	vadd.s32 s2, v1;
	v24 =	vld [tilespmem:s13+$0xB0];
	[tilespmem:v34+s17+$0x0] =	vst.idx.msk $0xffff, v21;
	(pc) =	sbr.rel @p0 .LBB2_26-.Ltmp12, $4  }
0x27a: {  	v20 =	vadd.f32 v20, v16;
	v34 =	vadd.s32 s2, v2;
	v21 =	vld [tilespmem:s13+$0xC0];
	[tilespmem:v31+s17+$0x0] =	vst.idx.msk $0xffff, v18  }
0x27b: {  	v38 =	vadd.f32 v38, v17;
	v31 =	vadd.s32 s2, v3;
	v18 =	vld [tilespmem:s13+$0xD0];
	[tilespmem:v32+s17+$0x0] =	vst.idx.msk $0xffff, v19  }
0x27c: {  	v36 =	vadd.f32 v36, v16;
	v32 =	vadd.s32 s2, v4;
	v19 =	vld [tilespmem:s13+$0xE0];
	[tilespmem:v35+s17+$0x0] =	vst.idx.msk $0xffff, v20  }
0x27d: {  	v37 =	vadd.f32 v37, v17;
	v35 =	vadd.s32 s2, v5;
	v20 =	vld [tilespmem:s13+$0xF0];
	[tilespmem:v39+s17+$0x0] =	vst.idx.msk $0xffff, v38;
	s13 =	sadd.s32 $0x100, s13  }
0x27e: {  	_ =	sdelay $0x3  }
0x27f: {  	v30 =	vadd.f32 v30, v16;
	[tilespmem:v33+s17+$0x0] =	vst.idx.msk $0xffff, v36;
	v54 =	vadd.s32 s2, v6  }
0x280: {  	v29 =	vadd.f32 v29, v17;
	v55 =	vadd.s32 s2, v7;
	[tilespmem:v34+s17+$0x0] =	vst.idx.msk $0xffff, v37  }
0x281: {  	v28 =	vadd.f32 v28, v16;
	v56 =	vadd.s32 s2, v8;
	[tilespmem:v31+s17+$0x0] =	vst.idx.msk $0xffff, v30  }
0x282: {  	v27 =	vadd.f32 v27, v17;
	v57 =	vadd.s32 s2, v9;
	[tilespmem:v32+s17+$0x0] =	vst.idx.msk $0xffff, v29  }
0x283: {  	v26 =	vadd.f32 v26, v16;
	v58 =	vadd.s32 s2, v10;
	[tilespmem:v35+s17+$0x0] =	vst.idx.msk $0xffff, v28  }
0x284: {  	v25 =	vadd.f32 v25, v17;
	v59 =	vadd.s32 s2, v11;
	[tilespmem:v54+s17+$0x0] =	vst.idx.msk $0xffff, v27  }
0x285: {  	v22 =	vadd.f32 v22, v16;
	v60 =	vadd.s32 s2, v12;
	[tilespmem:v55+s17+$0x0] =	vst.idx.msk $0xffff, v26  }
0x286: {  	v23 =	vadd.f32 v23, v17;
	v61 =	vadd.s32 s2, v13;
	[tilespmem:v56+s17+$0x0] =	vst.idx.msk $0xffff, v25  }
0x287: {  	v24 =	vadd.f32 v24, v16;
	v62 =	vadd.s32 s2, v14;
	[tilespmem:v57+s17+$0x0] =	vst.idx.msk $0xffff, v22  }
0x288: {  	v63 =	vadd.s32 s2, v15;
	v21 =	vadd.f32 v21, v17;
	[tilespmem:v58+s17+$0x0] =	vst.idx.msk $0xffff, v23  }
0x289: {  	s0 =	smul.u32 $0xA0000, s0;
	v18 =	vadd.f32 v18, v16;
	[tilespmem:v59+s17+$0x0] =	vst.idx.msk $0xffff, v24  }
0x28a: {  	v17 =	vadd.f32 v19, v17;
	[tilespmem:v60+s17+$0x0] =	vst.idx.msk $0xffff, v21  }
0x28b: {  	s0 =	sor.u32 s11, s0;
	v16 =	vadd.f32 v20, v16;
	[tilespmem:v61+s17+$0x0] =	vst.idx.msk $0xffff, v18  }
0x28c: {  	s0 =	sshrl.u32 s0, $0x3;
	[tilespmem:v62+s17+$0x0] =	vst.idx.msk $0xffff, v17  }
0x28d: {  	s13 =	simm.s32 $0x11300;
	s2 =	sadd.s32 s1, s0;
	[tilespmem:v63+s17+$0x0] =	vst.idx.msk $0xffff, v16  }
0x28e: {  	[hbm4b:s2+s3] =	stream.linear.scatter [tilespmem:s13], [sflag:$0x4], $0x80, $0x38;
	[tilespmem:$0x16800] =	vst v63  }
0x28f: {  	s18 =	simm.s32 $0x11388;
	s13 =	sadd.s32 $0x10, s2  }
0x290: {  	[hbm4b:s13+s3] =	stream.linear.scatter [tilespmem:s18], [sflag:$0x4], $0x80, $0x38;
	[tilespmem:$0x16800] =	vst v63  }
0x291: {  	s19 =	simm.s32 $0x11410;
	s26 =	simm.s32 $0x11498;
	s20 =	sadd.s32 $0x20, s2  }
0x292: {  	[hbm4b:s20+s3] =	stream.linear.scatter [tilespmem:s19], [sflag:$0x4], $0x80, $0x38;
	[tilespmem:$0x16800] =	vst v63  }
0x293: {  	s0 =	simm.s32 $0x440;
	s30 =	sadd.s32 $0x30, s2;
	s13 =	simm.s32 $0x11520  }
0x294: {  	[hbm4b:s30+s3] =	stream.linear.scatter [tilespmem:s26], [sflag:$0x4], $0x80, $0x38;
	[tilespmem:$0x16800] =	vst v63  }
0x295: {  	s18 =	sadd.s32 $0x40, s2;
	s19 =	simm.s32 $0x115A8;
	s20 =	sadd.s32 $0x50, s2  }
0x296: {  	[hbm4b:s18+s3] =	stream.linear.scatter [tilespmem:s13], [sflag:$0x4], $0x80, $0x38;
	[tilespmem:$0x16800] =	vst v63  }
0x297: {  	s26 =	simm.s32 $0x11630;
	s30 =	sadd.s32 $0x60, s2;
	s13 =	simm.s32 $0x2200  }
0x298: {  	[hbm4b:s20+s3] =	stream.linear.scatter [tilespmem:s19], [sflag:$0x4], $0x80, $0x38;
	[tilespmem:$0x16800] =	vst v63  }
0x299: {  	s18 =	simm.s32 $0x116B8;
	s19 =	sadd.s32 $0x70, s2;
	s2 =	sadd.s32 $0x1000, s2  }
0x29a: {  	[hbm4b:s30+s3] =	stream.linear.scatter [tilespmem:s26], [sflag:$0x4], $0x80, $0x38;
	[tilespmem:$0x16800] =	vst v63  }
.LBB2_28:
0x29b: {  	[hbm4b:s19+s3] =	stream.linear.scatter [tilespmem:s18], [sflag:$0x4], $0x80, $0x38;
	[tilespmem:$0x16800] =	vst v63  }
0x29c: {  	s18 =	smov.u32 s0;
	s0 =	smov.u32 s13  }
0x29d: {  	s20 =	sadd.s32 $0x1100, s13;
	s0 =	sshra.s32 s0, $0x2;
	s19 =	sadd.s32 $0x11300, s18  }
0x29e: {  	[hbm4b:s2+s3] =	stream.linear.scatter [tilespmem:s19], [sflag:$0x4], $0x80, $0x38;
	[tilespmem:$0x16800] =	vst v63  }
0x29f: {  	p0 =	sne.s32 s13, $0x14300;
	s13 =	sadd.s32 $0x11388, s18;
	s19 =	sadd.s32 $0x10, s2  }
0x2a0: {  	[hbm4b:s19+s3] =	stream.linear.scatter [tilespmem:s13], [sflag:$0x4], $0x80, $0x38;
	[tilespmem:$0x16800] =	vst v63  }
0x2a1: {  	s13 =	sadd.s32 $0x11410, s18;
	s19 =	sadd.s32 $0x20, s2  }
0x2a2: {  	[hbm4b:s19+s3] =	stream.linear.scatter [tilespmem:s13], [sflag:$0x4], $0x80, $0x38;
	[tilespmem:$0x16800] =	vst v63  }
0x2a3: {  	s13 =	sadd.s32 $0x11498, s18;
	s19 =	sadd.s32 $0x30, s2  }
0x2a4: {  	[hbm4b:s19+s3] =	stream.linear.scatter [tilespmem:s13], [sflag:$0x4], $0x80, $0x38;
	[tilespmem:$0x16800] =	vst v63  }
0x2a5: {  	s13 =	sadd.s32 $0x11520, s18;
	s19 =	sadd.s32 $0x40, s2  }
0x2a6: {  	[hbm4b:s19+s3] =	stream.linear.scatter [tilespmem:s13], [sflag:$0x4], $0x80, $0x38;
	[tilespmem:$0x16800] =	vst v63  }
.Ltmp13:
0x2a7: {  	s13 =	sadd.s32 $0x115A8, s18;
	s19 =	sadd.s32 $0x50, s2;
	(pc) =	sbr.rel @p0 .LBB2_28-.Ltmp13, $4  }
0x2a8: {  	[hbm4b:s19+s3] =	stream.linear.scatter [tilespmem:s13], [sflag:$0x4], $0x80, $0x38;
	[tilespmem:$0x16800] =	vst v63  }
0x2a9: {  	s13 =	sadd.s32 $0x11630, s18;
	s19 =	sadd.s32 $0x60, s2;
	s18 =	sadd.s32 $0x116B8, s18  }
0x2aa: {  	[hbm4b:s19+s3] =	stream.linear.scatter [tilespmem:s13], [sflag:$0x4], $0x80, $0x38;
	[tilespmem:$0x16800] =	vst v63  }
0x2ab: {  	s19 =	sadd.s32 $0x70, s2;
	s2 =	sadd.s32 $0x1000, s2;
	s13 =	smov.u32 s20  }
0x2ac: {  	[hbm4b:s19+s3] =	stream.linear.scatter [tilespmem:s18], [sflag:$0x4], $0x80, $0x38;
	[tilespmem:$0x16800] =	vst v63  }
0x2ad: {  	s13 =	sadd.s32 $0x11300, s0  }
0x2ae: {  	[hbm4b:s2+s3] =	stream.linear.scatter [tilespmem:s13], [sflag:$0x4], $0x80, $0x38;
	[tilespmem:$0x16800] =	vst v63  }
0x2af: {  	s26 =	sadd.s32 $0x11388, s0;
	s30 =	sadd.s32 $0x10, s2  }
0x2b0: {  	[hbm4b:s30+s3] =	stream.linear.scatter [tilespmem:s26], [sflag:$0x4], $0x80, $0x38;
	[tilespmem:$0x16800] =	vst v63  }
0x2b1: {  	s19 =	sadd.s32 $0x11410, s0;
	s20 =	sadd.s32 $0x20, s2  }
0x2b2: {  	[hbm4b:s20+s3] =	stream.linear.scatter [tilespmem:s19], [sflag:$0x4], $0x80, $0x38;
	[tilespmem:$0x16800] =	vst v63  }
0x2b3: {  	s26 =	sadd.s32 $0x11498, s0;
	s30 =	sadd.s32 $0x30, s2  }
0x2b4: {  	[hbm4b:s30+s3] =	stream.linear.scatter [tilespmem:s26], [sflag:$0x4], $0x80, $0x38;
	[tilespmem:$0x16800] =	vst v63  }
0x2b5: {  	s31 =	sadd.s32 $0x1, s31;
	s19 =	sadd.s32 $0x11520, s0;
	s20 =	sadd.s32 $0x40, s2  }
0x2b6: {  	[hbm4b:s20+s3] =	stream.linear.scatter [tilespmem:s19], [sflag:$0x4], $0x80, $0x38;
	[tilespmem:$0x16800] =	vst v63  }
0x2b7: {  	p0 =	sne.s32 s31, $0x14;
	s26 =	sadd.s32 $0x115A8, s0;
	s30 =	sadd.s32 $0x50, s2  }
0x2b8: {  	[hbm4b:s30+s3] =	stream.linear.scatter [tilespmem:s26], [sflag:$0x4], $0x80, $0x38;
	[tilespmem:$0x16800] =	vst v63  }
.Ltmp14:
0x2b9: {  	_ = 	snop;
	(pc) =	sbr.rel @p0 .LBB2_2-.Ltmp14, $4  }
0x2ba: {  	s19 =	sadd.s32 $0x11630, s0;
	s20 =	sadd.s32 $0x60, s2  }
0x2bb: {  	[hbm4b:s20+s3] =	stream.linear.scatter [tilespmem:s19], [sflag:$0x4], $0x80, $0x38;
	[tilespmem:$0x16800] =	vst v63  }
0x2bc: {  	s26 =	sadd.s32 $0x116B8, s0;
	s30 =	sadd.s32 $0x70, s2  }
0x2bd: {  	[hbm4b:s30+s3] =	stream.linear.scatter [tilespmem:s26], [sflag:$0x4], $0x80, $0x38;
	[tilespmem:$0x16800] =	vst v63  }
0x2be: {  	_ =	swait.ge [sflag:s29], $0x5000  }
0x2bf: {  	[sflag:s29] =	ssyncset.done $0x0  }
0x2c0: {  	s2 =	simm.s32 $0x4;
	[sflag:s29] =	ssyncadd.s32 $0xFFFFB000  }
0x2c1: {  	_ =	swait.ge [sflag:s2], $0x5000  }
0x2c2: {  	s13 =	rddreg [dreg:$0x7]  }
0x2c3: {  	s0 =	rddreg [dreg:$0x6];
	s13 =	sadd.s32 $0x1, s13  }
0x2c4: {  	p0 =	sne.s32 s13, s0  }
.Ltmp15:
0x2c5: {  	_ = 	snop;
	(pc) =	sbr.rel @p0 .LBB2_1-.Ltmp15, $3  }
0x2c6: {  	_ =	sdelay $0x1  }
0x2c7: {  	[sflag:s2] =	ssyncset.done $0x0  }
0x2c8: {  	[sflag:s2] =	ssyncadd.s32 $0xFFFFB000  }
0x2c9: {  	_ =	sfence.sel $0x180000  }
0x2ca: {  	[bflag:$0x0] =	sbarrier.arrive $0xFFFF  }
0x2cb: {  	_ =	strace $0x90000047  }
0x2cc: {  	s0 =	stileid.u32;
	[bflag:$0x2] =	sbarrier.arrive $0xFFFF  }
0x2cd: {  	p0 =	sne.s32 s0, $0x0;
	s0 =	rddreg [dreg:$0x2]  }
0x2ce: {  	s0 =	sadd.s32 @!p0 $0x100000, s0  }
0x2cf: {  	[sflag:s0] =	ssyncadd.tile.s32 @!p0 $0x1;
	_ =	shalt  }
.Lfunc_end2:
_tile_overlayer_lowered:
.L_overlay_start_2:
0x2d0: {  	(tag) =	ssettag $0x2  }
0x2d1: {  	s0 =	rddreg [dreg:$0x0];
	s2 =	stileid.u32  }
0x2d2: {  	s1 =	rddreg [dreg:$0x1];
	p0 =	sne.s32 s2, $0x0  }
0x2d3: {  	s3 =	rddreg [dreg:$0x2];
	[bflag:$0x3] =	sbarrier.arrive $0xFFFF;
	s2 =	simm.s32 @!p0 $0x1C07  }
0x2d4: {  	[timem:s3], [sflag:s2] =	dma.local @!p0 [hbm:s0], s1  }
0x2d5: {  	s0 =	simm.s32 @!p0 $0x7  }
0x2d6: {  	_ =	swait.ge @!p0 [sflag:s0], s1  }
0x2d7: {  	s1 =	ssub.s32 @!p0 $0x0, s1;
	[sflag:s0] =	ssyncset.done @!p0 $0x0  }
0x2d8: {  	[sflag:s0] =	ssyncadd.s32 @!p0 s1  }
0x2d9: {  	[bflag:$0x3] =	sbarrier.arrive $0xFFFF  }
0x2da: {  	_ =	shalt  }

</sc_bundles>
